<compile_context>
chip_gen: v7x
topology: tpu7x:2x2x1
jax: 0.10.2.dev20260603
libtpu: 0.0.44.dev20260713+nightly
codegen_flags: <defaults>
</compile_context>

<pallas_src>
import functools

import jax
import jax.numpy as jnp
from jax import lax
from jax.experimental import pallas as pl
from jax.experimental.pallas import tpu as pltpu
from jax.experimental.pallas import tpu_sc as plsc

_NC = 2
_NS = 16
_L = 16
_NW = _NC * _NS
_CH = 32
_SUB = 8


@functools.lru_cache(maxsize=None)
def _make_kernel(B, D):
    assert B % (8 * _NW) == 0 and D % _L == 0
    bpw = B // _NW
    nchunk = bpw // _CH
    mesh = plsc.VectorSubcoreMesh(core_axis_name="c", subcore_axis_name="s")

    @functools.partial(
        pl.kernel,
        out_type=jax.ShapeDtypeStruct((B,), jnp.float32),
        mesh=mesh,
        scratch_types=[
            pltpu.VMEM((bpw,), jnp.int32),
            pltpu.VMEM((bpw,), jnp.int32),
            pltpu.VMEM((bpw,), jnp.int32),
            pltpu.VMEM((bpw,), jnp.int32),
            pltpu.VMEM((_CH, _SUB, D), jnp.float32),
            pltpu.VMEM((_CH, _SUB, D), jnp.float32),
            pltpu.VMEM((bpw,), jnp.float32),
            pltpu.SemaphoreType.DMA,
            pltpu.SemaphoreType.DMA,
            pltpu.SemaphoreType.DMA,
            pltpu.SemaphoreType.DMA,
        ],
        compiler_params=pltpu.CompilerParams(
            needs_layout_passes=False, use_tc_tiling_on_sc=True),
    )
    def scores_kernel(user_hbm, item_hbm, uid_hbm, iid_hbm, out_hbm,
                      uidx_v, iidx_v, utid_v, itid_v, ubuf_v, vbuf_v,
                      out_v, sem0, sem1, sem2, sem3):
        sems = [sem0, sem1, sem2, sem3]
        wid = lax.axis_index("s") * _NC + lax.axis_index("c")
        base = wid * bpw
        pltpu.sync_copy(uid_hbm.at[pl.ds(base, bpw)], uidx_v)
        pltpu.sync_copy(iid_hbm.at[pl.ds(base, bpw)], iidx_v)

        def tids(s, carry):
            uvec = uidx_v[pl.ds(s * _L, _L)]
            ivec = iidx_v[pl.ds(s * _L, _L)]
            utid_v[pl.ds(s * _L, _L)] = lax.shift_right_logical(uvec, 3)
            itid_v[pl.ds(s * _L, _L)] = lax.shift_right_logical(ivec, 3)
            return carry

        lax.fori_loop(0, bpw // _L, tids, 0)

        lane = lax.iota(jnp.int32, _L)

        def chunk_body(g, carry):
            descs = []
            for sub in range(_CH // _L):
                k0 = g * _CH + sub * _L
                utvec = utid_v[pl.ds(k0, _L)]
                itvec = itid_v[pl.ds(k0, _L)]
                for j in range(_L):
                    m = sub * _L + j
                    descs.append(pltpu.async_copy(
                        user_hbm.at[utvec[j]], ubuf_v.at[m],
                        sems[(2 * m) % 4]))
                    descs.append(pltpu.async_copy(
                        item_hbm.at[itvec[j]], vbuf_v.at[m],
                        sems[(2 * m + 1) % 4]))
            for d in descs:
                d.wait()

            for sub in range(_CH // _L):
                k0 = g * _CH + sub * _L
                uvec = jnp.bitwise_and(uidx_v[pl.ds(k0, _L)], 7)
                ivec = jnp.bitwise_and(iidx_v[pl.ds(k0, _L)], 7)
                res = jnp.zeros((_L,), jnp.float32)
                for j in range(_L):
                    m = sub * _L + j
                    ru = uvec[j]
                    ri = ivec[j]
                    acc = (ubuf_v[m, ru, pl.ds(0, _L)]
                           * vbuf_v[m, ri, pl.ds(0, _L)])
                    for c in range(1, D // _L):
                        acc = acc + (ubuf_v[m, ru, pl.ds(c * _L, _L)]
                                     * vbuf_v[m, ri, pl.ds(c * _L, _L)])
                    s = jnp.sum(acc)
                    res = jnp.where(lane == j, s, res)
                out_v[pl.ds(k0, _L)] = res
            return carry

        lax.fori_loop(0, nchunk, chunk_body, 0)
        pltpu.sync_copy(out_v, out_hbm.at[pl.ds(base, bpw)])

    return scores_kernel


def kernel(user_table, item_table, user_ids, item_ids):
    B = user_ids.shape[0]
    N, D = user_table.shape
    M = item_table.shape[0]
    u3 = user_table.reshape(N // _SUB, _SUB, D)
    i3 = item_table.reshape(M // _SUB, _SUB, D)
    f = _make_kernel(B, D)
    return f(u3, i3, user_ids.astype(jnp.int32), item_ids.astype(jnp.int32))

# --- scband reference (transcript-rebuilt; emitter-appended) ---
"""Pipeline reference for scband-attentive-rec-32865089749573 (READ-ONLY COPY).

The authoritative reference and input builder live on the scoring server;
editing this copy changes nothing except your own understanding.
"""

import jax, jax.numpy as jnp
import numpy as np

NUM_USERS = 1000000
NUM_ITEMS = 1000000
LATENT_DIM = 64
BATCH = 16384

def setup_inputs(seed: int = 0) -> dict:
    key = jax.random.key(seed)
    k1, k2, k3, k4 = jax.random.split(key, 4)
    # nn.init.normal_(weight, 0, 0.01) for both tables (no pretrained weights)
    user_table = jax.random.normal(k1, (NUM_USERS, LATENT_DIM), dtype=jnp.float32) * 0.01
    item_table = jax.random.normal(k2, (NUM_ITEMS, LATENT_DIM), dtype=jnp.float32) * 0.01
    user_ids = jax.random.randint(k3, (BATCH,), 0, NUM_USERS)
    item_ids = jax.random.randint(k4, (BATCH,), 0, NUM_ITEMS)
    return {"user_table": user_table, "item_table": item_table, "user_ids": user_ids, "item_ids": item_ids}

def reference(user_table, item_table, user_ids, item_ids):
    # Standard MF / BPR-style scoring: gather user and item embeddings, dot product.
    u = jnp.take(user_table, user_ids, axis=0)   # [B, D] gather
    v = jnp.take(item_table, item_ids, axis=0)   # [B, D] gather
    scores = jnp.sum(u * v, axis=-1)             # [B]
    return scores

if __name__ == "__main__":
    import jax
    _d = setup_inputs()
    print(jax.jit(kernel)(*tuple(_d.values())))

</pallas_src>

<mosaic_0001>
#map = affine_map<(d0, d1) -> (0, 0, 0)>
#map1 = affine_map<(d0, d1) -> (0)>
module attributes {stable_mosaic.version = 14 : i64} {
  func.func @scores_kernel(%arg0: i32, %arg1: i32, %arg2: memref<125000x8x64xf32, #tpu.memory_space<hbm>>, %arg3: memref<125000x8x64xf32, #tpu.memory_space<hbm>>, %arg4: memref<16384xi32, #tpu.memory_space<hbm>>, %arg5: memref<16384xi32, #tpu.memory_space<hbm>>, %arg6: memref<16384xf32, #tpu.memory_space<hbm>>, %arg7: memref<512xi32, #tpu.memory_space<vmem>>, %arg8: memref<512xi32, #tpu.memory_space<vmem>>, %arg9: memref<512xi32, #tpu.memory_space<vmem>>, %arg10: memref<512xi32, #tpu.memory_space<vmem>>, %arg11: memref<32x8x64xf32, #tpu.memory_space<vmem>>, %arg12: memref<32x8x64xf32, #tpu.memory_space<vmem>>, %arg13: memref<512xf32, #tpu.memory_space<vmem>>, %arg14: memref<!tpu.dma_semaphore, #tpu.memory_space<semaphore_mem>>, %arg15: memref<!tpu.dma_semaphore, #tpu.memory_space<semaphore_mem>>, %arg16: memref<!tpu.dma_semaphore, #tpu.memory_space<semaphore_mem>>, %arg17: memref<!tpu.dma_semaphore, #tpu.memory_space<semaphore_mem>>) attributes {dimension_semantics = [#tpu.dimension_semantics<core_parallel>, #tpu.dimension_semantics<subcore_parallel>], iteration_bounds = array<i64: 2, 16>, scalar_prefetch = 0 : i64, scratch_operands = 11 : i64, tpu.core_type = #tpu.core_type<sc_vector_subcore>, window_params = [{transform_indices = #map}, {transform_indices = #map}, {transform_indices = #map1}, {transform_indices = #map1}, {transform_indices = #map1}]} {
    %mul3A = arith.constant 2 : i32
    %mul3A_0 = arith.muli %arg1, %mul3A : i32
    %add3A = arith.addi %mul3A_0, %arg0 : i32
    %mul3A_1 = arith.constant 512 : i32
    %mul3A_2 = arith.muli %add3A, %mul3A_1 : i32
    "tpu.region"() ({
      %run_scoped3A = tpu.sem_alloc : memref<!tpu.dma_semaphore, #tpu.memory_space<semaphore_mem>>
      %dma_start3A = tpu.memref_slice %arg4[%mul3A_2] : memref<16384xi32, #tpu.memory_space<hbm>> -> memref<512xi32, #tpu.memory_space<hbm>>
      %dma_start3A_14 = tpu.memref_slice %arg4[%mul3A_2] : memref<16384xi32, #tpu.memory_space<hbm>> -> memref<512xi32, #tpu.memory_space<hbm>>
      tpu.enqueue_dma source(%dma_start3A_14 : memref<512xi32, #tpu.memory_space<hbm>>) target(%arg7 : memref<512xi32, #tpu.memory_space<vmem>>) target_semaphore(%run_scoped3A : memref<!tpu.dma_semaphore, #tpu.memory_space<semaphore_mem>>)
      %dma_wait3A = tpu.memref_slice %arg4[%mul3A_2] : memref<16384xi32, #tpu.memory_space<hbm>> -> memref<512xi32, #tpu.memory_space<hbm>>
      %dma_wait3A_15 = tpu.memref_slice %arg4[%mul3A_2] : memref<16384xi32, #tpu.memory_space<hbm>> -> memref<512xi32, #tpu.memory_space<hbm>>
      tpu.wait_dma2 semaphore(%run_scoped3A : memref<!tpu.dma_semaphore, #tpu.memory_space<semaphore_mem>>) src(%dma_wait3A_15 : memref<512xi32, #tpu.memory_space<hbm>>) dst(%arg7 : memref<512xi32, #tpu.memory_space<vmem>>)
      tpu.yield
    }) : () -> ()
    "tpu.region"() ({
      %run_scoped3A = tpu.sem_alloc : memref<!tpu.dma_semaphore, #tpu.memory_space<semaphore_mem>>
      %dma_start3A = tpu.memref_slice %arg5[%mul3A_2] : memref<16384xi32, #tpu.memory_space<hbm>> -> memref<512xi32, #tpu.memory_space<hbm>>
      %dma_start3A_14 = tpu.memref_slice %arg5[%mul3A_2] : memref<16384xi32, #tpu.memory_space<hbm>> -> memref<512xi32, #tpu.memory_space<hbm>>
      tpu.enqueue_dma source(%dma_start3A_14 : memref<512xi32, #tpu.memory_space<hbm>>) target(%arg8 : memref<512xi32, #tpu.memory_space<vmem>>) target_semaphore(%run_scoped3A : memref<!tpu.dma_semaphore, #tpu.memory_space<semaphore_mem>>)
      %dma_wait3A = tpu.memref_slice %arg5[%mul3A_2] : memref<16384xi32, #tpu.memory_space<hbm>> -> memref<512xi32, #tpu.memory_space<hbm>>
      %dma_wait3A_15 = tpu.memref_slice %arg5[%mul3A_2] : memref<16384xi32, #tpu.memory_space<hbm>> -> memref<512xi32, #tpu.memory_space<hbm>>
      tpu.wait_dma2 semaphore(%run_scoped3A : memref<!tpu.dma_semaphore, #tpu.memory_space<semaphore_mem>>) src(%dma_wait3A_15 : memref<512xi32, #tpu.memory_space<hbm>>) dst(%arg8 : memref<512xi32, #tpu.memory_space<vmem>>)
      tpu.yield
    }) : () -> ()
    %scan3A = arith.constant 0 : i32
    %scan3A_3 = arith.constant 0 : i32
    %scan3A_4 = arith.constant 32 : i32
    %scan3A_5 = arith.addi %scan3A_3, %scan3A_4 : i32
    %scan3A_6 = arith.constant 1 : i32
    scf.for %scan3A_14 = %scan3A_3 to %scan3A_5 step %scan3A_6  : i32 {
      %mul3A_15 = arith.constant 16 : i32
      %mul3A_16 = arith.muli %scan3A_14, %mul3A_15 : i32
      %get3A = arith.index_cast %mul3A_16 : i32 to index
      %get3A_17 = tpu.vector_load %arg7[%get3A] {strides = array<i32>} : memref<512xi32, #tpu.memory_space<vmem>>, vector<16xi32>,
      %mul3A_18 = arith.constant 16 : i32
      %mul3A_19 = arith.muli %scan3A_14, %mul3A_18 : i32
      %get3A_20 = arith.index_cast %mul3A_19 : i32 to index
      %get3A_21 = tpu.vector_load %arg8[%get3A_20] {strides = array<i32>} : memref<512xi32, #tpu.memory_space<vmem>>, vector<16xi32>,
      %shift_right_logical3A = arith.constant 3 : i32
      %shift_right_logical3A_22 = vector.broadcast %shift_right_logical3A : i32 to vector<16xi32>
      %shift_right_logical3A_23 = arith.shrui %get3A_17, %shift_right_logical3A_22 : vector<16xi32>
      %mul3A_24 = arith.constant 16 : i32
      %mul3A_25 = arith.muli %scan3A_14, %mul3A_24 : i32
      %swap3A = arith.index_cast %mul3A_25 : i32 to index
      %swap3A_26 = tpu.vector_load %arg9[%swap3A] {strides = array<i32>} : memref<512xi32, #tpu.memory_space<vmem>>, vector<16xi32>,
      tpu.vector_store %arg9[%swap3A], %shift_right_logical3A_23 {strides = array<i32>} : memref<512xi32, #tpu.memory_space<vmem>>, vector<16xi32>,
      %shift_right_logical3A_27 = arith.constant 3 : i32
      %shift_right_logical3A_28 = vector.broadcast %shift_right_logical3A_27 : i32 to vector<16xi32>
      %shift_right_logical3A_29 = arith.shrui %get3A_21, %shift_right_logical3A_28 : vector<16xi32>
      %mul3A_30 = arith.constant 16 : i32
      %mul3A_31 = arith.muli %scan3A_14, %mul3A_30 : i32
      %swap3A_32 = arith.index_cast %mul3A_31 : i32 to index
      %swap3A_33 = tpu.vector_load %arg10[%swap3A_32] {strides = array<i32>} : memref<512xi32, #tpu.memory_space<vmem>>, vector<16xi32>,
      tpu.vector_store %arg10[%swap3A_32], %shift_right_logical3A_29 {strides = array<i32>} : memref<512xi32, #tpu.memory_space<vmem>>, vector<16xi32>,
    }
    %scan3A_7 = arith.constant 32 : i32
    %iota3A = tpu.iota {dimensions = array<i32: 0>} : vector<16xi32>
    %scan3A_8 = arith.constant 0 : i32
    %scan3A_9 = arith.constant 0 : i32
    %scan3A_10 = arith.constant 16 : i32
    %scan3A_11 = arith.addi %scan3A_9, %scan3A_10 : i32
    %scan3A_12 = arith.constant 1 : i32
    scf.for %scan3A_14 = %scan3A_9 to %scan3A_11 step %scan3A_12  : i32 {
      %mul3A_15 = arith.constant 32 : i32
      %mul3A_16 = arith.muli %scan3A_14, %mul3A_15 : i32
      %add3A_17 = arith.constant 0 : i32
      %add3A_18 = arith.addi %mul3A_16, %add3A_17 : i32
      %get3A = arith.index_cast %add3A_18 : i32 to index
      %get3A_19 = tpu.vector_load %arg9[%get3A] {strides = array<i32>} : memref<512xi32, #tpu.memory_space<vmem>>, vector<16xi32>,
      %get3A_20 = arith.index_cast %add3A_18 : i32 to index
      %get3A_21 = tpu.vector_load %arg10[%get3A_20] {strides = array<i32>} : memref<512xi32, #tpu.memory_space<vmem>>, vector<16xi32>,
      %slice3A = vector.extract_strided_slice %get3A_19 {offsets = [0], sizes = [1], strides = [1]} : vector<16xi32> to vector<1xi32>
      %squeeze3A = vector.extract %slice3A[0] : i32 from vector<1xi32>
      %dma_start3A = arith.constant 0 : i32
      %dma_start3A_22 = arith.constant 0 : i32
      %dma_start3A_23 = arith.constant 0 : i32
      %dma_start3A_24 = tpu.memref_slice %arg11[%dma_start3A, %dma_start3A_22, %dma_start3A_23] : memref<32x8x64xf32, #tpu.memory_space<vmem>> -> memref<1x8x64xf32, #tpu.memory_space<vmem>>
      %dma_start3A_25 = tpu.memref_squeeze %dma_start3A_24 : memref<1x8x64xf32, #tpu.memory_space<vmem>> -> memref<8x64xf32, #tpu.memory_space<vmem>>
      %dma_start3A_26 = arith.constant 0 : i32
      %dma_start3A_27 = arith.constant 0 : i32
      %dma_start3A_28 = tpu.memref_slice %arg2[%squeeze3A, %dma_start3A_26, %dma_start3A_27] : memref<125000x8x64xf32, #tpu.memory_space<hbm>> -> memref<1x8x64xf32, #tpu.memory_space<hbm>>
      %dma_start3A_29 = tpu.memref_squeeze %dma_start3A_28 : memref<1x8x64xf32, #tpu.memory_space<hbm>> -> memref<8x64xf32, #tpu.memory_space<hbm>>
      %dma_start3A_30 = arith.constant 0 : i32
      %dma_start3A_31 = arith.constant 0 : i32
      %dma_start3A_32 = tpu.memref_slice %arg11[%dma_start3A, %dma_start3A_30, %dma_start3A_31] : memref<32x8x64xf32, #tpu.memory_space<vmem>> -> memref<1x8x64xf32, #tpu.memory_space<vmem>>
      %dma_start3A_33 = tpu.memref_squeeze %dma_start3A_32 : memref<1x8x64xf32, #tpu.memory_space<vmem>> -> memref<8x64xf32, #tpu.memory_space<vmem>>
      %dma_start3A_34 = arith.constant 0 : i32
      %dma_start3A_35 = arith.constant 0 : i32
      %dma_start3A_36 = tpu.memref_slice %arg2[%squeeze3A, %dma_start3A_34, %dma_start3A_35] : memref<125000x8x64xf32, #tpu.memory_space<hbm>> -> memref<1x8x64xf32, #tpu.memory_space<hbm>>
      %dma_start3A_37 = tpu.memref_squeeze %dma_start3A_36 : memref<1x8x64xf32, #tpu.memory_space<hbm>> -> memref<8x64xf32, #tpu.memory_space<hbm>>
      tpu.enqueue_dma source(%dma_start3A_37 : memref<8x64xf32, #tpu.memory_space<hbm>>) target(%dma_start3A_33 : memref<8x64xf32, #tpu.memory_space<vmem>>) target_semaphore(%arg14 : memref<!tpu.dma_semaphore, #tpu.memory_space<semaphore_mem>>)
      %slice3A_38 = vector.extract_strided_slice %get3A_21 {offsets = [0], sizes = [1], strides = [1]} : vector<16xi32> to vector<1xi32>
      %squeeze3A_39 = vector.extract %slice3A_38[0] : i32 from vector<1xi32>
      %dma_start3A_40 = arith.constant 0 : i32
      %dma_start3A_41 = arith.constant 0 : i32
      %dma_start3A_42 = arith.constant 0 : i32
      %dma_start3A_43 = tpu.memref_slice %arg12[%dma_start3A_40, %dma_start3A_41, %dma_start3A_42] : memref<32x8x64xf32, #tpu.memory_space<vmem>> -> memref<1x8x64xf32, #tpu.memory_space<vmem>>
      %dma_start3A_44 = tpu.memref_squeeze %dma_start3A_43 : memref<1x8x64xf32, #tpu.memory_space<vmem>> -> memref<8x64xf32, #tpu.memory_space<vmem>>
      %dma_start3A_45 = arith.constant 0 : i32
      %dma_start3A_46 = arith.constant 0 : i32
      %dma_start3A_47 = tpu.memref_slice %arg3[%squeeze3A_39, %dma_start3A_45, %dma_start3A_46] : memref<125000x8x64xf32, #tpu.memory_space<hbm>> -> memref<1x8x64xf32, #tpu.memory_space<hbm>>
      %dma_start3A_48 = tpu.memref_squeeze %dma_start3A_47 : memref<1x8x64xf32, #tpu.memory_space<hbm>> -> memref<8x64xf32, #tpu.memory_space<hbm>>
      %dma_start3A_49 = arith.constant 0 : i32
      %dma_start3A_50 = arith.constant 0 : i32
      %dma_start3A_51 = tpu.memref_slice %arg12[%dma_start3A_40, %dma_start3A_49, %dma_start3A_50] : memref<32x8x64xf32, #tpu.memory_space<vmem>> -> memref<1x8x64xf32, #tpu.memory_space<vmem>>
      %dma_start3A_52 = tpu.memref_squeeze %dma_start3A_51 : memref<1x8x64xf32, #tpu.memory_space<vmem>> -> memref<8x64xf32, #tpu.memory_space<vmem>>
      %dma_start3A_53 = arith.constant 0 : i32
      %dma_start3A_54 = arith.constant 0 : i32
      %dma_start3A_55 = tpu.memref_slice %arg3[%squeeze3A_39, %dma_start3A_53, %dma_start3A_54] : memref<125000x8x64xf32, #tpu.memory_space<hbm>> -> memref<1x8x64xf32, #tpu.memory_space<hbm>>
      %dma_start3A_56 = tpu.memref_squeeze %dma_start3A_55 : memref<1x8x64xf32, #tpu.memory_space<hbm>> -> memref<8x64xf32, #tpu.memory_space<hbm>>
      tpu.enqueue_dma source(%dma_start3A_56 : memref<8x64xf32, #tpu.memory_space<hbm>>) target(%dma_start3A_52 : memref<8x64xf32, #tpu.memory_space<vmem>>) target_semaphore(%arg15 : memref<!tpu.dma_semaphore, #tpu.memory_space<semaphore_mem>>)
      %slice3A_57 = vector.extract_strided_slice %get3A_19 {offsets = [1], sizes = [1], strides = [1]} : vector<16xi32> to vector<1xi32>
      %squeeze3A_58 = vector.extract %slice3A_57[0] : i32 from vector<1xi32>
      %dma_start3A_59 = arith.constant 1 : i32
      %dma_start3A_60 = arith.constant 0 : i32
      %dma_start3A_61 = arith.constant 0 : i32
      %dma_start3A_62 = tpu.memref_slice %arg11[%dma_start3A_59, %dma_start3A_60, %dma_start3A_61] : memref<32x8x64xf32, #tpu.memory_space<vmem>> -> memref<1x8x64xf32, #tpu.memory_space<vmem>>
      %dma_start3A_63 = tpu.memref_squeeze %dma_start3A_62 : memref<1x8x64xf32, #tpu.memory_space<vmem>> -> memref<8x64xf32, #tpu.memory_space<vmem>>
      %dma_start3A_64 = arith.constant 0 : i32
      %dma_start3A_65 = arith.constant 0 : i32
      %dma_start3A_66 = tpu.memref_slice %arg2[%squeeze3A_58, %dma_start3A_64, %dma_start3A_65] : memref<125000x8x64xf32, #tpu.memory_space<hbm>> -> memref<1x8x64xf32, #tpu.memory_space<hbm>>
      %dma_start3A_67 = tpu.memref_squeeze %dma_start3A_66 : memref<1x8x64xf32, #tpu.memory_space<hbm>> -> memref<8x64xf32, #tpu.memory_space<hbm>>
      %dma_start3A_68 = arith.constant 0 : i32
      %dma_start3A_69 = arith.constant 0 : i32
      %dma_start3A_70 = tpu.memref_slice %arg11[%dma_start3A_59, %dma_start3A_68, %dma_start3A_69] : memref<32x8x64xf32, #tpu.memory_space<vmem>> -> memref<1x8x64xf32, #tpu.memory_space<vmem>>
      %dma_start3A_71 = tpu.memref_squeeze %dma_start3A_70 : memref<1x8x64xf32, #tpu.memory_space<vmem>> -> memref<8x64xf32, #tpu.memory_space<vmem>>
      %dma_start3A_72 = arith.constant 0 : i32
      %dma_start3A_73 = arith.constant 0 : i32
      %dma_start3A_74 = tpu.memref_slice %arg2[%squeeze3A_58, %dma_start3A_72, %dma_start3A_73] : memref<125000x8x64xf32, #tpu.memory_space<hbm>> -> memref<1x8x64xf32, #tpu.memory_space<hbm>>
      %dma_start3A_75 = tpu.memref_squeeze %dma_start3A_74 : memref<1x8x64xf32, #tpu.memory_space<hbm>> -> memref<8x64xf32, #tpu.memory_space<hbm>>
      tpu.enqueue_dma source(%dma_start3A_75 : memref<8x64xf32, #tpu.memory_space<hbm>>) target(%dma_start3A_71 : memref<8x64xf32, #tpu.memory_space<vmem>>) target_semaphore(%arg16 : memref<!tpu.dma_semaphore, #tpu.memory_space<semaphore_mem>>)
      %slice3A_76 = vector.extract_strided_slice %get3A_21 {offsets = [1], sizes = [1], strides = [1]} : vector<16xi32> to vector<1xi32>
      %squeeze3A_77 = vector.extract %slice3A_76[0] : i32 from vector<1xi32>
      %dma_start3A_78 = arith.constant 1 : i32
      %dma_start3A_79 = arith.constant 0 : i32
      %dma_start3A_80 = arith.constant 0 : i32
      %dma_start3A_81 = tpu.memref_slice %arg12[%dma_start3A_78, %dma_start3A_79, %dma_start3A_80] : memref<32x8x64xf32, #tpu.memory_space<vmem>> -> memref<1x8x64xf32, #tpu.memory_space<vmem>>
      %dma_start3A_82 = tpu.memref_squeeze %dma_start3A_81 : memref<1x8x64xf32, #tpu.memory_space<vmem>> -> memref<8x64xf32, #tpu.memory_space<vmem>>
      %dma_start3A_83 = arith.constant 0 : i32
      %dma_start3A_84 = arith.constant 0 : i32
      %dma_start3A_85 = tpu.memref_slice %arg3[%squeeze3A_77, %dma_start3A_83, %dma_start3A_84] : memref<125000x8x64xf32, #tpu.memory_space<hbm>> -> memref<1x8x64xf32, #tpu.memory_space<hbm>>
      %dma_start3A_86 = tpu.memref_squeeze %dma_start3A_85 : memref<1x8x64xf32, #tpu.memory_space<hbm>> -> memref<8x64xf32, #tpu.memory_space<hbm>>
      %dma_start3A_87 = arith.constant 0 : i32
      %dma_start3A_88 = arith.constant 0 : i32
      %dma_start3A_89 = tpu.memref_slice %arg12[%dma_start3A_78, %dma_start3A_87, %dma_start3A_88] : memref<32x8x64xf32, #tpu.memory_space<vmem>> -> memref<1x8x64xf32, #tpu.memory_space<vmem>>
      %dma_start3A_90 = tpu.memref_squeeze %dma_start3A_89 : memref<1x8x64xf32, #tpu.memory_space<vmem>> -> memref<8x64xf32, #tpu.memory_space<vmem>>
      %dma_start3A_91 = arith.constant 0 : i32
      %dma_start3A_92 = arith.constant 0 : i32
      %dma_start3A_93 = tpu.memref_slice %arg3[%squeeze3A_77, %dma_start3A_91, %dma_start3A_92] : memref<125000x8x64xf32, #tpu.memory_space<hbm>> -> memref<1x8x64xf32, #tpu.memory_space<hbm>>
      %dma_start3A_94 = tpu.memref_squeeze %dma_start3A_93 : memref<1x8x64xf32, #tpu.memory_space<hbm>> -> memref<8x64xf32, #tpu.memory_space<hbm>>
      tpu.enqueue_dma source(%dma_start3A_94 : memref<8x64xf32, #tpu.memory_space<hbm>>) target(%dma_start3A_90 : memref<8x64xf32, #tpu.memory_space<vmem>>) target_semaphore(%arg17 : memref<!tpu.dma_semaphore, #tpu.memory_space<semaphore_mem>>)
      %slice3A_95 = vector.extract_strided_slice %get3A_19 {offsets = [2], sizes = [1], strides = [1]} : vector<16xi32> to vector<1xi32>
      %squeeze3A_96 = vector.extract %slice3A_95[0] : i32 from vector<1xi32>
      %dma_start3A_97 = arith.constant 2 : i32
      %dma_start3A_98 = arith.constant 0 : i32
      %dma_start3A_99 = arith.constant 0 : i32
      %dma_start3A_100 = tpu.memref_slice %arg11[%dma_start3A_97, %dma_start3A_98, %dma_start3A_99] : memref<32x8x64xf32, #tpu.memory_space<vmem>> -> memref<1x8x64xf32, #tpu.memory_space<vmem>>
      %dma_start3A_101 = tpu.memref_squeeze %dma_start3A_100 : memref<1x8x64xf32, #tpu.memory_space<vmem>> -> memref<8x64xf32, #tpu.memory_space<vmem>>
      %dma_start3A_102 = arith.constant 0 : i32
      %dma_start3A_103 = arith.constant 0 : i32
      %dma_start3A_104 = tpu.memref_slice %arg2[%squeeze3A_96, %dma_start3A_102, %dma_start3A_103] : memref<125000x8x64xf32, #tpu.memory_space<hbm>> -> memref<1x8x64xf32, #tpu.memory_space<hbm>>
      %dma_start3A_105 = tpu.memref_squeeze %dma_start3A_104 : memref<1x8x64xf32, #tpu.memory_space<hbm>> -> memref<8x64xf32, #tpu.memory_space<hbm>>
      %dma_start3A_106 = arith.constant 0 : i32
      %dma_start3A_107 = arith.constant 0 : i32
      %dma_start3A_108 = tpu.memref_slice %arg11[%dma_start3A_97, %dma_start3A_106, %dma_start3A_107] : memref<32x8x64xf32, #tpu.memory_space<vmem>> -> memref<1x8x64xf32, #tpu.memory_space<vmem>>
      %dma_start3A_109 = tpu.memref_squeeze %dma_start3A_108 : memref<1x8x64xf32, #tpu.memory_space<vmem>> -> memref<8x64xf32, #tpu.memory_space<vmem>>
      %dma_start3A_110 = arith.constant 0 : i32
      %dma_start3A_111 = arith.constant 0 : i32
      %dma_start3A_112 = tpu.memref_slice %arg2[%squeeze3A_96, %dma_start3A_110, %dma_start3A_111] : memref<125000x8x64xf32, #tpu.memory_space<hbm>> -> memref<1x8x64xf32, #tpu.memory_space<hbm>>
      %dma_start3A_113 = tpu.memref_squeeze %dma_start3A_112 : memref<1x8x64xf32, #tpu.memory_space<hbm>> -> memref<8x64xf32, #tpu.memory_space<hbm>>
      tpu.enqueue_dma source(%dma_start3A_113 : memref<8x64xf32, #tpu.memory_space<hbm>>) target(%dma_start3A_109 : memref<8x64xf32, #tpu.memory_space<vmem>>) target_semaphore(%arg14 : memref<!tpu.dma_semaphore, #tpu.memory_space<semaphore_mem>>)
      %slice3A_114 = vector.extract_strided_slice %get3A_21 {offsets = [2], sizes = [1], strides = [1]} : vector<16xi32> to vector<1xi32>
      %squeeze3A_115 = vector.extract %slice3A_114[0] : i32 from vector<1xi32>
      %dma_start3A_116 = arith.constant 2 : i32
      %dma_start3A_117 = arith.constant 0 : i32
      %dma_start3A_118 = arith.constant 0 : i32
      %dma_start3A_119 = tpu.memref_slice %arg12[%dma_start3A_116, %dma_start3A_117, %dma_start3A_118] : memref<32x8x64xf32, #tpu.memory_space<vmem>> -> memref<1x8x64xf32, #tpu.memory_space<vmem>>
      %dma_start3A_120 = tpu.memref_squeeze %dma_start3A_119 : memref<1x8x64xf32, #tpu.memory_space<vmem>> -> memref<8x64xf32, #tpu.memory_space<vmem>>
      %dma_start3A_121 = arith.constant 0 : i32
      %dma_start3A_122 = arith.constant 0 : i32
      %dma_start3A_123 = tpu.memref_slice %arg3[%squeeze3A_115, %dma_start3A_121, %dma_start3A_122] : memref<125000x8x64xf32, #tpu.memory_space<hbm>> -> memref<1x8x64xf32, #tpu.memory_space<hbm>>
      %dma_start3A_124 = tpu.memref_squeeze %dma_start3A_123 : memref<1x8x64xf32, #tpu.memory_space<hbm>> -> memref<8x64xf32, #tpu.memory_space<hbm>>
      %dma_start3A_125 = arith.constant 0 : i32
      %dma_start3A_126 = arith.constant 0 : i32
      %dma_start3A_127 = tpu.memref_slice %arg12[%dma_start3A_116, %dma_start3A_125, %dma_start3A_126] : memref<32x8x64xf32, #tpu.memory_space<vmem>> -> memref<1x8x64xf32, #tpu.memory_space<vmem>>
      %dma_start3A_128 = tpu.memref_squeeze %dma_start3A_127 : memref<1x8x64xf32, #tpu.memory_space<vmem>> -> memref<8x64xf32, #tpu.memory_space<vmem>>
      %dma_start3A_129 = arith.constant 0 : i32
      %dma_start3A_130 = arith.constant 0 : i32
      %dma_start3A_131 = tpu.memref_slice %arg3[%squeeze3A_115, %dma_start3A_129, %dma_start3A_130] : memref<125000x8x64xf32, #tpu.memory_space<hbm>> -> memref<1x8x64xf32, #tpu.memory_space<hbm>>
      %dma_start3A_132 = tpu.memref_squeeze %dma_start3A_131 : memref<1x8x64xf32, #tpu.memory_space<hbm>> -> memref<8x64xf32, #tpu.memory_space<hbm>>
      tpu.enqueue_dma source(%dma_start3A_132 : memref<8x64xf32, #tpu.memory_space<hbm>>) target(%dma_start3A_128 : memref<8x64xf32, #tpu.memory_space<vmem>>) target_semaphore(%arg15 : memref<!tpu.dma_semaphore, #tpu.memory_space<semaphore_mem>>)
      %slice3A_133 = vector.extract_strided_slice %get3A_19 {offsets = [3], sizes = [1], strides = [1]} : vector<16xi32> to vector<1xi32>
      %squeeze3A_134 = vector.extract %slice3A_133[0] : i32 from vector<1xi32>
      %dma_start3A_135 = arith.constant 3 : i32
      %dma_start3A_136 = arith.constant 0 : i32
      %dma_start3A_137 = arith.constant 0 : i32
      %dma_start3A_138 = tpu.memref_slice %arg11[%dma_start3A_135, %dma_start3A_136, %dma_start3A_137] : memref<32x8x64xf32, #tpu.memory_space<vmem>> -> memref<1x8x64xf32, #tpu.memory_space<vmem>>
      %dma_start3A_139 = tpu.memref_squeeze %dma_start3A_138 : memref<1x8x64xf32, #tpu.memory_space<vmem>> -> memref<8x64xf32, #tpu.memory_space<vmem>>
      %dma_start3A_140 = arith.constant 0 : i32
      %dma_start3A_141 = arith.constant 0 : i32
      %dma_start3A_142 = tpu.memref_slice %arg2[%squeeze3A_134, %dma_start3A_140, %dma_start3A_141] : memref<125000x8x64xf32, #tpu.memory_space<hbm>> -> memref<1x8x64xf32, #tpu.memory_space<hbm>>
      %dma_start3A_143 = tpu.memref_squeeze %dma_start3A_142 : memref<1x8x64xf32, #tpu.memory_space<hbm>> -> memref<8x64xf32, #tpu.memory_space<hbm>>
      %dma_start3A_144 = arith.constant 0 : i32
      %dma_start3A_145 = arith.constant 0 : i32
      %dma_start3A_146 = tpu.memref_slice %arg11[%dma_start3A_135, %dma_start3A_144, %dma_start3A_145] : memref<32x8x64xf32, #tpu.memory_space<vmem>> -> memref<1x8x64xf32, #tpu.memory_space<vmem>>
      %dma_start3A_147 = tpu.memref_squeeze %dma_start3A_146 : memref<1x8x64xf32, #tpu.memory_space<vmem>> -> memref<8x64xf32, #tpu.memory_space<vmem>>
      %dma_start3A_148 = arith.constant 0 : i32
      %dma_start3A_149 = arith.constant 0 : i32
      %dma_start3A_150 = tpu.memref_slice %arg2[%squeeze3A_134, %dma_start3A_148, %dma_start3A_149] : memref<125000x8x64xf32, #tpu.memory_space<hbm>> -> memref<1x8x64xf32, #tpu.memory_space<hbm>>
      %dma_start3A_151 = tpu.memref_squeeze %dma_start3A_150 : memref<1x8x64xf32, #tpu.memory_space<hbm>> -> memref<8x64xf32, #tpu.memory_space<hbm>>
      tpu.enqueue_dma source(%dma_start3A_151 : memref<8x64xf32, #tpu.memory_space<hbm>>) target(%dma_start3A_147 : memref<8x64xf32, #tpu.memory_space<vmem>>) target_semaphore(%arg16 : memref<!tpu.dma_semaphore, #tpu.memory_space<semaphore_mem>>)
      %slice3A_152 = vector.extract_strided_slice %get3A_21 {offsets = [3], sizes = [1], strides = [1]} : vector<16xi32> to vector<1xi32>
      %squeeze3A_153 = vector.extract %slice3A_152[0] : i32 from vector<1xi32>
      %dma_start3A_154 = arith.constant 3 : i32
      %dma_start3A_155 = arith.constant 0 : i32
      %dma_start3A_156 = arith.constant 0 : i32
      %dma_start3A_157 = tpu.memref_slice %arg12[%dma_start3A_154, %dma_start3A_155, %dma_start3A_156] : memref<32x8x64xf32, #tpu.memory_space<vmem>> -> memref<1x8x64xf32, #tpu.memory_space<vmem>>
      %dma_start3A_158 = tpu.memref_squeeze %dma_start3A_157 : memref<1x8x64xf32, #tpu.memory_space<vmem>> -> memref<8x64xf32, #tpu.memory_space<vmem>>
      %dma_start3A_159 = arith.constant 0 : i32
      %dma_start3A_160 = arith.constant 0 : i32
      %dma_start3A_161 = tpu.memref_slice %arg3[%squeeze3A_153, %dma_start3A_159, %dma_start3A_160] : memref<125000x8x64xf32, #tpu.memory_space<hbm>> -> memref<1x8x64xf32, #tpu.memory_space<hbm>>
      %dma_start3A_162 = tpu.memref_squeeze %dma_start3A_161 : memref<1x8x64xf32, #tpu.memory_space<hbm>> -> memref<8x64xf32, #tpu.memory_space<hbm>>
      %dma_start3A_163 = arith.constant 0 : i32
      %dma_start3A_164 = arith.constant 0 : i32
      %dma_start3A_165 = tpu.memref_slice %arg12[%dma_start3A_154, %dma_start3A_163, %dma_start3A_164] : memref<32x8x64xf32, #tpu.memory_space<vmem>> -> memref<1x8x64xf32, #tpu.memory_space<vmem>>
      %dma_start3A_166 = tpu.memref_squeeze %dma_start3A_165 : memref<1x8x64xf32, #tpu.memory_space<vmem>> -> memref<8x64xf32, #tpu.memory_space<vmem>>
      %dma_start3A_167 = arith.constant 0 : i32
      %dma_start3A_168 = arith.constant 0 : i32
      %dma_start3A_169 = tpu.memref_slice %arg3[%squeeze3A_153, %dma_start3A_167, %dma_start3A_168] : memref<125000x8x64xf32, #tpu.memory_space<hbm>> -> memref<1x8x64xf32, #tpu.memory_space<hbm>>
      %dma_start3A_170 = tpu.memref_squeeze %dma_start3A_169 : memref<1x8x64xf32, #tpu.memory_space<hbm>> -> memref<8x64xf32, #tpu.memory_space<hbm>>
      tpu.enqueue_dma source(%dma_start3A_170 : memref<8x64xf32, #tpu.memory_space<hbm>>) target(%dma_start3A_166 : memref<8x64xf32, #tpu.memory_space<vmem>>) target_semaphore(%arg17 : memref<!tpu.dma_semaphore, #tpu.memory_space<semaphore_mem>>)
      %slice3A_171 = vector.extract_strided_slice %get3A_19 {offsets = [4], sizes = [1], strides = [1]} : vector<16xi32> to vector<1xi32>
      %squeeze3A_172 = vector.extract %slice3A_171[0] : i32 from vector<1xi32>
      %dma_start3A_173 = arith.constant 4 : i32
      %dma_start3A_174 = arith.constant 0 : i32
      %dma_start3A_175 = arith.constant 0 : i32
      %dma_start3A_176 = tpu.memref_slice %arg11[%dma_start3A_173, %dma_start3A_174, %dma_start3A_175] : memref<32x8x64xf32, #tpu.memory_space<vmem>> -> memref<1x8x64xf32, #tpu.memory_space<vmem>>
      %dma_start3A_177 = tpu.memref_squeeze %dma_start3A_176 : memref<1x8x64xf32, #tpu.memory_space<vmem>> -> memref<8x64xf32, #tpu.memory_space<vmem>>
      %dma_start3A_178 = arith.constant 0 : i32
      %dma_start3A_179 = arith.constant 0 : i32
      %dma_start3A_180 = tpu.memref_slice %arg2[%squeeze3A_172, %dma_start3A_178, %dma_start3A_179] : memref<125000x8x64xf32, #tpu.memory_space<hbm>> -> memref<1x8x64xf32, #tpu.memory_space<hbm>>
      %dma_start3A_181 = tpu.memref_squeeze %dma_start3A_180 : memref<1x8x64xf32, #tpu.memory_space<hbm>> -> memref<8x64xf32, #tpu.memory_space<hbm>>
      %dma_start3A_182 = arith.constant 0 : i32
      %dma_start3A_183 = arith.constant 0 : i32
      %dma_start3A_184 = tpu.memref_slice %arg11[%dma_start3A_173, %dma_start3A_182, %dma_start3A_183] : memref<32x8x64xf32, #tpu.memory_space<vmem>> -> memref<1x8x64xf32, #tpu.memory_space<vmem>>
      %dma_start3A_185 = tpu.memref_squeeze %dma_start3A_184 : memref<1x8x64xf32, #tpu.memory_space<vmem>> -> memref<8x64xf32, #tpu.memory_space<vmem>>
      %dma_start3A_186 = arith.constant 0 : i32
      %dma_start3A_187 = arith.constant 0 : i32
      %dma_start3A_188 = tpu.memref_slice %arg2[%squeeze3A_172, %dma_start3A_186, %dma_start3A_187] : memref<125000x8x64xf32, #tpu.memory_space<hbm>> -> memref<1x8x64xf32, #tpu.memory_space<hbm>>
      %dma_start3A_189 = tpu.memref_squeeze %dma_start3A_188 : memref<1x8x64xf32, #tpu.memory_space<hbm>> -> memref<8x64xf32, #tpu.memory_space<hbm>>
      tpu.enqueue_dma source(%dma_start3A_189 : memref<8x64xf32, #tpu.memory_space<hbm>>) target(%dma_start3A_185 : memref<8x64xf32, #tpu.memory_space<vmem>>) target_semaphore(%arg14 : memref<!tpu.dma_semaphore, #tpu.memory_space<semaphore_mem>>)
      %slice3A_190 = vector.extract_strided_slice %get3A_21 {offsets = [4], sizes = [1], strides = [1]} : vector<16xi32> to vector<1xi32>
      %squeeze3A_191 = vector.extract %slice3A_190[0] : i32 from vector<1xi32>
      %dma_start3A_192 = arith.constant 4 : i32
      %dma_start3A_193 = arith.constant 0 : i32
      %dma_start3A_194 = arith.constant 0 : i32
      %dma_start3A_195 = tpu.memref_slice %arg12[%dma_start3A_192, %dma_start3A_193, %dma_start3A_194] : memref<32x8x64xf32, #tpu.memory_space<vmem>> -> memref<1x8x64xf32, #tpu.memory_space<vmem>>
      %dma_start3A_196 = tpu.memref_squeeze %dma_start3A_195 : memref<1x8x64xf32, #tpu.memory_space<vmem>> -> memref<8x64xf32, #tpu.memory_space<vmem>>
      %dma_start3A_197 = arith.constant 0 : i32
      %dma_start3A_198 = arith.constant 0 : i32
      %dma_start3A_199 = tpu.memref_slice %arg3[%squeeze3A_191, %dma_start3A_197, %dma_start3A_198] : memref<125000x8x64xf32, #tpu.memory_space<hbm>> -> memref<1x8x64xf32, #tpu.memory_space<hbm>>
      %dma_start3A_200 = tpu.memref_squeeze %dma_start3A_199 : memref<1x8x64xf32, #tpu.memory_space<hbm>> -> memref<8x64xf32, #tpu.memory_space<hbm>>
      %dma_start3A_201 = arith.constant 0 : i32
      %dma_start3A_202 = arith.constant 0 : i32
      %dma_start3A_203 = tpu.memref_slice %arg12[%dma_start3A_192, %dma_start3A_201, %dma_start3A_202] : memref<32x8x64xf32, #tpu.memory_space<vmem>> -> memref<1x8x64xf32, #tpu.memory_space<vmem>>
      %dma_start3A_204 = tpu.memref_squeeze %dma_start3A_203 : memref<1x8x64xf32, #tpu.memory_space<vmem>> -> memref<8x64xf32, #tpu.memory_space<vmem>>
      %dma_start3A_205 = arith.constant 0 : i32
      %dma_start3A_206 = arith.constant 0 : i32
      %dma_start3A_207 = tpu.memref_slice %arg3[%squeeze3A_191, %dma_start3A_205, %dma_start3A_206] : memref<125000x8x64xf32, #tpu.memory_space<hbm>> -> memref<1x8x64xf32, #tpu.memory_space<hbm>>
      %dma_start3A_208 = tpu.memref_squeeze %dma_start3A_207 : memref<1x8x64xf32, #tpu.memory_space<hbm>> -> memref<8x64xf32, #tpu.memory_space<hbm>>
      tpu.enqueue_dma source(%dma_start3A_208 : memref<8x64xf32, #tpu.memory_space<hbm>>) target(%dma_start3A_204 : memref<8x64xf32, #tpu.memory_space<vmem>>) target_semaphore(%arg15 : memref<!tpu.dma_semaphore, #tpu.memory_space<semaphore_mem>>)
      %slice3A_209 = vector.extract_strided_slice %get3A_19 {offsets = [5], sizes = [1], strides = [1]} : vector<16xi32> to vector<1xi32>
      %squeeze3A_210 = vector.extract %slice3A_209[0] : i32 from vector<1xi32>
      %dma_start3A_211 = arith.constant 5 : i32
      %dma_start3A_212 = arith.constant 0 : i32
      %dma_start3A_213 = arith.constant 0 : i32
      %dma_start3A_214 = tpu.memref_slice %arg11[%dma_start3A_211, %dma_start3A_212, %dma_start3A_213] : memref<32x8x64xf32, #tpu.memory_space<vmem>> -> memref<1x8x64xf32, #tpu.memory_space<vmem>>
      %dma_start3A_215 = tpu.memref_squeeze %dma_start3A_214 : memref<1x8x64xf32, #tpu.memory_space<vmem>> -> memref<8x64xf32, #tpu.memory_space<vmem>>
      %dma_start3A_216 = arith.constant 0 : i32
      %dma_start3A_217 = arith.constant 0 : i32
      %dma_start3A_218 = tpu.memref_slice %arg2[%squeeze3A_210, %dma_start3A_216, %dma_start3A_217] : memref<125000x8x64xf32, #tpu.memory_space<hbm>> -> memref<1x8x64xf32, #tpu.memory_space<hbm>>
      %dma_start3A_219 = tpu.memref_squeeze %dma_start3A_218 : memref<1x8x64xf32, #tpu.memory_space<hbm>> -> memref<8x64xf32, #tpu.memory_space<hbm>>
      %dma_start3A_220 = arith.constant 0 : i32
      %dma_start3A_221 = arith.constant 0 : i32
      %dma_start3A_222 = tpu.memref_slice %arg11[%dma_start3A_211, %dma_start3A_220, %dma_start3A_221] : memref<32x8x64xf32, #tpu.memory_space<vmem>> -> memref<1x8x64xf32, #tpu.memory_space<vmem>>
      %dma_start3A_223 = tpu.memref_squeeze %dma_start3A_222 : memref<1x8x64xf32, #tpu.memory_space<vmem>> -> memref<8x64xf32, #tpu.memory_space<vmem>>
      %dma_start3A_224 = arith.constant 0 : i32
      %dma_start3A_225 = arith.constant 0 : i32
      %dma_start3A_226 = tpu.memref_slice %arg2[%squeeze3A_210, %dma_start3A_224, %dma_start3A_225] : memref<125000x8x64xf32, #tpu.memory_space<hbm>> -> memref<1x8x64xf32, #tpu.memory_space<hbm>>
      %dma_start3A_227 = tpu.memref_squeeze %dma_start3A_226 : memref<1x8x64xf32, #tpu.memory_space<hbm>> -> memref<8x64xf32, #tpu.memory_space<hbm>>
      tpu.enqueue_dma source(%dma_start3A_227 : memref<8x64xf32, #tpu.memory_space<hbm>>) target(%dma_start3A_223 : memref<8x64xf32, #tpu.memory_space<vmem>>) target_semaphore(%arg16 : memref<!tpu.dma_semaphore, #tpu.memory_space<semaphore_mem>>)
      %slice3A_228 = vector.extract_strided_slice %get3A_21 {offsets = [5], sizes = [1], strides = [1]} : vector<16xi32> to vector<1xi32>
      %squeeze3A_229 = vector.extract %slice3A_228[0] : i32 from vector<1xi32>
      %dma_start3A_230 = arith.constant 5 : i32
      %dma_start3A_231 = arith.constant 0 : i32
      %dma_start3A_232 = arith.constant 0 : i32
      %dma_start3A_233 = tpu.memref_slice %arg12[%dma_start3A_230, %dma_start3A_231, %dma_start3A_232] : memref<32x8x64xf32, #tpu.memory_space<vmem>> -> memref<1x8x64xf32, #tpu.memory_space<vmem>>
      %dma_start3A_234 = tpu.memref_squeeze %dma_start3A_233 : memref<1x8x64xf32, #tpu.memory_space<vmem>> -> memref<8x64xf32, #tpu.memory_space<vmem>>
      %dma_start3A_235 = arith.constant 0 : i32
      %dma_start3A_236 = arith.constant 0 : i32
      %dma_start3A_237 = tpu.memref_slice %arg3[%squeeze3A_229, %dma_start3A_235, %dma_start3A_236] : memref<125000x8x64xf32, #tpu.memory_space<hbm>> -> memref<1x8x64xf32, #tpu.memory_space<hbm>>
      %dma_start3A_238 = tpu.memref_squeeze %dma_start3A_237 : memref<1x8x64xf32, #tpu.memory_space<hbm>> -> memref<8x64xf32, #tpu.memory_space<hbm>>
      %dma_start3A_239 = arith.constant 0 : i32
      %dma_start3A_240 = arith.constant 0 : i32
      %dma_start3A_241 = tpu.memref_slice %arg12[%dma_start3A_230, %dma_start3A_239, %dma_start3A_240] : memref<32x8x64xf32, #tpu.memory_space<vmem>> -> memref<1x8x64xf32, #tpu.memory_space<vmem>>
      %dma_start3A_242 = tpu.memref_squeeze %dma_start3A_241 : memref<1x8x64xf32, #tpu.memory_space<vmem>> -> memref<8x64xf32, #tpu.memory_space<vmem>>
      %dma_start3A_243 = arith.constant 0 : i32
      %dma_start3A_244 = arith.constant 0 : i32
      %dma_start3A_245 = tpu.memref_slice %arg3[%squeeze3A_229, %dma_start3A_243, %dma_start3A_244] : memref<125000x8x64xf32, #tpu.memory_space<hbm>> -> memref<1x8x64xf32, #tpu.memory_space<hbm>>
      %dma_start3A_246 = tpu.memref_squeeze %dma_start3A_245 : memref<1x8x64xf32, #tpu.memory_space<hbm>> -> memref<8x64xf32, #tpu.memory_space<hbm>>
      tpu.enqueue_dma source(%dma_start3A_246 : memref<8x64xf32, #tpu.memory_space<hbm>>) target(%dma_start3A_242 : memref<8x64xf32, #tpu.memory_space<vmem>>) target_semaphore(%arg17 : memref<!tpu.dma_semaphore, #tpu.memory_space<semaphore_mem>>)
      %slice3A_247 = vector.extract_strided_slice %get3A_19 {offsets = [6], sizes = [1], strides = [1]} : vector<16xi32> to vector<1xi32>
      %squeeze3A_248 = vector.extract %slice3A_247[0] : i32 from vector<1xi32>
      %dma_start3A_249 = arith.constant 6 : i32
      %dma_start3A_250 = arith.constant 0 : i32
      %dma_start3A_251 = arith.constant 0 : i32
      %dma_start3A_252 = tpu.memref_slice %arg11[%dma_start3A_249, %dma_start3A_250, %dma_start3A_251] : memref<32x8x64xf32, #tpu.memory_space<vmem>> -> memref<1x8x64xf32, #tpu.memory_space<vmem>>
      %dma_start3A_253 = tpu.memref_squeeze %dma_start3A_252 : memref<1x8x64xf32, #tpu.memory_space<vmem>> -> memref<8x64xf32, #tpu.memory_space<vmem>>
      %dma_start3A_254 = arith.constant 0 : i32
      %dma_start3A_255 = arith.constant 0 : i32
      %dma_start3A_256 = tpu.memref_slice %arg2[%squeeze3A_248, %dma_start3A_254, %dma_start3A_255] : memref<125000x8x64xf32, #tpu.memory_space<hbm>> -> memref<1x8x64xf32, #tpu.memory_space<hbm>>
      %dma_start3A_257 = tpu.memref_squeeze %dma_start3A_256 : memref<1x8x64xf32, #tpu.memory_space<hbm>> -> memref<8x64xf32, #tpu.memory_space<hbm>>
      %dma_start3A_258 = arith.constant 0 : i32
      %dma_start3A_259 = arith.constant 0 : i32
      %dma_start3A_260 = tpu.memref_slice %arg11[%dma_start3A_249, %dma_start3A_258, %dma_start3A_259] : memref<32x8x64xf32, #tpu.memory_space<vmem>> -> memref<1x8x64xf32, #tpu.memory_space<vmem>>
      %dma_start3A_261 = tpu.memref_squeeze %dma_start3A_260 : memref<1x8x64xf32, #tpu.memory_space<vmem>> -> memref<8x64xf32, #tpu.memory_space<vmem>>
      %dma_start3A_262 = arith.constant 0 : i32
      %dma_start3A_263 = arith.constant 0 : i32
      %dma_start3A_264 = tpu.memref_slice %arg2[%squeeze3A_248, %dma_start3A_262, %dma_start3A_263] : memref<125000x8x64xf32, #tpu.memory_space<hbm>> -> memref<1x8x64xf32, #tpu.memory_space<hbm>>
      %dma_start3A_265 = tpu.memref_squeeze %dma_start3A_264 : memref<1x8x64xf32, #tpu.memory_space<hbm>> -> memref<8x64xf32, #tpu.memory_space<hbm>>
      tpu.enqueue_dma source(%dma_start3A_265 : memref<8x64xf32, #tpu.memory_space<hbm>>) target(%dma_start3A_261 : memref<8x64xf32, #tpu.memory_space<vmem>>) target_semaphore(%arg14 : memref<!tpu.dma_semaphore, #tpu.memory_space<semaphore_mem>>)
      %slice3A_266 = vector.extract_strided_slice %get3A_21 {offsets = [6], sizes = [1], strides = [1]} : vector<16xi32> to vector<1xi32>
      %squeeze3A_267 = vector.extract %slice3A_266[0] : i32 from vector<1xi32>
      %dma_start3A_268 = arith.constant 6 : i32
      %dma_start3A_269 = arith.constant 0 : i32
      %dma_start3A_270 = arith.constant 0 : i32
      %dma_start3A_271 = tpu.memref_slice %arg12[%dma_start3A_268, %dma_start3A_269, %dma_start3A_270] : memref<32x8x64xf32, #tpu.memory_space<vmem>> -> memref<1x8x64xf32, #tpu.memory_space<vmem>>
      %dma_start3A_272 = tpu.memref_squeeze %dma_start3A_271 : memref<1x8x64xf32, #tpu.memory_space<vmem>> -> memref<8x64xf32, #tpu.memory_space<vmem>>
      %dma_start3A_273 = arith.constant 0 : i32
      %dma_start3A_274 = arith.constant 0 : i32
      %dma_start3A_275 = tpu.memref_slice %arg3[%squeeze3A_267, %dma_start3A_273, %dma_start3A_274] : memref<125000x8x64xf32, #tpu.memory_space<hbm>> -> memref<1x8x64xf32, #tpu.memory_space<hbm>>
      %dma_start3A_276 = tpu.memref_squeeze %dma_start3A_275 : memref<1x8x64xf32, #tpu.memory_space<hbm>> -> memref<8x64xf32, #tpu.memory_space<hbm>>
      %dma_start3A_277 = arith.constant 0 : i32
      %dma_start3A_278 = arith.constant 0 : i32
      %dma_start3A_279 = tpu.memref_slice %arg12[%dma_start3A_268, %dma_start3A_277, %dma_start3A_278] : memref<32x8x64xf32, #tpu.memory_space<vmem>> -> memref<1x8x64xf32, #tpu.memory_space<vmem>>
      %dma_start3A_280 = tpu.memref_squeeze %dma_start3A_279 : memref<1x8x64xf32, #tpu.memory_space<vmem>> -> memref<8x64xf32, #tpu.memory_space<vmem>>
      %dma_start3A_281 = arith.constant 0 : i32
      %dma_start3A_282 = arith.constant 0 : i32
      %dma_start3A_283 = tpu.memref_slice %arg3[%squeeze3A_267, %dma_start3A_281, %dma_start3A_282] : memref<125000x8x64xf32, #tpu.memory_space<hbm>> -> memref<1x8x64xf32, #tpu.memory_space<hbm>>
      %dma_start3A_284 = tpu.memref_squeeze %dma_start3A_283 : memref<1x8x64xf32, #tpu.memory_space<hbm>> -> memref<8x64xf32, #tpu.memory_space<hbm>>
      tpu.enqueue_dma source(%dma_start3A_284 : memref<8x64xf32, #tpu.memory_space<hbm>>) target(%dma_start3A_280 : memref<8x64xf32, #tpu.memory_space<vmem>>) target_semaphore(%arg15 : memref<!tpu.dma_semaphore, #tpu.memory_space<semaphore_mem>>)
      %slice3A_285 = vector.extract_strided_slice %get3A_19 {offsets = [7], sizes = [1], strides = [1]} : vector<16xi32> to vector<1xi32>
      %squeeze3A_286 = vector.extract %slice3A_285[0] : i32 from vector<1xi32>
      %dma_start3A_287 = arith.constant 7 : i32
      %dma_start3A_288 = arith.constant 0 : i32
      %dma_start3A_289 = arith.constant 0 : i32
      %dma_start3A_290 = tpu.memref_slice %arg11[%dma_start3A_287, %dma_start3A_288, %dma_start3A_289] : memref<32x8x64xf32, #tpu.memory_space<vmem>> -> memref<1x8x64xf32, #tpu.memory_space<vmem>>
      %dma_start3A_291 = tpu.memref_squeeze %dma_start3A_290 : memref<1x8x64xf32, #tpu.memory_space<vmem>> -> memref<8x64xf32, #tpu.memory_space<vmem>>
      %dma_start3A_292 = arith.constant 0 : i32
      %dma_start3A_293 = arith.constant 0 : i32
      %dma_start3A_294 = tpu.memref_slice %arg2[%squeeze3A_286, %dma_start3A_292, %dma_start3A_293] : memref<125000x8x64xf32, #tpu.memory_space<hbm>> -> memref<1x8x64xf32, #tpu.memory_space<hbm>>
      %dma_start3A_295 = tpu.memref_squeeze %dma_start3A_294 : memref<1x8x64xf32, #tpu.memory_space<hbm>> -> memref<8x64xf32, #tpu.memory_space<hbm>>
      %dma_start3A_296 = arith.constant 0 : i32
      %dma_start3A_297 = arith.constant 0 : i32
      %dma_start3A_298 = tpu.memref_slice %arg11[%dma_start3A_287, %dma_start3A_296, %dma_start3A_297] : memref<32x8x64xf32, #tpu.memory_space<vmem>> -> memref<1x8x64xf32, #tpu.memory_space<vmem>>
      %dma_start3A_299 = tpu.memref_squeeze %dma_start3A_298 : memref<1x8x64xf32, #tpu.memory_space<vmem>> -> memref<8x64xf32, #tpu.memory_space<vmem>>
      %dma_start3A_300 = arith.constant 0 : i32
      %dma_start3A_301 = arith.constant 0 : i32
      %dma_start3A_302 = tpu.memref_slice %arg2[%squeeze3A_286, %dma_start3A_300, %dma_start3A_301] : memref<125000x8x64xf32, #tpu.memory_space<hbm>> -> memref<1x8x64xf32, #tpu.memory_space<hbm>>
      %dma_start3A_303 = tpu.memref_squeeze %dma_start3A_302 : memref<1x8x64xf32, #tpu.memory_space<hbm>> -> memref<8x64xf32, #tpu.memory_space<hbm>>
      tpu.enqueue_dma source(%dma_start3A_303 : memref<8x64xf32, #tpu.memory_space<hbm>>) target(%dma_start3A_299 : memref<8x64xf32, #tpu.memory_space<vmem>>) target_semaphore(%arg16 : memref<!tpu.dma_semaphore, #tpu.memory_space<semaphore_mem>>)
      %slice3A_304 = vector.extract_strided_slice %get3A_21 {offsets = [7], sizes = [1], strides = [1]} : vector<16xi32> to vector<1xi32>
      %squeeze3A_305 = vector.extract %slice3A_304[0] : i32 from vector<1xi32>
      %dma_start3A_306 = arith.constant 7 : i32
      %dma_start3A_307 = arith.constant 0 : i32
      %dma_start3A_308 = arith.constant 0 : i32
      %dma_start3A_309 = tpu.memref_slice %arg12[%dma_start3A_306, %dma_start3A_307, %dma_start3A_308] : memref<32x8x64xf32, #tpu.memory_space<vmem>> -> memref<1x8x64xf32, #tpu.memory_space<vmem>>
      %dma_start3A_310 = tpu.memref_squeeze %dma_start3A_309 : memref<1x8x64xf32, #tpu.memory_space<vmem>> -> memref<8x64xf32, #tpu.memory_space<vmem>>
      %dma_start3A_311 = arith.constant 0 : i32
      %dma_start3A_312 = arith.constant 0 : i32
      %dma_start3A_313 = tpu.memref_slice %arg3[%squeeze3A_305, %dma_start3A_311, %dma_start3A_312] : memref<125000x8x64xf32, #tpu.memory_space<hbm>> -> memref<1x8x64xf32, #tpu.memory_space<hbm>>
      %dma_start3A_314 = tpu.memref_squeeze %dma_start3A_313 : memref<1x8x64xf32, #tpu.memory_space<hbm>> -> memref<8x64xf32, #tpu.memory_space<hbm>>
      %dma_start3A_315 = arith.constant 0 : i32
      %dma_start3A_316 = arith.constant 0 : i32
      %dma_start3A_317 = tpu.memref_slice %arg12[%dma_start3A_306, %dma_start3A_315, %dma_start3A_316] : memref<32x8x64xf32, #tpu.memory_space<vmem>> -> memref<1x8x64xf32, #tpu.memory_space<vmem>>
      %dma_start3A_318 = tpu.memref_squeeze %dma_start3A_317 : memref<1x8x64xf32, #tpu.memory_space<vmem>> -> memref<8x64xf32, #tpu.memory_space<vmem>>
      %dma_start3A_319 = arith.constant 0 : i32
      %dma_start3A_320 = arith.constant 0 : i32
      %dma_start3A_321 = tpu.memref_slice %arg3[%squeeze3A_305, %dma_start3A_319, %dma_start3A_320] : memref<125000x8x64xf32, #tpu.memory_space<hbm>> -> memref<1x8x64xf32, #tpu.memory_space<hbm>>
      %dma_start3A_322 = tpu.memref_squeeze %dma_start3A_321 : memref<1x8x64xf32, #tpu.memory_space<hbm>> -> memref<8x64xf32, #tpu.memory_space<hbm>>
      tpu.enqueue_dma source(%dma_start3A_322 : memref<8x64xf32, #tpu.memory_space<hbm>>) target(%dma_start3A_318 : memref<8x64xf32, #tpu.memory_space<vmem>>) target_semaphore(%arg17 : memref<!tpu.dma_semaphore, #tpu.memory_space<semaphore_mem>>)
      %slice3A_323 = vector.extract_strided_slice %get3A_19 {offsets = [8], sizes = [1], strides = [1]} : vector<16xi32> to vector<1xi32>
      %squeeze3A_324 = vector.extract %slice3A_323[0] : i32 from vector<1xi32>
      %dma_start3A_325 = arith.constant 8 : i32
      %dma_start3A_326 = arith.constant 0 : i32
      %dma_start3A_327 = arith.constant 0 : i32
      %dma_start3A_328 = tpu.memref_slice %arg11[%dma_start3A_325, %dma_start3A_326, %dma_start3A_327] : memref<32x8x64xf32, #tpu.memory_space<vmem>> -> memref<1x8x64xf32, #tpu.memory_space<vmem>>
      %dma_start3A_329 = tpu.memref_squeeze %dma_start3A_328 : memref<1x8x64xf32, #tpu.memory_space<vmem>> -> memref<8x64xf32, #tpu.memory_space<vmem>>
      %dma_start3A_330 = arith.constant 0 : i32
      %dma_start3A_331 = arith.constant 0 : i32
      %dma_start3A_332 = tpu.memref_slice %arg2[%squeeze3A_324, %dma_start3A_330, %dma_start3A_331] : memref<125000x8x64xf32, #tpu.memory_space<hbm>> -> memref<1x8x64xf32, #tpu.memory_space<hbm>>
      %dma_start3A_333 = tpu.memref_squeeze %dma_start3A_332 : memref<1x8x64xf32, #tpu.memory_space<hbm>> -> memref<8x64xf32, #tpu.memory_space<hbm>>
      %dma_start3A_334 = arith.constant 0 : i32
      %dma_start3A_335 = arith.constant 0 : i32
      %dma_start3A_336 = tpu.memref_slice %arg11[%dma_start3A_325, %dma_start3A_334, %dma_start3A_335] : memref<32x8x64xf32, #tpu.memory_space<vmem>> -> memref<1x8x64xf32, #tpu.memory_space<vmem>>
      %dma_start3A_337 = tpu.memref_squeeze %dma_start3A_336 : memref<1x8x64xf32, #tpu.memory_space<vmem>> -> memref<8x64xf32, #tpu.memory_space<vmem>>
      %dma_start3A_338 = arith.constant 0 : i32
      %dma_start3A_339 = arith.constant 0 : i32
      %dma_start3A_340 = tpu.memref_slice %arg2[%squeeze3A_324, %dma_start3A_338, %dma_start3A_339] : memref<125000x8x64xf32, #tpu.memory_space<hbm>> -> memref<1x8x64xf32, #tpu.memory_space<hbm>>
      %dma_start3A_341 = tpu.memref_squeeze %dma_start3A_340 : memref<1x8x64xf32, #tpu.memory_space<hbm>> -> memref<8x64xf32, #tpu.memory_space<hbm>>
      tpu.enqueue_dma source(%dma_start3A_341 : memref<8x64xf32, #tpu.memory_space<hbm>>) target(%dma_start3A_337 : memref<8x64xf32, #tpu.memory_space<vmem>>) target_semaphore(%arg14 : memref<!tpu.dma_semaphore, #tpu.memory_space<semaphore_mem>>)
      %slice3A_342 = vector.extract_strided_slice %get3A_21 {offsets = [8], sizes = [1], strides = [1]} : vector<16xi32> to vector<1xi32>
      %squeeze3A_343 = vector.extract %slice3A_342[0] : i32 from vector<1xi32>
      %dma_start3A_344 = arith.constant 8 : i32
      %dma_start3A_345 = arith.constant 0 : i32
      %dma_start3A_346 = arith.constant 0 : i32
      %dma_start3A_347 = tpu.memref_slice %arg12[%dma_start3A_344, %dma_start3A_345, %dma_start3A_346] : memref<32x8x64xf32, #tpu.memory_space<vmem>> -> memref<1x8x64xf32, #tpu.memory_space<vmem>>
      %dma_start3A_348 = tpu.memref_squeeze %dma_start3A_347 : memref<1x8x64xf32, #tpu.memory_space<vmem>> -> memref<8x64xf32, #tpu.memory_space<vmem>>
      %dma_start3A_349 = arith.constant 0 : i32
      %dma_start3A_350 = arith.constant 0 : i32
      %dma_start3A_351 = tpu.memref_slice %arg3[%squeeze3A_343, %dma_start3A_349, %dma_start3A_350] : memref<125000x8x64xf32, #tpu.memory_space<hbm>> -> memref<1x8x64xf32, #tpu.memory_space<hbm>>
      %dma_start3A_352 = tpu.memref_squeeze %dma_start3A_351 : memref<1x8x64xf32, #tpu.memory_space<hbm>> -> memref<8x64xf32, #tpu.memory_space<hbm>>
      %dma_start3A_353 = arith.constant 0 : i32
      %dma_start3A_354 = arith.constant 0 : i32
      %dma_start3A_355 = tpu.memref_slice %arg12[%dma_start3A_344, %dma_start3A_353, %dma_start3A_354] : memref<32x8x64xf32, #tpu.memory_space<vmem>> -> memref<1x8x64xf32, #tpu.memory_space<vmem>>
      %dma_start3A_356 = tpu.memref_squeeze %dma_start3A_355 : memref<1x8x64xf32, #tpu.memory_space<vmem>> -> memref<8x64xf32, #tpu.memory_space<vmem>>
      %dma_start3A_357 = arith.constant 0 : i32
      %dma_start3A_358 = arith.constant 0 : i32
      %dma_start3A_359 = tpu.memref_slice %arg3[%squeeze3A_343, %dma_start3A_357, %dma_start3A_358] : memref<125000x8x64xf32, #tpu.memory_space<hbm>> -> memref<1x8x64xf32, #tpu.memory_space<hbm>>
      %dma_start3A_360 = tpu.memref_squeeze %dma_start3A_359 : memref<1x8x64xf32, #tpu.memory_space<hbm>> -> memref<8x64xf32, #tpu.memory_space<hbm>>
      tpu.enqueue_dma source(%dma_start3A_360 : memref<8x64xf32, #tpu.memory_space<hbm>>) target(%dma_start3A_356 : memref<8x64xf32, #tpu.memory_space<vmem>>) target_semaphore(%arg15 : memref<!tpu.dma_semaphore, #tpu.memory_space<semaphore_mem>>)
      %slice3A_361 = vector.extract_strided_slice %get3A_19 {offsets = [9], sizes = [1], strides = [1]} : vector<16xi32> to vector<1xi32>
      %squeeze3A_362 = vector.extract %slice3A_361[0] : i32 from vector<1xi32>
      %dma_start3A_363 = arith.constant 9 : i32
      %dma_start3A_364 = arith.constant 0 : i32
      %dma_start3A_365 = arith.constant 0 : i32
      %dma_start3A_366 = tpu.memref_slice %arg11[%dma_start3A_363, %dma_start3A_364, %dma_start3A_365] : memref<32x8x64xf32, #tpu.memory_space<vmem>> -> memref<1x8x64xf32, #tpu.memory_space<vmem>>
      %dma_start3A_367 = tpu.memref_squeeze %dma_start3A_366 : memref<1x8x64xf32, #tpu.memory_space<vmem>> -> memref<8x64xf32, #tpu.memory_space<vmem>>
      %dma_start3A_368 = arith.constant 0 : i32
      %dma_start3A_369 = arith.constant 0 : i32
      %dma_start3A_370 = tpu.memref_slice %arg2[%squeeze3A_362, %dma_start3A_368, %dma_start3A_369] : memref<125000x8x64xf32, #tpu.memory_space<hbm>> -> memref<1x8x64xf32, #tpu.memory_space<hbm>>
      %dma_start3A_371 = tpu.memref_squeeze %dma_start3A_370 : memref<1x8x64xf32, #tpu.memory_space<hbm>> -> memref<8x64xf32, #tpu.memory_space<hbm>>
      %dma_start3A_372 = arith.constant 0 : i32
      %dma_start3A_373 = arith.constant 0 : i32
      %dma_start3A_374 = tpu.memref_slice %arg11[%dma_start3A_363, %dma_start3A_372, %dma_start3A_373] : memref<32x8x64xf32, #tpu.memory_space<vmem>> -> memref<1x8x64xf32, #tpu.memory_space<vmem>>
      %dma_start3A_375 = tpu.memref_squeeze %dma_start3A_374 : memref<1x8x64xf32, #tpu.memory_space<vmem>> -> memref<8x64xf32, #tpu.memory_space<vmem>>
      %dma_start3A_376 = arith.constant 0 : i32
      %dma_start3A_377 = arith.constant 0 : i32
      %dma_start3A_378 = tpu.memref_slice %arg2[%squeeze3A_362, %dma_start3A_376, %dma_start3A_377] : memref<125000x8x64xf32, #tpu.memory_space<hbm>> -> memref<1x8x64xf32, #tpu.memory_space<hbm>>
      %dma_start3A_379 = tpu.memref_squeeze %dma_start3A_378 : memref<1x8x64xf32, #tpu.memory_space<hbm>> -> memref<8x64xf32, #tpu.memory_space<hbm>>
      tpu.enqueue_dma source(%dma_start3A_379 : memref<8x64xf32, #tpu.memory_space<hbm>>) target(%dma_start3A_375 : memref<8x64xf32, #tpu.memory_space<vmem>>) target_semaphore(%arg16 : memref<!tpu.dma_semaphore, #tpu.memory_space<semaphore_mem>>)
      %slice3A_380 = vector.extract_strided_slice %get3A_21 {offsets = [9], sizes = [1], strides = [1]} : vector<16xi32> to vector<1xi32>
      %squeeze3A_381 = vector.extract %slice3A_380[0] : i32 from vector<1xi32>
      %dma_start3A_382 = arith.constant 9 : i32
      %dma_start3A_383 = arith.constant 0 : i32
      %dma_start3A_384 = arith.constant 0 : i32
      %dma_start3A_385 = tpu.memref_slice %arg12[%dma_start3A_382, %dma_start3A_383, %dma_start3A_384] : memref<32x8x64xf32, #tpu.memory_space<vmem>> -> memref<1x8x64xf32, #tpu.memory_space<vmem>>
      %dma_start3A_386 = tpu.memref_squeeze %dma_start3A_385 : memref<1x8x64xf32, #tpu.memory_space<vmem>> -> memref<8x64xf32, #tpu.memory_space<vmem>>
      %dma_start3A_387 = arith.constant 0 : i32
      %dma_start3A_388 = arith.constant 0 : i32
      %dma_start3A_389 = tpu.memref_slice %arg3[%squeeze3A_381, %dma_start3A_387, %dma_start3A_388] : memref<125000x8x64xf32, #tpu.memory_space<hbm>> -> memref<1x8x64xf32, #tpu.memory_space<hbm>>
      %dma_start3A_390 = tpu.memref_squeeze %dma_start3A_389 : memref<1x8x64xf32, #tpu.memory_space<hbm>> -> memref<8x64xf32, #tpu.memory_space<hbm>>
      %dma_start3A_391 = arith.constant 0 : i32
      %dma_start3A_392 = arith.constant 0 : i32
      %dma_start3A_393 = tpu.memref_slice %arg12[%dma_start3A_382, %dma_start3A_391, %dma_start3A_392] : memref<32x8x64xf32, #tpu.memory_space<vmem>> -> memref<1x8x64xf32, #tpu.memory_space<vmem>>
      %dma_start3A_394 = tpu.memref_squeeze %dma_start3A_393 : memref<1x8x64xf32, #tpu.memory_space<vmem>> -> memref<8x64xf32, #tpu.memory_space<vmem>>
      %dma_start3A_395 = arith.constant 0 : i32
      %dma_start3A_396 = arith.constant 0 : i32
      %dma_start3A_397 = tpu.memref_slice %arg3[%squeeze3A_381, %dma_start3A_395, %dma_start3A_396] : memref<125000x8x64xf32, #tpu.memory_space<hbm>> -> memref<1x8x64xf32, #tpu.memory_space<hbm>>
      %dma_start3A_398 = tpu.memref_squeeze %dma_start3A_397 : memref<1x8x64xf32, #tpu.memory_space<hbm>> -> memref<8x64xf32, #tpu.memory_space<hbm>>
      tpu.enqueue_dma source(%dma_start3A_398 : memref<8x64xf32, #tpu.memory_space<hbm>>) target(%dma_start3A_394 : memref<8x64xf32, #tpu.memory_space<vmem>>) target_semaphore(%arg17 : memref<!tpu.dma_semaphore, #tpu.memory_space<semaphore_mem>>)
      %slice3A_399 = vector.extract_strided_slice %get3A_19 {offsets = [10], sizes = [1], strides = [1]} : vector<16xi32> to vector<1xi32>
      %squeeze3A_400 = vector.extract %slice3A_399[0] : i32 from vector<1xi32>
      %dma_start3A_401 = arith.constant 10 : i32
      %dma_start3A_402 = arith.constant 0 : i32
      %dma_start3A_403 = arith.constant 0 : i32
      %dma_start3A_404 = tpu.memref_slice %arg11[%dma_start3A_401, %dma_start3A_402, %dma_start3A_403] : memref<32x8x64xf32, #tpu.memory_space<vmem>> -> memref<1x8x64xf32, #tpu.memory_space<vmem>>
      %dma_start3A_405 = tpu.memref_squeeze %dma_start3A_404 : memref<1x8x64xf32, #tpu.memory_space<vmem>> -> memref<8x64xf32, #tpu.memory_space<vmem>>
      %dma_start3A_406 = arith.constant 0 : i32
      %dma_start3A_407 = arith.constant 0 : i32
      %dma_start3A_408 = tpu.memref_slice %arg2[%squeeze3A_400, %dma_start3A_406, %dma_start3A_407] : memref<125000x8x64xf32, #tpu.memory_space<hbm>> -> memref<1x8x64xf32, #tpu.memory_space<hbm>>
      %dma_start3A_409 = tpu.memref_squeeze %dma_start3A_408 : memref<1x8x64xf32, #tpu.memory_space<hbm>> -> memref<8x64xf32, #tpu.memory_space<hbm>>
      %dma_start3A_410 = arith.constant 0 : i32
      %dma_start3A_411 = arith.constant 0 : i32
      %dma_start3A_412 = tpu.memref_slice %arg11[%dma_start3A_401, %dma_start3A_410, %dma_start3A_411] : memref<32x8x64xf32, #tpu.memory_space<vmem>> -> memref<1x8x64xf32, #tpu.memory_space<vmem>>
      %dma_start3A_413 = tpu.memref_squeeze %dma_start3A_412 : memref<1x8x64xf32, #tpu.memory_space<vmem>> -> memref<8x64xf32, #tpu.memory_space<vmem>>
      %dma_start3A_414 = arith.constant 0 : i32
      %dma_start3A_415 = arith.constant 0 : i32
      %dma_start3A_416 = tpu.memref_slice %arg2[%squeeze3A_400, %dma_start3A_414, %dma_start3A_415] : memref<125000x8x64xf32, #tpu.memory_space<hbm>> -> memref<1x8x64xf32, #tpu.memory_space<hbm>>
      %dma_start3A_417 = tpu.memref_squeeze %dma_start3A_416 : memref<1x8x64xf32, #tpu.memory_space<hbm>> -> memref<8x64xf32, #tpu.memory_space<hbm>>
      tpu.enqueue_dma source(%dma_start3A_417 : memref<8x64xf32, #tpu.memory_space<hbm>>) target(%dma_start3A_413 : memref<8x64xf32, #tpu.memory_space<vmem>>) target_semaphore(%arg14 : memref<!tpu.dma_semaphore, #tpu.memory_space<semaphore_mem>>)
      %slice3A_418 = vector.extract_strided_slice %get3A_21 {offsets = [10], sizes = [1], strides = [1]} : vector<16xi32> to vector<1xi32>
      %squeeze3A_419 = vector.extract %slice3A_418[0] : i32 from vector<1xi32>
      %dma_start3A_420 = arith.constant 10 : i32
      %dma_start3A_421 = arith.constant 0 : i32
      %dma_start3A_422 = arith.constant 0 : i32
      %dma_start3A_423 = tpu.memref_slice %arg12[%dma_start3A_420, %dma_start3A_421, %dma_start3A_422] : memref<32x8x64xf32, #tpu.memory_space<vmem>> -> memref<1x8x64xf32, #tpu.memory_space<vmem>>
      %dma_start3A_424 = tpu.memref_squeeze %dma_start3A_423 : memref<1x8x64xf32, #tpu.memory_space<vmem>> -> memref<8x64xf32, #tpu.memory_space<vmem>>
      %dma_start3A_425 = arith.constant 0 : i32
      %dma_start3A_426 = arith.constant 0 : i32
      %dma_start3A_427 = tpu.memref_slice %arg3[%squeeze3A_419, %dma_start3A_425, %dma_start3A_426] : memref<125000x8x64xf32, #tpu.memory_space<hbm>> -> memref<1x8x64xf32, #tpu.memory_space<hbm>>
      %dma_start3A_428 = tpu.memref_squeeze %dma_start3A_427 : memref<1x8x64xf32, #tpu.memory_space<hbm>> -> memref<8x64xf32, #tpu.memory_space<hbm>>
      %dma_start3A_429 = arith.constant 0 : i32
      %dma_start3A_430 = arith.constant 0 : i32
      %dma_start3A_431 = tpu.memref_slice %arg12[%dma_start3A_420, %dma_start3A_429, %dma_start3A_430] : memref<32x8x64xf32, #tpu.memory_space<vmem>> -> memref<1x8x64xf32, #tpu.memory_space<vmem>>
      %dma_start3A_432 = tpu.memref_squeeze %dma_start3A_431 : memref<1x8x64xf32, #tpu.memory_space<vmem>> -> memref<8x64xf32, #tpu.memory_space<vmem>>
      %dma_start3A_433 = arith.constant 0 : i32
      %dma_start3A_434 = arith.constant 0 : i32
      %dma_start3A_435 = tpu.memref_slice %arg3[%squeeze3A_419, %dma_start3A_433, %dma_start3A_434] : memref<125000x8x64xf32, #tpu.memory_space<hbm>> -> memref<1x8x64xf32, #tpu.memory_space<hbm>>
      %dma_start3A_436 = tpu.memref_squeeze %dma_start3A_435 : memref<1x8x64xf32, #tpu.memory_space<hbm>> -> memref<8x64xf32, #tpu.memory_space<hbm>>
      tpu.enqueue_dma source(%dma_start3A_436 : memref<8x64xf32, #tpu.memory_space<hbm>>) target(%dma_start3A_432 : memref<8x64xf32, #tpu.memory_space<vmem>>) target_semaphore(%arg15 : memref<!tpu.dma_semaphore, #tpu.memory_space<semaphore_mem>>)
      %slice3A_437 = vector.extract_strided_slice %get3A_19 {offsets = [11], sizes = [1], strides = [1]} : vector<16xi32> to vector<1xi32>
      %squeeze3A_438 = vector.extract %slice3A_437[0] : i32 from vector<1xi32>
      %dma_start3A_439 = arith.constant 11 : i32
      %dma_start3A_440 = arith.constant 0 : i32
      %dma_start3A_441 = arith.constant 0 : i32
      %dma_start3A_442 = tpu.memref_slice %arg11[%dma_start3A_439, %dma_start3A_440, %dma_start3A_441] : memref<32x8x64xf32, #tpu.memory_space<vmem>> -> memref<1x8x64xf32, #tpu.memory_space<vmem>>
      %dma_start3A_443 = tpu.memref_squeeze %dma_start3A_442 : memref<1x8x64xf32, #tpu.memory_space<vmem>> -> memref<8x64xf32, #tpu.memory_space<vmem>>
      %dma_start3A_444 = arith.constant 0 : i32
      %dma_start3A_445 = arith.constant 0 : i32
      %dma_start3A_446 = tpu.memref_slice %arg2[%squeeze3A_438, %dma_start3A_444, %dma_start3A_445] : memref<125000x8x64xf32, #tpu.memory_space<hbm>> -> memref<1x8x64xf32, #tpu.memory_space<hbm>>
      %dma_start3A_447 = tpu.memref_squeeze %dma_start3A_446 : memref<1x8x64xf32, #tpu.memory_space<hbm>> -> memref<8x64xf32, #tpu.memory_space<hbm>>
      %dma_start3A_448 = arith.constant 0 : i32
      %dma_start3A_449 = arith.constant 0 : i32
      %dma_start3A_450 = tpu.memref_slice %arg11[%dma_start3A_439, %dma_start3A_448, %dma_start3A_449] : memref<32x8x64xf32, #tpu.memory_space<vmem>> -> memref<1x8x64xf32, #tpu.memory_space<vmem>>
      %dma_start3A_451 = tpu.memref_squeeze %dma_start3A_450 : memref<1x8x64xf32, #tpu.memory_space<vmem>> -> memref<8x64xf32, #tpu.memory_space<vmem>>
      %dma_start3A_452 = arith.constant 0 : i32
      %dma_start3A_453 = arith.constant 0 : i32
      %dma_start3A_454 = tpu.memref_slice %arg2[%squeeze3A_438, %dma_start3A_452, %dma_start3A_453] : memref<125000x8x64xf32, #tpu.memory_space<hbm>> -> memref<1x8x64xf32, #tpu.memory_space<hbm>>
      %dma_start3A_455 = tpu.memref_squeeze %dma_start3A_454 : memref<1x8x64xf32, #tpu.memory_space<hbm>> -> memref<8x64xf32, #tpu.memory_space<hbm>>
      tpu.enqueue_dma source(%dma_start3A_455 : memref<8x64xf32, #tpu.memory_space<hbm>>) target(%dma_start3A_451 : memref<8x64xf32, #tpu.memory_space<vmem>>) target_semaphore(%arg16 : memref<!tpu.dma_semaphore, #tpu.memory_space<semaphore_mem>>)
      %slice3A_456 = vector.extract_strided_slice %get3A_21 {offsets = [11], sizes = [1], strides = [1]} : vector<16xi32> to vector<1xi32>
      %squeeze3A_457 = vector.extract %slice3A_456[0] : i32 from vector<1xi32>
      %dma_start3A_458 = arith.constant 11 : i32
      %dma_start3A_459 = arith.constant 0 : i32
      %dma_start3A_460 = arith.constant 0 : i32
      %dma_start3A_461 = tpu.memref_slice %arg12[%dma_start3A_458, %dma_start3A_459, %dma_start3A_460] : memref<32x8x64xf32, #tpu.memory_space<vmem>> -> memref<1x8x64xf32, #tpu.memory_space<vmem>>
      %dma_start3A_462 = tpu.memref_squeeze %dma_start3A_461 : memref<1x8x64xf32, #tpu.memory_space<vmem>> -> memref<8x64xf32, #tpu.memory_space<vmem>>
      %dma_start3A_463 = arith.constant 0 : i32
      %dma_start3A_464 = arith.constant 0 : i32
      %dma_start3A_465 = tpu.memref_slice %arg3[%squeeze3A_457, %dma_start3A_463, %dma_start3A_464] : memref<125000x8x64xf32, #tpu.memory_space<hbm>> -> memref<1x8x64xf32, #tpu.memory_space<hbm>>
      %dma_start3A_466 = tpu.memref_squeeze %dma_start3A_465 : memref<1x8x64xf32, #tpu.memory_space<hbm>> -> memref<8x64xf32, #tpu.memory_space<hbm>>
      %dma_start3A_467 = arith.constant 0 : i32
      %dma_start3A_468 = arith.constant 0 : i32
      %dma_start3A_469 = tpu.memref_slice %arg12[%dma_start3A_458, %dma_start3A_467, %dma_start3A_468] : memref<32x8x64xf32, #tpu.memory_space<vmem>> -> memref<1x8x64xf32, #tpu.memory_space<vmem>>
      %dma_start3A_470 = tpu.memref_squeeze %dma_start3A_469 : memref<1x8x64xf32, #tpu.memory_space<vmem>> -> memref<8x64xf32, #tpu.memory_space<vmem>>
      %dma_start3A_471 = arith.constant 0 : i32
      %dma_start3A_472 = arith.constant 0 : i32
      %dma_start3A_473 = tpu.memref_slice %arg3[%squeeze3A_457, %dma_start3A_471, %dma_start3A_472] : memref<125000x8x64xf32, #tpu.memory_space<hbm>> -> memref<1x8x64xf32, #tpu.memory_space<hbm>>
      %dma_start3A_474 = tpu.memref_squeeze %dma_start3A_473 : memref<1x8x64xf32, #tpu.memory_space<hbm>> -> memref<8x64xf32, #tpu.memory_space<hbm>>
      tpu.enqueue_dma source(%dma_start3A_474 : memref<8x64xf32, #tpu.memory_space<hbm>>) target(%dma_start3A_470 : memref<8x64xf32, #tpu.memory_space<vmem>>) target_semaphore(%arg17 : memref<!tpu.dma_semaphore, #tpu.memory_space<semaphore_mem>>)
      %slice3A_475 = vector.extract_strided_slice %get3A_19 {offsets = [12], sizes = [1], strides = [1]} : vector<16xi32> to vector<1xi32>
      %squeeze3A_476 = vector.extract %slice3A_475[0] : i32 from vector<1xi32>
      %dma_start3A_477 = arith.constant 12 : i32
      %dma_start3A_478 = arith.constant 0 : i32
      %dma_start3A_479 = arith.constant 0 : i32
      %dma_start3A_480 = tpu.memref_slice %arg11[%dma_start3A_477, %dma_start3A_478, %dma_start3A_479] : memref<32x8x64xf32, #tpu.memory_space<vmem>> -> memref<1x8x64xf32, #tpu.memory_space<vmem>>
      %dma_start3A_481 = tpu.memref_squeeze %dma_start3A_480 : memref<1x8x64xf32, #tpu.memory_space<vmem>> -> memref<8x64xf32, #tpu.memory_space<vmem>>
      %dma_start3A_482 = arith.constant 0 : i32
      %dma_start3A_483 = arith.constant 0 : i32
      %dma_start3A_484 = tpu.memref_slice %arg2[%squeeze3A_476, %dma_start3A_482, %dma_start3A_483] : memref<125000x8x64xf32, #tpu.memory_space<hbm>> -> memref<1x8x64xf32, #tpu.memory_space<hbm>>
      %dma_start3A_485 = tpu.memref_squeeze %dma_start3A_484 : memref<1x8x64xf32, #tpu.memory_space<hbm>> -> memref<8x64xf32, #tpu.memory_space<hbm>>
      %dma_start3A_486 = arith.constant 0 : i32
      %dma_start3A_487 = arith.constant 0 : i32
      %dma_start3A_488 = tpu.memref_slice %arg11[%dma_start3A_477, %dma_start3A_486, %dma_start3A_487] : memref<32x8x64xf32, #tpu.memory_space<vmem>> -> memref<1x8x64xf32, #tpu.memory_space<vmem>>
      %dma_start3A_489 = tpu.memref_squeeze %dma_start3A_488 : memref<1x8x64xf32, #tpu.memory_space<vmem>> -> memref<8x64xf32, #tpu.memory_space<vmem>>
      %dma_start3A_490 = arith.constant 0 : i32
      %dma_start3A_491 = arith.constant 0 : i32
      %dma_start3A_492 = tpu.memref_slice %arg2[%squeeze3A_476, %dma_start3A_490, %dma_start3A_491] : memref<125000x8x64xf32, #tpu.memory_space<hbm>> -> memref<1x8x64xf32, #tpu.memory_space<hbm>>
      %dma_start3A_493 = tpu.memref_squeeze %dma_start3A_492 : memref<1x8x64xf32, #tpu.memory_space<hbm>> -> memref<8x64xf32, #tpu.memory_space<hbm>>
      tpu.enqueue_dma source(%dma_start3A_493 : memref<8x64xf32, #tpu.memory_space<hbm>>) target(%dma_start3A_489 : memref<8x64xf32, #tpu.memory_space<vmem>>) target_semaphore(%arg14 : memref<!tpu.dma_semaphore, #tpu.memory_space<semaphore_mem>>)
      %slice3A_494 = vector.extract_strided_slice %get3A_21 {offsets = [12], sizes = [1], strides = [1]} : vector<16xi32> to vector<1xi32>
      %squeeze3A_495 = vector.extract %slice3A_494[0] : i32 from vector<1xi32>
      %dma_start3A_496 = arith.constant 12 : i32
      %dma_start3A_497 = arith.constant 0 : i32
      %dma_start3A_498 = arith.constant 0 : i32
      %dma_start3A_499 = tpu.memref_slice %arg12[%dma_start3A_496, %dma_start3A_497, %dma_start3A_498] : memref<32x8x64xf32, #tpu.memory_space<vmem>> -> memref<1x8x64xf32, #tpu.memory_space<vmem>>
      %dma_start3A_500 = tpu.memref_squeeze %dma_start3A_499 : memref<1x8x64xf32, #tpu.memory_space<vmem>> -> memref<8x64xf32, #tpu.memory_space<vmem>>
      %dma_start3A_501 = arith.constant 0 : i32
      %dma_start3A_502 = arith.constant 0 : i32
      %dma_start3A_503 = tpu.memref_slice %arg3[%squeeze3A_495, %dma_start3A_501, %dma_start3A_502] : memref<125000x8x64xf32, #tpu.memory_space<hbm>> -> memref<1x8x64xf32, #tpu.memory_space<hbm>>
      %dma_start3A_504 = tpu.memref_squeeze %dma_start3A_503 : memref<1x8x64xf32, #tpu.memory_space<hbm>> -> memref<8x64xf32, #tpu.memory_space<hbm>>
      %dma_start3A_505 = arith.constant 0 : i32
      %dma_start3A_506 = arith.constant 0 : i32
      %dma_start3A_507 = tpu.memref_slice %arg12[%dma_start3A_496, %dma_start3A_505, %dma_start3A_506] : memref<32x8x64xf32, #tpu.memory_space<vmem>> -> memref<1x8x64xf32, #tpu.memory_space<vmem>>
      %dma_start3A_508 = tpu.memref_squeeze %dma_start3A_507 : memref<1x8x64xf32, #tpu.memory_space<vmem>> -> memref<8x64xf32, #tpu.memory_space<vmem>>
      %dma_start3A_509 = arith.constant 0 : i32
      %dma_start3A_510 = arith.constant 0 : i32
      %dma_start3A_511 = tpu.memref_slice %arg3[%squeeze3A_495, %dma_start3A_509, %dma_start3A_510] : memref<125000x8x64xf32, #tpu.memory_space<hbm>> -> memref<1x8x64xf32, #tpu.memory_space<hbm>>
      %dma_start3A_512 = tpu.memref_squeeze %dma_start3A_511 : memref<1x8x64xf32, #tpu.memory_space<hbm>> -> memref<8x64xf32, #tpu.memory_space<hbm>>
      tpu.enqueue_dma source(%dma_start3A_512 : memref<8x64xf32, #tpu.memory_space<hbm>>) target(%dma_start3A_508 : memref<8x64xf32, #tpu.memory_space<vmem>>) target_semaphore(%arg15 : memref<!tpu.dma_semaphore, #tpu.memory_space<semaphore_mem>>)
      %slice3A_513 = vector.extract_strided_slice %get3A_19 {offsets = [13], sizes = [1], strides = [1]} : vector<16xi32> to vector<1xi32>
      %squeeze3A_514 = vector.extract %slice3A_513[0] : i32 from vector<1xi32>
      %dma_start3A_515 = arith.constant 13 : i32
      %dma_start3A_516 = arith.constant 0 : i32
      %dma_start3A_517 = arith.constant 0 : i32
      %dma_start3A_518 = tpu.memref_slice %arg11[%dma_start3A_515, %dma_start3A_516, %dma_start3A_517] : memref<32x8x64xf32, #tpu.memory_space<vmem>> -> memref<1x8x64xf32, #tpu.memory_space<vmem>>
      %dma_start3A_519 = tpu.memref_squeeze %dma_start3A_518 : memref<1x8x64xf32, #tpu.memory_space<vmem>> -> memref<8x64xf32, #tpu.memory_space<vmem>>
      %dma_start3A_520 = arith.constant 0 : i32
      %dma_start3A_521 = arith.constant 0 : i32
      %dma_start3A_522 = tpu.memref_slice %arg2[%squeeze3A_514, %dma_start3A_520, %dma_start3A_521] : memref<125000x8x64xf32, #tpu.memory_space<hbm>> -> memref<1x8x64xf32, #tpu.memory_space<hbm>>
      %dma_start3A_523 = tpu.memref_squeeze %dma_start3A_522 : memref<1x8x64xf32, #tpu.memory_space<hbm>> -> memref<8x64xf32, #tpu.memory_space<hbm>>
      %dma_start3A_524 = arith.constant 0 : i32
      %dma_start3A_525 = arith.constant 0 : i32
      %dma_start3A_526 = tpu.memref_slice %arg11[%dma_start3A_515, %dma_start3A_524, %dma_start3A_525] : memref<32x8x64xf32, #tpu.memory_space<vmem>> -> memref<1x8x64xf32, #tpu.memory_space<vmem>>
      %dma_start3A_527 = tpu.memref_squeeze %dma_start3A_526 : memref<1x8x64xf32, #tpu.memory_space<vmem>> -> memref<8x64xf32, #tpu.memory_space<vmem>>
      %dma_start3A_528 = arith.constant 0 : i32
      %dma_start3A_529 = arith.constant 0 : i32
      %dma_start3A_530 = tpu.memref_slice %arg2[%squeeze3A_514, %dma_start3A_528, %dma_start3A_529] : memref<125000x8x64xf32, #tpu.memory_space<hbm>> -> memref<1x8x64xf32, #tpu.memory_space<hbm>>
      %dma_start3A_531 = tpu.memref_squeeze %dma_start3A_530 : memref<1x8x64xf32, #tpu.memory_space<hbm>> -> memref<8x64xf32, #tpu.memory_space<hbm>>
      tpu.enqueue_dma source(%dma_start3A_531 : memref<8x64xf32, #tpu.memory_space<hbm>>) target(%dma_start3A_527 : memref<8x64xf32, #tpu.memory_space<vmem>>) target_semaphore(%arg16 : memref<!tpu.dma_semaphore, #tpu.memory_space<semaphore_mem>>)
      %slice3A_532 = vector.extract_strided_slice %get3A_21 {offsets = [13], sizes = [1], strides = [1]} : vector<16xi32> to vector<1xi32>
      %squeeze3A_533 = vector.extract %slice3A_532[0] : i32 from vector<1xi32>
      %dma_start3A_534 = arith.constant 13 : i32
      %dma_start3A_535 = arith.constant 0 : i32
      %dma_start3A_536 = arith.constant 0 : i32
      %dma_start3A_537 = tpu.memref_slice %arg12[%dma_start3A_534, %dma_start3A_535, %dma_start3A_536] : memref<32x8x64xf32, #tpu.memory_space<vmem>> -> memref<1x8x64xf32, #tpu.memory_space<vmem>>
      %dma_start3A_538 = tpu.memref_squeeze %dma_start3A_537 : memref<1x8x64xf32, #tpu.memory_space<vmem>> -> memref<8x64xf32, #tpu.memory_space<vmem>>
      %dma_start3A_539 = arith.constant 0 : i32
      %dma_start3A_540 = arith.constant 0 : i32
      %dma_start3A_541 = tpu.memref_slice %arg3[%squeeze3A_533, %dma_start3A_539, %dma_start3A_540] : memref<125000x8x64xf32, #tpu.memory_space<hbm>> -> memref<1x8x64xf32, #tpu.memory_space<hbm>>
      %dma_start3A_542 = tpu.memref_squeeze %dma_start3A_541 : memref<1x8x64xf32, #tpu.memory_space<hbm>> -> memref<8x64xf32, #tpu.memory_space<hbm>>
      %dma_start3A_543 = arith.constant 0 : i32
      %dma_start3A_544 = arith.constant 0 : i32
      %dma_start3A_545 = tpu.memref_slice %arg12[%dma_start3A_534, %dma_start3A_543, %dma_start3A_544] : memref<32x8x64xf32, #tpu.memory_space<vmem>> -> memref<1x8x64xf32, #tpu.memory_space<vmem>>
      %dma_start3A_546 = tpu.memref_squeeze %dma_start3A_545 : memref<1x8x64xf32, #tpu.memory_space<vmem>> -> memref<8x64xf32, #tpu.memory_space<vmem>>
      %dma_start3A_547 = arith.constant 0 : i32
      %dma_start3A_548 = arith.constant 0 : i32
      %dma_start3A_549 = tpu.memref_slice %arg3[%squeeze3A_533, %dma_start3A_547, %dma_start3A_548] : memref<125000x8x64xf32, #tpu.memory_space<hbm>> -> memref<1x8x64xf32, #tpu.memory_space<hbm>>
      %dma_start3A_550 = tpu.memref_squeeze %dma_start3A_549 : memref<1x8x64xf32, #tpu.memory_space<hbm>> -> memref<8x64xf32, #tpu.memory_space<hbm>>
      tpu.enqueue_dma source(%dma_start3A_550 : memref<8x64xf32, #tpu.memory_space<hbm>>) target(%dma_start3A_546 : memref<8x64xf32, #tpu.memory_space<vmem>>) target_semaphore(%arg17 : memref<!tpu.dma_semaphore, #tpu.memory_space<semaphore_mem>>)
      %slice3A_551 = vector.extract_strided_slice %get3A_19 {offsets = [14], sizes = [1], strides = [1]} : vector<16xi32> to vector<1xi32>
      %squeeze3A_552 = vector.extract %slice3A_551[0] : i32 from vector<1xi32>
      %dma_start3A_553 = arith.constant 14 : i32
      %dma_start3A_554 = arith.constant 0 : i32
      %dma_start3A_555 = arith.constant 0 : i32
      %dma_start3A_556 = tpu.memref_slice %arg11[%dma_start3A_553, %dma_start3A_554, %dma_start3A_555] : memref<32x8x64xf32, #tpu.memory_space<vmem>> -> memref<1x8x64xf32, #tpu.memory_space<vmem>>
      %dma_start3A_557 = tpu.memref_squeeze %dma_start3A_556 : memref<1x8x64xf32, #tpu.memory_space<vmem>> -> memref<8x64xf32, #tpu.memory_space<vmem>>
      %dma_start3A_558 = arith.constant 0 : i32
      %dma_start3A_559 = arith.constant 0 : i32
      %dma_start3A_560 = tpu.memref_slice %arg2[%squeeze3A_552, %dma_start3A_558, %dma_start3A_559] : memref<125000x8x64xf32, #tpu.memory_space<hbm>> -> memref<1x8x64xf32, #tpu.memory_space<hbm>>
      %dma_start3A_561 = tpu.memref_squeeze %dma_start3A_560 : memref<1x8x64xf32, #tpu.memory_space<hbm>> -> memref<8x64xf32, #tpu.memory_space<hbm>>
      %dma_start3A_562 = arith.constant 0 : i32
      %dma_start3A_563 = arith.constant 0 : i32
      %dma_start3A_564 = tpu.memref_slice %arg11[%dma_start3A_553, %dma_start3A_562, %dma_start3A_563] : memref<32x8x64xf32, #tpu.memory_space<vmem>> -> memref<1x8x64xf32, #tpu.memory_space<vmem>>
      %dma_start3A_565 = tpu.memref_squeeze %dma_start3A_564 : memref<1x8x64xf32, #tpu.memory_space<vmem>> -> memref<8x64xf32, #tpu.memory_space<vmem>>
      %dma_start3A_566 = arith.constant 0 : i32
      %dma_start3A_567 = arith.constant 0 : i32
      %dma_start3A_568 = tpu.memref_slice %arg2[%squeeze3A_552, %dma_start3A_566, %dma_start3A_567] : memref<125000x8x64xf32, #tpu.memory_space<hbm>> -> memref<1x8x64xf32, #tpu.memory_space<hbm>>
      %dma_start3A_569 = tpu.memref_squeeze %dma_start3A_568 : memref<1x8x64xf32, #tpu.memory_space<hbm>> -> memref<8x64xf32, #tpu.memory_space<hbm>>
      tpu.enqueue_dma source(%dma_start3A_569 : memref<8x64xf32, #tpu.memory_space<hbm>>) target(%dma_start3A_565 : memref<8x64xf32, #tpu.memory_space<vmem>>) target_semaphore(%arg14 : memref<!tpu.dma_semaphore, #tpu.memory_space<semaphore_mem>>)
      %slice3A_570 = vector.extract_strided_slice %get3A_21 {offsets = [14], sizes = [1], strides = [1]} : vector<16xi32> to vector<1xi32>
      %squeeze3A_571 = vector.extract %slice3A_570[0] : i32 from vector<1xi32>
      %dma_start3A_572 = arith.constant 14 : i32
      %dma_start3A_573 = arith.constant 0 : i32
      %dma_start3A_574 = arith.constant 0 : i32
      %dma_start3A_575 = tpu.memref_slice %arg12[%dma_start3A_572, %dma_start3A_573, %dma_start3A_574] : memref<32x8x64xf32, #tpu.memory_space<vmem>> -> memref<1x8x64xf32, #tpu.memory_space<vmem>>
      %dma_start3A_576 = tpu.memref_squeeze %dma_start3A_575 : memref<1x8x64xf32, #tpu.memory_space<vmem>> -> memref<8x64xf32, #tpu.memory_space<vmem>>
      %dma_start3A_577 = arith.constant 0 : i32
      %dma_start3A_578 = arith.constant 0 : i32
      %dma_start3A_579 = tpu.memref_slice %arg3[%squeeze3A_571, %dma_start3A_577, %dma_start3A_578] : memref<125000x8x64xf32, #tpu.memory_space<hbm>> -> memref<1x8x64xf32, #tpu.memory_space<hbm>>
      %dma_start3A_580 = tpu.memref_squeeze %dma_start3A_579 : memref<1x8x64xf32, #tpu.memory_space<hbm>> -> memref<8x64xf32, #tpu.memory_space<hbm>>
      %dma_start3A_581 = arith.constant 0 : i32
      %dma_start3A_582 = arith.constant 0 : i32
      %dma_start3A_583 = tpu.memref_slice %arg12[%dma_start3A_572, %dma_start3A_581, %dma_start3A_582] : memref<32x8x64xf32, #tpu.memory_space<vmem>> -> memref<1x8x64xf32, #tpu.memory_space<vmem>>
      %dma_start3A_584 = tpu.memref_squeeze %dma_start3A_583 : memref<1x8x64xf32, #tpu.memory_space<vmem>> -> memref<8x64xf32, #tpu.memory_space<vmem>>
      %dma_start3A_585 = arith.constant 0 : i32
      %dma_start3A_586 = arith.constant 0 : i32
      %dma_start3A_587 = tpu.memref_slice %arg3[%squeeze3A_571, %dma_start3A_585, %dma_start3A_586] : memref<125000x8x64xf32, #tpu.memory_space<hbm>> -> memref<1x8x64xf32, #tpu.memory_space<hbm>>
      %dma_start3A_588 = tpu.memref_squeeze %dma_start3A_587 : memref<1x8x64xf32, #tpu.memory_space<hbm>> -> memref<8x64xf32, #tpu.memory_space<hbm>>
      tpu.enqueue_dma source(%dma_start3A_588 : memref<8x64xf32, #tpu.memory_space<hbm>>) target(%dma_start3A_584 : memref<8x64xf32, #tpu.memory_space<vmem>>) target_semaphore(%arg15 : memref<!tpu.dma_semaphore, #tpu.memory_space<semaphore_mem>>)
      %slice3A_589 = vector.extract_strided_slice %get3A_19 {offsets = [15], sizes = [1], strides = [1]} : vector<16xi32> to vector<1xi32>
      %squeeze3A_590 = vector.extract %slice3A_589[0] : i32 from vector<1xi32>
      %dma_start3A_591 = arith.constant 15 : i32
      %dma_start3A_592 = arith.constant 0 : i32
      %dma_start3A_593 = arith.constant 0 : i32
      %dma_start3A_594 = tpu.memref_slice %arg11[%dma_start3A_591, %dma_start3A_592, %dma_start3A_593] : memref<32x8x64xf32, #tpu.memory_space<vmem>> -> memref<1x8x64xf32, #tpu.memory_space<vmem>>
      %dma_start3A_595 = tpu.memref_squeeze %dma_start3A_594 : memref<1x8x64xf32, #tpu.memory_space<vmem>> -> memref<8x64xf32, #tpu.memory_space<vmem>>
      %dma_start3A_596 = arith.constant 0 : i32
      %dma_start3A_597 = arith.constant 0 : i32
      %dma_start3A_598 = tpu.memref_slice %arg2[%squeeze3A_590, %dma_start3A_596, %dma_start3A_597] : memref<125000x8x64xf32, #tpu.memory_space<hbm>> -> memref<1x8x64xf32, #tpu.memory_space<hbm>>
      %dma_start3A_599 = tpu.memref_squeeze %dma_start3A_598 : memref<1x8x64xf32, #tpu.memory_space<hbm>> -> memref<8x64xf32, #tpu.memory_space<hbm>>
      %dma_start3A_600 = arith.constant 0 : i32
      %dma_start3A_601 = arith.constant 0 : i32
      %dma_start3A_602 = tpu.memref_slice %arg11[%dma_start3A_591, %dma_start3A_600, %dma_start3A_601] : memref<32x8x64xf32, #tpu.memory_space<vmem>> -> memref<1x8x64xf32, #tpu.memory_space<vmem>>
      %dma_start3A_603 = tpu.memref_squeeze %dma_start3A_602 : memref<1x8x64xf32, #tpu.memory_space<vmem>> -> memref<8x64xf32, #tpu.memory_space<vmem>>
      %dma_start3A_604 = arith.constant 0 : i32
      %dma_start3A_605 = arith.constant 0 : i32
      %dma_start3A_606 = tpu.memref_slice %arg2[%squeeze3A_590, %dma_start3A_604, %dma_start3A_605] : memref<125000x8x64xf32, #tpu.memory_space<hbm>> -> memref<1x8x64xf32, #tpu.memory_space<hbm>>
      %dma_start3A_607 = tpu.memref_squeeze %dma_start3A_606 : memref<1x8x64xf32, #tpu.memory_space<hbm>> -> memref<8x64xf32, #tpu.memory_space<hbm>>
      tpu.enqueue_dma source(%dma_start3A_607 : memref<8x64xf32, #tpu.memory_space<hbm>>) target(%dma_start3A_603 : memref<8x64xf32, #tpu.memory_space<vmem>>) target_semaphore(%arg16 : memref<!tpu.dma_semaphore, #tpu.memory_space<semaphore_mem>>)
      %slice3A_608 = vector.extract_strided_slice %get3A_21 {offsets = [15], sizes = [1], strides = [1]} : vector<16xi32> to vector<1xi32>
      %squeeze3A_609 = vector.extract %slice3A_608[0] : i32 from vector<1xi32>
      %dma_start3A_610 = arith.constant 15 : i32
      %dma_start3A_611 = arith.constant 0 : i32
      %dma_start3A_612 = arith.constant 0 : i32
      %dma_start3A_613 = tpu.memref_slice %arg12[%dma_start3A_610, %dma_start3A_611, %dma_start3A_612] : memref<32x8x64xf32, #tpu.memory_space<vmem>> -> memref<1x8x64xf32, #tpu.memory_space<vmem>>
      %dma_start3A_614 = tpu.memref_squeeze %dma_start3A_613 : memref<1x8x64xf32, #tpu.memory_space<vmem>> -> memref<8x64xf32, #tpu.memory_space<vmem>>
      %dma_start3A_615 = arith.constant 0 : i32
      %dma_start3A_616 = arith.constant 0 : i32
      %dma_start3A_617 = tpu.memref_slice %arg3[%squeeze3A_609, %dma_start3A_615, %dma_start3A_616] : memref<125000x8x64xf32, #tpu.memory_space<hbm>> -> memref<1x8x64xf32, #tpu.memory_space<hbm>>
      %dma_start3A_618 = tpu.memref_squeeze %dma_start3A_617 : memref<1x8x64xf32, #tpu.memory_space<hbm>> -> memref<8x64xf32, #tpu.memory_space<hbm>>
      %dma_start3A_619 = arith.constant 0 : i32
      %dma_start3A_620 = arith.constant 0 : i32
      %dma_start3A_621 = tpu.memref_slice %arg12[%dma_start3A_610, %dma_start3A_619, %dma_start3A_620] : memref<32x8x64xf32, #tpu.memory_space<vmem>> -> memref<1x8x64xf32, #tpu.memory_space<vmem>>
      %dma_start3A_622 = tpu.memref_squeeze %dma_start3A_621 : memref<1x8x64xf32, #tpu.memory_space<vmem>> -> memref<8x64xf32, #tpu.memory_space<vmem>>
      %dma_start3A_623 = arith.constant 0 : i32
      %dma_start3A_624 = arith.constant 0 : i32
      %dma_start3A_625 = tpu.memref_slice %arg3[%squeeze3A_609, %dma_start3A_623, %dma_start3A_624] : memref<125000x8x64xf32, #tpu.memory_space<hbm>> -> memref<1x8x64xf32, #tpu.memory_space<hbm>>
      %dma_start3A_626 = tpu.memref_squeeze %dma_start3A_625 : memref<1x8x64xf32, #tpu.memory_space<hbm>> -> memref<8x64xf32, #tpu.memory_space<hbm>>
      tpu.enqueue_dma source(%dma_start3A_626 : memref<8x64xf32, #tpu.memory_space<hbm>>) target(%dma_start3A_622 : memref<8x64xf32, #tpu.memory_space<vmem>>) target_semaphore(%arg17 : memref<!tpu.dma_semaphore, #tpu.memory_space<semaphore_mem>>)
      %mul3A_627 = arith.constant 32 : i32
      %mul3A_628 = arith.muli %scan3A_14, %mul3A_627 : i32
      %add3A_629 = arith.constant 16 : i32
      %add3A_630 = arith.addi %mul3A_628, %add3A_629 : i32
      %get3A_631 = arith.index_cast %add3A_630 : i32 to index
      %get3A_632 = tpu.vector_load %arg9[%get3A_631] {strides = array<i32>} : memref<512xi32, #tpu.memory_space<vmem>>, vector<16xi32>,
      %get3A_633 = arith.index_cast %add3A_630 : i32 to index
      %get3A_634 = tpu.vector_load %arg10[%get3A_633] {strides = array<i32>} : memref<512xi32, #tpu.memory_space<vmem>>, vector<16xi32>,
      %slice3A_635 = vector.extract_strided_slice %get3A_632 {offsets = [0], sizes = [1], strides = [1]} : vector<16xi32> to vector<1xi32>
      %squeeze3A_636 = vector.extract %slice3A_635[0] : i32 from vector<1xi32>
      %dma_start3A_637 = arith.constant 16 : i32
      %dma_start3A_638 = arith.constant 0 : i32
      %dma_start3A_639 = arith.constant 0 : i32
      %dma_start3A_640 = tpu.memref_slice %arg11[%dma_start3A_637, %dma_start3A_638, %dma_start3A_639] : memref<32x8x64xf32, #tpu.memory_space<vmem>> -> memref<1x8x64xf32, #tpu.memory_space<vmem>>
      %dma_start3A_641 = tpu.memref_squeeze %dma_start3A_640 : memref<1x8x64xf32, #tpu.memory_space<vmem>> -> memref<8x64xf32, #tpu.memory_space<vmem>>
      %dma_start3A_642 = arith.constant 0 : i32
      %dma_start3A_643 = arith.constant 0 : i32
      %dma_start3A_644 = tpu.memref_slice %arg2[%squeeze3A_636, %dma_start3A_642, %dma_start3A_643] : memref<125000x8x64xf32, #tpu.memory_space<hbm>> -> memref<1x8x64xf32, #tpu.memory_space<hbm>>
      %dma_start3A_645 = tpu.memref_squeeze %dma_start3A_644 : memref<1x8x64xf32, #tpu.memory_space<hbm>> -> memref<8x64xf32, #tpu.memory_space<hbm>>
      %dma_start3A_646 = arith.constant 0 : i32
      %dma_start3A_647 = arith.constant 0 : i32
      %dma_start3A_648 = tpu.memref_slice %arg11[%dma_start3A_637, %dma_start3A_646, %dma_start3A_647] : memref<32x8x64xf32, #tpu.memory_space<vmem>> -> memref<1x8x64xf32, #tpu.memory_space<vmem>>
      %dma_start3A_649 = tpu.memref_squeeze %dma_start3A_648 : memref<1x8x64xf32, #tpu.memory_space<vmem>> -> memref<8x64xf32, #tpu.memory_space<vmem>>
      %dma_start3A_650 = arith.constant 0 : i32
      %dma_start3A_651 = arith.constant 0 : i32
      %dma_start3A_652 = tpu.memref_slice %arg2[%squeeze3A_636, %dma_start3A_650, %dma_start3A_651] : memref<125000x8x64xf32, #tpu.memory_space<hbm>> -> memref<1x8x64xf32, #tpu.memory_space<hbm>>
      %dma_start3A_653 = tpu.memref_squeeze %dma_start3A_652 : memref<1x8x64xf32, #tpu.memory_space<hbm>> -> memref<8x64xf32, #tpu.memory_space<hbm>>
      tpu.enqueue_dma source(%dma_start3A_653 : memref<8x64xf32, #tpu.memory_space<hbm>>) target(%dma_start3A_649 : memref<8x64xf32, #tpu.memory_space<vmem>>) target_semaphore(%arg14 : memref<!tpu.dma_semaphore, #tpu.memory_space<semaphore_mem>>)
      %slice3A_654 = vector.extract_strided_slice %get3A_634 {offsets = [0], sizes = [1], strides = [1]} : vector<16xi32> to vector<1xi32>
      %squeeze3A_655 = vector.extract %slice3A_654[0] : i32 from vector<1xi32>
      %dma_start3A_656 = arith.constant 16 : i32
      %dma_start3A_657 = arith.constant 0 : i32
      %dma_start3A_658 = arith.constant 0 : i32
      %dma_start3A_659 = tpu.memref_slice %arg12[%dma_start3A_656, %dma_start3A_657, %dma_start3A_658] : memref<32x8x64xf32, #tpu.memory_space<vmem>> -> memref<1x8x64xf32, #tpu.memory_space<vmem>>
      %dma_start3A_660 = tpu.memref_squeeze %dma_start3A_659 : memref<1x8x64xf32, #tpu.memory_space<vmem>> -> memref<8x64xf32, #tpu.memory_space<vmem>>
      %dma_start3A_661 = arith.constant 0 : i32
      %dma_start3A_662 = arith.constant 0 : i32
      %dma_start3A_663 = tpu.memref_slice %arg3[%squeeze3A_655, %dma_start3A_661, %dma_start3A_662] : memref<125000x8x64xf32, #tpu.memory_space<hbm>> -> memref<1x8x64xf32, #tpu.memory_space<hbm>>
      %dma_start3A_664 = tpu.memref_squeeze %dma_start3A_663 : memref<1x8x64xf32, #tpu.memory_space<hbm>> -> memref<8x64xf32, #tpu.memory_space<hbm>>
      %dma_start3A_665 = arith.constant 0 : i32
      %dma_start3A_666 = arith.constant 0 : i32
      %dma_start3A_667 = tpu.memref_slice %arg12[%dma_start3A_656, %dma_start3A_665, %dma_start3A_666] : memref<32x8x64xf32, #tpu.memory_space<vmem>> -> memref<1x8x64xf32, #tpu.memory_space<vmem>>
      %dma_start3A_668 = tpu.memref_squeeze %dma_start3A_667 : memref<1x8x64xf32, #tpu.memory_space<vmem>> -> memref<8x64xf32, #tpu.memory_space<vmem>>
      %dma_start3A_669 = arith.constant 0 : i32
      %dma_start3A_670 = arith.constant 0 : i32
      %dma_start3A_671 = tpu.memref_slice %arg3[%squeeze3A_655, %dma_start3A_669, %dma_start3A_670] : memref<125000x8x64xf32, #tpu.memory_space<hbm>> -> memref<1x8x64xf32, #tpu.memory_space<hbm>>
      %dma_start3A_672 = tpu.memref_squeeze %dma_start3A_671 : memref<1x8x64xf32, #tpu.memory_space<hbm>> -> memref<8x64xf32, #tpu.memory_space<hbm>>
      tpu.enqueue_dma source(%dma_start3A_672 : memref<8x64xf32, #tpu.memory_space<hbm>>) target(%dma_start3A_668 : memref<8x64xf32, #tpu.memory_space<vmem>>) target_semaphore(%arg15 : memref<!tpu.dma_semaphore, #tpu.memory_space<semaphore_mem>>)
      %slice3A_673 = vector.extract_strided_slice %get3A_632 {offsets = [1], sizes = [1], strides = [1]} : vector<16xi32> to vector<1xi32>
      %squeeze3A_674 = vector.extract %slice3A_673[0] : i32 from vector<1xi32>
      %dma_start3A_675 = arith.constant 17 : i32
      %dma_start3A_676 = arith.constant 0 : i32
      %dma_start3A_677 = arith.constant 0 : i32
      %dma_start3A_678 = tpu.memref_slice %arg11[%dma_start3A_675, %dma_start3A_676, %dma_start3A_677] : memref<32x8x64xf32, #tpu.memory_space<vmem>> -> memref<1x8x64xf32, #tpu.memory_space<vmem>>
      %dma_start3A_679 = tpu.memref_squeeze %dma_start3A_678 : memref<1x8x64xf32, #tpu.memory_space<vmem>> -> memref<8x64xf32, #tpu.memory_space<vmem>>
      %dma_start3A_680 = arith.constant 0 : i32
      %dma_start3A_681 = arith.constant 0 : i32
      %dma_start3A_682 = tpu.memref_slice %arg2[%squeeze3A_674, %dma_start3A_680, %dma_start3A_681] : memref<125000x8x64xf32, #tpu.memory_space<hbm>> -> memref<1x8x64xf32, #tpu.memory_space<hbm>>
      %dma_start3A_683 = tpu.memref_squeeze %dma_start3A_682 : memref<1x8x64xf32, #tpu.memory_space<hbm>> -> memref<8x64xf32, #tpu.memory_space<hbm>>
      %dma_start3A_684 = arith.constant 0 : i32
      %dma_start3A_685 = arith.constant 0 : i32
      %dma_start3A_686 = tpu.memref_slice %arg11[%dma_start3A_675, %dma_start3A_684, %dma_start3A_685] : memref<32x8x64xf32, #tpu.memory_space<vmem>> -> memref<1x8x64xf32, #tpu.memory_space<vmem>>
      %dma_start3A_687 = tpu.memref_squeeze %dma_start3A_686 : memref<1x8x64xf32, #tpu.memory_space<vmem>> -> memref<8x64xf32, #tpu.memory_space<vmem>>
      %dma_start3A_688 = arith.constant 0 : i32
      %dma_start3A_689 = arith.constant 0 : i32
      %dma_start3A_690 = tpu.memref_slice %arg2[%squeeze3A_674, %dma_start3A_688, %dma_start3A_689] : memref<125000x8x64xf32, #tpu.memory_space<hbm>> -> memref<1x8x64xf32, #tpu.memory_space<hbm>>
      %dma_start3A_691 = tpu.memref_squeeze %dma_start3A_690 : memref<1x8x64xf32, #tpu.memory_space<hbm>> -> memref<8x64xf32, #tpu.memory_space<hbm>>
      tpu.enqueue_dma source(%dma_start3A_691 : memref<8x64xf32, #tpu.memory_space<hbm>>) target(%dma_start3A_687 : memref<8x64xf32, #tpu.memory_space<vmem>>) target_semaphore(%arg16 : memref<!tpu.dma_semaphore, #tpu.memory_space<semaphore_mem>>)
      %slice3A_692 = vector.extract_strided_slice %get3A_634 {offsets = [1], sizes = [1], strides = [1]} : vector<16xi32> to vector<1xi32>
      %squeeze3A_693 = vector.extract %slice3A_692[0] : i32 from vector<1xi32>
      %dma_start3A_694 = arith.constant 17 : i32
      %dma_start3A_695 = arith.constant 0 : i32
      %dma_start3A_696 = arith.constant 0 : i32
      %dma_start3A_697 = tpu.memref_slice %arg12[%dma_start3A_694, %dma_start3A_695, %dma_start3A_696] : memref<32x8x64xf32, #tpu.memory_space<vmem>> -> memref<1x8x64xf32, #tpu.memory_space<vmem>>
      %dma_start3A_698 = tpu.memref_squeeze %dma_start3A_697 : memref<1x8x64xf32, #tpu.memory_space<vmem>> -> memref<8x64xf32, #tpu.memory_space<vmem>>
      %dma_start3A_699 = arith.constant 0 : i32
      %dma_start3A_700 = arith.constant 0 : i32
      %dma_start3A_701 = tpu.memref_slice %arg3[%squeeze3A_693, %dma_start3A_699, %dma_start3A_700] : memref<125000x8x64xf32, #tpu.memory_space<hbm>> -> memref<1x8x64xf32, #tpu.memory_space<hbm>>
      %dma_start3A_702 = tpu.memref_squeeze %dma_start3A_701 : memref<1x8x64xf32, #tpu.memory_space<hbm>> -> memref<8x64xf32, #tpu.memory_space<hbm>>
      %dma_start3A_703 = arith.constant 0 : i32
      %dma_start3A_704 = arith.constant 0 : i32
      %dma_start3A_705 = tpu.memref_slice %arg12[%dma_start3A_694, %dma_start3A_703, %dma_start3A_704] : memref<32x8x64xf32, #tpu.memory_space<vmem>> -> memref<1x8x64xf32, #tpu.memory_space<vmem>>
      %dma_start3A_706 = tpu.memref_squeeze %dma_start3A_705 : memref<1x8x64xf32, #tpu.memory_space<vmem>> -> memref<8x64xf32, #tpu.memory_space<vmem>>
      %dma_start3A_707 = arith.constant 0 : i32
      %dma_start3A_708 = arith.constant 0 : i32
      %dma_start3A_709 = tpu.memref_slice %arg3[%squeeze3A_693, %dma_start3A_707, %dma_start3A_708] : memref<125000x8x64xf32, #tpu.memory_space<hbm>> -> memref<1x8x64xf32, #tpu.memory_space<hbm>>
      %dma_start3A_710 = tpu.memref_squeeze %dma_start3A_709 : memref<1x8x64xf32, #tpu.memory_space<hbm>> -> memref<8x64xf32, #tpu.memory_space<hbm>>
      tpu.enqueue_dma source(%dma_start3A_710 : memref<8x64xf32, #tpu.memory_space<hbm>>) target(%dma_start3A_706 : memref<8x64xf32, #tpu.memory_space<vmem>>) target_semaphore(%arg17 : memref<!tpu.dma_semaphore, #tpu.memory_space<semaphore_mem>>)
      %slice3A_711 = vector.extract_strided_slice %get3A_632 {offsets = [2], sizes = [1], strides = [1]} : vector<16xi32> to vector<1xi32>
      %squeeze3A_712 = vector.extract %slice3A_711[0] : i32 from vector<1xi32>
      %dma_start3A_713 = arith.constant 18 : i32
      %dma_start3A_714 = arith.constant 0 : i32
      %dma_start3A_715 = arith.constant 0 : i32
      %dma_start3A_716 = tpu.memref_slice %arg11[%dma_start3A_713, %dma_start3A_714, %dma_start3A_715] : memref<32x8x64xf32, #tpu.memory_space<vmem>> -> memref<1x8x64xf32, #tpu.memory_space<vmem>>
      %dma_start3A_717 = tpu.memref_squeeze %dma_start3A_716 : memref<1x8x64xf32, #tpu.memory_space<vmem>> -> memref<8x64xf32, #tpu.memory_space<vmem>>
      %dma_start3A_718 = arith.constant 0 : i32
      %dma_start3A_719 = arith.constant 0 : i32
      %dma_start3A_720 = tpu.memref_slice %arg2[%squeeze3A_712, %dma_start3A_718, %dma_start3A_719] : memref<125000x8x64xf32, #tpu.memory_space<hbm>> -> memref<1x8x64xf32, #tpu.memory_space<hbm>>
      %dma_start3A_721 = tpu.memref_squeeze %dma_start3A_720 : memref<1x8x64xf32, #tpu.memory_space<hbm>> -> memref<8x64xf32, #tpu.memory_space<hbm>>
      %dma_start3A_722 = arith.constant 0 : i32
      %dma_start3A_723 = arith.constant 0 : i32
      %dma_start3A_724 = tpu.memref_slice %arg11[%dma_start3A_713, %dma_start3A_722, %dma_start3A_723] : memref<32x8x64xf32, #tpu.memory_space<vmem>> -> memref<1x8x64xf32, #tpu.memory_space<vmem>>
      %dma_start3A_725 = tpu.memref_squeeze %dma_start3A_724 : memref<1x8x64xf32, #tpu.memory_space<vmem>> -> memref<8x64xf32, #tpu.memory_space<vmem>>
      %dma_start3A_726 = arith.constant 0 : i32
      %dma_start3A_727 = arith.constant 0 : i32
      %dma_start3A_728 = tpu.memref_slice %arg2[%squeeze3A_712, %dma_start3A_726, %dma_start3A_727] : memref<125000x8x64xf32, #tpu.memory_space<hbm>> -> memref<1x8x64xf32, #tpu.memory_space<hbm>>
      %dma_start3A_729 = tpu.memref_squeeze %dma_start3A_728 : memref<1x8x64xf32, #tpu.memory_space<hbm>> -> memref<8x64xf32, #tpu.memory_space<hbm>>
      tpu.enqueue_dma source(%dma_start3A_729 : memref<8x64xf32, #tpu.memory_space<hbm>>) target(%dma_start3A_725 : memref<8x64xf32, #tpu.memory_space<vmem>>) target_semaphore(%arg14 : memref<!tpu.dma_semaphore, #tpu.memory_space<semaphore_mem>>)
      %slice3A_730 = vector.extract_strided_slice %get3A_634 {offsets = [2], sizes = [1], strides = [1]} : vector<16xi32> to vector<1xi32>
      %squeeze3A_731 = vector.extract %slice3A_730[0] : i32 from vector<1xi32>
      %dma_start3A_732 = arith.constant 18 : i32
      %dma_start3A_733 = arith.constant 0 : i32
      %dma_start3A_734 = arith.constant 0 : i32
      %dma_start3A_735 = tpu.memref_slice %arg12[%dma_start3A_732, %dma_start3A_733, %dma_start3A_734] : memref<32x8x64xf32, #tpu.memory_space<vmem>> -> memref<1x8x64xf32, #tpu.memory_space<vmem>>
      %dma_start3A_736 = tpu.memref_squeeze %dma_start3A_735 : memref<1x8x64xf32, #tpu.memory_space<vmem>> -> memref<8x64xf32, #tpu.memory_space<vmem>>
      %dma_start3A_737 = arith.constant 0 : i32
      %dma_start3A_738 = arith.constant 0 : i32
      %dma_start3A_739 = tpu.memref_slice %arg3[%squeeze3A_731, %dma_start3A_737, %dma_start3A_738] : memref<125000x8x64xf32, #tpu.memory_space<hbm>> -> memref<1x8x64xf32, #tpu.memory_space<hbm>>
      %dma_start3A_740 = tpu.memref_squeeze %dma_start3A_739 : memref<1x8x64xf32, #tpu.memory_space<hbm>> -> memref<8x64xf32, #tpu.memory_space<hbm>>
      %dma_start3A_741 = arith.constant 0 : i32
      %dma_start3A_742 = arith.constant 0 : i32
      %dma_start3A_743 = tpu.memref_slice %arg12[%dma_start3A_732, %dma_start3A_741, %dma_start3A_742] : memref<32x8x64xf32, #tpu.memory_space<vmem>> -> memref<1x8x64xf32, #tpu.memory_space<vmem>>
      %dma_start3A_744 = tpu.memref_squeeze %dma_start3A_743 : memref<1x8x64xf32, #tpu.memory_space<vmem>> -> memref<8x64xf32, #tpu.memory_space<vmem>>
      %dma_start3A_745 = arith.constant 0 : i32
      %dma_start3A_746 = arith.constant 0 : i32
      %dma_start3A_747 = tpu.memref_slice %arg3[%squeeze3A_731, %dma_start3A_745, %dma_start3A_746] : memref<125000x8x64xf32, #tpu.memory_space<hbm>> -> memref<1x8x64xf32, #tpu.memory_space<hbm>>
      %dma_start3A_748 = tpu.memref_squeeze %dma_start3A_747 : memref<1x8x64xf32, #tpu.memory_space<hbm>> -> memref<8x64xf32, #tpu.memory_space<hbm>>
      tpu.enqueue_dma source(%dma_start3A_748 : memref<8x64xf32, #tpu.memory_space<hbm>>) target(%dma_start3A_744 : memref<8x64xf32, #tpu.memory_space<vmem>>) target_semaphore(%arg15 : memref<!tpu.dma_semaphore, #tpu.memory_space<semaphore_mem>>)
      %slice3A_749 = vector.extract_strided_slice %get3A_632 {offsets = [3], sizes = [1], strides = [1]} : vector<16xi32> to vector<1xi32>
      %squeeze3A_750 = vector.extract %slice3A_749[0] : i32 from vector<1xi32>
      %dma_start3A_751 = arith.constant 19 : i32
      %dma_start3A_752 = arith.constant 0 : i32
      %dma_start3A_753 = arith.constant 0 : i32
      %dma_start3A_754 = tpu.memref_slice %arg11[%dma_start3A_751, %dma_start3A_752, %dma_start3A_753] : memref<32x8x64xf32, #tpu.memory_space<vmem>> -> memref<1x8x64xf32, #tpu.memory_space<vmem>>
      %dma_start3A_755 = tpu.memref_squeeze %dma_start3A_754 : memref<1x8x64xf32, #tpu.memory_space<vmem>> -> memref<8x64xf32, #tpu.memory_space<vmem>>
      %dma_start3A_756 = arith.constant 0 : i32
      %dma_start3A_757 = arith.constant 0 : i32
      %dma_start3A_758 = tpu.memref_slice %arg2[%squeeze3A_750, %dma_start3A_756, %dma_start3A_757] : memref<125000x8x64xf32, #tpu.memory_space<hbm>> -> memref<1x8x64xf32, #tpu.memory_space<hbm>>
      %dma_start3A_759 = tpu.memref_squeeze %dma_start3A_758 : memref<1x8x64xf32, #tpu.memory_space<hbm>> -> memref<8x64xf32, #tpu.memory_space<hbm>>
      %dma_start3A_760 = arith.constant 0 : i32
      %dma_start3A_761 = arith.constant 0 : i32
      %dma_start3A_762 = tpu.memref_slice %arg11[%dma_start3A_751, %dma_start3A_760, %dma_start3A_761] : memref<32x8x64xf32, #tpu.memory_space<vmem>> -> memref<1x8x64xf32, #tpu.memory_space<vmem>>
      %dma_start3A_763 = tpu.memref_squeeze %dma_start3A_762 : memref<1x8x64xf32, #tpu.memory_space<vmem>> -> memref<8x64xf32, #tpu.memory_space<vmem>>
      %dma_start3A_764 = arith.constant 0 : i32
      %dma_start3A_765 = arith.constant 0 : i32
      %dma_start3A_766 = tpu.memref_slice %arg2[%squeeze3A_750, %dma_start3A_764, %dma_start3A_765] : memref<125000x8x64xf32, #tpu.memory_space<hbm>> -> memref<1x8x64xf32, #tpu.memory_space<hbm>>
      %dma_start3A_767 = tpu.memref_squeeze %dma_start3A_766 : memref<1x8x64xf32, #tpu.memory_space<hbm>> -> memref<8x64xf32, #tpu.memory_space<hbm>>
      tpu.enqueue_dma source(%dma_start3A_767 : memref<8x64xf32, #tpu.memory_space<hbm>>) target(%dma_start3A_763 : memref<8x64xf32, #tpu.memory_space<vmem>>) target_semaphore(%arg16 : memref<!tpu.dma_semaphore, #tpu.memory_space<semaphore_mem>>)
      %slice3A_768 = vector.extract_strided_slice %get3A_634 {offsets = [3], sizes = [1], strides = [1]} : vector<16xi32> to vector<1xi32>
      %squeeze3A_769 = vector.extract %slice3A_768[0] : i32 from vector<1xi32>
      %dma_start3A_770 = arith.constant 19 : i32
      %dma_start3A_771 = arith.constant 0 : i32
      %dma_start3A_772 = arith.constant 0 : i32
      %dma_start3A_773 = tpu.memref_slice %arg12[%dma_start3A_770, %dma_start3A_771, %dma_start3A_772] : memref<32x8x64xf32, #tpu.memory_space<vmem>> -> memref<1x8x64xf32, #tpu.memory_space<vmem>>
      %dma_start3A_774 = tpu.memref_squeeze %dma_start3A_773 : memref<1x8x64xf32, #tpu.memory_space<vmem>> -> memref<8x64xf32, #tpu.memory_space<vmem>>
      %dma_start3A_775 = arith.constant 0 : i32
      %dma_start3A_776 = arith.constant 0 : i32
      %dma_start3A_777 = tpu.memref_slice %arg3[%squeeze3A_769, %dma_start3A_775, %dma_start3A_776] : memref<125000x8x64xf32, #tpu.memory_space<hbm>> -> memref<1x8x64xf32, #tpu.memory_space<hbm>>
      %dma_start3A_778 = tpu.memref_squeeze %dma_start3A_777 : memref<1x8x64xf32, #tpu.memory_space<hbm>> -> memref<8x64xf32, #tpu.memory_space<hbm>>
      %dma_start3A_779 = arith.constant 0 : i32
      %dma_start3A_780 = arith.constant 0 : i32
      %dma_start3A_781 = tpu.memref_slice %arg12[%dma_start3A_770, %dma_start3A_779, %dma_start3A_780] : memref<32x8x64xf32, #tpu.memory_space<vmem>> -> memref<1x8x64xf32, #tpu.memory_space<vmem>>
      %dma_start3A_782 = tpu.memref_squeeze %dma_start3A_781 : memref<1x8x64xf32, #tpu.memory_space<vmem>> -> memref<8x64xf32, #tpu.memory_space<vmem>>
      %dma_start3A_783 = arith.constant 0 : i32
      %dma_start3A_784 = arith.constant 0 : i32
      %dma_start3A_785 = tpu.memref_slice %arg3[%squeeze3A_769, %dma_start3A_783, %dma_start3A_784] : memref<125000x8x64xf32, #tpu.memory_space<hbm>> -> memref<1x8x64xf32, #tpu.memory_space<hbm>>
      %dma_start3A_786 = tpu.memref_squeeze %dma_start3A_785 : memref<1x8x64xf32, #tpu.memory_space<hbm>> -> memref<8x64xf32, #tpu.memory_space<hbm>>
      tpu.enqueue_dma source(%dma_start3A_786 : memref<8x64xf32, #tpu.memory_space<hbm>>) target(%dma_start3A_782 : memref<8x64xf32, #tpu.memory_space<vmem>>) target_semaphore(%arg17 : memref<!tpu.dma_semaphore, #tpu.memory_space<semaphore_mem>>)
      %slice3A_787 = vector.extract_strided_slice %get3A_632 {offsets = [4], sizes = [1], strides = [1]} : vector<16xi32> to vector<1xi32>
      %squeeze3A_788 = vector.extract %slice3A_787[0] : i32 from vector<1xi32>
      %dma_start3A_789 = arith.constant 20 : i32
      %dma_start3A_790 = arith.constant 0 : i32
      %dma_start3A_791 = arith.constant 0 : i32
      %dma_start3A_792 = tpu.memref_slice %arg11[%dma_start3A_789, %dma_start3A_790, %dma_start3A_791] : memref<32x8x64xf32, #tpu.memory_space<vmem>> -> memref<1x8x64xf32, #tpu.memory_space<vmem>>
      %dma_start3A_793 = tpu.memref_squeeze %dma_start3A_792 : memref<1x8x64xf32, #tpu.memory_space<vmem>> -> memref<8x64xf32, #tpu.memory_space<vmem>>
      %dma_start3A_794 = arith.constant 0 : i32
      %dma_start3A_795 = arith.constant 0 : i32
      %dma_start3A_796 = tpu.memref_slice %arg2[%squeeze3A_788, %dma_start3A_794, %dma_start3A_795] : memref<125000x8x64xf32, #tpu.memory_space<hbm>> -> memref<1x8x64xf32, #tpu.memory_space<hbm>>
      %dma_start3A_797 = tpu.memref_squeeze %dma_start3A_796 : memref<1x8x64xf32, #tpu.memory_space<hbm>> -> memref<8x64xf32, #tpu.memory_space<hbm>>
      %dma_start3A_798 = arith.constant 0 : i32
      %dma_start3A_799 = arith.constant 0 : i32
      %dma_start3A_800 = tpu.memref_slice %arg11[%dma_start3A_789, %dma_start3A_798, %dma_start3A_799] : memref<32x8x64xf32, #tpu.memory_space<vmem>> -> memref<1x8x64xf32, #tpu.memory_space<vmem>>
      %dma_start3A_801 = tpu.memref_squeeze %dma_start3A_800 : memref<1x8x64xf32, #tpu.memory_space<vmem>> -> memref<8x64xf32, #tpu.memory_space<vmem>>
      %dma_start3A_802 = arith.constant 0 : i32
      %dma_start3A_803 = arith.constant 0 : i32
      %dma_start3A_804 = tpu.memref_slice %arg2[%squeeze3A_788, %dma_start3A_802, %dma_start3A_803] : memref<125000x8x64xf32, #tpu.memory_space<hbm>> -> memref<1x8x64xf32, #tpu.memory_space<hbm>>
      %dma_start3A_805 = tpu.memref_squeeze %dma_start3A_804 : memref<1x8x64xf32, #tpu.memory_space<hbm>> -> memref<8x64xf32, #tpu.memory_space<hbm>>
      tpu.enqueue_dma source(%dma_start3A_805 : memref<8x64xf32, #tpu.memory_space<hbm>>) target(%dma_start3A_801 : memref<8x64xf32, #tpu.memory_space<vmem>>) target_semaphore(%arg14 : memref<!tpu.dma_semaphore, #tpu.memory_space<semaphore_mem>>)
      %slice3A_806 = vector.extract_strided_slice %get3A_634 {offsets = [4], sizes = [1], strides = [1]} : vector<16xi32> to vector<1xi32>
      %squeeze3A_807 = vector.extract %slice3A_806[0] : i32 from vector<1xi32>
      %dma_start3A_808 = arith.constant 20 : i32
      %dma_start3A_809 = arith.constant 0 : i32
      %dma_start3A_810 = arith.constant 0 : i32
      %dma_start3A_811 = tpu.memref_slice %arg12[%dma_start3A_808, %dma_start3A_809, %dma_start3A_810] : memref<32x8x64xf32, #tpu.memory_space<vmem>> -> memref<1x8x64xf32, #tpu.memory_space<vmem>>
      %dma_start3A_812 = tpu.memref_squeeze %dma_start3A_811 : memref<1x8x64xf32, #tpu.memory_space<vmem>> -> memref<8x64xf32, #tpu.memory_space<vmem>>
      %dma_start3A_813 = arith.constant 0 : i32
      %dma_start3A_814 = arith.constant 0 : i32
      %dma_start3A_815 = tpu.memref_slice %arg3[%squeeze3A_807, %dma_start3A_813, %dma_start3A_814] : memref<125000x8x64xf32, #tpu.memory_space<hbm>> -> memref<1x8x64xf32, #tpu.memory_space<hbm>>
      %dma_start3A_816 = tpu.memref_squeeze %dma_start3A_815 : memref<1x8x64xf32, #tpu.memory_space<hbm>> -> memref<8x64xf32, #tpu.memory_space<hbm>>
      %dma_start3A_817 = arith.constant 0 : i32
      %dma_start3A_818 = arith.constant 0 : i32
      %dma_start3A_819 = tpu.memref_slice %arg12[%dma_start3A_808, %dma_start3A_817, %dma_start3A_818] : memref<32x8x64xf32, #tpu.memory_space<vmem>> -> memref<1x8x64xf32, #tpu.memory_space<vmem>>
      %dma_start3A_820 = tpu.memref_squeeze %dma_start3A_819 : memref<1x8x64xf32, #tpu.memory_space<vmem>> -> memref<8x64xf32, #tpu.memory_space<vmem>>
      %dma_start3A_821 = arith.constant 0 : i32
      %dma_start3A_822 = arith.constant 0 : i32
      %dma_start3A_823 = tpu.memref_slice %arg3[%squeeze3A_807, %dma_start3A_821, %dma_start3A_822] : memref<125000x8x64xf32, #tpu.memory_space<hbm>> -> memref<1x8x64xf32, #tpu.memory_space<hbm>>
      %dma_start3A_824 = tpu.memref_squeeze %dma_start3A_823 : memref<1x8x64xf32, #tpu.memory_space<hbm>> -> memref<8x64xf32, #tpu.memory_space<hbm>>
      tpu.enqueue_dma source(%dma_start3A_824 : memref<8x64xf32, #tpu.memory_space<hbm>>) target(%dma_start3A_820 : memref<8x64xf32, #tpu.memory_space<vmem>>) target_semaphore(%arg15 : memref<!tpu.dma_semaphore, #tpu.memory_space<semaphore_mem>>)
      %slice3A_825 = vector.extract_strided_slice %get3A_632 {offsets = [5], sizes = [1], strides = [1]} : vector<16xi32> to vector<1xi32>
      %squeeze3A_826 = vector.extract %slice3A_825[0] : i32 from vector<1xi32>
      %dma_start3A_827 = arith.constant 21 : i32
      %dma_start3A_828 = arith.constant 0 : i32
      %dma_start3A_829 = arith.constant 0 : i32
      %dma_start3A_830 = tpu.memref_slice %arg11[%dma_start3A_827, %dma_start3A_828, %dma_start3A_829] : memref<32x8x64xf32, #tpu.memory_space<vmem>> -> memref<1x8x64xf32, #tpu.memory_space<vmem>>
      %dma_start3A_831 = tpu.memref_squeeze %dma_start3A_830 : memref<1x8x64xf32, #tpu.memory_space<vmem>> -> memref<8x64xf32, #tpu.memory_space<vmem>>
      %dma_start3A_832 = arith.constant 0 : i32
      %dma_start3A_833 = arith.constant 0 : i32
      %dma_start3A_834 = tpu.memref_slice %arg2[%squeeze3A_826, %dma_start3A_832, %dma_start3A_833] : memref<125000x8x64xf32, #tpu.memory_space<hbm>> -> memref<1x8x64xf32, #tpu.memory_space<hbm>>
      %dma_start3A_835 = tpu.memref_squeeze %dma_start3A_834 : memref<1x8x64xf32, #tpu.memory_space<hbm>> -> memref<8x64xf32, #tpu.memory_space<hbm>>
      %dma_start3A_836 = arith.constant 0 : i32
      %dma_start3A_837 = arith.constant 0 : i32
      %dma_start3A_838 = tpu.memref_slice %arg11[%dma_start3A_827, %dma_start3A_836, %dma_start3A_837] : memref<32x8x64xf32, #tpu.memory_space<vmem>> -> memref<1x8x64xf32, #tpu.memory_space<vmem>>
      %dma_start3A_839 = tpu.memref_squeeze %dma_start3A_838 : memref<1x8x64xf32, #tpu.memory_space<vmem>> -> memref<8x64xf32, #tpu.memory_space<vmem>>
      %dma_start3A_840 = arith.constant 0 : i32
      %dma_start3A_841 = arith.constant 0 : i32
      %dma_start3A_842 = tpu.memref_slice %arg2[%squeeze3A_826, %dma_start3A_840, %dma_start3A_841] : memref<125000x8x64xf32, #tpu.memory_space<hbm>> -> memref<1x8x64xf32, #tpu.memory_space<hbm>>
      %dma_start3A_843 = tpu.memref_squeeze %dma_start3A_842 : memref<1x8x64xf32, #tpu.memory_space<hbm>> -> memref<8x64xf32, #tpu.memory_space<hbm>>
      tpu.enqueue_dma source(%dma_start3A_843 : memref<8x64xf32, #tpu.memory_space<hbm>>) target(%dma_start3A_839 : memref<8x64xf32, #tpu.memory_space<vmem>>) target_semaphore(%arg16 : memref<!tpu.dma_semaphore, #tpu.memory_space<semaphore_mem>>)
      %slice3A_844 = vector.extract_strided_slice %get3A_634 {offsets = [5], sizes = [1], strides = [1]} : vector<16xi32> to vector<1xi32>
      %squeeze3A_845 = vector.extract %slice3A_844[0] : i32 from vector<1xi32>
      %dma_start3A_846 = arith.constant 21 : i32
      %dma_start3A_847 = arith.constant 0 : i32
      %dma_start3A_848 = arith.constant 0 : i32
      %dma_start3A_849 = tpu.memref_slice %arg12[%dma_start3A_846, %dma_start3A_847, %dma_start3A_848] : memref<32x8x64xf32, #tpu.memory_space<vmem>> -> memref<1x8x64xf32, #tpu.memory_space<vmem>>
      %dma_start3A_850 = tpu.memref_squeeze %dma_start3A_849 : memref<1x8x64xf32, #tpu.memory_space<vmem>> -> memref<8x64xf32, #tpu.memory_space<vmem>>
      %dma_start3A_851 = arith.constant 0 : i32
      %dma_start3A_852 = arith.constant 0 : i32
      %dma_start3A_853 = tpu.memref_slice %arg3[%squeeze3A_845, %dma_start3A_851, %dma_start3A_852] : memref<125000x8x64xf32, #tpu.memory_space<hbm>> -> memref<1x8x64xf32, #tpu.memory_space<hbm>>
      %dma_start3A_854 = tpu.memref_squeeze %dma_start3A_853 : memref<1x8x64xf32, #tpu.memory_space<hbm>> -> memref<8x64xf32, #tpu.memory_space<hbm>>
      %dma_start3A_855 = arith.constant 0 : i32
      %dma_start3A_856 = arith.constant 0 : i32
      %dma_start3A_857 = tpu.memref_slice %arg12[%dma_start3A_846, %dma_start3A_855, %dma_start3A_856] : memref<32x8x64xf32, #tpu.memory_space<vmem>> -> memref<1x8x64xf32, #tpu.memory_space<vmem>>
      %dma_start3A_858 = tpu.memref_squeeze %dma_start3A_857 : memref<1x8x64xf32, #tpu.memory_space<vmem>> -> memref<8x64xf32, #tpu.memory_space<vmem>>
      %dma_start3A_859 = arith.constant 0 : i32
      %dma_start3A_860 = arith.constant 0 : i32
      %dma_start3A_861 = tpu.memref_slice %arg3[%squeeze3A_845, %dma_start3A_859, %dma_start3A_860] : memref<125000x8x64xf32, #tpu.memory_space<hbm>> -> memref<1x8x64xf32, #tpu.memory_space<hbm>>
      %dma_start3A_862 = tpu.memref_squeeze %dma_start3A_861 : memref<1x8x64xf32, #tpu.memory_space<hbm>> -> memref<8x64xf32, #tpu.memory_space<hbm>>
      tpu.enqueue_dma source(%dma_start3A_862 : memref<8x64xf32, #tpu.memory_space<hbm>>) target(%dma_start3A_858 : memref<8x64xf32, #tpu.memory_space<vmem>>) target_semaphore(%arg17 : memref<!tpu.dma_semaphore, #tpu.memory_space<semaphore_mem>>)
      %slice3A_863 = vector.extract_strided_slice %get3A_632 {offsets = [6], sizes = [1], strides = [1]} : vector<16xi32> to vector<1xi32>
      %squeeze3A_864 = vector.extract %slice3A_863[0] : i32 from vector<1xi32>
      %dma_start3A_865 = arith.constant 22 : i32
      %dma_start3A_866 = arith.constant 0 : i32
      %dma_start3A_867 = arith.constant 0 : i32
      %dma_start3A_868 = tpu.memref_slice %arg11[%dma_start3A_865, %dma_start3A_866, %dma_start3A_867] : memref<32x8x64xf32, #tpu.memory_space<vmem>> -> memref<1x8x64xf32, #tpu.memory_space<vmem>>
      %dma_start3A_869 = tpu.memref_squeeze %dma_start3A_868 : memref<1x8x64xf32, #tpu.memory_space<vmem>> -> memref<8x64xf32, #tpu.memory_space<vmem>>
      %dma_start3A_870 = arith.constant 0 : i32
      %dma_start3A_871 = arith.constant 0 : i32
      %dma_start3A_872 = tpu.memref_slice %arg2[%squeeze3A_864, %dma_start3A_870, %dma_start3A_871] : memref<125000x8x64xf32, #tpu.memory_space<hbm>> -> memref<1x8x64xf32, #tpu.memory_space<hbm>>
      %dma_start3A_873 = tpu.memref_squeeze %dma_start3A_872 : memref<1x8x64xf32, #tpu.memory_space<hbm>> -> memref<8x64xf32, #tpu.memory_space<hbm>>
      %dma_start3A_874 = arith.constant 0 : i32
      %dma_start3A_875 = arith.constant 0 : i32
      %dma_start3A_876 = tpu.memref_slice %arg11[%dma_start3A_865, %dma_start3A_874, %dma_start3A_875] : memref<32x8x64xf32, #tpu.memory_space<vmem>> -> memref<1x8x64xf32, #tpu.memory_space<vmem>>
      %dma_start3A_877 = tpu.memref_squeeze %dma_start3A_876 : memref<1x8x64xf32, #tpu.memory_space<vmem>> -> memref<8x64xf32, #tpu.memory_space<vmem>>
      %dma_start3A_878 = arith.constant 0 : i32
      %dma_start3A_879 = arith.constant 0 : i32
      %dma_start3A_880 = tpu.memref_slice %arg2[%squeeze3A_864, %dma_start3A_878, %dma_start3A_879] : memref<125000x8x64xf32, #tpu.memory_space<hbm>> -> memref<1x8x64xf32, #tpu.memory_space<hbm>>
      %dma_start3A_881 = tpu.memref_squeeze %dma_start3A_880 : memref<1x8x64xf32, #tpu.memory_space<hbm>> -> memref<8x64xf32, #tpu.memory_space<hbm>>
      tpu.enqueue_dma source(%dma_start3A_881 : memref<8x64xf32, #tpu.memory_space<hbm>>) target(%dma_start3A_877 : memref<8x64xf32, #tpu.memory_space<vmem>>) target_semaphore(%arg14 : memref<!tpu.dma_semaphore, #tpu.memory_space<semaphore_mem>>)
      %slice3A_882 = vector.extract_strided_slice %get3A_634 {offsets = [6], sizes = [1], strides = [1]} : vector<16xi32> to vector<1xi32>
      %squeeze3A_883 = vector.extract %slice3A_882[0] : i32 from vector<1xi32>
      %dma_start3A_884 = arith.constant 22 : i32
      %dma_start3A_885 = arith.constant 0 : i32
      %dma_start3A_886 = arith.constant 0 : i32
      %dma_start3A_887 = tpu.memref_slice %arg12[%dma_start3A_884, %dma_start3A_885, %dma_start3A_886] : memref<32x8x64xf32, #tpu.memory_space<vmem>> -> memref<1x8x64xf32, #tpu.memory_space<vmem>>
      %dma_start3A_888 = tpu.memref_squeeze %dma_start3A_887 : memref<1x8x64xf32, #tpu.memory_space<vmem>> -> memref<8x64xf32, #tpu.memory_space<vmem>>
      %dma_start3A_889 = arith.constant 0 : i32
      %dma_start3A_890 = arith.constant 0 : i32
      %dma_start3A_891 = tpu.memref_slice %arg3[%squeeze3A_883, %dma_start3A_889, %dma_start3A_890] : memref<125000x8x64xf32, #tpu.memory_space<hbm>> -> memref<1x8x64xf32, #tpu.memory_space<hbm>>
      %dma_start3A_892 = tpu.memref_squeeze %dma_start3A_891 : memref<1x8x64xf32, #tpu.memory_space<hbm>> -> memref<8x64xf32, #tpu.memory_space<hbm>>
      %dma_start3A_893 = arith.constant 0 : i32
      %dma_start3A_894 = arith.constant 0 : i32
      %dma_start3A_895 = tpu.memref_slice %arg12[%dma_start3A_884, %dma_start3A_893, %dma_start3A_894] : memref<32x8x64xf32, #tpu.memory_space<vmem>> -> memref<1x8x64xf32, #tpu.memory_space<vmem>>
      %dma_start3A_896 = tpu.memref_squeeze %dma_start3A_895 : memref<1x8x64xf32, #tpu.memory_space<vmem>> -> memref<8x64xf32, #tpu.memory_space<vmem>>
      %dma_start3A_897 = arith.constant 0 : i32
      %dma_start3A_898 = arith.constant 0 : i32
      %dma_start3A_899 = tpu.memref_slice %arg3[%squeeze3A_883, %dma_start3A_897, %dma_start3A_898] : memref<125000x8x64xf32, #tpu.memory_space<hbm>> -> memref<1x8x64xf32, #tpu.memory_space<hbm>>
      %dma_start3A_900 = tpu.memref_squeeze %dma_start3A_899 : memref<1x8x64xf32, #tpu.memory_space<hbm>> -> memref<8x64xf32, #tpu.memory_space<hbm>>
      tpu.enqueue_dma source(%dma_start3A_900 : memref<8x64xf32, #tpu.memory_space<hbm>>) target(%dma_start3A_896 : memref<8x64xf32, #tpu.memory_space<vmem>>) target_semaphore(%arg15 : memref<!tpu.dma_semaphore, #tpu.memory_space<semaphore_mem>>)
      %slice3A_901 = vector.extract_strided_slice %get3A_632 {offsets = [7], sizes = [1], strides = [1]} : vector<16xi32> to vector<1xi32>
      %squeeze3A_902 = vector.extract %slice3A_901[0] : i32 from vector<1xi32>
      %dma_start3A_903 = arith.constant 23 : i32
      %dma_start3A_904 = arith.constant 0 : i32
      %dma_start3A_905 = arith.constant 0 : i32
      %dma_start3A_906 = tpu.memref_slice %arg11[%dma_start3A_903, %dma_start3A_904, %dma_start3A_905] : memref<32x8x64xf32, #tpu.memory_space<vmem>> -> memref<1x8x64xf32, #tpu.memory_space<vmem>>
      %dma_start3A_907 = tpu.memref_squeeze %dma_start3A_906 : memref<1x8x64xf32, #tpu.memory_space<vmem>> -> memref<8x64xf32, #tpu.memory_space<vmem>>
      %dma_start3A_908 = arith.constant 0 : i32
      %dma_start3A_909 = arith.constant 0 : i32
      %dma_start3A_910 = tpu.memref_slice %arg2[%squeeze3A_902, %dma_start3A_908, %dma_start3A_909] : memref<125000x8x64xf32, #tpu.memory_space<hbm>> -> memref<1x8x64xf32, #tpu.memory_space<hbm>>
      %dma_start3A_911 = tpu.memref_squeeze %dma_start3A_910 : memref<1x8x64xf32, #tpu.memory_space<hbm>> -> memref<8x64xf32, #tpu.memory_space<hbm>>
      %dma_start3A_912 = arith.constant 0 : i32
      %dma_start3A_913 = arith.constant 0 : i32
      %dma_start3A_914 = tpu.memref_slice %arg11[%dma_start3A_903, %dma_start3A_912, %dma_start3A_913] : memref<32x8x64xf32, #tpu.memory_space<vmem>> -> memref<1x8x64xf32, #tpu.memory_space<vmem>>
      %dma_start3A_915 = tpu.memref_squeeze %dma_start3A_914 : memref<1x8x64xf32, #tpu.memory_space<vmem>> -> memref<8x64xf32, #tpu.memory_space<vmem>>
      %dma_start3A_916 = arith.constant 0 : i32
      %dma_start3A_917 = arith.constant 0 : i32
      %dma_start3A_918 = tpu.memref_slice %arg2[%squeeze3A_902, %dma_start3A_916, %dma_start3A_917] : memref<125000x8x64xf32, #tpu.memory_space<hbm>> -> memref<1x8x64xf32, #tpu.memory_space<hbm>>
      %dma_start3A_919 = tpu.memref_squeeze %dma_start3A_918 : memref<1x8x64xf32, #tpu.memory_space<hbm>> -> memref<8x64xf32, #tpu.memory_space<hbm>>
      tpu.enqueue_dma source(%dma_start3A_919 : memref<8x64xf32, #tpu.memory_space<hbm>>) target(%dma_start3A_915 : memref<8x64xf32, #tpu.memory_space<vmem>>) target_semaphore(%arg16 : memref<!tpu.dma_semaphore, #tpu.memory_space<semaphore_mem>>)
      %slice3A_920 = vector.extract_strided_slice %get3A_634 {offsets = [7], sizes = [1], strides = [1]} : vector<16xi32> to vector<1xi32>
      %squeeze3A_921 = vector.extract %slice3A_920[0] : i32 from vector<1xi32>
      %dma_start3A_922 = arith.constant 23 : i32
      %dma_start3A_923 = arith.constant 0 : i32
      %dma_start3A_924 = arith.constant 0 : i32
      %dma_start3A_925 = tpu.memref_slice %arg12[%dma_start3A_922, %dma_start3A_923, %dma_start3A_924] : memref<32x8x64xf32, #tpu.memory_space<vmem>> -> memref<1x8x64xf32, #tpu.memory_space<vmem>>
      %dma_start3A_926 = tpu.memref_squeeze %dma_start3A_925 : memref<1x8x64xf32, #tpu.memory_space<vmem>> -> memref<8x64xf32, #tpu.memory_space<vmem>>
      %dma_start3A_927 = arith.constant 0 : i32
      %dma_start3A_928 = arith.constant 0 : i32
      %dma_start3A_929 = tpu.memref_slice %arg3[%squeeze3A_921, %dma_start3A_927, %dma_start3A_928] : memref<125000x8x64xf32, #tpu.memory_space<hbm>> -> memref<1x8x64xf32, #tpu.memory_space<hbm>>
      %dma_start3A_930 = tpu.memref_squeeze %dma_start3A_929 : memref<1x8x64xf32, #tpu.memory_space<hbm>> -> memref<8x64xf32, #tpu.memory_space<hbm>>
      %dma_start3A_931 = arith.constant 0 : i32
      %dma_start3A_932 = arith.constant 0 : i32
      %dma_start3A_933 = tpu.memref_slice %arg12[%dma_start3A_922, %dma_start3A_931, %dma_start3A_932] : memref<32x8x64xf32, #tpu.memory_space<vmem>> -> memref<1x8x64xf32, #tpu.memory_space<vmem>>
      %dma_start3A_934 = tpu.memref_squeeze %dma_start3A_933 : memref<1x8x64xf32, #tpu.memory_space<vmem>> -> memref<8x64xf32, #tpu.memory_space<vmem>>
      %dma_start3A_935 = arith.constant 0 : i32
      %dma_start3A_936 = arith.constant 0 : i32
      %dma_start3A_937 = tpu.memref_slice %arg3[%squeeze3A_921, %dma_start3A_935, %dma_start3A_936] : memref<125000x8x64xf32, #tpu.memory_space<hbm>> -> memref<1x8x64xf32, #tpu.memory_space<hbm>>
      %dma_start3A_938 = tpu.memref_squeeze %dma_start3A_937 : memref<1x8x64xf32, #tpu.memory_space<hbm>> -> memref<8x64xf32, #tpu.memory_space<hbm>>
      tpu.enqueue_dma source(%dma_start3A_938 : memref<8x64xf32, #tpu.memory_space<hbm>>) target(%dma_start3A_934 : memref<8x64xf32, #tpu.memory_space<vmem>>) target_semaphore(%arg17 : memref<!tpu.dma_semaphore, #tpu.memory_space<semaphore_mem>>)
      %slice3A_939 = vector.extract_strided_slice %get3A_632 {offsets = [8], sizes = [1], strides = [1]} : vector<16xi32> to vector<1xi32>
      %squeeze3A_940 = vector.extract %slice3A_939[0] : i32 from vector<1xi32>
      %dma_start3A_941 = arith.constant 24 : i32
      %dma_start3A_942 = arith.constant 0 : i32
      %dma_start3A_943 = arith.constant 0 : i32
      %dma_start3A_944 = tpu.memref_slice %arg11[%dma_start3A_941, %dma_start3A_942, %dma_start3A_943] : memref<32x8x64xf32, #tpu.memory_space<vmem>> -> memref<1x8x64xf32, #tpu.memory_space<vmem>>
      %dma_start3A_945 = tpu.memref_squeeze %dma_start3A_944 : memref<1x8x64xf32, #tpu.memory_space<vmem>> -> memref<8x64xf32, #tpu.memory_space<vmem>>
      %dma_start3A_946 = arith.constant 0 : i32
      %dma_start3A_947 = arith.constant 0 : i32
      %dma_start3A_948 = tpu.memref_slice %arg2[%squeeze3A_940, %dma_start3A_946, %dma_start3A_947] : memref<125000x8x64xf32, #tpu.memory_space<hbm>> -> memref<1x8x64xf32, #tpu.memory_space<hbm>>
      %dma_start3A_949 = tpu.memref_squeeze %dma_start3A_948 : memref<1x8x64xf32, #tpu.memory_space<hbm>> -> memref<8x64xf32, #tpu.memory_space<hbm>>
      %dma_start3A_950 = arith.constant 0 : i32
      %dma_start3A_951 = arith.constant 0 : i32
      %dma_start3A_952 = tpu.memref_slice %arg11[%dma_start3A_941, %dma_start3A_950, %dma_start3A_951] : memref<32x8x64xf32, #tpu.memory_space<vmem>> -> memref<1x8x64xf32, #tpu.memory_space<vmem>>
      %dma_start3A_953 = tpu.memref_squeeze %dma_start3A_952 : memref<1x8x64xf32, #tpu.memory_space<vmem>> -> memref<8x64xf32, #tpu.memory_space<vmem>>
      %dma_start3A_954 = arith.constant 0 : i32
      %dma_start3A_955 = arith.constant 0 : i32
      %dma_start3A_956 = tpu.memref_slice %arg2[%squeeze3A_940, %dma_start3A_954, %dma_start3A_955] : memref<125000x8x64xf32, #tpu.memory_space<hbm>> -> memref<1x8x64xf32, #tpu.memory_space<hbm>>
      %dma_start3A_957 = tpu.memref_squeeze %dma_start3A_956 : memref<1x8x64xf32, #tpu.memory_space<hbm>> -> memref<8x64xf32, #tpu.memory_space<hbm>>
      tpu.enqueue_dma source(%dma_start3A_957 : memref<8x64xf32, #tpu.memory_space<hbm>>) target(%dma_start3A_953 : memref<8x64xf32, #tpu.memory_space<vmem>>) target_semaphore(%arg14 : memref<!tpu.dma_semaphore, #tpu.memory_space<semaphore_mem>>)
      %slice3A_958 = vector.extract_strided_slice %get3A_634 {offsets = [8], sizes = [1], strides = [1]} : vector<16xi32> to vector<1xi32>
      %squeeze3A_959 = vector.extract %slice3A_958[0] : i32 from vector<1xi32>
      %dma_start3A_960 = arith.constant 24 : i32
      %dma_start3A_961 = arith.constant 0 : i32
      %dma_start3A_962 = arith.constant 0 : i32
      %dma_start3A_963 = tpu.memref_slice %arg12[%dma_start3A_960, %dma_start3A_961, %dma_start3A_962] : memref<32x8x64xf32, #tpu.memory_space<vmem>> -> memref<1x8x64xf32, #tpu.memory_space<vmem>>
      %dma_start3A_964 = tpu.memref_squeeze %dma_start3A_963 : memref<1x8x64xf32, #tpu.memory_space<vmem>> -> memref<8x64xf32, #tpu.memory_space<vmem>>
      %dma_start3A_965 = arith.constant 0 : i32
      %dma_start3A_966 = arith.constant 0 : i32
      %dma_start3A_967 = tpu.memref_slice %arg3[%squeeze3A_959, %dma_start3A_965, %dma_start3A_966] : memref<125000x8x64xf32, #tpu.memory_space<hbm>> -> memref<1x8x64xf32, #tpu.memory_space<hbm>>
      %dma_start3A_968 = tpu.memref_squeeze %dma_start3A_967 : memref<1x8x64xf32, #tpu.memory_space<hbm>> -> memref<8x64xf32, #tpu.memory_space<hbm>>
      %dma_start3A_969 = arith.constant 0 : i32
      %dma_start3A_970 = arith.constant 0 : i32
      %dma_start3A_971 = tpu.memref_slice %arg12[%dma_start3A_960, %dma_start3A_969, %dma_start3A_970] : memref<32x8x64xf32, #tpu.memory_space<vmem>> -> memref<1x8x64xf32, #tpu.memory_space<vmem>>
      %dma_start3A_972 = tpu.memref_squeeze %dma_start3A_971 : memref<1x8x64xf32, #tpu.memory_space<vmem>> -> memref<8x64xf32, #tpu.memory_space<vmem>>
      %dma_start3A_973 = arith.constant 0 : i32
      %dma_start3A_974 = arith.constant 0 : i32
      %dma_start3A_975 = tpu.memref_slice %arg3[%squeeze3A_959, %dma_start3A_973, %dma_start3A_974] : memref<125000x8x64xf32, #tpu.memory_space<hbm>> -> memref<1x8x64xf32, #tpu.memory_space<hbm>>
      %dma_start3A_976 = tpu.memref_squeeze %dma_start3A_975 : memref<1x8x64xf32, #tpu.memory_space<hbm>> -> memref<8x64xf32, #tpu.memory_space<hbm>>
      tpu.enqueue_dma source(%dma_start3A_976 : memref<8x64xf32, #tpu.memory_space<hbm>>) target(%dma_start3A_972 : memref<8x64xf32, #tpu.memory_space<vmem>>) target_semaphore(%arg15 : memref<!tpu.dma_semaphore, #tpu.memory_space<semaphore_mem>>)
      %slice3A_977 = vector.extract_strided_slice %get3A_632 {offsets = [9], sizes = [1], strides = [1]} : vector<16xi32> to vector<1xi32>
      %squeeze3A_978 = vector.extract %slice3A_977[0] : i32 from vector<1xi32>
      %dma_start3A_979 = arith.constant 25 : i32
      %dma_start3A_980 = arith.constant 0 : i32
      %dma_start3A_981 = arith.constant 0 : i32
      %dma_start3A_982 = tpu.memref_slice %arg11[%dma_start3A_979, %dma_start3A_980, %dma_start3A_981] : memref<32x8x64xf32, #tpu.memory_space<vmem>> -> memref<1x8x64xf32, #tpu.memory_space<vmem>>
      %dma_start3A_983 = tpu.memref_squeeze %dma_start3A_982 : memref<1x8x64xf32, #tpu.memory_space<vmem>> -> memref<8x64xf32, #tpu.memory_space<vmem>>
      %dma_start3A_984 = arith.constant 0 : i32
      %dma_start3A_985 = arith.constant 0 : i32
      %dma_start3A_986 = tpu.memref_slice %arg2[%squeeze3A_978, %dma_start3A_984, %dma_start3A_985] : memref<125000x8x64xf32, #tpu.memory_space<hbm>> -> memref<1x8x64xf32, #tpu.memory_space<hbm>>
      %dma_start3A_987 = tpu.memref_squeeze %dma_start3A_986 : memref<1x8x64xf32, #tpu.memory_space<hbm>> -> memref<8x64xf32, #tpu.memory_space<hbm>>
      %dma_start3A_988 = arith.constant 0 : i32
      %dma_start3A_989 = arith.constant 0 : i32
      %dma_start3A_990 = tpu.memref_slice %arg11[%dma_start3A_979, %dma_start3A_988, %dma_start3A_989] : memref<32x8x64xf32, #tpu.memory_space<vmem>> -> memref<1x8x64xf32, #tpu.memory_space<vmem>>
      %dma_start3A_991 = tpu.memref_squeeze %dma_start3A_990 : memref<1x8x64xf32, #tpu.memory_space<vmem>> -> memref<8x64xf32, #tpu.memory_space<vmem>>
      %dma_start3A_992 = arith.constant 0 : i32
      %dma_start3A_993 = arith.constant 0 : i32
      %dma_start3A_994 = tpu.memref_slice %arg2[%squeeze3A_978, %dma_start3A_992, %dma_start3A_993] : memref<125000x8x64xf32, #tpu.memory_space<hbm>> -> memref<1x8x64xf32, #tpu.memory_space<hbm>>
      %dma_start3A_995 = tpu.memref_squeeze %dma_start3A_994 : memref<1x8x64xf32, #tpu.memory_space<hbm>> -> memref<8x64xf32, #tpu.memory_space<hbm>>
      tpu.enqueue_dma source(%dma_start3A_995 : memref<8x64xf32, #tpu.memory_space<hbm>>) target(%dma_start3A_991 : memref<8x64xf32, #tpu.memory_space<vmem>>) target_semaphore(%arg16 : memref<!tpu.dma_semaphore, #tpu.memory_space<semaphore_mem>>)
      %slice3A_996 = vector.extract_strided_slice %get3A_634 {offsets = [9], sizes = [1], strides = [1]} : vector<16xi32> to vector<1xi32>
      %squeeze3A_997 = vector.extract %slice3A_996[0] : i32 from vector<1xi32>
      %dma_start3A_998 = arith.constant 25 : i32
      %dma_start3A_999 = arith.constant 0 : i32
      %dma_start3A_1000 = arith.constant 0 : i32
      %dma_start3A_1001 = tpu.memref_slice %arg12[%dma_start3A_998, %dma_start3A_999, %dma_start3A_1000] : memref<32x8x64xf32, #tpu.memory_space<vmem>> -> memref<1x8x64xf32, #tpu.memory_space<vmem>>
      %dma_start3A_1002 = tpu.memref_squeeze %dma_start3A_1001 : memref<1x8x64xf32, #tpu.memory_space<vmem>> -> memref<8x64xf32, #tpu.memory_space<vmem>>
      %dma_start3A_1003 = arith.constant 0 : i32
      %dma_start3A_1004 = arith.constant 0 : i32
      %dma_start3A_1005 = tpu.memref_slice %arg3[%squeeze3A_997, %dma_start3A_1003, %dma_start3A_1004] : memref<125000x8x64xf32, #tpu.memory_space<hbm>> -> memref<1x8x64xf32, #tpu.memory_space<hbm>>
      %dma_start3A_1006 = tpu.memref_squeeze %dma_start3A_1005 : memref<1x8x64xf32, #tpu.memory_space<hbm>> -> memref<8x64xf32, #tpu.memory_space<hbm>>
      %dma_start3A_1007 = arith.constant 0 : i32
      %dma_start3A_1008 = arith.constant 0 : i32
      %dma_start3A_1009 = tpu.memref_slice %arg12[%dma_start3A_998, %dma_start3A_1007, %dma_start3A_1008] : memref<32x8x64xf32, #tpu.memory_space<vmem>> -> memref<1x8x64xf32, #tpu.memory_space<vmem>>
      %dma_start3A_1010 = tpu.memref_squeeze %dma_start3A_1009 : memref<1x8x64xf32, #tpu.memory_space<vmem>> -> memref<8x64xf32, #tpu.memory_space<vmem>>
      %dma_start3A_1011 = arith.constant 0 : i32
      %dma_start3A_1012 = arith.constant 0 : i32
      %dma_start3A_1013 = tpu.memref_slice %arg3[%squeeze3A_997, %dma_start3A_1011, %dma_start3A_1012] : memref<125000x8x64xf32, #tpu.memory_space<hbm>> -> memref<1x8x64xf32, #tpu.memory_space<hbm>>
      %dma_start3A_1014 = tpu.memref_squeeze %dma_start3A_1013 : memref<1x8x64xf32, #tpu.memory_space<hbm>> -> memref<8x64xf32, #tpu.memory_space<hbm>>
      tpu.enqueue_dma source(%dma_start3A_1014 : memref<8x64xf32, #tpu.memory_space<hbm>>) target(%dma_start3A_1010 : memref<8x64xf32, #tpu.memory_space<vmem>>) target_semaphore(%arg17 : memref<!tpu.dma_semaphore, #tpu.memory_space<semaphore_mem>>)
      %slice3A_1015 = vector.extract_strided_slice %get3A_632 {offsets = [10], sizes = [1], strides = [1]} : vector<16xi32> to vector<1xi32>
      %squeeze3A_1016 = vector.extract %slice3A_1015[0] : i32 from vector<1xi32>
      %dma_start3A_1017 = arith.constant 26 : i32
      %dma_start3A_1018 = arith.constant 0 : i32
      %dma_start3A_1019 = arith.constant 0 : i32
      %dma_start3A_1020 = tpu.memref_slice %arg11[%dma_start3A_1017, %dma_start3A_1018, %dma_start3A_1019] : memref<32x8x64xf32, #tpu.memory_space<vmem>> -> memref<1x8x64xf32, #tpu.memory_space<vmem>>
      %dma_start3A_1021 = tpu.memref_squeeze %dma_start3A_1020 : memref<1x8x64xf32, #tpu.memory_space<vmem>> -> memref<8x64xf32, #tpu.memory_space<vmem>>
      %dma_start3A_1022 = arith.constant 0 : i32
      %dma_start3A_1023 = arith.constant 0 : i32
      %dma_start3A_1024 = tpu.memref_slice %arg2[%squeeze3A_1016, %dma_start3A_1022, %dma_start3A_1023] : memref<125000x8x64xf32, #tpu.memory_space<hbm>> -> memref<1x8x64xf32, #tpu.memory_space<hbm>>
      %dma_start3A_1025 = tpu.memref_squeeze %dma_start3A_1024 : memref<1x8x64xf32, #tpu.memory_space<hbm>> -> memref<8x64xf32, #tpu.memory_space<hbm>>
      %dma_start3A_1026 = arith.constant 0 : i32
      %dma_start3A_1027 = arith.constant 0 : i32
      %dma_start3A_1028 = tpu.memref_slice %arg11[%dma_start3A_1017, %dma_start3A_1026, %dma_start3A_1027] : memref<32x8x64xf32, #tpu.memory_space<vmem>> -> memref<1x8x64xf32, #tpu.memory_space<vmem>>
      %dma_start3A_1029 = tpu.memref_squeeze %dma_start3A_1028 : memref<1x8x64xf32, #tpu.memory_space<vmem>> -> memref<8x64xf32, #tpu.memory_space<vmem>>
      %dma_start3A_1030 = arith.constant 0 : i32
      %dma_start3A_1031 = arith.constant 0 : i32
      %dma_start3A_1032 = tpu.memref_slice %arg2[%squeeze3A_1016, %dma_start3A_1030, %dma_start3A_1031] : memref<125000x8x64xf32, #tpu.memory_space<hbm>> -> memref<1x8x64xf32, #tpu.memory_space<hbm>>
      %dma_start3A_1033 = tpu.memref_squeeze %dma_start3A_1032 : memref<1x8x64xf32, #tpu.memory_space<hbm>> -> memref<8x64xf32, #tpu.memory_space<hbm>>
      tpu.enqueue_dma source(%dma_start3A_1033 : memref<8x64xf32, #tpu.memory_space<hbm>>) target(%dma_start3A_1029 : memref<8x64xf32, #tpu.memory_space<vmem>>) target_semaphore(%arg14 : memref<!tpu.dma_semaphore, #tpu.memory_space<semaphore_mem>>)
      %slice3A_1034 = vector.extract_strided_slice %get3A_634 {offsets = [10], sizes = [1], strides = [1]} : vector<16xi32> to vector<1xi32>
      %squeeze3A_1035 = vector.extract %slice3A_1034[0] : i32 from vector<1xi32>
      %dma_start3A_1036 = arith.constant 26 : i32
      %dma_start3A_1037 = arith.constant 0 : i32
      %dma_start3A_1038 = arith.constant 0 : i32
      %dma_start3A_1039 = tpu.memref_slice %arg12[%dma_start3A_1036, %dma_start3A_1037, %dma_start3A_1038] : memref<32x8x64xf32, #tpu.memory_space<vmem>> -> memref<1x8x64xf32, #tpu.memory_space<vmem>>
      %dma_start3A_1040 = tpu.memref_squeeze %dma_start3A_1039 : memref<1x8x64xf32, #tpu.memory_space<vmem>> -> memref<8x64xf32, #tpu.memory_space<vmem>>
      %dma_start3A_1041 = arith.constant 0 : i32
      %dma_start3A_1042 = arith.constant 0 : i32
      %dma_start3A_1043 = tpu.memref_slice %arg3[%squeeze3A_1035, %dma_start3A_1041, %dma_start3A_1042] : memref<125000x8x64xf32, #tpu.memory_space<hbm>> -> memref<1x8x64xf32, #tpu.memory_space<hbm>>
      %dma_start3A_1044 = tpu.memref_squeeze %dma_start3A_1043 : memref<1x8x64xf32, #tpu.memory_space<hbm>> -> memref<8x64xf32, #tpu.memory_space<hbm>>
      %dma_start3A_1045 = arith.constant 0 : i32
      %dma_start3A_1046 = arith.constant 0 : i32
      %dma_start3A_1047 = tpu.memref_slice %arg12[%dma_start3A_1036, %dma_start3A_1045, %dma_start3A_1046] : memref<32x8x64xf32, #tpu.memory_space<vmem>> -> memref<1x8x64xf32, #tpu.memory_space<vmem>>
      %dma_start3A_1048 = tpu.memref_squeeze %dma_start3A_1047 : memref<1x8x64xf32, #tpu.memory_space<vmem>> -> memref<8x64xf32, #tpu.memory_space<vmem>>
      %dma_start3A_1049 = arith.constant 0 : i32
      %dma_start3A_1050 = arith.constant 0 : i32
      %dma_start3A_1051 = tpu.memref_slice %arg3[%squeeze3A_1035, %dma_start3A_1049, %dma_start3A_1050] : memref<125000x8x64xf32, #tpu.memory_space<hbm>> -> memref<1x8x64xf32, #tpu.memory_space<hbm>>
      %dma_start3A_1052 = tpu.memref_squeeze %dma_start3A_1051 : memref<1x8x64xf32, #tpu.memory_space<hbm>> -> memref<8x64xf32, #tpu.memory_space<hbm>>
      tpu.enqueue_dma source(%dma_start3A_1052 : memref<8x64xf32, #tpu.memory_space<hbm>>) target(%dma_start3A_1048 : memref<8x64xf32, #tpu.memory_space<vmem>>) target_semaphore(%arg15 : memref<!tpu.dma_semaphore, #tpu.memory_space<semaphore_mem>>)
      %slice3A_1053 = vector.extract_strided_slice %get3A_632 {offsets = [11], sizes = [1], strides = [1]} : vector<16xi32> to vector<1xi32>
      %squeeze3A_1054 = vector.extract %slice3A_1053[0] : i32 from vector<1xi32>
      %dma_start3A_1055 = arith.constant 27 : i32
      %dma_start3A_1056 = arith.constant 0 : i32
      %dma_start3A_1057 = arith.constant 0 : i32
      %dma_start3A_1058 = tpu.memref_slice %arg11[%dma_start3A_1055, %dma_start3A_1056, %dma_start3A_1057] : memref<32x8x64xf32, #tpu.memory_space<vmem>> -> memref<1x8x64xf32, #tpu.memory_space<vmem>>
      %dma_start3A_1059 = tpu.memref_squeeze %dma_start3A_1058 : memref<1x8x64xf32, #tpu.memory_space<vmem>> -> memref<8x64xf32, #tpu.memory_space<vmem>>
      %dma_start3A_1060 = arith.constant 0 : i32
      %dma_start3A_1061 = arith.constant 0 : i32
      %dma_start3A_1062 = tpu.memref_slice %arg2[%squeeze3A_1054, %dma_start3A_1060, %dma_start3A_1061] : memref<125000x8x64xf32, #tpu.memory_space<hbm>> -> memref<1x8x64xf32, #tpu.memory_space<hbm>>
      %dma_start3A_1063 = tpu.memref_squeeze %dma_start3A_1062 : memref<1x8x64xf32, #tpu.memory_space<hbm>> -> memref<8x64xf32, #tpu.memory_space<hbm>>
      %dma_start3A_1064 = arith.constant 0 : i32
      %dma_start3A_1065 = arith.constant 0 : i32
      %dma_start3A_1066 = tpu.memref_slice %arg11[%dma_start3A_1055, %dma_start3A_1064, %dma_start3A_1065] : memref<32x8x64xf32, #tpu.memory_space<vmem>> -> memref<1x8x64xf32, #tpu.memory_space<vmem>>
      %dma_start3A_1067 = tpu.memref_squeeze %dma_start3A_1066 : memref<1x8x64xf32, #tpu.memory_space<vmem>> -> memref<8x64xf32, #tpu.memory_space<vmem>>
      %dma_start3A_1068 = arith.constant 0 : i32
      %dma_start3A_1069 = arith.constant 0 : i32
      %dma_start3A_1070 = tpu.memref_slice %arg2[%squeeze3A_1054, %dma_start3A_1068, %dma_start3A_1069] : memref<125000x8x64xf32, #tpu.memory_space<hbm>> -> memref<1x8x64xf32, #tpu.memory_space<hbm>>
      %dma_start3A_1071 = tpu.memref_squeeze %dma_start3A_1070 : memref<1x8x64xf32, #tpu.memory_space<hbm>> -> memref<8x64xf32, #tpu.memory_space<hbm>>
      tpu.enqueue_dma source(%dma_start3A_1071 : memref<8x64xf32, #tpu.memory_space<hbm>>) target(%dma_start3A_1067 : memref<8x64xf32, #tpu.memory_space<vmem>>) target_semaphore(%arg16 : memref<!tpu.dma_semaphore, #tpu.memory_space<semaphore_mem>>)
      %slice3A_1072 = vector.extract_strided_slice %get3A_634 {offsets = [11], sizes = [1], strides = [1]} : vector<16xi32> to vector<1xi32>
      %squeeze3A_1073 = vector.extract %slice3A_1072[0] : i32 from vector<1xi32>
      %dma_start3A_1074 = arith.constant 27 : i32
      %dma_start3A_1075 = arith.constant 0 : i32
      %dma_start3A_1076 = arith.constant 0 : i32
      %dma_start3A_1077 = tpu.memref_slice %arg12[%dma_start3A_1074, %dma_start3A_1075, %dma_start3A_1076] : memref<32x8x64xf32, #tpu.memory_space<vmem>> -> memref<1x8x64xf32, #tpu.memory_space<vmem>>
      %dma_start3A_1078 = tpu.memref_squeeze %dma_start3A_1077 : memref<1x8x64xf32, #tpu.memory_space<vmem>> -> memref<8x64xf32, #tpu.memory_space<vmem>>
      %dma_start3A_1079 = arith.constant 0 : i32
      %dma_start3A_1080 = arith.constant 0 : i32
      %dma_start3A_1081 = tpu.memref_slice %arg3[%squeeze3A_1073, %dma_start3A_1079, %dma_start3A_1080] : memref<125000x8x64xf32, #tpu.memory_space<hbm>> -> memref<1x8x64xf32, #tpu.memory_space<hbm>>
      %dma_start3A_1082 = tpu.memref_squeeze %dma_start3A_1081 : memref<1x8x64xf32, #tpu.memory_space<hbm>> -> memref<8x64xf32, #tpu.memory_space<hbm>>
      %dma_start3A_1083 = arith.constant 0 : i32
      %dma_start3A_1084 = arith.constant 0 : i32
      %dma_start3A_1085 = tpu.memref_slice %arg12[%dma_start3A_1074, %dma_start3A_1083, %dma_start3A_1084] : memref<32x8x64xf32, #tpu.memory_space<vmem>> -> memref<1x8x64xf32, #tpu.memory_space<vmem>>
      %dma_start3A_1086 = tpu.memref_squeeze %dma_start3A_1085 : memref<1x8x64xf32, #tpu.memory_space<vmem>> -> memref<8x64xf32, #tpu.memory_space<vmem>>
      %dma_start3A_1087 = arith.constant 0 : i32
      %dma_start3A_1088 = arith.constant 0 : i32
      %dma_start3A_1089 = tpu.memref_slice %arg3[%squeeze3A_1073, %dma_start3A_1087, %dma_start3A_1088] : memref<125000x8x64xf32, #tpu.memory_space<hbm>> -> memref<1x8x64xf32, #tpu.memory_space<hbm>>
      %dma_start3A_1090 = tpu.memref_squeeze %dma_start3A_1089 : memref<1x8x64xf32, #tpu.memory_space<hbm>> -> memref<8x64xf32, #tpu.memory_space<hbm>>
      tpu.enqueue_dma source(%dma_start3A_1090 : memref<8x64xf32, #tpu.memory_space<hbm>>) target(%dma_start3A_1086 : memref<8x64xf32, #tpu.memory_space<vmem>>) target_semaphore(%arg17 : memref<!tpu.dma_semaphore, #tpu.memory_space<semaphore_mem>>)
      %slice3A_1091 = vector.extract_strided_slice %get3A_632 {offsets = [12], sizes = [1], strides = [1]} : vector<16xi32> to vector<1xi32>
      %squeeze3A_1092 = vector.extract %slice3A_1091[0] : i32 from vector<1xi32>
      %dma_start3A_1093 = arith.constant 28 : i32
      %dma_start3A_1094 = arith.constant 0 : i32
      %dma_start3A_1095 = arith.constant 0 : i32
      %dma_start3A_1096 = tpu.memref_slice %arg11[%dma_start3A_1093, %dma_start3A_1094, %dma_start3A_1095] : memref<32x8x64xf32, #tpu.memory_space<vmem>> -> memref<1x8x64xf32, #tpu.memory_space<vmem>>
      %dma_start3A_1097 = tpu.memref_squeeze %dma_start3A_1096 : memref<1x8x64xf32, #tpu.memory_space<vmem>> -> memref<8x64xf32, #tpu.memory_space<vmem>>
      %dma_start3A_1098 = arith.constant 0 : i32
      %dma_start3A_1099 = arith.constant 0 : i32
      %dma_start3A_1100 = tpu.memref_slice %arg2[%squeeze3A_1092, %dma_start3A_1098, %dma_start3A_1099] : memref<125000x8x64xf32, #tpu.memory_space<hbm>> -> memref<1x8x64xf32, #tpu.memory_space<hbm>>
      %dma_start3A_1101 = tpu.memref_squeeze %dma_start3A_1100 : memref<1x8x64xf32, #tpu.memory_space<hbm>> -> memref<8x64xf32, #tpu.memory_space<hbm>>
      %dma_start3A_1102 = arith.constant 0 : i32
      %dma_start3A_1103 = arith.constant 0 : i32
      %dma_start3A_1104 = tpu.memref_slice %arg11[%dma_start3A_1093, %dma_start3A_1102, %dma_start3A_1103] : memref<32x8x64xf32, #tpu.memory_space<vmem>> -> memref<1x8x64xf32, #tpu.memory_space<vmem>>
      %dma_start3A_1105 = tpu.memref_squeeze %dma_start3A_1104 : memref<1x8x64xf32, #tpu.memory_space<vmem>> -> memref<8x64xf32, #tpu.memory_space<vmem>>
      %dma_start3A_1106 = arith.constant 0 : i32
      %dma_start3A_1107 = arith.constant 0 : i32
      %dma_start3A_1108 = tpu.memref_slice %arg2[%squeeze3A_1092, %dma_start3A_1106, %dma_start3A_1107] : memref<125000x8x64xf32, #tpu.memory_space<hbm>> -> memref<1x8x64xf32, #tpu.memory_space<hbm>>
      %dma_start3A_1109 = tpu.memref_squeeze %dma_start3A_1108 : memref<1x8x64xf32, #tpu.memory_space<hbm>> -> memref<8x64xf32, #tpu.memory_space<hbm>>
      tpu.enqueue_dma source(%dma_start3A_1109 : memref<8x64xf32, #tpu.memory_space<hbm>>) target(%dma_start3A_1105 : memref<8x64xf32, #tpu.memory_space<vmem>>) target_semaphore(%arg14 : memref<!tpu.dma_semaphore, #tpu.memory_space<semaphore_mem>>)
      %slice3A_1110 = vector.extract_strided_slice %get3A_634 {offsets = [12], sizes = [1], strides = [1]} : vector<16xi32> to vector<1xi32>
      %squeeze3A_1111 = vector.extract %slice3A_1110[0] : i32 from vector<1xi32>
      %dma_start3A_1112 = arith.constant 28 : i32
      %dma_start3A_1113 = arith.constant 0 : i32
      %dma_start3A_1114 = arith.constant 0 : i32
      %dma_start3A_1115 = tpu.memref_slice %arg12[%dma_start3A_1112, %dma_start3A_1113, %dma_start3A_1114] : memref<32x8x64xf32, #tpu.memory_space<vmem>> -> memref<1x8x64xf32, #tpu.memory_space<vmem>>
      %dma_start3A_1116 = tpu.memref_squeeze %dma_start3A_1115 : memref<1x8x64xf32, #tpu.memory_space<vmem>> -> memref<8x64xf32, #tpu.memory_space<vmem>>
      %dma_start3A_1117 = arith.constant 0 : i32
      %dma_start3A_1118 = arith.constant 0 : i32
      %dma_start3A_1119 = tpu.memref_slice %arg3[%squeeze3A_1111, %dma_start3A_1117, %dma_start3A_1118] : memref<125000x8x64xf32, #tpu.memory_space<hbm>> -> memref<1x8x64xf32, #tpu.memory_space<hbm>>
      %dma_start3A_1120 = tpu.memref_squeeze %dma_start3A_1119 : memref<1x8x64xf32, #tpu.memory_space<hbm>> -> memref<8x64xf32, #tpu.memory_space<hbm>>
      %dma_start3A_1121 = arith.constant 0 : i32
      %dma_start3A_1122 = arith.constant 0 : i32
      %dma_start3A_1123 = tpu.memref_slice %arg12[%dma_start3A_1112, %dma_start3A_1121, %dma_start3A_1122] : memref<32x8x64xf32, #tpu.memory_space<vmem>> -> memref<1x8x64xf32, #tpu.memory_space<vmem>>
      %dma_start3A_1124 = tpu.memref_squeeze %dma_start3A_1123 : memref<1x8x64xf32, #tpu.memory_space<vmem>> -> memref<8x64xf32, #tpu.memory_space<vmem>>
      %dma_start3A_1125 = arith.constant 0 : i32
      %dma_start3A_1126 = arith.constant 0 : i32
      %dma_start3A_1127 = tpu.memref_slice %arg3[%squeeze3A_1111, %dma_start3A_1125, %dma_start3A_1126] : memref<125000x8x64xf32, #tpu.memory_space<hbm>> -> memref<1x8x64xf32, #tpu.memory_space<hbm>>
      %dma_start3A_1128 = tpu.memref_squeeze %dma_start3A_1127 : memref<1x8x64xf32, #tpu.memory_space<hbm>> -> memref<8x64xf32, #tpu.memory_space<hbm>>
      tpu.enqueue_dma source(%dma_start3A_1128 : memref<8x64xf32, #tpu.memory_space<hbm>>) target(%dma_start3A_1124 : memref<8x64xf32, #tpu.memory_space<vmem>>) target_semaphore(%arg15 : memref<!tpu.dma_semaphore, #tpu.memory_space<semaphore_mem>>)
      %slice3A_1129 = vector.extract_strided_slice %get3A_632 {offsets = [13], sizes = [1], strides = [1]} : vector<16xi32> to vector<1xi32>
      %squeeze3A_1130 = vector.extract %slice3A_1129[0] : i32 from vector<1xi32>
      %dma_start3A_1131 = arith.constant 29 : i32
      %dma_start3A_1132 = arith.constant 0 : i32
      %dma_start3A_1133 = arith.constant 0 : i32
      %dma_start3A_1134 = tpu.memref_slice %arg11[%dma_start3A_1131, %dma_start3A_1132, %dma_start3A_1133] : memref<32x8x64xf32, #tpu.memory_space<vmem>> -> memref<1x8x64xf32, #tpu.memory_space<vmem>>
      %dma_start3A_1135 = tpu.memref_squeeze %dma_start3A_1134 : memref<1x8x64xf32, #tpu.memory_space<vmem>> -> memref<8x64xf32, #tpu.memory_space<vmem>>
      %dma_start3A_1136 = arith.constant 0 : i32
      %dma_start3A_1137 = arith.constant 0 : i32
      %dma_start3A_1138 = tpu.memref_slice %arg2[%squeeze3A_1130, %dma_start3A_1136, %dma_start3A_1137] : memref<125000x8x64xf32, #tpu.memory_space<hbm>> -> memref<1x8x64xf32, #tpu.memory_space<hbm>>
      %dma_start3A_1139 = tpu.memref_squeeze %dma_start3A_1138 : memref<1x8x64xf32, #tpu.memory_space<hbm>> -> memref<8x64xf32, #tpu.memory_space<hbm>>
      %dma_start3A_1140 = arith.constant 0 : i32
      %dma_start3A_1141 = arith.constant 0 : i32
      %dma_start3A_1142 = tpu.memref_slice %arg11[%dma_start3A_1131, %dma_start3A_1140, %dma_start3A_1141] : memref<32x8x64xf32, #tpu.memory_space<vmem>> -> memref<1x8x64xf32, #tpu.memory_space<vmem>>
      %dma_start3A_1143 = tpu.memref_squeeze %dma_start3A_1142 : memref<1x8x64xf32, #tpu.memory_space<vmem>> -> memref<8x64xf32, #tpu.memory_space<vmem>>
      %dma_start3A_1144 = arith.constant 0 : i32
      %dma_start3A_1145 = arith.constant 0 : i32
      %dma_start3A_1146 = tpu.memref_slice %arg2[%squeeze3A_1130, %dma_start3A_1144, %dma_start3A_1145] : memref<125000x8x64xf32, #tpu.memory_space<hbm>> -> memref<1x8x64xf32, #tpu.memory_space<hbm>>
      %dma_start3A_1147 = tpu.memref_squeeze %dma_start3A_1146 : memref<1x8x64xf32, #tpu.memory_space<hbm>> -> memref<8x64xf32, #tpu.memory_space<hbm>>
      tpu.enqueue_dma source(%dma_start3A_1147 : memref<8x64xf32, #tpu.memory_space<hbm>>) target(%dma_start3A_1143 : memref<8x64xf32, #tpu.memory_space<vmem>>) target_semaphore(%arg16 : memref<!tpu.dma_semaphore, #tpu.memory_space<semaphore_mem>>)
      %slice3A_1148 = vector.extract_strided_slice %get3A_634 {offsets = [13], sizes = [1], strides = [1]} : vector<16xi32> to vector<1xi32>
      %squeeze3A_1149 = vector.extract %slice3A_1148[0] : i32 from vector<1xi32>
      %dma_start3A_1150 = arith.constant 29 : i32
      %dma_start3A_1151 = arith.constant 0 : i32
      %dma_start3A_1152 = arith.constant 0 : i32
      %dma_start3A_1153 = tpu.memref_slice %arg12[%dma_start3A_1150, %dma_start3A_1151, %dma_start3A_1152] : memref<32x8x64xf32, #tpu.memory_space<vmem>> -> memref<1x8x64xf32, #tpu.memory_space<vmem>>
      %dma_start3A_1154 = tpu.memref_squeeze %dma_start3A_1153 : memref<1x8x64xf32, #tpu.memory_space<vmem>> -> memref<8x64xf32, #tpu.memory_space<vmem>>
      %dma_start3A_1155 = arith.constant 0 : i32
      %dma_start3A_1156 = arith.constant 0 : i32
      %dma_start3A_1157 = tpu.memref_slice %arg3[%squeeze3A_1149, %dma_start3A_1155, %dma_start3A_1156] : memref<125000x8x64xf32, #tpu.memory_space<hbm>> -> memref<1x8x64xf32, #tpu.memory_space<hbm>>
      %dma_start3A_1158 = tpu.memref_squeeze %dma_start3A_1157 : memref<1x8x64xf32, #tpu.memory_space<hbm>> -> memref<8x64xf32, #tpu.memory_space<hbm>>
      %dma_start3A_1159 = arith.constant 0 : i32
      %dma_start3A_1160 = arith.constant 0 : i32
      %dma_start3A_1161 = tpu.memref_slice %arg12[%dma_start3A_1150, %dma_start3A_1159, %dma_start3A_1160] : memref<32x8x64xf32, #tpu.memory_space<vmem>> -> memref<1x8x64xf32, #tpu.memory_space<vmem>>
      %dma_start3A_1162 = tpu.memref_squeeze %dma_start3A_1161 : memref<1x8x64xf32, #tpu.memory_space<vmem>> -> memref<8x64xf32, #tpu.memory_space<vmem>>
      %dma_start3A_1163 = arith.constant 0 : i32
      %dma_start3A_1164 = arith.constant 0 : i32
      %dma_start3A_1165 = tpu.memref_slice %arg3[%squeeze3A_1149, %dma_start3A_1163, %dma_start3A_1164] : memref<125000x8x64xf32, #tpu.memory_space<hbm>> -> memref<1x8x64xf32, #tpu.memory_space<hbm>>
      %dma_start3A_1166 = tpu.memref_squeeze %dma_start3A_1165 : memref<1x8x64xf32, #tpu.memory_space<hbm>> -> memref<8x64xf32, #tpu.memory_space<hbm>>
      tpu.enqueue_dma source(%dma_start3A_1166 : memref<8x64xf32, #tpu.memory_space<hbm>>) target(%dma_start3A_1162 : memref<8x64xf32, #tpu.memory_space<vmem>>) target_semaphore(%arg17 : memref<!tpu.dma_semaphore, #tpu.memory_space<semaphore_mem>>)
      %slice3A_1167 = vector.extract_strided_slice %get3A_632 {offsets = [14], sizes = [1], strides = [1]} : vector<16xi32> to vector<1xi32>
      %squeeze3A_1168 = vector.extract %slice3A_1167[0] : i32 from vector<1xi32>
      %dma_start3A_1169 = arith.constant 30 : i32
      %dma_start3A_1170 = arith.constant 0 : i32
      %dma_start3A_1171 = arith.constant 0 : i32
      %dma_start3A_1172 = tpu.memref_slice %arg11[%dma_start3A_1169, %dma_start3A_1170, %dma_start3A_1171] : memref<32x8x64xf32, #tpu.memory_space<vmem>> -> memref<1x8x64xf32, #tpu.memory_space<vmem>>
      %dma_start3A_1173 = tpu.memref_squeeze %dma_start3A_1172 : memref<1x8x64xf32, #tpu.memory_space<vmem>> -> memref<8x64xf32, #tpu.memory_space<vmem>>
      %dma_start3A_1174 = arith.constant 0 : i32
      %dma_start3A_1175 = arith.constant 0 : i32
      %dma_start3A_1176 = tpu.memref_slice %arg2[%squeeze3A_1168, %dma_start3A_1174, %dma_start3A_1175] : memref<125000x8x64xf32, #tpu.memory_space<hbm>> -> memref<1x8x64xf32, #tpu.memory_space<hbm>>
      %dma_start3A_1177 = tpu.memref_squeeze %dma_start3A_1176 : memref<1x8x64xf32, #tpu.memory_space<hbm>> -> memref<8x64xf32, #tpu.memory_space<hbm>>
      %dma_start3A_1178 = arith.constant 0 : i32
      %dma_start3A_1179 = arith.constant 0 : i32
      %dma_start3A_1180 = tpu.memref_slice %arg11[%dma_start3A_1169, %dma_start3A_1178, %dma_start3A_1179] : memref<32x8x64xf32, #tpu.memory_space<vmem>> -> memref<1x8x64xf32, #tpu.memory_space<vmem>>
      %dma_start3A_1181 = tpu.memref_squeeze %dma_start3A_1180 : memref<1x8x64xf32, #tpu.memory_space<vmem>> -> memref<8x64xf32, #tpu.memory_space<vmem>>
      %dma_start3A_1182 = arith.constant 0 : i32
      %dma_start3A_1183 = arith.constant 0 : i32
      %dma_start3A_1184 = tpu.memref_slice %arg2[%squeeze3A_1168, %dma_start3A_1182, %dma_start3A_1183] : memref<125000x8x64xf32, #tpu.memory_space<hbm>> -> memref<1x8x64xf32, #tpu.memory_space<hbm>>
      %dma_start3A_1185 = tpu.memref_squeeze %dma_start3A_1184 : memref<1x8x64xf32, #tpu.memory_space<hbm>> -> memref<8x64xf32, #tpu.memory_space<hbm>>
      tpu.enqueue_dma source(%dma_start3A_1185 : memref<8x64xf32, #tpu.memory_space<hbm>>) target(%dma_start3A_1181 : memref<8x64xf32, #tpu.memory_space<vmem>>) target_semaphore(%arg14 : memref<!tpu.dma_semaphore, #tpu.memory_space<semaphore_mem>>)
      %slice3A_1186 = vector.extract_strided_slice %get3A_634 {offsets = [14], sizes = [1], strides = [1]} : vector<16xi32> to vector<1xi32>
      %squeeze3A_1187 = vector.extract %slice3A_1186[0] : i32 from vector<1xi32>
      %dma_start3A_1188 = arith.constant 30 : i32
      %dma_start3A_1189 = arith.constant 0 : i32
      %dma_start3A_1190 = arith.constant 0 : i32
      %dma_start3A_1191 = tpu.memref_slice %arg12[%dma_start3A_1188, %dma_start3A_1189, %dma_start3A_1190] : memref<32x8x64xf32, #tpu.memory_space<vmem>> -> memref<1x8x64xf32, #tpu.memory_space<vmem>>
      %dma_start3A_1192 = tpu.memref_squeeze %dma_start3A_1191 : memref<1x8x64xf32, #tpu.memory_space<vmem>> -> memref<8x64xf32, #tpu.memory_space<vmem>>
      %dma_start3A_1193 = arith.constant 0 : i32
      %dma_start3A_1194 = arith.constant 0 : i32
      %dma_start3A_1195 = tpu.memref_slice %arg3[%squeeze3A_1187, %dma_start3A_1193, %dma_start3A_1194] : memref<125000x8x64xf32, #tpu.memory_space<hbm>> -> memref<1x8x64xf32, #tpu.memory_space<hbm>>
      %dma_start3A_1196 = tpu.memref_squeeze %dma_start3A_1195 : memref<1x8x64xf32, #tpu.memory_space<hbm>> -> memref<8x64xf32, #tpu.memory_space<hbm>>
      %dma_start3A_1197 = arith.constant 0 : i32
      %dma_start3A_1198 = arith.constant 0 : i32
      %dma_start3A_1199 = tpu.memref_slice %arg12[%dma_start3A_1188, %dma_start3A_1197, %dma_start3A_1198] : memref<32x8x64xf32, #tpu.memory_space<vmem>> -> memref<1x8x64xf32, #tpu.memory_space<vmem>>
      %dma_start3A_1200 = tpu.memref_squeeze %dma_start3A_1199 : memref<1x8x64xf32, #tpu.memory_space<vmem>> -> memref<8x64xf32, #tpu.memory_space<vmem>>
      %dma_start3A_1201 = arith.constant 0 : i32
      %dma_start3A_1202 = arith.constant 0 : i32
      %dma_start3A_1203 = tpu.memref_slice %arg3[%squeeze3A_1187, %dma_start3A_1201, %dma_start3A_1202] : memref<125000x8x64xf32, #tpu.memory_space<hbm>> -> memref<1x8x64xf32, #tpu.memory_space<hbm>>
      %dma_start3A_1204 = tpu.memref_squeeze %dma_start3A_1203 : memref<1x8x64xf32, #tpu.memory_space<hbm>> -> memref<8x64xf32, #tpu.memory_space<hbm>>
      tpu.enqueue_dma source(%dma_start3A_1204 : memref<8x64xf32, #tpu.memory_space<hbm>>) target(%dma_start3A_1200 : memref<8x64xf32, #tpu.memory_space<vmem>>) target_semaphore(%arg15 : memref<!tpu.dma_semaphore, #tpu.memory_space<semaphore_mem>>)
      %slice3A_1205 = vector.extract_strided_slice %get3A_632 {offsets = [15], sizes = [1], strides = [1]} : vector<16xi32> to vector<1xi32>
      %squeeze3A_1206 = vector.extract %slice3A_1205[0] : i32 from vector<1xi32>
      %dma_start3A_1207 = arith.constant 31 : i32
      %dma_start3A_1208 = arith.constant 0 : i32
      %dma_start3A_1209 = arith.constant 0 : i32
      %dma_start3A_1210 = tpu.memref_slice %arg11[%dma_start3A_1207, %dma_start3A_1208, %dma_start3A_1209] : memref<32x8x64xf32, #tpu.memory_space<vmem>> -> memref<1x8x64xf32, #tpu.memory_space<vmem>>
      %dma_start3A_1211 = tpu.memref_squeeze %dma_start3A_1210 : memref<1x8x64xf32, #tpu.memory_space<vmem>> -> memref<8x64xf32, #tpu.memory_space<vmem>>
      %dma_start3A_1212 = arith.constant 0 : i32
      %dma_start3A_1213 = arith.constant 0 : i32
      %dma_start3A_1214 = tpu.memref_slice %arg2[%squeeze3A_1206, %dma_start3A_1212, %dma_start3A_1213] : memref<125000x8x64xf32, #tpu.memory_space<hbm>> -> memref<1x8x64xf32, #tpu.memory_space<hbm>>
      %dma_start3A_1215 = tpu.memref_squeeze %dma_start3A_1214 : memref<1x8x64xf32, #tpu.memory_space<hbm>> -> memref<8x64xf32, #tpu.memory_space<hbm>>
      %dma_start3A_1216 = arith.constant 0 : i32
      %dma_start3A_1217 = arith.constant 0 : i32
      %dma_start3A_1218 = tpu.memref_slice %arg11[%dma_start3A_1207, %dma_start3A_1216, %dma_start3A_1217] : memref<32x8x64xf32, #tpu.memory_space<vmem>> -> memref<1x8x64xf32, #tpu.memory_space<vmem>>
      %dma_start3A_1219 = tpu.memref_squeeze %dma_start3A_1218 : memref<1x8x64xf32, #tpu.memory_space<vmem>> -> memref<8x64xf32, #tpu.memory_space<vmem>>
      %dma_start3A_1220 = arith.constant 0 : i32
      %dma_start3A_1221 = arith.constant 0 : i32
      %dma_start3A_1222 = tpu.memref_slice %arg2[%squeeze3A_1206, %dma_start3A_1220, %dma_start3A_1221] : memref<125000x8x64xf32, #tpu.memory_space<hbm>> -> memref<1x8x64xf32, #tpu.memory_space<hbm>>
      %dma_start3A_1223 = tpu.memref_squeeze %dma_start3A_1222 : memref<1x8x64xf32, #tpu.memory_space<hbm>> -> memref<8x64xf32, #tpu.memory_space<hbm>>
      tpu.enqueue_dma source(%dma_start3A_1223 : memref<8x64xf32, #tpu.memory_space<hbm>>) target(%dma_start3A_1219 : memref<8x64xf32, #tpu.memory_space<vmem>>) target_semaphore(%arg16 : memref<!tpu.dma_semaphore, #tpu.memory_space<semaphore_mem>>)
      %slice3A_1224 = vector.extract_strided_slice %get3A_634 {offsets = [15], sizes = [1], strides = [1]} : vector<16xi32> to vector<1xi32>
      %squeeze3A_1225 = vector.extract %slice3A_1224[0] : i32 from vector<1xi32>
      %dma_start3A_1226 = arith.constant 31 : i32
      %dma_start3A_1227 = arith.constant 0 : i32
      %dma_start3A_1228 = arith.constant 0 : i32
      %dma_start3A_1229 = tpu.memref_slice %arg12[%dma_start3A_1226, %dma_start3A_1227, %dma_start3A_1228] : memref<32x8x64xf32, #tpu.memory_space<vmem>> -> memref<1x8x64xf32, #tpu.memory_space<vmem>>
      %dma_start3A_1230 = tpu.memref_squeeze %dma_start3A_1229 : memref<1x8x64xf32, #tpu.memory_space<vmem>> -> memref<8x64xf32, #tpu.memory_space<vmem>>
      %dma_start3A_1231 = arith.constant 0 : i32
      %dma_start3A_1232 = arith.constant 0 : i32
      %dma_start3A_1233 = tpu.memref_slice %arg3[%squeeze3A_1225, %dma_start3A_1231, %dma_start3A_1232] : memref<125000x8x64xf32, #tpu.memory_space<hbm>> -> memref<1x8x64xf32, #tpu.memory_space<hbm>>
      %dma_start3A_1234 = tpu.memref_squeeze %dma_start3A_1233 : memref<1x8x64xf32, #tpu.memory_space<hbm>> -> memref<8x64xf32, #tpu.memory_space<hbm>>
      %dma_start3A_1235 = arith.constant 0 : i32
      %dma_start3A_1236 = arith.constant 0 : i32
      %dma_start3A_1237 = tpu.memref_slice %arg12[%dma_start3A_1226, %dma_start3A_1235, %dma_start3A_1236] : memref<32x8x64xf32, #tpu.memory_space<vmem>> -> memref<1x8x64xf32, #tpu.memory_space<vmem>>
      %dma_start3A_1238 = tpu.memref_squeeze %dma_start3A_1237 : memref<1x8x64xf32, #tpu.memory_space<vmem>> -> memref<8x64xf32, #tpu.memory_space<vmem>>
      %dma_start3A_1239 = arith.constant 0 : i32
      %dma_start3A_1240 = arith.constant 0 : i32
      %dma_start3A_1241 = tpu.memref_slice %arg3[%squeeze3A_1225, %dma_start3A_1239, %dma_start3A_1240] : memref<125000x8x64xf32, #tpu.memory_space<hbm>> -> memref<1x8x64xf32, #tpu.memory_space<hbm>>
      %dma_start3A_1242 = tpu.memref_squeeze %dma_start3A_1241 : memref<1x8x64xf32, #tpu.memory_space<hbm>> -> memref<8x64xf32, #tpu.memory_space<hbm>>
      tpu.enqueue_dma source(%dma_start3A_1242 : memref<8x64xf32, #tpu.memory_space<hbm>>) target(%dma_start3A_1238 : memref<8x64xf32, #tpu.memory_space<vmem>>) target_semaphore(%arg17 : memref<!tpu.dma_semaphore, #tpu.memory_space<semaphore_mem>>)
      %dma_wait3A = arith.constant 0 : i32
      %dma_wait3A_1243 = arith.constant 0 : i32
      %dma_wait3A_1244 = arith.constant 0 : i32
      %dma_wait3A_1245 = tpu.memref_slice %arg11[%dma_wait3A, %dma_wait3A_1243, %dma_wait3A_1244] : memref<32x8x64xf32, #tpu.memory_space<vmem>> -> memref<1x8x64xf32, #tpu.memory_space<vmem>>
      %dma_wait3A_1246 = tpu.memref_squeeze %dma_wait3A_1245 : memref<1x8x64xf32, #tpu.memory_space<vmem>> -> memref<8x64xf32, #tpu.memory_space<vmem>>
      %dma_wait3A_1247 = arith.constant 0 : i32
      %dma_wait3A_1248 = arith.constant 0 : i32
      %dma_wait3A_1249 = tpu.memref_slice %arg2[%squeeze3A, %dma_wait3A_1247, %dma_wait3A_1248] : memref<125000x8x64xf32, #tpu.memory_space<hbm>> -> memref<1x8x64xf32, #tpu.memory_space<hbm>>
      %dma_wait3A_1250 = tpu.memref_squeeze %dma_wait3A_1249 : memref<1x8x64xf32, #tpu.memory_space<hbm>> -> memref<8x64xf32, #tpu.memory_space<hbm>>
      %dma_wait3A_1251 = arith.constant 0 : i32
      %dma_wait3A_1252 = arith.constant 0 : i32
      %dma_wait3A_1253 = tpu.memref_slice %arg11[%dma_wait3A, %dma_wait3A_1251, %dma_wait3A_1252] : memref<32x8x64xf32, #tpu.memory_space<vmem>> -> memref<1x8x64xf32, #tpu.memory_space<vmem>>
      %dma_wait3A_1254 = tpu.memref_squeeze %dma_wait3A_1253 : memref<1x8x64xf32, #tpu.memory_space<vmem>> -> memref<8x64xf32, #tpu.memory_space<vmem>>
      %dma_wait3A_1255 = arith.constant 0 : i32
      %dma_wait3A_1256 = arith.constant 0 : i32
      %dma_wait3A_1257 = tpu.memref_slice %arg2[%squeeze3A, %dma_wait3A_1255, %dma_wait3A_1256] : memref<125000x8x64xf32, #tpu.memory_space<hbm>> -> memref<1x8x64xf32, #tpu.memory_space<hbm>>
      %dma_wait3A_1258 = tpu.memref_squeeze %dma_wait3A_1257 : memref<1x8x64xf32, #tpu.memory_space<hbm>> -> memref<8x64xf32, #tpu.memory_space<hbm>>
      tpu.wait_dma2 semaphore(%arg14 : memref<!tpu.dma_semaphore, #tpu.memory_space<semaphore_mem>>) src(%dma_wait3A_1258 : memref<8x64xf32, #tpu.memory_space<hbm>>) dst(%dma_wait3A_1254 : memref<8x64xf32, #tpu.memory_space<vmem>>)
      %dma_wait3A_1259 = arith.constant 0 : i32
      %dma_wait3A_1260 = arith.constant 0 : i32
      %dma_wait3A_1261 = arith.constant 0 : i32
      %dma_wait3A_1262 = tpu.memref_slice %arg12[%dma_wait3A_1259, %dma_wait3A_1260, %dma_wait3A_1261] : memref<32x8x64xf32, #tpu.memory_space<vmem>> -> memref<1x8x64xf32, #tpu.memory_space<vmem>>
      %dma_wait3A_1263 = tpu.memref_squeeze %dma_wait3A_1262 : memref<1x8x64xf32, #tpu.memory_space<vmem>> -> memref<8x64xf32, #tpu.memory_space<vmem>>
      %dma_wait3A_1264 = arith.constant 0 : i32
      %dma_wait3A_1265 = arith.constant 0 : i32
      %dma_wait3A_1266 = tpu.memref_slice %arg3[%squeeze3A_39, %dma_wait3A_1264, %dma_wait3A_1265] : memref<125000x8x64xf32, #tpu.memory_space<hbm>> -> memref<1x8x64xf32, #tpu.memory_space<hbm>>
      %dma_wait3A_1267 = tpu.memref_squeeze %dma_wait3A_1266 : memref<1x8x64xf32, #tpu.memory_space<hbm>> -> memref<8x64xf32, #tpu.memory_space<hbm>>
      %dma_wait3A_1268 = arith.constant 0 : i32
      %dma_wait3A_1269 = arith.constant 0 : i32
      %dma_wait3A_1270 = tpu.memref_slice %arg12[%dma_wait3A_1259, %dma_wait3A_1268, %dma_wait3A_1269] : memref<32x8x64xf32, #tpu.memory_space<vmem>> -> memref<1x8x64xf32, #tpu.memory_space<vmem>>
      %dma_wait3A_1271 = tpu.memref_squeeze %dma_wait3A_1270 : memref<1x8x64xf32, #tpu.memory_space<vmem>> -> memref<8x64xf32, #tpu.memory_space<vmem>>
      %dma_wait3A_1272 = arith.constant 0 : i32
      %dma_wait3A_1273 = arith.constant 0 : i32
      %dma_wait3A_1274 = tpu.memref_slice %arg3[%squeeze3A_39, %dma_wait3A_1272, %dma_wait3A_1273] : memref<125000x8x64xf32, #tpu.memory_space<hbm>> -> memref<1x8x64xf32, #tpu.memory_space<hbm>>
      %dma_wait3A_1275 = tpu.memref_squeeze %dma_wait3A_1274 : memref<1x8x64xf32, #tpu.memory_space<hbm>> -> memref<8x64xf32, #tpu.memory_space<hbm>>
      tpu.wait_dma2 semaphore(%arg15 : memref<!tpu.dma_semaphore, #tpu.memory_space<semaphore_mem>>) src(%dma_wait3A_1275 : memref<8x64xf32, #tpu.memory_space<hbm>>) dst(%dma_wait3A_1271 : memref<8x64xf32, #tpu.memory_space<vmem>>)
      %dma_wait3A_1276 = arith.constant 1 : i32
      %dma_wait3A_1277 = arith.constant 0 : i32
      %dma_wait3A_1278 = arith.constant 0 : i32
      %dma_wait3A_1279 = tpu.memref_slice %arg11[%dma_wait3A_1276, %dma_wait3A_1277, %dma_wait3A_1278] : memref<32x8x64xf32, #tpu.memory_space<vmem>> -> memref<1x8x64xf32, #tpu.memory_space<vmem>>
      %dma_wait3A_1280 = tpu.memref_squeeze %dma_wait3A_1279 : memref<1x8x64xf32, #tpu.memory_space<vmem>> -> memref<8x64xf32, #tpu.memory_space<vmem>>
      %dma_wait3A_1281 = arith.constant 0 : i32
      %dma_wait3A_1282 = arith.constant 0 : i32
      %dma_wait3A_1283 = tpu.memref_slice %arg2[%squeeze3A_58, %dma_wait3A_1281, %dma_wait3A_1282] : memref<125000x8x64xf32, #tpu.memory_space<hbm>> -> memref<1x8x64xf32, #tpu.memory_space<hbm>>
      %dma_wait3A_1284 = tpu.memref_squeeze %dma_wait3A_1283 : memref<1x8x64xf32, #tpu.memory_space<hbm>> -> memref<8x64xf32, #tpu.memory_space<hbm>>
      %dma_wait3A_1285 = arith.constant 0 : i32
      %dma_wait3A_1286 = arith.constant 0 : i32
      %dma_wait3A_1287 = tpu.memref_slice %arg11[%dma_wait3A_1276, %dma_wait3A_1285, %dma_wait3A_1286] : memref<32x8x64xf32, #tpu.memory_space<vmem>> -> memref<1x8x64xf32, #tpu.memory_space<vmem>>
      %dma_wait3A_1288 = tpu.memref_squeeze %dma_wait3A_1287 : memref<1x8x64xf32, #tpu.memory_space<vmem>> -> memref<8x64xf32, #tpu.memory_space<vmem>>
      %dma_wait3A_1289 = arith.constant 0 : i32
      %dma_wait3A_1290 = arith.constant 0 : i32
      %dma_wait3A_1291 = tpu.memref_slice %arg2[%squeeze3A_58, %dma_wait3A_1289, %dma_wait3A_1290] : memref<125000x8x64xf32, #tpu.memory_space<hbm>> -> memref<1x8x64xf32, #tpu.memory_space<hbm>>
      %dma_wait3A_1292 = tpu.memref_squeeze %dma_wait3A_1291 : memref<1x8x64xf32, #tpu.memory_space<hbm>> -> memref<8x64xf32, #tpu.memory_space<hbm>>
      tpu.wait_dma2 semaphore(%arg16 : memref<!tpu.dma_semaphore, #tpu.memory_space<semaphore_mem>>) src(%dma_wait3A_1292 : memref<8x64xf32, #tpu.memory_space<hbm>>) dst(%dma_wait3A_1288 : memref<8x64xf32, #tpu.memory_space<vmem>>)
      %dma_wait3A_1293 = arith.constant 1 : i32
      %dma_wait3A_1294 = arith.constant 0 : i32
      %dma_wait3A_1295 = arith.constant 0 : i32
      %dma_wait3A_1296 = tpu.memref_slice %arg12[%dma_wait3A_1293, %dma_wait3A_1294, %dma_wait3A_1295] : memref<32x8x64xf32, #tpu.memory_space<vmem>> -> memref<1x8x64xf32, #tpu.memory_space<vmem>>
      %dma_wait3A_1297 = tpu.memref_squeeze %dma_wait3A_1296 : memref<1x8x64xf32, #tpu.memory_space<vmem>> -> memref<8x64xf32, #tpu.memory_space<vmem>>
      %dma_wait3A_1298 = arith.constant 0 : i32
      %dma_wait3A_1299 = arith.constant 0 : i32
      %dma_wait3A_1300 = tpu.memref_slice %arg3[%squeeze3A_77, %dma_wait3A_1298, %dma_wait3A_1299] : memref<125000x8x64xf32, #tpu.memory_space<hbm>> -> memref<1x8x64xf32, #tpu.memory_space<hbm>>
      %dma_wait3A_1301 = tpu.memref_squeeze %dma_wait3A_1300 : memref<1x8x64xf32, #tpu.memory_space<hbm>> -> memref<8x64xf32, #tpu.memory_space<hbm>>
      %dma_wait3A_1302 = arith.constant 0 : i32
      %dma_wait3A_1303 = arith.constant 0 : i32
      %dma_wait3A_1304 = tpu.memref_slice %arg12[%dma_wait3A_1293, %dma_wait3A_1302, %dma_wait3A_1303] : memref<32x8x64xf32, #tpu.memory_space<vmem>> -> memref<1x8x64xf32, #tpu.memory_space<vmem>>
      %dma_wait3A_1305 = tpu.memref_squeeze %dma_wait3A_1304 : memref<1x8x64xf32, #tpu.memory_space<vmem>> -> memref<8x64xf32, #tpu.memory_space<vmem>>
      %dma_wait3A_1306 = arith.constant 0 : i32
      %dma_wait3A_1307 = arith.constant 0 : i32
      %dma_wait3A_1308 = tpu.memref_slice %arg3[%squeeze3A_77, %dma_wait3A_1306, %dma_wait3A_1307] : memref<125000x8x64xf32, #tpu.memory_space<hbm>> -> memref<1x8x64xf32, #tpu.memory_space<hbm>>
      %dma_wait3A_1309 = tpu.memref_squeeze %dma_wait3A_1308 : memref<1x8x64xf32, #tpu.memory_space<hbm>> -> memref<8x64xf32, #tpu.memory_space<hbm>>
      tpu.wait_dma2 semaphore(%arg17 : memref<!tpu.dma_semaphore, #tpu.memory_space<semaphore_mem>>) src(%dma_wait3A_1309 : memref<8x64xf32, #tpu.memory_space<hbm>>) dst(%dma_wait3A_1305 : memref<8x64xf32, #tpu.memory_space<vmem>>)
      %dma_wait3A_1310 = arith.constant 2 : i32
      %dma_wait3A_1311 = arith.constant 0 : i32
      %dma_wait3A_1312 = arith.constant 0 : i32
      %dma_wait3A_1313 = tpu.memref_slice %arg11[%dma_wait3A_1310, %dma_wait3A_1311, %dma_wait3A_1312] : memref<32x8x64xf32, #tpu.memory_space<vmem>> -> memref<1x8x64xf32, #tpu.memory_space<vmem>>
      %dma_wait3A_1314 = tpu.memref_squeeze %dma_wait3A_1313 : memref<1x8x64xf32, #tpu.memory_space<vmem>> -> memref<8x64xf32, #tpu.memory_space<vmem>>
      %dma_wait3A_1315 = arith.constant 0 : i32
      %dma_wait3A_1316 = arith.constant 0 : i32
      %dma_wait3A_1317 = tpu.memref_slice %arg2[%squeeze3A_96, %dma_wait3A_1315, %dma_wait3A_1316] : memref<125000x8x64xf32, #tpu.memory_space<hbm>> -> memref<1x8x64xf32, #tpu.memory_space<hbm>>
      %dma_wait3A_1318 = tpu.memref_squeeze %dma_wait3A_1317 : memref<1x8x64xf32, #tpu.memory_space<hbm>> -> memref<8x64xf32, #tpu.memory_space<hbm>>
      %dma_wait3A_1319 = arith.constant 0 : i32
      %dma_wait3A_1320 = arith.constant 0 : i32
      %dma_wait3A_1321 = tpu.memref_slice %arg11[%dma_wait3A_1310, %dma_wait3A_1319, %dma_wait3A_1320] : memref<32x8x64xf32, #tpu.memory_space<vmem>> -> memref<1x8x64xf32, #tpu.memory_space<vmem>>
      %dma_wait3A_1322 = tpu.memref_squeeze %dma_wait3A_1321 : memref<1x8x64xf32, #tpu.memory_space<vmem>> -> memref<8x64xf32, #tpu.memory_space<vmem>>
      %dma_wait3A_1323 = arith.constant 0 : i32
      %dma_wait3A_1324 = arith.constant 0 : i32
      %dma_wait3A_1325 = tpu.memref_slice %arg2[%squeeze3A_96, %dma_wait3A_1323, %dma_wait3A_1324] : memref<125000x8x64xf32, #tpu.memory_space<hbm>> -> memref<1x8x64xf32, #tpu.memory_space<hbm>>
      %dma_wait3A_1326 = tpu.memref_squeeze %dma_wait3A_1325 : memref<1x8x64xf32, #tpu.memory_space<hbm>> -> memref<8x64xf32, #tpu.memory_space<hbm>>
      tpu.wait_dma2 semaphore(%arg14 : memref<!tpu.dma_semaphore, #tpu.memory_space<semaphore_mem>>) src(%dma_wait3A_1326 : memref<8x64xf32, #tpu.memory_space<hbm>>) dst(%dma_wait3A_1322 : memref<8x64xf32, #tpu.memory_space<vmem>>)
      %dma_wait3A_1327 = arith.constant 2 : i32
      %dma_wait3A_1328 = arith.constant 0 : i32
      %dma_wait3A_1329 = arith.constant 0 : i32
      %dma_wait3A_1330 = tpu.memref_slice %arg12[%dma_wait3A_1327, %dma_wait3A_1328, %dma_wait3A_1329] : memref<32x8x64xf32, #tpu.memory_space<vmem>> -> memref<1x8x64xf32, #tpu.memory_space<vmem>>
      %dma_wait3A_1331 = tpu.memref_squeeze %dma_wait3A_1330 : memref<1x8x64xf32, #tpu.memory_space<vmem>> -> memref<8x64xf32, #tpu.memory_space<vmem>>
      %dma_wait3A_1332 = arith.constant 0 : i32
      %dma_wait3A_1333 = arith.constant 0 : i32
      %dma_wait3A_1334 = tpu.memref_slice %arg3[%squeeze3A_115, %dma_wait3A_1332, %dma_wait3A_1333] : memref<125000x8x64xf32, #tpu.memory_space<hbm>> -> memref<1x8x64xf32, #tpu.memory_space<hbm>>
      %dma_wait3A_1335 = tpu.memref_squeeze %dma_wait3A_1334 : memref<1x8x64xf32, #tpu.memory_space<hbm>> -> memref<8x64xf32, #tpu.memory_space<hbm>>
      %dma_wait3A_1336 = arith.constant 0 : i32
      %dma_wait3A_1337 = arith.constant 0 : i32
      %dma_wait3A_1338 = tpu.memref_slice %arg12[%dma_wait3A_1327, %dma_wait3A_1336, %dma_wait3A_1337] : memref<32x8x64xf32, #tpu.memory_space<vmem>> -> memref<1x8x64xf32, #tpu.memory_space<vmem>>
      %dma_wait3A_1339 = tpu.memref_squeeze %dma_wait3A_1338 : memref<1x8x64xf32, #tpu.memory_space<vmem>> -> memref<8x64xf32, #tpu.memory_space<vmem>>
      %dma_wait3A_1340 = arith.constant 0 : i32
      %dma_wait3A_1341 = arith.constant 0 : i32
      %dma_wait3A_1342 = tpu.memref_slice %arg3[%squeeze3A_115, %dma_wait3A_1340, %dma_wait3A_1341] : memref<125000x8x64xf32, #tpu.memory_space<hbm>> -> memref<1x8x64xf32, #tpu.memory_space<hbm>>
      %dma_wait3A_1343 = tpu.memref_squeeze %dma_wait3A_1342 : memref<1x8x64xf32, #tpu.memory_space<hbm>> -> memref<8x64xf32, #tpu.memory_space<hbm>>
      tpu.wait_dma2 semaphore(%arg15 : memref<!tpu.dma_semaphore, #tpu.memory_space<semaphore_mem>>) src(%dma_wait3A_1343 : memref<8x64xf32, #tpu.memory_space<hbm>>) dst(%dma_wait3A_1339 : memref<8x64xf32, #tpu.memory_space<vmem>>)
      %dma_wait3A_1344 = arith.constant 3 : i32
      %dma_wait3A_1345 = arith.constant 0 : i32
      %dma_wait3A_1346 = arith.constant 0 : i32
      %dma_wait3A_1347 = tpu.memref_slice %arg11[%dma_wait3A_1344, %dma_wait3A_1345, %dma_wait3A_1346] : memref<32x8x64xf32, #tpu.memory_space<vmem>> -> memref<1x8x64xf32, #tpu.memory_space<vmem>>
      %dma_wait3A_1348 = tpu.memref_squeeze %dma_wait3A_1347 : memref<1x8x64xf32, #tpu.memory_space<vmem>> -> memref<8x64xf32, #tpu.memory_space<vmem>>
      %dma_wait3A_1349 = arith.constant 0 : i32
      %dma_wait3A_1350 = arith.constant 0 : i32
      %dma_wait3A_1351 = tpu.memref_slice %arg2[%squeeze3A_134, %dma_wait3A_1349, %dma_wait3A_1350] : memref<125000x8x64xf32, #tpu.memory_space<hbm>> -> memref<1x8x64xf32, #tpu.memory_space<hbm>>
      %dma_wait3A_1352 = tpu.memref_squeeze %dma_wait3A_1351 : memref<1x8x64xf32, #tpu.memory_space<hbm>> -> memref<8x64xf32, #tpu.memory_space<hbm>>
      %dma_wait3A_1353 = arith.constant 0 : i32
      %dma_wait3A_1354 = arith.constant 0 : i32
      %dma_wait3A_1355 = tpu.memref_slice %arg11[%dma_wait3A_1344, %dma_wait3A_1353, %dma_wait3A_1354] : memref<32x8x64xf32, #tpu.memory_space<vmem>> -> memref<1x8x64xf32, #tpu.memory_space<vmem>>
      %dma_wait3A_1356 = tpu.memref_squeeze %dma_wait3A_1355 : memref<1x8x64xf32, #tpu.memory_space<vmem>> -> memref<8x64xf32, #tpu.memory_space<vmem>>
      %dma_wait3A_1357 = arith.constant 0 : i32
      %dma_wait3A_1358 = arith.constant 0 : i32
      %dma_wait3A_1359 = tpu.memref_slice %arg2[%squeeze3A_134, %dma_wait3A_1357, %dma_wait3A_1358] : memref<125000x8x64xf32, #tpu.memory_space<hbm>> -> memref<1x8x64xf32, #tpu.memory_space<hbm>>
      %dma_wait3A_1360 = tpu.memref_squeeze %dma_wait3A_1359 : memref<1x8x64xf32, #tpu.memory_space<hbm>> -> memref<8x64xf32, #tpu.memory_space<hbm>>
      tpu.wait_dma2 semaphore(%arg16 : memref<!tpu.dma_semaphore, #tpu.memory_space<semaphore_mem>>) src(%dma_wait3A_1360 : memref<8x64xf32, #tpu.memory_space<hbm>>) dst(%dma_wait3A_1356 : memref<8x64xf32, #tpu.memory_space<vmem>>)
      %dma_wait3A_1361 = arith.constant 3 : i32
      %dma_wait3A_1362 = arith.constant 0 : i32
      %dma_wait3A_1363 = arith.constant 0 : i32
      %dma_wait3A_1364 = tpu.memref_slice %arg12[%dma_wait3A_1361, %dma_wait3A_1362, %dma_wait3A_1363] : memref<32x8x64xf32, #tpu.memory_space<vmem>> -> memref<1x8x64xf32, #tpu.memory_space<vmem>>
      %dma_wait3A_1365 = tpu.memref_squeeze %dma_wait3A_1364 : memref<1x8x64xf32, #tpu.memory_space<vmem>> -> memref<8x64xf32, #tpu.memory_space<vmem>>
      %dma_wait3A_1366 = arith.constant 0 : i32
      %dma_wait3A_1367 = arith.constant 0 : i32
      %dma_wait3A_1368 = tpu.memref_slice %arg3[%squeeze3A_153, %dma_wait3A_1366, %dma_wait3A_1367] : memref<125000x8x64xf32, #tpu.memory_space<hbm>> -> memref<1x8x64xf32, #tpu.memory_space<hbm>>
      %dma_wait3A_1369 = tpu.memref_squeeze %dma_wait3A_1368 : memref<1x8x64xf32, #tpu.memory_space<hbm>> -> memref<8x64xf32, #tpu.memory_space<hbm>>
      %dma_wait3A_1370 = arith.constant 0 : i32
      %dma_wait3A_1371 = arith.constant 0 : i32
      %dma_wait3A_1372 = tpu.memref_slice %arg12[%dma_wait3A_1361, %dma_wait3A_1370, %dma_wait3A_1371] : memref<32x8x64xf32, #tpu.memory_space<vmem>> -> memref<1x8x64xf32, #tpu.memory_space<vmem>>
      %dma_wait3A_1373 = tpu.memref_squeeze %dma_wait3A_1372 : memref<1x8x64xf32, #tpu.memory_space<vmem>> -> memref<8x64xf32, #tpu.memory_space<vmem>>
      %dma_wait3A_1374 = arith.constant 0 : i32
      %dma_wait3A_1375 = arith.constant 0 : i32
      %dma_wait3A_1376 = tpu.memref_slice %arg3[%squeeze3A_153, %dma_wait3A_1374, %dma_wait3A_1375] : memref<125000x8x64xf32, #tpu.memory_space<hbm>> -> memref<1x8x64xf32, #tpu.memory_space<hbm>>
      %dma_wait3A_1377 = tpu.memref_squeeze %dma_wait3A_1376 : memref<1x8x64xf32, #tpu.memory_space<hbm>> -> memref<8x64xf32, #tpu.memory_space<hbm>>
      tpu.wait_dma2 semaphore(%arg17 : memref<!tpu.dma_semaphore, #tpu.memory_space<semaphore_mem>>) src(%dma_wait3A_1377 : memref<8x64xf32, #tpu.memory_space<hbm>>) dst(%dma_wait3A_1373 : memref<8x64xf32, #tpu.memory_space<vmem>>)
      %dma_wait3A_1378 = arith.constant 4 : i32
      %dma_wait3A_1379 = arith.constant 0 : i32
      %dma_wait3A_1380 = arith.constant 0 : i32
      %dma_wait3A_1381 = tpu.memref_slice %arg11[%dma_wait3A_1378, %dma_wait3A_1379, %dma_wait3A_1380] : memref<32x8x64xf32, #tpu.memory_space<vmem>> -> memref<1x8x64xf32, #tpu.memory_space<vmem>>
      %dma_wait3A_1382 = tpu.memref_squeeze %dma_wait3A_1381 : memref<1x8x64xf32, #tpu.memory_space<vmem>> -> memref<8x64xf32, #tpu.memory_space<vmem>>
      %dma_wait3A_1383 = arith.constant 0 : i32
      %dma_wait3A_1384 = arith.constant 0 : i32
      %dma_wait3A_1385 = tpu.memref_slice %arg2[%squeeze3A_172, %dma_wait3A_1383, %dma_wait3A_1384] : memref<125000x8x64xf32, #tpu.memory_space<hbm>> -> memref<1x8x64xf32, #tpu.memory_space<hbm>>
      %dma_wait3A_1386 = tpu.memref_squeeze %dma_wait3A_1385 : memref<1x8x64xf32, #tpu.memory_space<hbm>> -> memref<8x64xf32, #tpu.memory_space<hbm>>
      %dma_wait3A_1387 = arith.constant 0 : i32
      %dma_wait3A_1388 = arith.constant 0 : i32
      %dma_wait3A_1389 = tpu.memref_slice %arg11[%dma_wait3A_1378, %dma_wait3A_1387, %dma_wait3A_1388] : memref<32x8x64xf32, #tpu.memory_space<vmem>> -> memref<1x8x64xf32, #tpu.memory_space<vmem>>
      %dma_wait3A_1390 = tpu.memref_squeeze %dma_wait3A_1389 : memref<1x8x64xf32, #tpu.memory_space<vmem>> -> memref<8x64xf32, #tpu.memory_space<vmem>>
      %dma_wait3A_1391 = arith.constant 0 : i32
      %dma_wait3A_1392 = arith.constant 0 : i32
      %dma_wait3A_1393 = tpu.memref_slice %arg2[%squeeze3A_172, %dma_wait3A_1391, %dma_wait3A_1392] : memref<125000x8x64xf32, #tpu.memory_space<hbm>> -> memref<1x8x64xf32, #tpu.memory_space<hbm>>
      %dma_wait3A_1394 = tpu.memref_squeeze %dma_wait3A_1393 : memref<1x8x64xf32, #tpu.memory_space<hbm>> -> memref<8x64xf32, #tpu.memory_space<hbm>>
      tpu.wait_dma2 semaphore(%arg14 : memref<!tpu.dma_semaphore, #tpu.memory_space<semaphore_mem>>) src(%dma_wait3A_1394 : memref<8x64xf32, #tpu.memory_space<hbm>>) dst(%dma_wait3A_1390 : memref<8x64xf32, #tpu.memory_space<vmem>>)
      %dma_wait3A_1395 = arith.constant 4 : i32
      %dma_wait3A_1396 = arith.constant 0 : i32
      %dma_wait3A_1397 = arith.constant 0 : i32
      %dma_wait3A_1398 = tpu.memref_slice %arg12[%dma_wait3A_1395, %dma_wait3A_1396, %dma_wait3A_1397] : memref<32x8x64xf32, #tpu.memory_space<vmem>> -> memref<1x8x64xf32, #tpu.memory_space<vmem>>
      %dma_wait3A_1399 = tpu.memref_squeeze %dma_wait3A_1398 : memref<1x8x64xf32, #tpu.memory_space<vmem>> -> memref<8x64xf32, #tpu.memory_space<vmem>>
      %dma_wait3A_1400 = arith.constant 0 : i32
      %dma_wait3A_1401 = arith.constant 0 : i32
      %dma_wait3A_1402 = tpu.memref_slice %arg3[%squeeze3A_191, %dma_wait3A_1400, %dma_wait3A_1401] : memref<125000x8x64xf32, #tpu.memory_space<hbm>> -> memref<1x8x64xf32, #tpu.memory_space<hbm>>
      %dma_wait3A_1403 = tpu.memref_squeeze %dma_wait3A_1402 : memref<1x8x64xf32, #tpu.memory_space<hbm>> -> memref<8x64xf32, #tpu.memory_space<hbm>>
      %dma_wait3A_1404 = arith.constant 0 : i32
      %dma_wait3A_1405 = arith.constant 0 : i32
      %dma_wait3A_1406 = tpu.memref_slice %arg12[%dma_wait3A_1395, %dma_wait3A_1404, %dma_wait3A_1405] : memref<32x8x64xf32, #tpu.memory_space<vmem>> -> memref<1x8x64xf32, #tpu.memory_space<vmem>>
      %dma_wait3A_1407 = tpu.memref_squeeze %dma_wait3A_1406 : memref<1x8x64xf32, #tpu.memory_space<vmem>> -> memref<8x64xf32, #tpu.memory_space<vmem>>
      %dma_wait3A_1408 = arith.constant 0 : i32
      %dma_wait3A_1409 = arith.constant 0 : i32
      %dma_wait3A_1410 = tpu.memref_slice %arg3[%squeeze3A_191, %dma_wait3A_1408, %dma_wait3A_1409] : memref<125000x8x64xf32, #tpu.memory_space<hbm>> -> memref<1x8x64xf32, #tpu.memory_space<hbm>>
      %dma_wait3A_1411 = tpu.memref_squeeze %dma_wait3A_1410 : memref<1x8x64xf32, #tpu.memory_space<hbm>> -> memref<8x64xf32, #tpu.memory_space<hbm>>
      tpu.wait_dma2 semaphore(%arg15 : memref<!tpu.dma_semaphore, #tpu.memory_space<semaphore_mem>>) src(%dma_wait3A_1411 : memref<8x64xf32, #tpu.memory_space<hbm>>) dst(%dma_wait3A_1407 : memref<8x64xf32, #tpu.memory_space<vmem>>)
      %dma_wait3A_1412 = arith.constant 5 : i32
      %dma_wait3A_1413 = arith.constant 0 : i32
      %dma_wait3A_1414 = arith.constant 0 : i32
      %dma_wait3A_1415 = tpu.memref_slice %arg11[%dma_wait3A_1412, %dma_wait3A_1413, %dma_wait3A_1414] : memref<32x8x64xf32, #tpu.memory_space<vmem>> -> memref<1x8x64xf32, #tpu.memory_space<vmem>>
      %dma_wait3A_1416 = tpu.memref_squeeze %dma_wait3A_1415 : memref<1x8x64xf32, #tpu.memory_space<vmem>> -> memref<8x64xf32, #tpu.memory_space<vmem>>
      %dma_wait3A_1417 = arith.constant 0 : i32
      %dma_wait3A_1418 = arith.constant 0 : i32
      %dma_wait3A_1419 = tpu.memref_slice %arg2[%squeeze3A_210, %dma_wait3A_1417, %dma_wait3A_1418] : memref<125000x8x64xf32, #tpu.memory_space<hbm>> -> memref<1x8x64xf32, #tpu.memory_space<hbm>>
      %dma_wait3A_1420 = tpu.memref_squeeze %dma_wait3A_1419 : memref<1x8x64xf32, #tpu.memory_space<hbm>> -> memref<8x64xf32, #tpu.memory_space<hbm>>
      %dma_wait3A_1421 = arith.constant 0 : i32
      %dma_wait3A_1422 = arith.constant 0 : i32
      %dma_wait3A_1423 = tpu.memref_slice %arg11[%dma_wait3A_1412, %dma_wait3A_1421, %dma_wait3A_1422] : memref<32x8x64xf32, #tpu.memory_space<vmem>> -> memref<1x8x64xf32, #tpu.memory_space<vmem>>
      %dma_wait3A_1424 = tpu.memref_squeeze %dma_wait3A_1423 : memref<1x8x64xf32, #tpu.memory_space<vmem>> -> memref<8x64xf32, #tpu.memory_space<vmem>>
      %dma_wait3A_1425 = arith.constant 0 : i32
      %dma_wait3A_1426 = arith.constant 0 : i32
      %dma_wait3A_1427 = tpu.memref_slice %arg2[%squeeze3A_210, %dma_wait3A_1425, %dma_wait3A_1426] : memref<125000x8x64xf32, #tpu.memory_space<hbm>> -> memref<1x8x64xf32, #tpu.memory_space<hbm>>
      %dma_wait3A_1428 = tpu.memref_squeeze %dma_wait3A_1427 : memref<1x8x64xf32, #tpu.memory_space<hbm>> -> memref<8x64xf32, #tpu.memory_space<hbm>>
      tpu.wait_dma2 semaphore(%arg16 : memref<!tpu.dma_semaphore, #tpu.memory_space<semaphore_mem>>) src(%dma_wait3A_1428 : memref<8x64xf32, #tpu.memory_space<hbm>>) dst(%dma_wait3A_1424 : memref<8x64xf32, #tpu.memory_space<vmem>>)
      %dma_wait3A_1429 = arith.constant 5 : i32
      %dma_wait3A_1430 = arith.constant 0 : i32
      %dma_wait3A_1431 = arith.constant 0 : i32
      %dma_wait3A_1432 = tpu.memref_slice %arg12[%dma_wait3A_1429, %dma_wait3A_1430, %dma_wait3A_1431] : memref<32x8x64xf32, #tpu.memory_space<vmem>> -> memref<1x8x64xf32, #tpu.memory_space<vmem>>
      %dma_wait3A_1433 = tpu.memref_squeeze %dma_wait3A_1432 : memref<1x8x64xf32, #tpu.memory_space<vmem>> -> memref<8x64xf32, #tpu.memory_space<vmem>>
      %dma_wait3A_1434 = arith.constant 0 : i32
      %dma_wait3A_1435 = arith.constant 0 : i32
      %dma_wait3A_1436 = tpu.memref_slice %arg3[%squeeze3A_229, %dma_wait3A_1434, %dma_wait3A_1435] : memref<125000x8x64xf32, #tpu.memory_space<hbm>> -> memref<1x8x64xf32, #tpu.memory_space<hbm>>
      %dma_wait3A_1437 = tpu.memref_squeeze %dma_wait3A_1436 : memref<1x8x64xf32, #tpu.memory_space<hbm>> -> memref<8x64xf32, #tpu.memory_space<hbm>>
      %dma_wait3A_1438 = arith.constant 0 : i32
      %dma_wait3A_1439 = arith.constant 0 : i32
      %dma_wait3A_1440 = tpu.memref_slice %arg12[%dma_wait3A_1429, %dma_wait3A_1438, %dma_wait3A_1439] : memref<32x8x64xf32, #tpu.memory_space<vmem>> -> memref<1x8x64xf32, #tpu.memory_space<vmem>>
      %dma_wait3A_1441 = tpu.memref_squeeze %dma_wait3A_1440 : memref<1x8x64xf32, #tpu.memory_space<vmem>> -> memref<8x64xf32, #tpu.memory_space<vmem>>
      %dma_wait3A_1442 = arith.constant 0 : i32
      %dma_wait3A_1443 = arith.constant 0 : i32
      %dma_wait3A_1444 = tpu.memref_slice %arg3[%squeeze3A_229, %dma_wait3A_1442, %dma_wait3A_1443] : memref<125000x8x64xf32, #tpu.memory_space<hbm>> -> memref<1x8x64xf32, #tpu.memory_space<hbm>>
      %dma_wait3A_1445 = tpu.memref_squeeze %dma_wait3A_1444 : memref<1x8x64xf32, #tpu.memory_space<hbm>> -> memref<8x64xf32, #tpu.memory_space<hbm>>
      tpu.wait_dma2 semaphore(%arg17 : memref<!tpu.dma_semaphore, #tpu.memory_space<semaphore_mem>>) src(%dma_wait3A_1445 : memref<8x64xf32, #tpu.memory_space<hbm>>) dst(%dma_wait3A_1441 : memref<8x64xf32, #tpu.memory_space<vmem>>)
      %dma_wait3A_1446 = arith.constant 6 : i32
      %dma_wait3A_1447 = arith.constant 0 : i32
      %dma_wait3A_1448 = arith.constant 0 : i32
      %dma_wait3A_1449 = tpu.memref_slice %arg11[%dma_wait3A_1446, %dma_wait3A_1447, %dma_wait3A_1448] : memref<32x8x64xf32, #tpu.memory_space<vmem>> -> memref<1x8x64xf32, #tpu.memory_space<vmem>>
      %dma_wait3A_1450 = tpu.memref_squeeze %dma_wait3A_1449 : memref<1x8x64xf32, #tpu.memory_space<vmem>> -> memref<8x64xf32, #tpu.memory_space<vmem>>
      %dma_wait3A_1451 = arith.constant 0 : i32
      %dma_wait3A_1452 = arith.constant 0 : i32
      %dma_wait3A_1453 = tpu.memref_slice %arg2[%squeeze3A_248, %dma_wait3A_1451, %dma_wait3A_1452] : memref<125000x8x64xf32, #tpu.memory_space<hbm>> -> memref<1x8x64xf32, #tpu.memory_space<hbm>>
      %dma_wait3A_1454 = tpu.memref_squeeze %dma_wait3A_1453 : memref<1x8x64xf32, #tpu.memory_space<hbm>> -> memref<8x64xf32, #tpu.memory_space<hbm>>
      %dma_wait3A_1455 = arith.constant 0 : i32
      %dma_wait3A_1456 = arith.constant 0 : i32
      %dma_wait3A_1457 = tpu.memref_slice %arg11[%dma_wait3A_1446, %dma_wait3A_1455, %dma_wait3A_1456] : memref<32x8x64xf32, #tpu.memory_space<vmem>> -> memref<1x8x64xf32, #tpu.memory_space<vmem>>
      %dma_wait3A_1458 = tpu.memref_squeeze %dma_wait3A_1457 : memref<1x8x64xf32, #tpu.memory_space<vmem>> -> memref<8x64xf32, #tpu.memory_space<vmem>>
      %dma_wait3A_1459 = arith.constant 0 : i32
      %dma_wait3A_1460 = arith.constant 0 : i32
      %dma_wait3A_1461 = tpu.memref_slice %arg2[%squeeze3A_248, %dma_wait3A_1459, %dma_wait3A_1460] : memref<125000x8x64xf32, #tpu.memory_space<hbm>> -> memref<1x8x64xf32, #tpu.memory_space<hbm>>
      %dma_wait3A_1462 = tpu.memref_squeeze %dma_wait3A_1461 : memref<1x8x64xf32, #tpu.memory_space<hbm>> -> memref<8x64xf32, #tpu.memory_space<hbm>>
      tpu.wait_dma2 semaphore(%arg14 : memref<!tpu.dma_semaphore, #tpu.memory_space<semaphore_mem>>) src(%dma_wait3A_1462 : memref<8x64xf32, #tpu.memory_space<hbm>>) dst(%dma_wait3A_1458 : memref<8x64xf32, #tpu.memory_space<vmem>>)
      %dma_wait3A_1463 = arith.constant 6 : i32
      %dma_wait3A_1464 = arith.constant 0 : i32
      %dma_wait3A_1465 = arith.constant 0 : i32
      %dma_wait3A_1466 = tpu.memref_slice %arg12[%dma_wait3A_1463, %dma_wait3A_1464, %dma_wait3A_1465] : memref<32x8x64xf32, #tpu.memory_space<vmem>> -> memref<1x8x64xf32, #tpu.memory_space<vmem>>
      %dma_wait3A_1467 = tpu.memref_squeeze %dma_wait3A_1466 : memref<1x8x64xf32, #tpu.memory_space<vmem>> -> memref<8x64xf32, #tpu.memory_space<vmem>>
      %dma_wait3A_1468 = arith.constant 0 : i32
      %dma_wait3A_1469 = arith.constant 0 : i32
      %dma_wait3A_1470 = tpu.memref_slice %arg3[%squeeze3A_267, %dma_wait3A_1468, %dma_wait3A_1469] : memref<125000x8x64xf32, #tpu.memory_space<hbm>> -> memref<1x8x64xf32, #tpu.memory_space<hbm>>
      %dma_wait3A_1471 = tpu.memref_squeeze %dma_wait3A_1470 : memref<1x8x64xf32, #tpu.memory_space<hbm>> -> memref<8x64xf32, #tpu.memory_space<hbm>>
      %dma_wait3A_1472 = arith.constant 0 : i32
      %dma_wait3A_1473 = arith.constant 0 : i32
      %dma_wait3A_1474 = tpu.memref_slice %arg12[%dma_wait3A_1463, %dma_wait3A_1472, %dma_wait3A_1473] : memref<32x8x64xf32, #tpu.memory_space<vmem>> -> memref<1x8x64xf32, #tpu.memory_space<vmem>>
      %dma_wait3A_1475 = tpu.memref_squeeze %dma_wait3A_1474 : memref<1x8x64xf32, #tpu.memory_space<vmem>> -> memref<8x64xf32, #tpu.memory_space<vmem>>
      %dma_wait3A_1476 = arith.constant 0 : i32
      %dma_wait3A_1477 = arith.constant 0 : i32
      %dma_wait3A_1478 = tpu.memref_slice %arg3[%squeeze3A_267, %dma_wait3A_1476, %dma_wait3A_1477] : memref<125000x8x64xf32, #tpu.memory_space<hbm>> -> memref<1x8x64xf32, #tpu.memory_space<hbm>>
      %dma_wait3A_1479 = tpu.memref_squeeze %dma_wait3A_1478 : memref<1x8x64xf32, #tpu.memory_space<hbm>> -> memref<8x64xf32, #tpu.memory_space<hbm>>
      tpu.wait_dma2 semaphore(%arg15 : memref<!tpu.dma_semaphore, #tpu.memory_space<semaphore_mem>>) src(%dma_wait3A_1479 : memref<8x64xf32, #tpu.memory_space<hbm>>) dst(%dma_wait3A_1475 : memref<8x64xf32, #tpu.memory_space<vmem>>)
      %dma_wait3A_1480 = arith.constant 7 : i32
      %dma_wait3A_1481 = arith.constant 0 : i32
      %dma_wait3A_1482 = arith.constant 0 : i32
      %dma_wait3A_1483 = tpu.memref_slice %arg11[%dma_wait3A_1480, %dma_wait3A_1481, %dma_wait3A_1482] : memref<32x8x64xf32, #tpu.memory_space<vmem>> -> memref<1x8x64xf32, #tpu.memory_space<vmem>>
      %dma_wait3A_1484 = tpu.memref_squeeze %dma_wait3A_1483 : memref<1x8x64xf32, #tpu.memory_space<vmem>> -> memref<8x64xf32, #tpu.memory_space<vmem>>
      %dma_wait3A_1485 = arith.constant 0 : i32
      %dma_wait3A_1486 = arith.constant 0 : i32
      %dma_wait3A_1487 = tpu.memref_slice %arg2[%squeeze3A_286, %dma_wait3A_1485, %dma_wait3A_1486] : memref<125000x8x64xf32, #tpu.memory_space<hbm>> -> memref<1x8x64xf32, #tpu.memory_space<hbm>>
      %dma_wait3A_1488 = tpu.memref_squeeze %dma_wait3A_1487 : memref<1x8x64xf32, #tpu.memory_space<hbm>> -> memref<8x64xf32, #tpu.memory_space<hbm>>
      %dma_wait3A_1489 = arith.constant 0 : i32
      %dma_wait3A_1490 = arith.constant 0 : i32
      %dma_wait3A_1491 = tpu.memref_slice %arg11[%dma_wait3A_1480, %dma_wait3A_1489, %dma_wait3A_1490] : memref<32x8x64xf32, #tpu.memory_space<vmem>> -> memref<1x8x64xf32, #tpu.memory_space<vmem>>
      %dma_wait3A_1492 = tpu.memref_squeeze %dma_wait3A_1491 : memref<1x8x64xf32, #tpu.memory_space<vmem>> -> memref<8x64xf32, #tpu.memory_space<vmem>>
      %dma_wait3A_1493 = arith.constant 0 : i32
      %dma_wait3A_1494 = arith.constant 0 : i32
      %dma_wait3A_1495 = tpu.memref_slice %arg2[%squeeze3A_286, %dma_wait3A_1493, %dma_wait3A_1494] : memref<125000x8x64xf32, #tpu.memory_space<hbm>> -> memref<1x8x64xf32, #tpu.memory_space<hbm>>
      %dma_wait3A_1496 = tpu.memref_squeeze %dma_wait3A_1495 : memref<1x8x64xf32, #tpu.memory_space<hbm>> -> memref<8x64xf32, #tpu.memory_space<hbm>>
      tpu.wait_dma2 semaphore(%arg16 : memref<!tpu.dma_semaphore, #tpu.memory_space<semaphore_mem>>) src(%dma_wait3A_1496 : memref<8x64xf32, #tpu.memory_space<hbm>>) dst(%dma_wait3A_1492 : memref<8x64xf32, #tpu.memory_space<vmem>>)
      %dma_wait3A_1497 = arith.constant 7 : i32
      %dma_wait3A_1498 = arith.constant 0 : i32
      %dma_wait3A_1499 = arith.constant 0 : i32
      %dma_wait3A_1500 = tpu.memref_slice %arg12[%dma_wait3A_1497, %dma_wait3A_1498, %dma_wait3A_1499] : memref<32x8x64xf32, #tpu.memory_space<vmem>> -> memref<1x8x64xf32, #tpu.memory_space<vmem>>
      %dma_wait3A_1501 = tpu.memref_squeeze %dma_wait3A_1500 : memref<1x8x64xf32, #tpu.memory_space<vmem>> -> memref<8x64xf32, #tpu.memory_space<vmem>>
      %dma_wait3A_1502 = arith.constant 0 : i32
      %dma_wait3A_1503 = arith.constant 0 : i32
      %dma_wait3A_1504 = tpu.memref_slice %arg3[%squeeze3A_305, %dma_wait3A_1502, %dma_wait3A_1503] : memref<125000x8x64xf32, #tpu.memory_space<hbm>> -> memref<1x8x64xf32, #tpu.memory_space<hbm>>
      %dma_wait3A_1505 = tpu.memref_squeeze %dma_wait3A_1504 : memref<1x8x64xf32, #tpu.memory_space<hbm>> -> memref<8x64xf32, #tpu.memory_space<hbm>>
      %dma_wait3A_1506 = arith.constant 0 : i32
      %dma_wait3A_1507 = arith.constant 0 : i32
      %dma_wait3A_1508 = tpu.memref_slice %arg12[%dma_wait3A_1497, %dma_wait3A_1506, %dma_wait3A_1507] : memref<32x8x64xf32, #tpu.memory_space<vmem>> -> memref<1x8x64xf32, #tpu.memory_space<vmem>>
      %dma_wait3A_1509 = tpu.memref_squeeze %dma_wait3A_1508 : memref<1x8x64xf32, #tpu.memory_space<vmem>> -> memref<8x64xf32, #tpu.memory_space<vmem>>
      %dma_wait3A_1510 = arith.constant 0 : i32
      %dma_wait3A_1511 = arith.constant 0 : i32
      %dma_wait3A_1512 = tpu.memref_slice %arg3[%squeeze3A_305, %dma_wait3A_1510, %dma_wait3A_1511] : memref<125000x8x64xf32, #tpu.memory_space<hbm>> -> memref<1x8x64xf32, #tpu.memory_space<hbm>>
      %dma_wait3A_1513 = tpu.memref_squeeze %dma_wait3A_1512 : memref<1x8x64xf32, #tpu.memory_space<hbm>> -> memref<8x64xf32, #tpu.memory_space<hbm>>
      tpu.wait_dma2 semaphore(%arg17 : memref<!tpu.dma_semaphore, #tpu.memory_space<semaphore_mem>>) src(%dma_wait3A_1513 : memref<8x64xf32, #tpu.memory_space<hbm>>) dst(%dma_wait3A_1509 : memref<8x64xf32, #tpu.memory_space<vmem>>)
      %dma_wait3A_1514 = arith.constant 8 : i32
      %dma_wait3A_1515 = arith.constant 0 : i32
      %dma_wait3A_1516 = arith.constant 0 : i32
      %dma_wait3A_1517 = tpu.memref_slice %arg11[%dma_wait3A_1514, %dma_wait3A_1515, %dma_wait3A_1516] : memref<32x8x64xf32, #tpu.memory_space<vmem>> -> memref<1x8x64xf32, #tpu.memory_space<vmem>>
      %dma_wait3A_1518 = tpu.memref_squeeze %dma_wait3A_1517 : memref<1x8x64xf32, #tpu.memory_space<vmem>> -> memref<8x64xf32, #tpu.memory_space<vmem>>
      %dma_wait3A_1519 = arith.constant 0 : i32
      %dma_wait3A_1520 = arith.constant 0 : i32
      %dma_wait3A_1521 = tpu.memref_slice %arg2[%squeeze3A_324, %dma_wait3A_1519, %dma_wait3A_1520] : memref<125000x8x64xf32, #tpu.memory_space<hbm>> -> memref<1x8x64xf32, #tpu.memory_space<hbm>>
      %dma_wait3A_1522 = tpu.memref_squeeze %dma_wait3A_1521 : memref<1x8x64xf32, #tpu.memory_space<hbm>> -> memref<8x64xf32, #tpu.memory_space<hbm>>
      %dma_wait3A_1523 = arith.constant 0 : i32
      %dma_wait3A_1524 = arith.constant 0 : i32
      %dma_wait3A_1525 = tpu.memref_slice %arg11[%dma_wait3A_1514, %dma_wait3A_1523, %dma_wait3A_1524] : memref<32x8x64xf32, #tpu.memory_space<vmem>> -> memref<1x8x64xf32, #tpu.memory_space<vmem>>
      %dma_wait3A_1526 = tpu.memref_squeeze %dma_wait3A_1525 : memref<1x8x64xf32, #tpu.memory_space<vmem>> -> memref<8x64xf32, #tpu.memory_space<vmem>>
      %dma_wait3A_1527 = arith.constant 0 : i32
      %dma_wait3A_1528 = arith.constant 0 : i32
      %dma_wait3A_1529 = tpu.memref_slice %arg2[%squeeze3A_324, %dma_wait3A_1527, %dma_wait3A_1528] : memref<125000x8x64xf32, #tpu.memory_space<hbm>> -> memref<1x8x64xf32, #tpu.memory_space<hbm>>
      %dma_wait3A_1530 = tpu.memref_squeeze %dma_wait3A_1529 : memref<1x8x64xf32, #tpu.memory_space<hbm>> -> memref<8x64xf32, #tpu.memory_space<hbm>>
      tpu.wait_dma2 semaphore(%arg14 : memref<!tpu.dma_semaphore, #tpu.memory_space<semaphore_mem>>) src(%dma_wait3A_1530 : memref<8x64xf32, #tpu.memory_space<hbm>>) dst(%dma_wait3A_1526 : memref<8x64xf32, #tpu.memory_space<vmem>>)
      %dma_wait3A_1531 = arith.constant 8 : i32
      %dma_wait3A_1532 = arith.constant 0 : i32
      %dma_wait3A_1533 = arith.constant 0 : i32
      %dma_wait3A_1534 = tpu.memref_slice %arg12[%dma_wait3A_1531, %dma_wait3A_1532, %dma_wait3A_1533] : memref<32x8x64xf32, #tpu.memory_space<vmem>> -> memref<1x8x64xf32, #tpu.memory_space<vmem>>
      %dma_wait3A_1535 = tpu.memref_squeeze %dma_wait3A_1534 : memref<1x8x64xf32, #tpu.memory_space<vmem>> -> memref<8x64xf32, #tpu.memory_space<vmem>>
      %dma_wait3A_1536 = arith.constant 0 : i32
      %dma_wait3A_1537 = arith.constant 0 : i32
      %dma_wait3A_1538 = tpu.memref_slice %arg3[%squeeze3A_343, %dma_wait3A_1536, %dma_wait3A_1537] : memref<125000x8x64xf32, #tpu.memory_space<hbm>> -> memref<1x8x64xf32, #tpu.memory_space<hbm>>
      %dma_wait3A_1539 = tpu.memref_squeeze %dma_wait3A_1538 : memref<1x8x64xf32, #tpu.memory_space<hbm>> -> memref<8x64xf32, #tpu.memory_space<hbm>>
      %dma_wait3A_1540 = arith.constant 0 : i32
      %dma_wait3A_1541 = arith.constant 0 : i32
      %dma_wait3A_1542 = tpu.memref_slice %arg12[%dma_wait3A_1531, %dma_wait3A_1540, %dma_wait3A_1541] : memref<32x8x64xf32, #tpu.memory_space<vmem>> -> memref<1x8x64xf32, #tpu.memory_space<vmem>>
      %dma_wait3A_1543 = tpu.memref_squeeze %dma_wait3A_1542 : memref<1x8x64xf32, #tpu.memory_space<vmem>> -> memref<8x64xf32, #tpu.memory_space<vmem>>
      %dma_wait3A_1544 = arith.constant 0 : i32
      %dma_wait3A_1545 = arith.constant 0 : i32
      %dma_wait3A_1546 = tpu.memref_slice %arg3[%squeeze3A_343, %dma_wait3A_1544, %dma_wait3A_1545] : memref<125000x8x64xf32, #tpu.memory_space<hbm>> -> memref<1x8x64xf32, #tpu.memory_space<hbm>>
      %dma_wait3A_1547 = tpu.memref_squeeze %dma_wait3A_1546 : memref<1x8x64xf32, #tpu.memory_space<hbm>> -> memref<8x64xf32, #tpu.memory_space<hbm>>
      tpu.wait_dma2 semaphore(%arg15 : memref<!tpu.dma_semaphore, #tpu.memory_space<semaphore_mem>>) src(%dma_wait3A_1547 : memref<8x64xf32, #tpu.memory_space<hbm>>) dst(%dma_wait3A_1543 : memref<8x64xf32, #tpu.memory_space<vmem>>)
      %dma_wait3A_1548 = arith.constant 9 : i32
      %dma_wait3A_1549 = arith.constant 0 : i32
      %dma_wait3A_1550 = arith.constant 0 : i32
      %dma_wait3A_1551 = tpu.memref_slice %arg11[%dma_wait3A_1548, %dma_wait3A_1549, %dma_wait3A_1550] : memref<32x8x64xf32, #tpu.memory_space<vmem>> -> memref<1x8x64xf32, #tpu.memory_space<vmem>>
      %dma_wait3A_1552 = tpu.memref_squeeze %dma_wait3A_1551 : memref<1x8x64xf32, #tpu.memory_space<vmem>> -> memref<8x64xf32, #tpu.memory_space<vmem>>
      %dma_wait3A_1553 = arith.constant 0 : i32
      %dma_wait3A_1554 = arith.constant 0 : i32
      %dma_wait3A_1555 = tpu.memref_slice %arg2[%squeeze3A_362, %dma_wait3A_1553, %dma_wait3A_1554] : memref<125000x8x64xf32, #tpu.memory_space<hbm>> -> memref<1x8x64xf32, #tpu.memory_space<hbm>>
      %dma_wait3A_1556 = tpu.memref_squeeze %dma_wait3A_1555 : memref<1x8x64xf32, #tpu.memory_space<hbm>> -> memref<8x64xf32, #tpu.memory_space<hbm>>
      %dma_wait3A_1557 = arith.constant 0 : i32
      %dma_wait3A_1558 = arith.constant 0 : i32
      %dma_wait3A_1559 = tpu.memref_slice %arg11[%dma_wait3A_1548, %dma_wait3A_1557, %dma_wait3A_1558] : memref<32x8x64xf32, #tpu.memory_space<vmem>> -> memref<1x8x64xf32, #tpu.memory_space<vmem>>
      %dma_wait3A_1560 = tpu.memref_squeeze %dma_wait3A_1559 : memref<1x8x64xf32, #tpu.memory_space<vmem>> -> memref<8x64xf32, #tpu.memory_space<vmem>>
      %dma_wait3A_1561 = arith.constant 0 : i32
      %dma_wait3A_1562 = arith.constant 0 : i32
      %dma_wait3A_1563 = tpu.memref_slice %arg2[%squeeze3A_362, %dma_wait3A_1561, %dma_wait3A_1562] : memref<125000x8x64xf32, #tpu.memory_space<hbm>> -> memref<1x8x64xf32, #tpu.memory_space<hbm>>
      %dma_wait3A_1564 = tpu.memref_squeeze %dma_wait3A_1563 : memref<1x8x64xf32, #tpu.memory_space<hbm>> -> memref<8x64xf32, #tpu.memory_space<hbm>>
      tpu.wait_dma2 semaphore(%arg16 : memref<!tpu.dma_semaphore, #tpu.memory_space<semaphore_mem>>) src(%dma_wait3A_1564 : memref<8x64xf32, #tpu.memory_space<hbm>>) dst(%dma_wait3A_1560 : memref<8x64xf32, #tpu.memory_space<vmem>>)
      %dma_wait3A_1565 = arith.constant 9 : i32
      %dma_wait3A_1566 = arith.constant 0 : i32
      %dma_wait3A_1567 = arith.constant 0 : i32
      %dma_wait3A_1568 = tpu.memref_slice %arg12[%dma_wait3A_1565, %dma_wait3A_1566, %dma_wait3A_1567] : memref<32x8x64xf32, #tpu.memory_space<vmem>> -> memref<1x8x64xf32, #tpu.memory_space<vmem>>
      %dma_wait3A_1569 = tpu.memref_squeeze %dma_wait3A_1568 : memref<1x8x64xf32, #tpu.memory_space<vmem>> -> memref<8x64xf32, #tpu.memory_space<vmem>>
      %dma_wait3A_1570 = arith.constant 0 : i32
      %dma_wait3A_1571 = arith.constant 0 : i32
      %dma_wait3A_1572 = tpu.memref_slice %arg3[%squeeze3A_381, %dma_wait3A_1570, %dma_wait3A_1571] : memref<125000x8x64xf32, #tpu.memory_space<hbm>> -> memref<1x8x64xf32, #tpu.memory_space<hbm>>
      %dma_wait3A_1573 = tpu.memref_squeeze %dma_wait3A_1572 : memref<1x8x64xf32, #tpu.memory_space<hbm>> -> memref<8x64xf32, #tpu.memory_space<hbm>>
      %dma_wait3A_1574 = arith.constant 0 : i32
      %dma_wait3A_1575 = arith.constant 0 : i32
      %dma_wait3A_1576 = tpu.memref_slice %arg12[%dma_wait3A_1565, %dma_wait3A_1574, %dma_wait3A_1575] : memref<32x8x64xf32, #tpu.memory_space<vmem>> -> memref<1x8x64xf32, #tpu.memory_space<vmem>>
      %dma_wait3A_1577 = tpu.memref_squeeze %dma_wait3A_1576 : memref<1x8x64xf32, #tpu.memory_space<vmem>> -> memref<8x64xf32, #tpu.memory_space<vmem>>
      %dma_wait3A_1578 = arith.constant 0 : i32
      %dma_wait3A_1579 = arith.constant 0 : i32
      %dma_wait3A_1580 = tpu.memref_slice %arg3[%squeeze3A_381, %dma_wait3A_1578, %dma_wait3A_1579] : memref<125000x8x64xf32, #tpu.memory_space<hbm>> -> memref<1x8x64xf32, #tpu.memory_space<hbm>>
      %dma_wait3A_1581 = tpu.memref_squeeze %dma_wait3A_1580 : memref<1x8x64xf32, #tpu.memory_space<hbm>> -> memref<8x64xf32, #tpu.memory_space<hbm>>
      tpu.wait_dma2 semaphore(%arg17 : memref<!tpu.dma_semaphore, #tpu.memory_space<semaphore_mem>>) src(%dma_wait3A_1581 : memref<8x64xf32, #tpu.memory_space<hbm>>) dst(%dma_wait3A_1577 : memref<8x64xf32, #tpu.memory_space<vmem>>)
      %dma_wait3A_1582 = arith.constant 10 : i32
      %dma_wait3A_1583 = arith.constant 0 : i32
      %dma_wait3A_1584 = arith.constant 0 : i32
      %dma_wait3A_1585 = tpu.memref_slice %arg11[%dma_wait3A_1582, %dma_wait3A_1583, %dma_wait3A_1584] : memref<32x8x64xf32, #tpu.memory_space<vmem>> -> memref<1x8x64xf32, #tpu.memory_space<vmem>>
      %dma_wait3A_1586 = tpu.memref_squeeze %dma_wait3A_1585 : memref<1x8x64xf32, #tpu.memory_space<vmem>> -> memref<8x64xf32, #tpu.memory_space<vmem>>
      %dma_wait3A_1587 = arith.constant 0 : i32
      %dma_wait3A_1588 = arith.constant 0 : i32
      %dma_wait3A_1589 = tpu.memref_slice %arg2[%squeeze3A_400, %dma_wait3A_1587, %dma_wait3A_1588] : memref<125000x8x64xf32, #tpu.memory_space<hbm>> -> memref<1x8x64xf32, #tpu.memory_space<hbm>>
      %dma_wait3A_1590 = tpu.memref_squeeze %dma_wait3A_1589 : memref<1x8x64xf32, #tpu.memory_space<hbm>> -> memref<8x64xf32, #tpu.memory_space<hbm>>
      %dma_wait3A_1591 = arith.constant 0 : i32
      %dma_wait3A_1592 = arith.constant 0 : i32
      %dma_wait3A_1593 = tpu.memref_slice %arg11[%dma_wait3A_1582, %dma_wait3A_1591, %dma_wait3A_1592] : memref<32x8x64xf32, #tpu.memory_space<vmem>> -> memref<1x8x64xf32, #tpu.memory_space<vmem>>
      %dma_wait3A_1594 = tpu.memref_squeeze %dma_wait3A_1593 : memref<1x8x64xf32, #tpu.memory_space<vmem>> -> memref<8x64xf32, #tpu.memory_space<vmem>>
      %dma_wait3A_1595 = arith.constant 0 : i32
      %dma_wait3A_1596 = arith.constant 0 : i32
      %dma_wait3A_1597 = tpu.memref_slice %arg2[%squeeze3A_400, %dma_wait3A_1595, %dma_wait3A_1596] : memref<125000x8x64xf32, #tpu.memory_space<hbm>> -> memref<1x8x64xf32, #tpu.memory_space<hbm>>
      %dma_wait3A_1598 = tpu.memref_squeeze %dma_wait3A_1597 : memref<1x8x64xf32, #tpu.memory_space<hbm>> -> memref<8x64xf32, #tpu.memory_space<hbm>>
      tpu.wait_dma2 semaphore(%arg14 : memref<!tpu.dma_semaphore, #tpu.memory_space<semaphore_mem>>) src(%dma_wait3A_1598 : memref<8x64xf32, #tpu.memory_space<hbm>>) dst(%dma_wait3A_1594 : memref<8x64xf32, #tpu.memory_space<vmem>>)
      %dma_wait3A_1599 = arith.constant 10 : i32
      %dma_wait3A_1600 = arith.constant 0 : i32
      %dma_wait3A_1601 = arith.constant 0 : i32
      %dma_wait3A_1602 = tpu.memref_slice %arg12[%dma_wait3A_1599, %dma_wait3A_1600, %dma_wait3A_1601] : memref<32x8x64xf32, #tpu.memory_space<vmem>> -> memref<1x8x64xf32, #tpu.memory_space<vmem>>
      %dma_wait3A_1603 = tpu.memref_squeeze %dma_wait3A_1602 : memref<1x8x64xf32, #tpu.memory_space<vmem>> -> memref<8x64xf32, #tpu.memory_space<vmem>>
      %dma_wait3A_1604 = arith.constant 0 : i32
      %dma_wait3A_1605 = arith.constant 0 : i32
      %dma_wait3A_1606 = tpu.memref_slice %arg3[%squeeze3A_419, %dma_wait3A_1604, %dma_wait3A_1605] : memref<125000x8x64xf32, #tpu.memory_space<hbm>> -> memref<1x8x64xf32, #tpu.memory_space<hbm>>
      %dma_wait3A_1607 = tpu.memref_squeeze %dma_wait3A_1606 : memref<1x8x64xf32, #tpu.memory_space<hbm>> -> memref<8x64xf32, #tpu.memory_space<hbm>>
      %dma_wait3A_1608 = arith.constant 0 : i32
      %dma_wait3A_1609 = arith.constant 0 : i32
      %dma_wait3A_1610 = tpu.memref_slice %arg12[%dma_wait3A_1599, %dma_wait3A_1608, %dma_wait3A_1609] : memref<32x8x64xf32, #tpu.memory_space<vmem>> -> memref<1x8x64xf32, #tpu.memory_space<vmem>>
      %dma_wait3A_1611 = tpu.memref_squeeze %dma_wait3A_1610 : memref<1x8x64xf32, #tpu.memory_space<vmem>> -> memref<8x64xf32, #tpu.memory_space<vmem>>
      %dma_wait3A_1612 = arith.constant 0 : i32
      %dma_wait3A_1613 = arith.constant 0 : i32
      %dma_wait3A_1614 = tpu.memref_slice %arg3[%squeeze3A_419, %dma_wait3A_1612, %dma_wait3A_1613] : memref<125000x8x64xf32, #tpu.memory_space<hbm>> -> memref<1x8x64xf32, #tpu.memory_space<hbm>>
      %dma_wait3A_1615 = tpu.memref_squeeze %dma_wait3A_1614 : memref<1x8x64xf32, #tpu.memory_space<hbm>> -> memref<8x64xf32, #tpu.memory_space<hbm>>
      tpu.wait_dma2 semaphore(%arg15 : memref<!tpu.dma_semaphore, #tpu.memory_space<semaphore_mem>>) src(%dma_wait3A_1615 : memref<8x64xf32, #tpu.memory_space<hbm>>) dst(%dma_wait3A_1611 : memref<8x64xf32, #tpu.memory_space<vmem>>)
      %dma_wait3A_1616 = arith.constant 11 : i32
      %dma_wait3A_1617 = arith.constant 0 : i32
      %dma_wait3A_1618 = arith.constant 0 : i32
      %dma_wait3A_1619 = tpu.memref_slice %arg11[%dma_wait3A_1616, %dma_wait3A_1617, %dma_wait3A_1618] : memref<32x8x64xf32, #tpu.memory_space<vmem>> -> memref<1x8x64xf32, #tpu.memory_space<vmem>>
      %dma_wait3A_1620 = tpu.memref_squeeze %dma_wait3A_1619 : memref<1x8x64xf32, #tpu.memory_space<vmem>> -> memref<8x64xf32, #tpu.memory_space<vmem>>
      %dma_wait3A_1621 = arith.constant 0 : i32
      %dma_wait3A_1622 = arith.constant 0 : i32
      %dma_wait3A_1623 = tpu.memref_slice %arg2[%squeeze3A_438, %dma_wait3A_1621, %dma_wait3A_1622] : memref<125000x8x64xf32, #tpu.memory_space<hbm>> -> memref<1x8x64xf32, #tpu.memory_space<hbm>>
      %dma_wait3A_1624 = tpu.memref_squeeze %dma_wait3A_1623 : memref<1x8x64xf32, #tpu.memory_space<hbm>> -> memref<8x64xf32, #tpu.memory_space<hbm>>
      %dma_wait3A_1625 = arith.constant 0 : i32
      %dma_wait3A_1626 = arith.constant 0 : i32
      %dma_wait3A_1627 = tpu.memref_slice %arg11[%dma_wait3A_1616, %dma_wait3A_1625, %dma_wait3A_1626] : memref<32x8x64xf32, #tpu.memory_space<vmem>> -> memref<1x8x64xf32, #tpu.memory_space<vmem>>
      %dma_wait3A_1628 = tpu.memref_squeeze %dma_wait3A_1627 : memref<1x8x64xf32, #tpu.memory_space<vmem>> -> memref<8x64xf32, #tpu.memory_space<vmem>>
      %dma_wait3A_1629 = arith.constant 0 : i32
      %dma_wait3A_1630 = arith.constant 0 : i32
      %dma_wait3A_1631 = tpu.memref_slice %arg2[%squeeze3A_438, %dma_wait3A_1629, %dma_wait3A_1630] : memref<125000x8x64xf32, #tpu.memory_space<hbm>> -> memref<1x8x64xf32, #tpu.memory_space<hbm>>
      %dma_wait3A_1632 = tpu.memref_squeeze %dma_wait3A_1631 : memref<1x8x64xf32, #tpu.memory_space<hbm>> -> memref<8x64xf32, #tpu.memory_space<hbm>>
      tpu.wait_dma2 semaphore(%arg16 : memref<!tpu.dma_semaphore, #tpu.memory_space<semaphore_mem>>) src(%dma_wait3A_1632 : memref<8x64xf32, #tpu.memory_space<hbm>>) dst(%dma_wait3A_1628 : memref<8x64xf32, #tpu.memory_space<vmem>>)
      %dma_wait3A_1633 = arith.constant 11 : i32
      %dma_wait3A_1634 = arith.constant 0 : i32
      %dma_wait3A_1635 = arith.constant 0 : i32
      %dma_wait3A_1636 = tpu.memref_slice %arg12[%dma_wait3A_1633, %dma_wait3A_1634, %dma_wait3A_1635] : memref<32x8x64xf32, #tpu.memory_space<vmem>> -> memref<1x8x64xf32, #tpu.memory_space<vmem>>
      %dma_wait3A_1637 = tpu.memref_squeeze %dma_wait3A_1636 : memref<1x8x64xf32, #tpu.memory_space<vmem>> -> memref<8x64xf32, #tpu.memory_space<vmem>>
      %dma_wait3A_1638 = arith.constant 0 : i32
      %dma_wait3A_1639 = arith.constant 0 : i32
      %dma_wait3A_1640 = tpu.memref_slice %arg3[%squeeze3A_457, %dma_wait3A_1638, %dma_wait3A_1639] : memref<125000x8x64xf32, #tpu.memory_space<hbm>> -> memref<1x8x64xf32, #tpu.memory_space<hbm>>
      %dma_wait3A_1641 = tpu.memref_squeeze %dma_wait3A_1640 : memref<1x8x64xf32, #tpu.memory_space<hbm>> -> memref<8x64xf32, #tpu.memory_space<hbm>>
      %dma_wait3A_1642 = arith.constant 0 : i32
      %dma_wait3A_1643 = arith.constant 0 : i32
      %dma_wait3A_1644 = tpu.memref_slice %arg12[%dma_wait3A_1633, %dma_wait3A_1642, %dma_wait3A_1643] : memref<32x8x64xf32, #tpu.memory_space<vmem>> -> memref<1x8x64xf32, #tpu.memory_space<vmem>>
      %dma_wait3A_1645 = tpu.memref_squeeze %dma_wait3A_1644 : memref<1x8x64xf32, #tpu.memory_space<vmem>> -> memref<8x64xf32, #tpu.memory_space<vmem>>
      %dma_wait3A_1646 = arith.constant 0 : i32
      %dma_wait3A_1647 = arith.constant 0 : i32
      %dma_wait3A_1648 = tpu.memref_slice %arg3[%squeeze3A_457, %dma_wait3A_1646, %dma_wait3A_1647] : memref<125000x8x64xf32, #tpu.memory_space<hbm>> -> memref<1x8x64xf32, #tpu.memory_space<hbm>>
      %dma_wait3A_1649 = tpu.memref_squeeze %dma_wait3A_1648 : memref<1x8x64xf32, #tpu.memory_space<hbm>> -> memref<8x64xf32, #tpu.memory_space<hbm>>
      tpu.wait_dma2 semaphore(%arg17 : memref<!tpu.dma_semaphore, #tpu.memory_space<semaphore_mem>>) src(%dma_wait3A_1649 : memref<8x64xf32, #tpu.memory_space<hbm>>) dst(%dma_wait3A_1645 : memref<8x64xf32, #tpu.memory_space<vmem>>)
      %dma_wait3A_1650 = arith.constant 12 : i32
      %dma_wait3A_1651 = arith.constant 0 : i32
      %dma_wait3A_1652 = arith.constant 0 : i32
      %dma_wait3A_1653 = tpu.memref_slice %arg11[%dma_wait3A_1650, %dma_wait3A_1651, %dma_wait3A_1652] : memref<32x8x64xf32, #tpu.memory_space<vmem>> -> memref<1x8x64xf32, #tpu.memory_space<vmem>>
      %dma_wait3A_1654 = tpu.memref_squeeze %dma_wait3A_1653 : memref<1x8x64xf32, #tpu.memory_space<vmem>> -> memref<8x64xf32, #tpu.memory_space<vmem>>
      %dma_wait3A_1655 = arith.constant 0 : i32
      %dma_wait3A_1656 = arith.constant 0 : i32
      %dma_wait3A_1657 = tpu.memref_slice %arg2[%squeeze3A_476, %dma_wait3A_1655, %dma_wait3A_1656] : memref<125000x8x64xf32, #tpu.memory_space<hbm>> -> memref<1x8x64xf32, #tpu.memory_space<hbm>>
      %dma_wait3A_1658 = tpu.memref_squeeze %dma_wait3A_1657 : memref<1x8x64xf32, #tpu.memory_space<hbm>> -> memref<8x64xf32, #tpu.memory_space<hbm>>
      %dma_wait3A_1659 = arith.constant 0 : i32
      %dma_wait3A_1660 = arith.constant 0 : i32
      %dma_wait3A_1661 = tpu.memref_slice %arg11[%dma_wait3A_1650, %dma_wait3A_1659, %dma_wait3A_1660] : memref<32x8x64xf32, #tpu.memory_space<vmem>> -> memref<1x8x64xf32, #tpu.memory_space<vmem>>
      %dma_wait3A_1662 = tpu.memref_squeeze %dma_wait3A_1661 : memref<1x8x64xf32, #tpu.memory_space<vmem>> -> memref<8x64xf32, #tpu.memory_space<vmem>>
      %dma_wait3A_1663 = arith.constant 0 : i32
      %dma_wait3A_1664 = arith.constant 0 : i32
      %dma_wait3A_1665 = tpu.memref_slice %arg2[%squeeze3A_476, %dma_wait3A_1663, %dma_wait3A_1664] : memref<125000x8x64xf32, #tpu.memory_space<hbm>> -> memref<1x8x64xf32, #tpu.memory_space<hbm>>
      %dma_wait3A_1666 = tpu.memref_squeeze %dma_wait3A_1665 : memref<1x8x64xf32, #tpu.memory_space<hbm>> -> memref<8x64xf32, #tpu.memory_space<hbm>>
      tpu.wait_dma2 semaphore(%arg14 : memref<!tpu.dma_semaphore, #tpu.memory_space<semaphore_mem>>) src(%dma_wait3A_1666 : memref<8x64xf32, #tpu.memory_space<hbm>>) dst(%dma_wait3A_1662 : memref<8x64xf32, #tpu.memory_space<vmem>>)
      %dma_wait3A_1667 = arith.constant 12 : i32
      %dma_wait3A_1668 = arith.constant 0 : i32
      %dma_wait3A_1669 = arith.constant 0 : i32
      %dma_wait3A_1670 = tpu.memref_slice %arg12[%dma_wait3A_1667, %dma_wait3A_1668, %dma_wait3A_1669] : memref<32x8x64xf32, #tpu.memory_space<vmem>> -> memref<1x8x64xf32, #tpu.memory_space<vmem>>
      %dma_wait3A_1671 = tpu.memref_squeeze %dma_wait3A_1670 : memref<1x8x64xf32, #tpu.memory_space<vmem>> -> memref<8x64xf32, #tpu.memory_space<vmem>>
      %dma_wait3A_1672 = arith.constant 0 : i32
      %dma_wait3A_1673 = arith.constant 0 : i32
      %dma_wait3A_1674 = tpu.memref_slice %arg3[%squeeze3A_495, %dma_wait3A_1672, %dma_wait3A_1673] : memref<125000x8x64xf32, #tpu.memory_space<hbm>> -> memref<1x8x64xf32, #tpu.memory_space<hbm>>
      %dma_wait3A_1675 = tpu.memref_squeeze %dma_wait3A_1674 : memref<1x8x64xf32, #tpu.memory_space<hbm>> -> memref<8x64xf32, #tpu.memory_space<hbm>>
      %dma_wait3A_1676 = arith.constant 0 : i32
      %dma_wait3A_1677 = arith.constant 0 : i32
      %dma_wait3A_1678 = tpu.memref_slice %arg12[%dma_wait3A_1667, %dma_wait3A_1676, %dma_wait3A_1677] : memref<32x8x64xf32, #tpu.memory_space<vmem>> -> memref<1x8x64xf32, #tpu.memory_space<vmem>>
      %dma_wait3A_1679 = tpu.memref_squeeze %dma_wait3A_1678 : memref<1x8x64xf32, #tpu.memory_space<vmem>> -> memref<8x64xf32, #tpu.memory_space<vmem>>
      %dma_wait3A_1680 = arith.constant 0 : i32
      %dma_wait3A_1681 = arith.constant 0 : i32
      %dma_wait3A_1682 = tpu.memref_slice %arg3[%squeeze3A_495, %dma_wait3A_1680, %dma_wait3A_1681] : memref<125000x8x64xf32, #tpu.memory_space<hbm>> -> memref<1x8x64xf32, #tpu.memory_space<hbm>>
      %dma_wait3A_1683 = tpu.memref_squeeze %dma_wait3A_1682 : memref<1x8x64xf32, #tpu.memory_space<hbm>> -> memref<8x64xf32, #tpu.memory_space<hbm>>
      tpu.wait_dma2 semaphore(%arg15 : memref<!tpu.dma_semaphore, #tpu.memory_space<semaphore_mem>>) src(%dma_wait3A_1683 : memref<8x64xf32, #tpu.memory_space<hbm>>) dst(%dma_wait3A_1679 : memref<8x64xf32, #tpu.memory_space<vmem>>)
      %dma_wait3A_1684 = arith.constant 13 : i32
      %dma_wait3A_1685 = arith.constant 0 : i32
      %dma_wait3A_1686 = arith.constant 0 : i32
      %dma_wait3A_1687 = tpu.memref_slice %arg11[%dma_wait3A_1684, %dma_wait3A_1685, %dma_wait3A_1686] : memref<32x8x64xf32, #tpu.memory_space<vmem>> -> memref<1x8x64xf32, #tpu.memory_space<vmem>>
      %dma_wait3A_1688 = tpu.memref_squeeze %dma_wait3A_1687 : memref<1x8x64xf32, #tpu.memory_space<vmem>> -> memref<8x64xf32, #tpu.memory_space<vmem>>
      %dma_wait3A_1689 = arith.constant 0 : i32
      %dma_wait3A_1690 = arith.constant 0 : i32
      %dma_wait3A_1691 = tpu.memref_slice %arg2[%squeeze3A_514, %dma_wait3A_1689, %dma_wait3A_1690] : memref<125000x8x64xf32, #tpu.memory_space<hbm>> -> memref<1x8x64xf32, #tpu.memory_space<hbm>>
      %dma_wait3A_1692 = tpu.memref_squeeze %dma_wait3A_1691 : memref<1x8x64xf32, #tpu.memory_space<hbm>> -> memref<8x64xf32, #tpu.memory_space<hbm>>
      %dma_wait3A_1693 = arith.constant 0 : i32
      %dma_wait3A_1694 = arith.constant 0 : i32
      %dma_wait3A_1695 = tpu.memref_slice %arg11[%dma_wait3A_1684, %dma_wait3A_1693, %dma_wait3A_1694] : memref<32x8x64xf32, #tpu.memory_space<vmem>> -> memref<1x8x64xf32, #tpu.memory_space<vmem>>
      %dma_wait3A_1696 = tpu.memref_squeeze %dma_wait3A_1695 : memref<1x8x64xf32, #tpu.memory_space<vmem>> -> memref<8x64xf32, #tpu.memory_space<vmem>>
      %dma_wait3A_1697 = arith.constant 0 : i32
      %dma_wait3A_1698 = arith.constant 0 : i32
      %dma_wait3A_1699 = tpu.memref_slice %arg2[%squeeze3A_514, %dma_wait3A_1697, %dma_wait3A_1698] : memref<125000x8x64xf32, #tpu.memory_space<hbm>> -> memref<1x8x64xf32, #tpu.memory_space<hbm>>
      %dma_wait3A_1700 = tpu.memref_squeeze %dma_wait3A_1699 : memref<1x8x64xf32, #tpu.memory_space<hbm>> -> memref<8x64xf32, #tpu.memory_space<hbm>>
      tpu.wait_dma2 semaphore(%arg16 : memref<!tpu.dma_semaphore, #tpu.memory_space<semaphore_mem>>) src(%dma_wait3A_1700 : memref<8x64xf32, #tpu.memory_space<hbm>>) dst(%dma_wait3A_1696 : memref<8x64xf32, #tpu.memory_space<vmem>>)
      %dma_wait3A_1701 = arith.constant 13 : i32
      %dma_wait3A_1702 = arith.constant 0 : i32
      %dma_wait3A_1703 = arith.constant 0 : i32
      %dma_wait3A_1704 = tpu.memref_slice %arg12[%dma_wait3A_1701, %dma_wait3A_1702, %dma_wait3A_1703] : memref<32x8x64xf32, #tpu.memory_space<vmem>> -> memref<1x8x64xf32, #tpu.memory_space<vmem>>
      %dma_wait3A_1705 = tpu.memref_squeeze %dma_wait3A_1704 : memref<1x8x64xf32, #tpu.memory_space<vmem>> -> memref<8x64xf32, #tpu.memory_space<vmem>>
      %dma_wait3A_1706 = arith.constant 0 : i32
      %dma_wait3A_1707 = arith.constant 0 : i32
      %dma_wait3A_1708 = tpu.memref_slice %arg3[%squeeze3A_533, %dma_wait3A_1706, %dma_wait3A_1707] : memref<125000x8x64xf32, #tpu.memory_space<hbm>> -> memref<1x8x64xf32, #tpu.memory_space<hbm>>
      %dma_wait3A_1709 = tpu.memref_squeeze %dma_wait3A_1708 : memref<1x8x64xf32, #tpu.memory_space<hbm>> -> memref<8x64xf32, #tpu.memory_space<hbm>>
      %dma_wait3A_1710 = arith.constant 0 : i32
      %dma_wait3A_1711 = arith.constant 0 : i32
      %dma_wait3A_1712 = tpu.memref_slice %arg12[%dma_wait3A_1701, %dma_wait3A_1710, %dma_wait3A_1711] : memref<32x8x64xf32, #tpu.memory_space<vmem>> -> memref<1x8x64xf32, #tpu.memory_space<vmem>>
      %dma_wait3A_1713 = tpu.memref_squeeze %dma_wait3A_1712 : memref<1x8x64xf32, #tpu.memory_space<vmem>> -> memref<8x64xf32, #tpu.memory_space<vmem>>
      %dma_wait3A_1714 = arith.constant 0 : i32
      %dma_wait3A_1715 = arith.constant 0 : i32
      %dma_wait3A_1716 = tpu.memref_slice %arg3[%squeeze3A_533, %dma_wait3A_1714, %dma_wait3A_1715] : memref<125000x8x64xf32, #tpu.memory_space<hbm>> -> memref<1x8x64xf32, #tpu.memory_space<hbm>>
      %dma_wait3A_1717 = tpu.memref_squeeze %dma_wait3A_1716 : memref<1x8x64xf32, #tpu.memory_space<hbm>> -> memref<8x64xf32, #tpu.memory_space<hbm>>
      tpu.wait_dma2 semaphore(%arg17 : memref<!tpu.dma_semaphore, #tpu.memory_space<semaphore_mem>>) src(%dma_wait3A_1717 : memref<8x64xf32, #tpu.memory_space<hbm>>) dst(%dma_wait3A_1713 : memref<8x64xf32, #tpu.memory_space<vmem>>)
      %dma_wait3A_1718 = arith.constant 14 : i32
      %dma_wait3A_1719 = arith.constant 0 : i32
      %dma_wait3A_1720 = arith.constant 0 : i32
      %dma_wait3A_1721 = tpu.memref_slice %arg11[%dma_wait3A_1718, %dma_wait3A_1719, %dma_wait3A_1720] : memref<32x8x64xf32, #tpu.memory_space<vmem>> -> memref<1x8x64xf32, #tpu.memory_space<vmem>>
      %dma_wait3A_1722 = tpu.memref_squeeze %dma_wait3A_1721 : memref<1x8x64xf32, #tpu.memory_space<vmem>> -> memref<8x64xf32, #tpu.memory_space<vmem>>
      %dma_wait3A_1723 = arith.constant 0 : i32
      %dma_wait3A_1724 = arith.constant 0 : i32
      %dma_wait3A_1725 = tpu.memref_slice %arg2[%squeeze3A_552, %dma_wait3A_1723, %dma_wait3A_1724] : memref<125000x8x64xf32, #tpu.memory_space<hbm>> -> memref<1x8x64xf32, #tpu.memory_space<hbm>>
      %dma_wait3A_1726 = tpu.memref_squeeze %dma_wait3A_1725 : memref<1x8x64xf32, #tpu.memory_space<hbm>> -> memref<8x64xf32, #tpu.memory_space<hbm>>
      %dma_wait3A_1727 = arith.constant 0 : i32
      %dma_wait3A_1728 = arith.constant 0 : i32
      %dma_wait3A_1729 = tpu.memref_slice %arg11[%dma_wait3A_1718, %dma_wait3A_1727, %dma_wait3A_1728] : memref<32x8x64xf32, #tpu.memory_space<vmem>> -> memref<1x8x64xf32, #tpu.memory_space<vmem>>
      %dma_wait3A_1730 = tpu.memref_squeeze %dma_wait3A_1729 : memref<1x8x64xf32, #tpu.memory_space<vmem>> -> memref<8x64xf32, #tpu.memory_space<vmem>>
      %dma_wait3A_1731 = arith.constant 0 : i32
      %dma_wait3A_1732 = arith.constant 0 : i32
      %dma_wait3A_1733 = tpu.memref_slice %arg2[%squeeze3A_552, %dma_wait3A_1731, %dma_wait3A_1732] : memref<125000x8x64xf32, #tpu.memory_space<hbm>> -> memref<1x8x64xf32, #tpu.memory_space<hbm>>
      %dma_wait3A_1734 = tpu.memref_squeeze %dma_wait3A_1733 : memref<1x8x64xf32, #tpu.memory_space<hbm>> -> memref<8x64xf32, #tpu.memory_space<hbm>>
      tpu.wait_dma2 semaphore(%arg14 : memref<!tpu.dma_semaphore, #tpu.memory_space<semaphore_mem>>) src(%dma_wait3A_1734 : memref<8x64xf32, #tpu.memory_space<hbm>>) dst(%dma_wait3A_1730 : memref<8x64xf32, #tpu.memory_space<vmem>>)
      %dma_wait3A_1735 = arith.constant 14 : i32
      %dma_wait3A_1736 = arith.constant 0 : i32
      %dma_wait3A_1737 = arith.constant 0 : i32
      %dma_wait3A_1738 = tpu.memref_slice %arg12[%dma_wait3A_1735, %dma_wait3A_1736, %dma_wait3A_1737] : memref<32x8x64xf32, #tpu.memory_space<vmem>> -> memref<1x8x64xf32, #tpu.memory_space<vmem>>
      %dma_wait3A_1739 = tpu.memref_squeeze %dma_wait3A_1738 : memref<1x8x64xf32, #tpu.memory_space<vmem>> -> memref<8x64xf32, #tpu.memory_space<vmem>>
      %dma_wait3A_1740 = arith.constant 0 : i32
      %dma_wait3A_1741 = arith.constant 0 : i32
      %dma_wait3A_1742 = tpu.memref_slice %arg3[%squeeze3A_571, %dma_wait3A_1740, %dma_wait3A_1741] : memref<125000x8x64xf32, #tpu.memory_space<hbm>> -> memref<1x8x64xf32, #tpu.memory_space<hbm>>
      %dma_wait3A_1743 = tpu.memref_squeeze %dma_wait3A_1742 : memref<1x8x64xf32, #tpu.memory_space<hbm>> -> memref<8x64xf32, #tpu.memory_space<hbm>>
      %dma_wait3A_1744 = arith.constant 0 : i32
      %dma_wait3A_1745 = arith.constant 0 : i32
      %dma_wait3A_1746 = tpu.memref_slice %arg12[%dma_wait3A_1735, %dma_wait3A_1744, %dma_wait3A_1745] : memref<32x8x64xf32, #tpu.memory_space<vmem>> -> memref<1x8x64xf32, #tpu.memory_space<vmem>>
      %dma_wait3A_1747 = tpu.memref_squeeze %dma_wait3A_1746 : memref<1x8x64xf32, #tpu.memory_space<vmem>> -> memref<8x64xf32, #tpu.memory_space<vmem>>
      %dma_wait3A_1748 = arith.constant 0 : i32
      %dma_wait3A_1749 = arith.constant 0 : i32
      %dma_wait3A_1750 = tpu.memref_slice %arg3[%squeeze3A_571, %dma_wait3A_1748, %dma_wait3A_1749] : memref<125000x8x64xf32, #tpu.memory_space<hbm>> -> memref<1x8x64xf32, #tpu.memory_space<hbm>>
      %dma_wait3A_1751 = tpu.memref_squeeze %dma_wait3A_1750 : memref<1x8x64xf32, #tpu.memory_space<hbm>> -> memref<8x64xf32, #tpu.memory_space<hbm>>
      tpu.wait_dma2 semaphore(%arg15 : memref<!tpu.dma_semaphore, #tpu.memory_space<semaphore_mem>>) src(%dma_wait3A_1751 : memref<8x64xf32, #tpu.memory_space<hbm>>) dst(%dma_wait3A_1747 : memref<8x64xf32, #tpu.memory_space<vmem>>)
      %dma_wait3A_1752 = arith.constant 15 : i32
      %dma_wait3A_1753 = arith.constant 0 : i32
      %dma_wait3A_1754 = arith.constant 0 : i32
      %dma_wait3A_1755 = tpu.memref_slice %arg11[%dma_wait3A_1752, %dma_wait3A_1753, %dma_wait3A_1754] : memref<32x8x64xf32, #tpu.memory_space<vmem>> -> memref<1x8x64xf32, #tpu.memory_space<vmem>>
      %dma_wait3A_1756 = tpu.memref_squeeze %dma_wait3A_1755 : memref<1x8x64xf32, #tpu.memory_space<vmem>> -> memref<8x64xf32, #tpu.memory_space<vmem>>
      %dma_wait3A_1757 = arith.constant 0 : i32
      %dma_wait3A_1758 = arith.constant 0 : i32
      %dma_wait3A_1759 = tpu.memref_slice %arg2[%squeeze3A_590, %dma_wait3A_1757, %dma_wait3A_1758] : memref<125000x8x64xf32, #tpu.memory_space<hbm>> -> memref<1x8x64xf32, #tpu.memory_space<hbm>>
      %dma_wait3A_1760 = tpu.memref_squeeze %dma_wait3A_1759 : memref<1x8x64xf32, #tpu.memory_space<hbm>> -> memref<8x64xf32, #tpu.memory_space<hbm>>
      %dma_wait3A_1761 = arith.constant 0 : i32
      %dma_wait3A_1762 = arith.constant 0 : i32
      %dma_wait3A_1763 = tpu.memref_slice %arg11[%dma_wait3A_1752, %dma_wait3A_1761, %dma_wait3A_1762] : memref<32x8x64xf32, #tpu.memory_space<vmem>> -> memref<1x8x64xf32, #tpu.memory_space<vmem>>
      %dma_wait3A_1764 = tpu.memref_squeeze %dma_wait3A_1763 : memref<1x8x64xf32, #tpu.memory_space<vmem>> -> memref<8x64xf32, #tpu.memory_space<vmem>>
      %dma_wait3A_1765 = arith.constant 0 : i32
      %dma_wait3A_1766 = arith.constant 0 : i32
      %dma_wait3A_1767 = tpu.memref_slice %arg2[%squeeze3A_590, %dma_wait3A_1765, %dma_wait3A_1766] : memref<125000x8x64xf32, #tpu.memory_space<hbm>> -> memref<1x8x64xf32, #tpu.memory_space<hbm>>
      %dma_wait3A_1768 = tpu.memref_squeeze %dma_wait3A_1767 : memref<1x8x64xf32, #tpu.memory_space<hbm>> -> memref<8x64xf32, #tpu.memory_space<hbm>>
      tpu.wait_dma2 semaphore(%arg16 : memref<!tpu.dma_semaphore, #tpu.memory_space<semaphore_mem>>) src(%dma_wait3A_1768 : memref<8x64xf32, #tpu.memory_space<hbm>>) dst(%dma_wait3A_1764 : memref<8x64xf32, #tpu.memory_space<vmem>>)
      %dma_wait3A_1769 = arith.constant 15 : i32
      %dma_wait3A_1770 = arith.constant 0 : i32
      %dma_wait3A_1771 = arith.constant 0 : i32
      %dma_wait3A_1772 = tpu.memref_slice %arg12[%dma_wait3A_1769, %dma_wait3A_1770, %dma_wait3A_1771] : memref<32x8x64xf32, #tpu.memory_space<vmem>> -> memref<1x8x64xf32, #tpu.memory_space<vmem>>
      %dma_wait3A_1773 = tpu.memref_squeeze %dma_wait3A_1772 : memref<1x8x64xf32, #tpu.memory_space<vmem>> -> memref<8x64xf32, #tpu.memory_space<vmem>>
      %dma_wait3A_1774 = arith.constant 0 : i32
      %dma_wait3A_1775 = arith.constant 0 : i32
      %dma_wait3A_1776 = tpu.memref_slice %arg3[%squeeze3A_609, %dma_wait3A_1774, %dma_wait3A_1775] : memref<125000x8x64xf32, #tpu.memory_space<hbm>> -> memref<1x8x64xf32, #tpu.memory_space<hbm>>
      %dma_wait3A_1777 = tpu.memref_squeeze %dma_wait3A_1776 : memref<1x8x64xf32, #tpu.memory_space<hbm>> -> memref<8x64xf32, #tpu.memory_space<hbm>>
      %dma_wait3A_1778 = arith.constant 0 : i32
      %dma_wait3A_1779 = arith.constant 0 : i32
      %dma_wait3A_1780 = tpu.memref_slice %arg12[%dma_wait3A_1769, %dma_wait3A_1778, %dma_wait3A_1779] : memref<32x8x64xf32, #tpu.memory_space<vmem>> -> memref<1x8x64xf32, #tpu.memory_space<vmem>>
      %dma_wait3A_1781 = tpu.memref_squeeze %dma_wait3A_1780 : memref<1x8x64xf32, #tpu.memory_space<vmem>> -> memref<8x64xf32, #tpu.memory_space<vmem>>
      %dma_wait3A_1782 = arith.constant 0 : i32
      %dma_wait3A_1783 = arith.constant 0 : i32
      %dma_wait3A_1784 = tpu.memref_slice %arg3[%squeeze3A_609, %dma_wait3A_1782, %dma_wait3A_1783] : memref<125000x8x64xf32, #tpu.memory_space<hbm>> -> memref<1x8x64xf32, #tpu.memory_space<hbm>>
      %dma_wait3A_1785 = tpu.memref_squeeze %dma_wait3A_1784 : memref<1x8x64xf32, #tpu.memory_space<hbm>> -> memref<8x64xf32, #tpu.memory_space<hbm>>
      tpu.wait_dma2 semaphore(%arg17 : memref<!tpu.dma_semaphore, #tpu.memory_space<semaphore_mem>>) src(%dma_wait3A_1785 : memref<8x64xf32, #tpu.memory_space<hbm>>) dst(%dma_wait3A_1781 : memref<8x64xf32, #tpu.memory_space<vmem>>)
      %dma_wait3A_1786 = arith.constant 16 : i32
      %dma_wait3A_1787 = arith.constant 0 : i32
      %dma_wait3A_1788 = arith.constant 0 : i32
      %dma_wait3A_1789 = tpu.memref_slice %arg11[%dma_wait3A_1786, %dma_wait3A_1787, %dma_wait3A_1788] : memref<32x8x64xf32, #tpu.memory_space<vmem>> -> memref<1x8x64xf32, #tpu.memory_space<vmem>>
      %dma_wait3A_1790 = tpu.memref_squeeze %dma_wait3A_1789 : memref<1x8x64xf32, #tpu.memory_space<vmem>> -> memref<8x64xf32, #tpu.memory_space<vmem>>
      %dma_wait3A_1791 = arith.constant 0 : i32
      %dma_wait3A_1792 = arith.constant 0 : i32
      %dma_wait3A_1793 = tpu.memref_slice %arg2[%squeeze3A_636, %dma_wait3A_1791, %dma_wait3A_1792] : memref<125000x8x64xf32, #tpu.memory_space<hbm>> -> memref<1x8x64xf32, #tpu.memory_space<hbm>>
      %dma_wait3A_1794 = tpu.memref_squeeze %dma_wait3A_1793 : memref<1x8x64xf32, #tpu.memory_space<hbm>> -> memref<8x64xf32, #tpu.memory_space<hbm>>
      %dma_wait3A_1795 = arith.constant 0 : i32
      %dma_wait3A_1796 = arith.constant 0 : i32
      %dma_wait3A_1797 = tpu.memref_slice %arg11[%dma_wait3A_1786, %dma_wait3A_1795, %dma_wait3A_1796] : memref<32x8x64xf32, #tpu.memory_space<vmem>> -> memref<1x8x64xf32, #tpu.memory_space<vmem>>
      %dma_wait3A_1798 = tpu.memref_squeeze %dma_wait3A_1797 : memref<1x8x64xf32, #tpu.memory_space<vmem>> -> memref<8x64xf32, #tpu.memory_space<vmem>>
      %dma_wait3A_1799 = arith.constant 0 : i32
      %dma_wait3A_1800 = arith.constant 0 : i32
      %dma_wait3A_1801 = tpu.memref_slice %arg2[%squeeze3A_636, %dma_wait3A_1799, %dma_wait3A_1800] : memref<125000x8x64xf32, #tpu.memory_space<hbm>> -> memref<1x8x64xf32, #tpu.memory_space<hbm>>
      %dma_wait3A_1802 = tpu.memref_squeeze %dma_wait3A_1801 : memref<1x8x64xf32, #tpu.memory_space<hbm>> -> memref<8x64xf32, #tpu.memory_space<hbm>>
      tpu.wait_dma2 semaphore(%arg14 : memref<!tpu.dma_semaphore, #tpu.memory_space<semaphore_mem>>) src(%dma_wait3A_1802 : memref<8x64xf32, #tpu.memory_space<hbm>>) dst(%dma_wait3A_1798 : memref<8x64xf32, #tpu.memory_space<vmem>>)
      %dma_wait3A_1803 = arith.constant 16 : i32
      %dma_wait3A_1804 = arith.constant 0 : i32
      %dma_wait3A_1805 = arith.constant 0 : i32
      %dma_wait3A_1806 = tpu.memref_slice %arg12[%dma_wait3A_1803, %dma_wait3A_1804, %dma_wait3A_1805] : memref<32x8x64xf32, #tpu.memory_space<vmem>> -> memref<1x8x64xf32, #tpu.memory_space<vmem>>
      %dma_wait3A_1807 = tpu.memref_squeeze %dma_wait3A_1806 : memref<1x8x64xf32, #tpu.memory_space<vmem>> -> memref<8x64xf32, #tpu.memory_space<vmem>>
      %dma_wait3A_1808 = arith.constant 0 : i32
      %dma_wait3A_1809 = arith.constant 0 : i32
      %dma_wait3A_1810 = tpu.memref_slice %arg3[%squeeze3A_655, %dma_wait3A_1808, %dma_wait3A_1809] : memref<125000x8x64xf32, #tpu.memory_space<hbm>> -> memref<1x8x64xf32, #tpu.memory_space<hbm>>
      %dma_wait3A_1811 = tpu.memref_squeeze %dma_wait3A_1810 : memref<1x8x64xf32, #tpu.memory_space<hbm>> -> memref<8x64xf32, #tpu.memory_space<hbm>>
      %dma_wait3A_1812 = arith.constant 0 : i32
      %dma_wait3A_1813 = arith.constant 0 : i32
      %dma_wait3A_1814 = tpu.memref_slice %arg12[%dma_wait3A_1803, %dma_wait3A_1812, %dma_wait3A_1813] : memref<32x8x64xf32, #tpu.memory_space<vmem>> -> memref<1x8x64xf32, #tpu.memory_space<vmem>>
      %dma_wait3A_1815 = tpu.memref_squeeze %dma_wait3A_1814 : memref<1x8x64xf32, #tpu.memory_space<vmem>> -> memref<8x64xf32, #tpu.memory_space<vmem>>
      %dma_wait3A_1816 = arith.constant 0 : i32
      %dma_wait3A_1817 = arith.constant 0 : i32
      %dma_wait3A_1818 = tpu.memref_slice %arg3[%squeeze3A_655, %dma_wait3A_1816, %dma_wait3A_1817] : memref<125000x8x64xf32, #tpu.memory_space<hbm>> -> memref<1x8x64xf32, #tpu.memory_space<hbm>>
      %dma_wait3A_1819 = tpu.memref_squeeze %dma_wait3A_1818 : memref<1x8x64xf32, #tpu.memory_space<hbm>> -> memref<8x64xf32, #tpu.memory_space<hbm>>
      tpu.wait_dma2 semaphore(%arg15 : memref<!tpu.dma_semaphore, #tpu.memory_space<semaphore_mem>>) src(%dma_wait3A_1819 : memref<8x64xf32, #tpu.memory_space<hbm>>) dst(%dma_wait3A_1815 : memref<8x64xf32, #tpu.memory_space<vmem>>)
      %dma_wait3A_1820 = arith.constant 17 : i32
      %dma_wait3A_1821 = arith.constant 0 : i32
      %dma_wait3A_1822 = arith.constant 0 : i32
      %dma_wait3A_1823 = tpu.memref_slice %arg11[%dma_wait3A_1820, %dma_wait3A_1821, %dma_wait3A_1822] : memref<32x8x64xf32, #tpu.memory_space<vmem>> -> memref<1x8x64xf32, #tpu.memory_space<vmem>>
      %dma_wait3A_1824 = tpu.memref_squeeze %dma_wait3A_1823 : memref<1x8x64xf32, #tpu.memory_space<vmem>> -> memref<8x64xf32, #tpu.memory_space<vmem>>
      %dma_wait3A_1825 = arith.constant 0 : i32
      %dma_wait3A_1826 = arith.constant 0 : i32
      %dma_wait3A_1827 = tpu.memref_slice %arg2[%squeeze3A_674, %dma_wait3A_1825, %dma_wait3A_1826] : memref<125000x8x64xf32, #tpu.memory_space<hbm>> -> memref<1x8x64xf32, #tpu.memory_space<hbm>>
      %dma_wait3A_1828 = tpu.memref_squeeze %dma_wait3A_1827 : memref<1x8x64xf32, #tpu.memory_space<hbm>> -> memref<8x64xf32, #tpu.memory_space<hbm>>
      %dma_wait3A_1829 = arith.constant 0 : i32
      %dma_wait3A_1830 = arith.constant 0 : i32
      %dma_wait3A_1831 = tpu.memref_slice %arg11[%dma_wait3A_1820, %dma_wait3A_1829, %dma_wait3A_1830] : memref<32x8x64xf32, #tpu.memory_space<vmem>> -> memref<1x8x64xf32, #tpu.memory_space<vmem>>
      %dma_wait3A_1832 = tpu.memref_squeeze %dma_wait3A_1831 : memref<1x8x64xf32, #tpu.memory_space<vmem>> -> memref<8x64xf32, #tpu.memory_space<vmem>>
      %dma_wait3A_1833 = arith.constant 0 : i32
      %dma_wait3A_1834 = arith.constant 0 : i32
      %dma_wait3A_1835 = tpu.memref_slice %arg2[%squeeze3A_674, %dma_wait3A_1833, %dma_wait3A_1834] : memref<125000x8x64xf32, #tpu.memory_space<hbm>> -> memref<1x8x64xf32, #tpu.memory_space<hbm>>
      %dma_wait3A_1836 = tpu.memref_squeeze %dma_wait3A_1835 : memref<1x8x64xf32, #tpu.memory_space<hbm>> -> memref<8x64xf32, #tpu.memory_space<hbm>>
      tpu.wait_dma2 semaphore(%arg16 : memref<!tpu.dma_semaphore, #tpu.memory_space<semaphore_mem>>) src(%dma_wait3A_1836 : memref<8x64xf32, #tpu.memory_space<hbm>>) dst(%dma_wait3A_1832 : memref<8x64xf32, #tpu.memory_space<vmem>>)
      %dma_wait3A_1837 = arith.constant 17 : i32
      %dma_wait3A_1838 = arith.constant 0 : i32
      %dma_wait3A_1839 = arith.constant 0 : i32
      %dma_wait3A_1840 = tpu.memref_slice %arg12[%dma_wait3A_1837, %dma_wait3A_1838, %dma_wait3A_1839] : memref<32x8x64xf32, #tpu.memory_space<vmem>> -> memref<1x8x64xf32, #tpu.memory_space<vmem>>
      %dma_wait3A_1841 = tpu.memref_squeeze %dma_wait3A_1840 : memref<1x8x64xf32, #tpu.memory_space<vmem>> -> memref<8x64xf32, #tpu.memory_space<vmem>>
      %dma_wait3A_1842 = arith.constant 0 : i32
      %dma_wait3A_1843 = arith.constant 0 : i32
      %dma_wait3A_1844 = tpu.memref_slice %arg3[%squeeze3A_693, %dma_wait3A_1842, %dma_wait3A_1843] : memref<125000x8x64xf32, #tpu.memory_space<hbm>> -> memref<1x8x64xf32, #tpu.memory_space<hbm>>
      %dma_wait3A_1845 = tpu.memref_squeeze %dma_wait3A_1844 : memref<1x8x64xf32, #tpu.memory_space<hbm>> -> memref<8x64xf32, #tpu.memory_space<hbm>>
      %dma_wait3A_1846 = arith.constant 0 : i32
      %dma_wait3A_1847 = arith.constant 0 : i32
      %dma_wait3A_1848 = tpu.memref_slice %arg12[%dma_wait3A_1837, %dma_wait3A_1846, %dma_wait3A_1847] : memref<32x8x64xf32, #tpu.memory_space<vmem>> -> memref<1x8x64xf32, #tpu.memory_space<vmem>>
      %dma_wait3A_1849 = tpu.memref_squeeze %dma_wait3A_1848 : memref<1x8x64xf32, #tpu.memory_space<vmem>> -> memref<8x64xf32, #tpu.memory_space<vmem>>
      %dma_wait3A_1850 = arith.constant 0 : i32
      %dma_wait3A_1851 = arith.constant 0 : i32
      %dma_wait3A_1852 = tpu.memref_slice %arg3[%squeeze3A_693, %dma_wait3A_1850, %dma_wait3A_1851] : memref<125000x8x64xf32, #tpu.memory_space<hbm>> -> memref<1x8x64xf32, #tpu.memory_space<hbm>>
      %dma_wait3A_1853 = tpu.memref_squeeze %dma_wait3A_1852 : memref<1x8x64xf32, #tpu.memory_space<hbm>> -> memref<8x64xf32, #tpu.memory_space<hbm>>
      tpu.wait_dma2 semaphore(%arg17 : memref<!tpu.dma_semaphore, #tpu.memory_space<semaphore_mem>>) src(%dma_wait3A_1853 : memref<8x64xf32, #tpu.memory_space<hbm>>) dst(%dma_wait3A_1849 : memref<8x64xf32, #tpu.memory_space<vmem>>)
      %dma_wait3A_1854 = arith.constant 18 : i32
      %dma_wait3A_1855 = arith.constant 0 : i32
      %dma_wait3A_1856 = arith.constant 0 : i32
      %dma_wait3A_1857 = tpu.memref_slice %arg11[%dma_wait3A_1854, %dma_wait3A_1855, %dma_wait3A_1856] : memref<32x8x64xf32, #tpu.memory_space<vmem>> -> memref<1x8x64xf32, #tpu.memory_space<vmem>>
      %dma_wait3A_1858 = tpu.memref_squeeze %dma_wait3A_1857 : memref<1x8x64xf32, #tpu.memory_space<vmem>> -> memref<8x64xf32, #tpu.memory_space<vmem>>
      %dma_wait3A_1859 = arith.constant 0 : i32
      %dma_wait3A_1860 = arith.constant 0 : i32
      %dma_wait3A_1861 = tpu.memref_slice %arg2[%squeeze3A_712, %dma_wait3A_1859, %dma_wait3A_1860] : memref<125000x8x64xf32, #tpu.memory_space<hbm>> -> memref<1x8x64xf32, #tpu.memory_space<hbm>>
      %dma_wait3A_1862 = tpu.memref_squeeze %dma_wait3A_1861 : memref<1x8x64xf32, #tpu.memory_space<hbm>> -> memref<8x64xf32, #tpu.memory_space<hbm>>
      %dma_wait3A_1863 = arith.constant 0 : i32
      %dma_wait3A_1864 = arith.constant 0 : i32
      %dma_wait3A_1865 = tpu.memref_slice %arg11[%dma_wait3A_1854, %dma_wait3A_1863, %dma_wait3A_1864] : memref<32x8x64xf32, #tpu.memory_space<vmem>> -> memref<1x8x64xf32, #tpu.memory_space<vmem>>
      %dma_wait3A_1866 = tpu.memref_squeeze %dma_wait3A_1865 : memref<1x8x64xf32, #tpu.memory_space<vmem>> -> memref<8x64xf32, #tpu.memory_space<vmem>>
      %dma_wait3A_1867 = arith.constant 0 : i32
      %dma_wait3A_1868 = arith.constant 0 : i32
      %dma_wait3A_1869 = tpu.memref_slice %arg2[%squeeze3A_712, %dma_wait3A_1867, %dma_wait3A_1868] : memref<125000x8x64xf32, #tpu.memory_space<hbm>> -> memref<1x8x64xf32, #tpu.memory_space<hbm>>
      %dma_wait3A_1870 = tpu.memref_squeeze %dma_wait3A_1869 : memref<1x8x64xf32, #tpu.memory_space<hbm>> -> memref<8x64xf32, #tpu.memory_space<hbm>>
      tpu.wait_dma2 semaphore(%arg14 : memref<!tpu.dma_semaphore, #tpu.memory_space<semaphore_mem>>) src(%dma_wait3A_1870 : memref<8x64xf32, #tpu.memory_space<hbm>>) dst(%dma_wait3A_1866 : memref<8x64xf32, #tpu.memory_space<vmem>>)
      %dma_wait3A_1871 = arith.constant 18 : i32
      %dma_wait3A_1872 = arith.constant 0 : i32
      %dma_wait3A_1873 = arith.constant 0 : i32
      %dma_wait3A_1874 = tpu.memref_slice %arg12[%dma_wait3A_1871, %dma_wait3A_1872, %dma_wait3A_1873] : memref<32x8x64xf32, #tpu.memory_space<vmem>> -> memref<1x8x64xf32, #tpu.memory_space<vmem>>
      %dma_wait3A_1875 = tpu.memref_squeeze %dma_wait3A_1874 : memref<1x8x64xf32, #tpu.memory_space<vmem>> -> memref<8x64xf32, #tpu.memory_space<vmem>>
      %dma_wait3A_1876 = arith.constant 0 : i32
      %dma_wait3A_1877 = arith.constant 0 : i32
      %dma_wait3A_1878 = tpu.memref_slice %arg3[%squeeze3A_731, %dma_wait3A_1876, %dma_wait3A_1877] : memref<125000x8x64xf32, #tpu.memory_space<hbm>> -> memref<1x8x64xf32, #tpu.memory_space<hbm>>
      %dma_wait3A_1879 = tpu.memref_squeeze %dma_wait3A_1878 : memref<1x8x64xf32, #tpu.memory_space<hbm>> -> memref<8x64xf32, #tpu.memory_space<hbm>>
      %dma_wait3A_1880 = arith.constant 0 : i32
      %dma_wait3A_1881 = arith.constant 0 : i32
      %dma_wait3A_1882 = tpu.memref_slice %arg12[%dma_wait3A_1871, %dma_wait3A_1880, %dma_wait3A_1881] : memref<32x8x64xf32, #tpu.memory_space<vmem>> -> memref<1x8x64xf32, #tpu.memory_space<vmem>>
      %dma_wait3A_1883 = tpu.memref_squeeze %dma_wait3A_1882 : memref<1x8x64xf32, #tpu.memory_space<vmem>> -> memref<8x64xf32, #tpu.memory_space<vmem>>
      %dma_wait3A_1884 = arith.constant 0 : i32
      %dma_wait3A_1885 = arith.constant 0 : i32
      %dma_wait3A_1886 = tpu.memref_slice %arg3[%squeeze3A_731, %dma_wait3A_1884, %dma_wait3A_1885] : memref<125000x8x64xf32, #tpu.memory_space<hbm>> -> memref<1x8x64xf32, #tpu.memory_space<hbm>>
      %dma_wait3A_1887 = tpu.memref_squeeze %dma_wait3A_1886 : memref<1x8x64xf32, #tpu.memory_space<hbm>> -> memref<8x64xf32, #tpu.memory_space<hbm>>
      tpu.wait_dma2 semaphore(%arg15 : memref<!tpu.dma_semaphore, #tpu.memory_space<semaphore_mem>>) src(%dma_wait3A_1887 : memref<8x64xf32, #tpu.memory_space<hbm>>) dst(%dma_wait3A_1883 : memref<8x64xf32, #tpu.memory_space<vmem>>)
      %dma_wait3A_1888 = arith.constant 19 : i32
      %dma_wait3A_1889 = arith.constant 0 : i32
      %dma_wait3A_1890 = arith.constant 0 : i32
      %dma_wait3A_1891 = tpu.memref_slice %arg11[%dma_wait3A_1888, %dma_wait3A_1889, %dma_wait3A_1890] : memref<32x8x64xf32, #tpu.memory_space<vmem>> -> memref<1x8x64xf32, #tpu.memory_space<vmem>>
      %dma_wait3A_1892 = tpu.memref_squeeze %dma_wait3A_1891 : memref<1x8x64xf32, #tpu.memory_space<vmem>> -> memref<8x64xf32, #tpu.memory_space<vmem>>
      %dma_wait3A_1893 = arith.constant 0 : i32
      %dma_wait3A_1894 = arith.constant 0 : i32
      %dma_wait3A_1895 = tpu.memref_slice %arg2[%squeeze3A_750, %dma_wait3A_1893, %dma_wait3A_1894] : memref<125000x8x64xf32, #tpu.memory_space<hbm>> -> memref<1x8x64xf32, #tpu.memory_space<hbm>>
      %dma_wait3A_1896 = tpu.memref_squeeze %dma_wait3A_1895 : memref<1x8x64xf32, #tpu.memory_space<hbm>> -> memref<8x64xf32, #tpu.memory_space<hbm>>
      %dma_wait3A_1897 = arith.constant 0 : i32
      %dma_wait3A_1898 = arith.constant 0 : i32
      %dma_wait3A_1899 = tpu.memref_slice %arg11[%dma_wait3A_1888, %dma_wait3A_1897, %dma_wait3A_1898] : memref<32x8x64xf32, #tpu.memory_space<vmem>> -> memref<1x8x64xf32, #tpu.memory_space<vmem>>
      %dma_wait3A_1900 = tpu.memref_squeeze %dma_wait3A_1899 : memref<1x8x64xf32, #tpu.memory_space<vmem>> -> memref<8x64xf32, #tpu.memory_space<vmem>>
      %dma_wait3A_1901 = arith.constant 0 : i32
      %dma_wait3A_1902 = arith.constant 0 : i32
      %dma_wait3A_1903 = tpu.memref_slice %arg2[%squeeze3A_750, %dma_wait3A_1901, %dma_wait3A_1902] : memref<125000x8x64xf32, #tpu.memory_space<hbm>> -> memref<1x8x64xf32, #tpu.memory_space<hbm>>
      %dma_wait3A_1904 = tpu.memref_squeeze %dma_wait3A_1903 : memref<1x8x64xf32, #tpu.memory_space<hbm>> -> memref<8x64xf32, #tpu.memory_space<hbm>>
      tpu.wait_dma2 semaphore(%arg16 : memref<!tpu.dma_semaphore, #tpu.memory_space<semaphore_mem>>) src(%dma_wait3A_1904 : memref<8x64xf32, #tpu.memory_space<hbm>>) dst(%dma_wait3A_1900 : memref<8x64xf32, #tpu.memory_space<vmem>>)
      %dma_wait3A_1905 = arith.constant 19 : i32
      %dma_wait3A_1906 = arith.constant 0 : i32
      %dma_wait3A_1907 = arith.constant 0 : i32
      %dma_wait3A_1908 = tpu.memref_slice %arg12[%dma_wait3A_1905, %dma_wait3A_1906, %dma_wait3A_1907] : memref<32x8x64xf32, #tpu.memory_space<vmem>> -> memref<1x8x64xf32, #tpu.memory_space<vmem>>
      %dma_wait3A_1909 = tpu.memref_squeeze %dma_wait3A_1908 : memref<1x8x64xf32, #tpu.memory_space<vmem>> -> memref<8x64xf32, #tpu.memory_space<vmem>>
      %dma_wait3A_1910 = arith.constant 0 : i32
      %dma_wait3A_1911 = arith.constant 0 : i32
      %dma_wait3A_1912 = tpu.memref_slice %arg3[%squeeze3A_769, %dma_wait3A_1910, %dma_wait3A_1911] : memref<125000x8x64xf32, #tpu.memory_space<hbm>> -> memref<1x8x64xf32, #tpu.memory_space<hbm>>
      %dma_wait3A_1913 = tpu.memref_squeeze %dma_wait3A_1912 : memref<1x8x64xf32, #tpu.memory_space<hbm>> -> memref<8x64xf32, #tpu.memory_space<hbm>>
      %dma_wait3A_1914 = arith.constant 0 : i32
      %dma_wait3A_1915 = arith.constant 0 : i32
      %dma_wait3A_1916 = tpu.memref_slice %arg12[%dma_wait3A_1905, %dma_wait3A_1914, %dma_wait3A_1915] : memref<32x8x64xf32, #tpu.memory_space<vmem>> -> memref<1x8x64xf32, #tpu.memory_space<vmem>>
      %dma_wait3A_1917 = tpu.memref_squeeze %dma_wait3A_1916 : memref<1x8x64xf32, #tpu.memory_space<vmem>> -> memref<8x64xf32, #tpu.memory_space<vmem>>
      %dma_wait3A_1918 = arith.constant 0 : i32
      %dma_wait3A_1919 = arith.constant 0 : i32
      %dma_wait3A_1920 = tpu.memref_slice %arg3[%squeeze3A_769, %dma_wait3A_1918, %dma_wait3A_1919] : memref<125000x8x64xf32, #tpu.memory_space<hbm>> -> memref<1x8x64xf32, #tpu.memory_space<hbm>>
      %dma_wait3A_1921 = tpu.memref_squeeze %dma_wait3A_1920 : memref<1x8x64xf32, #tpu.memory_space<hbm>> -> memref<8x64xf32, #tpu.memory_space<hbm>>
      tpu.wait_dma2 semaphore(%arg17 : memref<!tpu.dma_semaphore, #tpu.memory_space<semaphore_mem>>) src(%dma_wait3A_1921 : memref<8x64xf32, #tpu.memory_space<hbm>>) dst(%dma_wait3A_1917 : memref<8x64xf32, #tpu.memory_space<vmem>>)
      %dma_wait3A_1922 = arith.constant 20 : i32
      %dma_wait3A_1923 = arith.constant 0 : i32
      %dma_wait3A_1924 = arith.constant 0 : i32
      %dma_wait3A_1925 = tpu.memref_slice %arg11[%dma_wait3A_1922, %dma_wait3A_1923, %dma_wait3A_1924] : memref<32x8x64xf32, #tpu.memory_space<vmem>> -> memref<1x8x64xf32, #tpu.memory_space<vmem>>
      %dma_wait3A_1926 = tpu.memref_squeeze %dma_wait3A_1925 : memref<1x8x64xf32, #tpu.memory_space<vmem>> -> memref<8x64xf32, #tpu.memory_space<vmem>>
      %dma_wait3A_1927 = arith.constant 0 : i32
      %dma_wait3A_1928 = arith.constant 0 : i32
      %dma_wait3A_1929 = tpu.memref_slice %arg2[%squeeze3A_788, %dma_wait3A_1927, %dma_wait3A_1928] : memref<125000x8x64xf32, #tpu.memory_space<hbm>> -> memref<1x8x64xf32, #tpu.memory_space<hbm>>
      %dma_wait3A_1930 = tpu.memref_squeeze %dma_wait3A_1929 : memref<1x8x64xf32, #tpu.memory_space<hbm>> -> memref<8x64xf32, #tpu.memory_space<hbm>>
      %dma_wait3A_1931 = arith.constant 0 : i32
      %dma_wait3A_1932 = arith.constant 0 : i32
      %dma_wait3A_1933 = tpu.memref_slice %arg11[%dma_wait3A_1922, %dma_wait3A_1931, %dma_wait3A_1932] : memref<32x8x64xf32, #tpu.memory_space<vmem>> -> memref<1x8x64xf32, #tpu.memory_space<vmem>>
      %dma_wait3A_1934 = tpu.memref_squeeze %dma_wait3A_1933 : memref<1x8x64xf32, #tpu.memory_space<vmem>> -> memref<8x64xf32, #tpu.memory_space<vmem>>
      %dma_wait3A_1935 = arith.constant 0 : i32
      %dma_wait3A_1936 = arith.constant 0 : i32
      %dma_wait3A_1937 = tpu.memref_slice %arg2[%squeeze3A_788, %dma_wait3A_1935, %dma_wait3A_1936] : memref<125000x8x64xf32, #tpu.memory_space<hbm>> -> memref<1x8x64xf32, #tpu.memory_space<hbm>>
      %dma_wait3A_1938 = tpu.memref_squeeze %dma_wait3A_1937 : memref<1x8x64xf32, #tpu.memory_space<hbm>> -> memref<8x64xf32, #tpu.memory_space<hbm>>
      tpu.wait_dma2 semaphore(%arg14 : memref<!tpu.dma_semaphore, #tpu.memory_space<semaphore_mem>>) src(%dma_wait3A_1938 : memref<8x64xf32, #tpu.memory_space<hbm>>) dst(%dma_wait3A_1934 : memref<8x64xf32, #tpu.memory_space<vmem>>)
      %dma_wait3A_1939 = arith.constant 20 : i32
      %dma_wait3A_1940 = arith.constant 0 : i32
      %dma_wait3A_1941 = arith.constant 0 : i32
      %dma_wait3A_1942 = tpu.memref_slice %arg12[%dma_wait3A_1939, %dma_wait3A_1940, %dma_wait3A_1941] : memref<32x8x64xf32, #tpu.memory_space<vmem>> -> memref<1x8x64xf32, #tpu.memory_space<vmem>>
      %dma_wait3A_1943 = tpu.memref_squeeze %dma_wait3A_1942 : memref<1x8x64xf32, #tpu.memory_space<vmem>> -> memref<8x64xf32, #tpu.memory_space<vmem>>
      %dma_wait3A_1944 = arith.constant 0 : i32
      %dma_wait3A_1945 = arith.constant 0 : i32
      %dma_wait3A_1946 = tpu.memref_slice %arg3[%squeeze3A_807, %dma_wait3A_1944, %dma_wait3A_1945] : memref<125000x8x64xf32, #tpu.memory_space<hbm>> -> memref<1x8x64xf32, #tpu.memory_space<hbm>>
      %dma_wait3A_1947 = tpu.memref_squeeze %dma_wait3A_1946 : memref<1x8x64xf32, #tpu.memory_space<hbm>> -> memref<8x64xf32, #tpu.memory_space<hbm>>
      %dma_wait3A_1948 = arith.constant 0 : i32
      %dma_wait3A_1949 = arith.constant 0 : i32
      %dma_wait3A_1950 = tpu.memref_slice %arg12[%dma_wait3A_1939, %dma_wait3A_1948, %dma_wait3A_1949] : memref<32x8x64xf32, #tpu.memory_space<vmem>> -> memref<1x8x64xf32, #tpu.memory_space<vmem>>
      %dma_wait3A_1951 = tpu.memref_squeeze %dma_wait3A_1950 : memref<1x8x64xf32, #tpu.memory_space<vmem>> -> memref<8x64xf32, #tpu.memory_space<vmem>>
      %dma_wait3A_1952 = arith.constant 0 : i32
      %dma_wait3A_1953 = arith.constant 0 : i32
      %dma_wait3A_1954 = tpu.memref_slice %arg3[%squeeze3A_807, %dma_wait3A_1952, %dma_wait3A_1953] : memref<125000x8x64xf32, #tpu.memory_space<hbm>> -> memref<1x8x64xf32, #tpu.memory_space<hbm>>
      %dma_wait3A_1955 = tpu.memref_squeeze %dma_wait3A_1954 : memref<1x8x64xf32, #tpu.memory_space<hbm>> -> memref<8x64xf32, #tpu.memory_space<hbm>>
      tpu.wait_dma2 semaphore(%arg15 : memref<!tpu.dma_semaphore, #tpu.memory_space<semaphore_mem>>) src(%dma_wait3A_1955 : memref<8x64xf32, #tpu.memory_space<hbm>>) dst(%dma_wait3A_1951 : memref<8x64xf32, #tpu.memory_space<vmem>>)
      %dma_wait3A_1956 = arith.constant 21 : i32
      %dma_wait3A_1957 = arith.constant 0 : i32
      %dma_wait3A_1958 = arith.constant 0 : i32
      %dma_wait3A_1959 = tpu.memref_slice %arg11[%dma_wait3A_1956, %dma_wait3A_1957, %dma_wait3A_1958] : memref<32x8x64xf32, #tpu.memory_space<vmem>> -> memref<1x8x64xf32, #tpu.memory_space<vmem>>
      %dma_wait3A_1960 = tpu.memref_squeeze %dma_wait3A_1959 : memref<1x8x64xf32, #tpu.memory_space<vmem>> -> memref<8x64xf32, #tpu.memory_space<vmem>>
      %dma_wait3A_1961 = arith.constant 0 : i32
      %dma_wait3A_1962 = arith.constant 0 : i32
      %dma_wait3A_1963 = tpu.memref_slice %arg2[%squeeze3A_826, %dma_wait3A_1961, %dma_wait3A_1962] : memref<125000x8x64xf32, #tpu.memory_space<hbm>> -> memref<1x8x64xf32, #tpu.memory_space<hbm>>
      %dma_wait3A_1964 = tpu.memref_squeeze %dma_wait3A_1963 : memref<1x8x64xf32, #tpu.memory_space<hbm>> -> memref<8x64xf32, #tpu.memory_space<hbm>>
      %dma_wait3A_1965 = arith.constant 0 : i32
      %dma_wait3A_1966 = arith.constant 0 : i32
      %dma_wait3A_1967 = tpu.memref_slice %arg11[%dma_wait3A_1956, %dma_wait3A_1965, %dma_wait3A_1966] : memref<32x8x64xf32, #tpu.memory_space<vmem>> -> memref<1x8x64xf32, #tpu.memory_space<vmem>>
      %dma_wait3A_1968 = tpu.memref_squeeze %dma_wait3A_1967 : memref<1x8x64xf32, #tpu.memory_space<vmem>> -> memref<8x64xf32, #tpu.memory_space<vmem>>
      %dma_wait3A_1969 = arith.constant 0 : i32
      %dma_wait3A_1970 = arith.constant 0 : i32
      %dma_wait3A_1971 = tpu.memref_slice %arg2[%squeeze3A_826, %dma_wait3A_1969, %dma_wait3A_1970] : memref<125000x8x64xf32, #tpu.memory_space<hbm>> -> memref<1x8x64xf32, #tpu.memory_space<hbm>>
      %dma_wait3A_1972 = tpu.memref_squeeze %dma_wait3A_1971 : memref<1x8x64xf32, #tpu.memory_space<hbm>> -> memref<8x64xf32, #tpu.memory_space<hbm>>
      tpu.wait_dma2 semaphore(%arg16 : memref<!tpu.dma_semaphore, #tpu.memory_space<semaphore_mem>>) src(%dma_wait3A_1972 : memref<8x64xf32, #tpu.memory_space<hbm>>) dst(%dma_wait3A_1968 : memref<8x64xf32, #tpu.memory_space<vmem>>)
      %dma_wait3A_1973 = arith.constant 21 : i32
      %dma_wait3A_1974 = arith.constant 0 : i32
      %dma_wait3A_1975 = arith.constant 0 : i32
      %dma_wait3A_1976 = tpu.memref_slice %arg12[%dma_wait3A_1973, %dma_wait3A_1974, %dma_wait3A_1975] : memref<32x8x64xf32, #tpu.memory_space<vmem>> -> memref<1x8x64xf32, #tpu.memory_space<vmem>>
      %dma_wait3A_1977 = tpu.memref_squeeze %dma_wait3A_1976 : memref<1x8x64xf32, #tpu.memory_space<vmem>> -> memref<8x64xf32, #tpu.memory_space<vmem>>
      %dma_wait3A_1978 = arith.constant 0 : i32
      %dma_wait3A_1979 = arith.constant 0 : i32
      %dma_wait3A_1980 = tpu.memref_slice %arg3[%squeeze3A_845, %dma_wait3A_1978, %dma_wait3A_1979] : memref<125000x8x64xf32, #tpu.memory_space<hbm>> -> memref<1x8x64xf32, #tpu.memory_space<hbm>>
      %dma_wait3A_1981 = tpu.memref_squeeze %dma_wait3A_1980 : memref<1x8x64xf32, #tpu.memory_space<hbm>> -> memref<8x64xf32, #tpu.memory_space<hbm>>
      %dma_wait3A_1982 = arith.constant 0 : i32
      %dma_wait3A_1983 = arith.constant 0 : i32
      %dma_wait3A_1984 = tpu.memref_slice %arg12[%dma_wait3A_1973, %dma_wait3A_1982, %dma_wait3A_1983] : memref<32x8x64xf32, #tpu.memory_space<vmem>> -> memref<1x8x64xf32, #tpu.memory_space<vmem>>
      %dma_wait3A_1985 = tpu.memref_squeeze %dma_wait3A_1984 : memref<1x8x64xf32, #tpu.memory_space<vmem>> -> memref<8x64xf32, #tpu.memory_space<vmem>>
      %dma_wait3A_1986 = arith.constant 0 : i32
      %dma_wait3A_1987 = arith.constant 0 : i32
      %dma_wait3A_1988 = tpu.memref_slice %arg3[%squeeze3A_845, %dma_wait3A_1986, %dma_wait3A_1987] : memref<125000x8x64xf32, #tpu.memory_space<hbm>> -> memref<1x8x64xf32, #tpu.memory_space<hbm>>
      %dma_wait3A_1989 = tpu.memref_squeeze %dma_wait3A_1988 : memref<1x8x64xf32, #tpu.memory_space<hbm>> -> memref<8x64xf32, #tpu.memory_space<hbm>>
      tpu.wait_dma2 semaphore(%arg17 : memref<!tpu.dma_semaphore, #tpu.memory_space<semaphore_mem>>) src(%dma_wait3A_1989 : memref<8x64xf32, #tpu.memory_space<hbm>>) dst(%dma_wait3A_1985 : memref<8x64xf32, #tpu.memory_space<vmem>>)
      %dma_wait3A_1990 = arith.constant 22 : i32
      %dma_wait3A_1991 = arith.constant 0 : i32
      %dma_wait3A_1992 = arith.constant 0 : i32
      %dma_wait3A_1993 = tpu.memref_slice %arg11[%dma_wait3A_1990, %dma_wait3A_1991, %dma_wait3A_1992] : memref<32x8x64xf32, #tpu.memory_space<vmem>> -> memref<1x8x64xf32, #tpu.memory_space<vmem>>
      %dma_wait3A_1994 = tpu.memref_squeeze %dma_wait3A_1993 : memref<1x8x64xf32, #tpu.memory_space<vmem>> -> memref<8x64xf32, #tpu.memory_space<vmem>>
      %dma_wait3A_1995 = arith.constant 0 : i32
      %dma_wait3A_1996 = arith.constant 0 : i32
      %dma_wait3A_1997 = tpu.memref_slice %arg2[%squeeze3A_864, %dma_wait3A_1995, %dma_wait3A_1996] : memref<125000x8x64xf32, #tpu.memory_space<hbm>> -> memref<1x8x64xf32, #tpu.memory_space<hbm>>
      %dma_wait3A_1998 = tpu.memref_squeeze %dma_wait3A_1997 : memref<1x8x64xf32, #tpu.memory_space<hbm>> -> memref<8x64xf32, #tpu.memory_space<hbm>>
      %dma_wait3A_1999 = arith.constant 0 : i32
      %dma_wait3A_2000 = arith.constant 0 : i32
      %dma_wait3A_2001 = tpu.memref_slice %arg11[%dma_wait3A_1990, %dma_wait3A_1999, %dma_wait3A_2000] : memref<32x8x64xf32, #tpu.memory_space<vmem>> -> memref<1x8x64xf32, #tpu.memory_space<vmem>>
      %dma_wait3A_2002 = tpu.memref_squeeze %dma_wait3A_2001 : memref<1x8x64xf32, #tpu.memory_space<vmem>> -> memref<8x64xf32, #tpu.memory_space<vmem>>
      %dma_wait3A_2003 = arith.constant 0 : i32
      %dma_wait3A_2004 = arith.constant 0 : i32
      %dma_wait3A_2005 = tpu.memref_slice %arg2[%squeeze3A_864, %dma_wait3A_2003, %dma_wait3A_2004] : memref<125000x8x64xf32, #tpu.memory_space<hbm>> -> memref<1x8x64xf32, #tpu.memory_space<hbm>>
      %dma_wait3A_2006 = tpu.memref_squeeze %dma_wait3A_2005 : memref<1x8x64xf32, #tpu.memory_space<hbm>> -> memref<8x64xf32, #tpu.memory_space<hbm>>
      tpu.wait_dma2 semaphore(%arg14 : memref<!tpu.dma_semaphore, #tpu.memory_space<semaphore_mem>>) src(%dma_wait3A_2006 : memref<8x64xf32, #tpu.memory_space<hbm>>) dst(%dma_wait3A_2002 : memref<8x64xf32, #tpu.memory_space<vmem>>)
      %dma_wait3A_2007 = arith.constant 22 : i32
      %dma_wait3A_2008 = arith.constant 0 : i32
      %dma_wait3A_2009 = arith.constant 0 : i32
      %dma_wait3A_2010 = tpu.memref_slice %arg12[%dma_wait3A_2007, %dma_wait3A_2008, %dma_wait3A_2009] : memref<32x8x64xf32, #tpu.memory_space<vmem>> -> memref<1x8x64xf32, #tpu.memory_space<vmem>>
      %dma_wait3A_2011 = tpu.memref_squeeze %dma_wait3A_2010 : memref<1x8x64xf32, #tpu.memory_space<vmem>> -> memref<8x64xf32, #tpu.memory_space<vmem>>
      %dma_wait3A_2012 = arith.constant 0 : i32
      %dma_wait3A_2013 = arith.constant 0 : i32
      %dma_wait3A_2014 = tpu.memref_slice %arg3[%squeeze3A_883, %dma_wait3A_2012, %dma_wait3A_2013] : memref<125000x8x64xf32, #tpu.memory_space<hbm>> -> memref<1x8x64xf32, #tpu.memory_space<hbm>>
      %dma_wait3A_2015 = tpu.memref_squeeze %dma_wait3A_2014 : memref<1x8x64xf32, #tpu.memory_space<hbm>> -> memref<8x64xf32, #tpu.memory_space<hbm>>
      %dma_wait3A_2016 = arith.constant 0 : i32
      %dma_wait3A_2017 = arith.constant 0 : i32
      %dma_wait3A_2018 = tpu.memref_slice %arg12[%dma_wait3A_2007, %dma_wait3A_2016, %dma_wait3A_2017] : memref<32x8x64xf32, #tpu.memory_space<vmem>> -> memref<1x8x64xf32, #tpu.memory_space<vmem>>
      %dma_wait3A_2019 = tpu.memref_squeeze %dma_wait3A_2018 : memref<1x8x64xf32, #tpu.memory_space<vmem>> -> memref<8x64xf32, #tpu.memory_space<vmem>>
      %dma_wait3A_2020 = arith.constant 0 : i32
      %dma_wait3A_2021 = arith.constant 0 : i32
      %dma_wait3A_2022 = tpu.memref_slice %arg3[%squeeze3A_883, %dma_wait3A_2020, %dma_wait3A_2021] : memref<125000x8x64xf32, #tpu.memory_space<hbm>> -> memref<1x8x64xf32, #tpu.memory_space<hbm>>
      %dma_wait3A_2023 = tpu.memref_squeeze %dma_wait3A_2022 : memref<1x8x64xf32, #tpu.memory_space<hbm>> -> memref<8x64xf32, #tpu.memory_space<hbm>>
      tpu.wait_dma2 semaphore(%arg15 : memref<!tpu.dma_semaphore, #tpu.memory_space<semaphore_mem>>) src(%dma_wait3A_2023 : memref<8x64xf32, #tpu.memory_space<hbm>>) dst(%dma_wait3A_2019 : memref<8x64xf32, #tpu.memory_space<vmem>>)
      %dma_wait3A_2024 = arith.constant 23 : i32
      %dma_wait3A_2025 = arith.constant 0 : i32
      %dma_wait3A_2026 = arith.constant 0 : i32
      %dma_wait3A_2027 = tpu.memref_slice %arg11[%dma_wait3A_2024, %dma_wait3A_2025, %dma_wait3A_2026] : memref<32x8x64xf32, #tpu.memory_space<vmem>> -> memref<1x8x64xf32, #tpu.memory_space<vmem>>
      %dma_wait3A_2028 = tpu.memref_squeeze %dma_wait3A_2027 : memref<1x8x64xf32, #tpu.memory_space<vmem>> -> memref<8x64xf32, #tpu.memory_space<vmem>>
      %dma_wait3A_2029 = arith.constant 0 : i32
      %dma_wait3A_2030 = arith.constant 0 : i32
      %dma_wait3A_2031 = tpu.memref_slice %arg2[%squeeze3A_902, %dma_wait3A_2029, %dma_wait3A_2030] : memref<125000x8x64xf32, #tpu.memory_space<hbm>> -> memref<1x8x64xf32, #tpu.memory_space<hbm>>
      %dma_wait3A_2032 = tpu.memref_squeeze %dma_wait3A_2031 : memref<1x8x64xf32, #tpu.memory_space<hbm>> -> memref<8x64xf32, #tpu.memory_space<hbm>>
      %dma_wait3A_2033 = arith.constant 0 : i32
      %dma_wait3A_2034 = arith.constant 0 : i32
      %dma_wait3A_2035 = tpu.memref_slice %arg11[%dma_wait3A_2024, %dma_wait3A_2033, %dma_wait3A_2034] : memref<32x8x64xf32, #tpu.memory_space<vmem>> -> memref<1x8x64xf32, #tpu.memory_space<vmem>>
      %dma_wait3A_2036 = tpu.memref_squeeze %dma_wait3A_2035 : memref<1x8x64xf32, #tpu.memory_space<vmem>> -> memref<8x64xf32, #tpu.memory_space<vmem>>
      %dma_wait3A_2037 = arith.constant 0 : i32
      %dma_wait3A_2038 = arith.constant 0 : i32
      %dma_wait3A_2039 = tpu.memref_slice %arg2[%squeeze3A_902, %dma_wait3A_2037, %dma_wait3A_2038] : memref<125000x8x64xf32, #tpu.memory_space<hbm>> -> memref<1x8x64xf32, #tpu.memory_space<hbm>>
      %dma_wait3A_2040 = tpu.memref_squeeze %dma_wait3A_2039 : memref<1x8x64xf32, #tpu.memory_space<hbm>> -> memref<8x64xf32, #tpu.memory_space<hbm>>
      tpu.wait_dma2 semaphore(%arg16 : memref<!tpu.dma_semaphore, #tpu.memory_space<semaphore_mem>>) src(%dma_wait3A_2040 : memref<8x64xf32, #tpu.memory_space<hbm>>) dst(%dma_wait3A_2036 : memref<8x64xf32, #tpu.memory_space<vmem>>)
      %dma_wait3A_2041 = arith.constant 23 : i32
      %dma_wait3A_2042 = arith.constant 0 : i32
      %dma_wait3A_2043 = arith.constant 0 : i32
      %dma_wait3A_2044 = tpu.memref_slice %arg12[%dma_wait3A_2041, %dma_wait3A_2042, %dma_wait3A_2043] : memref<32x8x64xf32, #tpu.memory_space<vmem>> -> memref<1x8x64xf32, #tpu.memory_space<vmem>>
      %dma_wait3A_2045 = tpu.memref_squeeze %dma_wait3A_2044 : memref<1x8x64xf32, #tpu.memory_space<vmem>> -> memref<8x64xf32, #tpu.memory_space<vmem>>
      %dma_wait3A_2046 = arith.constant 0 : i32
      %dma_wait3A_2047 = arith.constant 0 : i32
      %dma_wait3A_2048 = tpu.memref_slice %arg3[%squeeze3A_921, %dma_wait3A_2046, %dma_wait3A_2047] : memref<125000x8x64xf32, #tpu.memory_space<hbm>> -> memref<1x8x64xf32, #tpu.memory_space<hbm>>
      %dma_wait3A_2049 = tpu.memref_squeeze %dma_wait3A_2048 : memref<1x8x64xf32, #tpu.memory_space<hbm>> -> memref<8x64xf32, #tpu.memory_space<hbm>>
      %dma_wait3A_2050 = arith.constant 0 : i32
      %dma_wait3A_2051 = arith.constant 0 : i32
      %dma_wait3A_2052 = tpu.memref_slice %arg12[%dma_wait3A_2041, %dma_wait3A_2050, %dma_wait3A_2051] : memref<32x8x64xf32, #tpu.memory_space<vmem>> -> memref<1x8x64xf32, #tpu.memory_space<vmem>>
      %dma_wait3A_2053 = tpu.memref_squeeze %dma_wait3A_2052 : memref<1x8x64xf32, #tpu.memory_space<vmem>> -> memref<8x64xf32, #tpu.memory_space<vmem>>
      %dma_wait3A_2054 = arith.constant 0 : i32
      %dma_wait3A_2055 = arith.constant 0 : i32
      %dma_wait3A_2056 = tpu.memref_slice %arg3[%squeeze3A_921, %dma_wait3A_2054, %dma_wait3A_2055] : memref<125000x8x64xf32, #tpu.memory_space<hbm>> -> memref<1x8x64xf32, #tpu.memory_space<hbm>>
      %dma_wait3A_2057 = tpu.memref_squeeze %dma_wait3A_2056 : memref<1x8x64xf32, #tpu.memory_space<hbm>> -> memref<8x64xf32, #tpu.memory_space<hbm>>
      tpu.wait_dma2 semaphore(%arg17 : memref<!tpu.dma_semaphore, #tpu.memory_space<semaphore_mem>>) src(%dma_wait3A_2057 : memref<8x64xf32, #tpu.memory_space<hbm>>) dst(%dma_wait3A_2053 : memref<8x64xf32, #tpu.memory_space<vmem>>)
      %dma_wait3A_2058 = arith.constant 24 : i32
      %dma_wait3A_2059 = arith.constant 0 : i32
      %dma_wait3A_2060 = arith.constant 0 : i32
      %dma_wait3A_2061 = tpu.memref_slice %arg11[%dma_wait3A_2058, %dma_wait3A_2059, %dma_wait3A_2060] : memref<32x8x64xf32, #tpu.memory_space<vmem>> -> memref<1x8x64xf32, #tpu.memory_space<vmem>>
      %dma_wait3A_2062 = tpu.memref_squeeze %dma_wait3A_2061 : memref<1x8x64xf32, #tpu.memory_space<vmem>> -> memref<8x64xf32, #tpu.memory_space<vmem>>
      %dma_wait3A_2063 = arith.constant 0 : i32
      %dma_wait3A_2064 = arith.constant 0 : i32
      %dma_wait3A_2065 = tpu.memref_slice %arg2[%squeeze3A_940, %dma_wait3A_2063, %dma_wait3A_2064] : memref<125000x8x64xf32, #tpu.memory_space<hbm>> -> memref<1x8x64xf32, #tpu.memory_space<hbm>>
      %dma_wait3A_2066 = tpu.memref_squeeze %dma_wait3A_2065 : memref<1x8x64xf32, #tpu.memory_space<hbm>> -> memref<8x64xf32, #tpu.memory_space<hbm>>
      %dma_wait3A_2067 = arith.constant 0 : i32
      %dma_wait3A_2068 = arith.constant 0 : i32
      %dma_wait3A_2069 = tpu.memref_slice %arg11[%dma_wait3A_2058, %dma_wait3A_2067, %dma_wait3A_2068] : memref<32x8x64xf32, #tpu.memory_space<vmem>> -> memref<1x8x64xf32, #tpu.memory_space<vmem>>
      %dma_wait3A_2070 = tpu.memref_squeeze %dma_wait3A_2069 : memref<1x8x64xf32, #tpu.memory_space<vmem>> -> memref<8x64xf32, #tpu.memory_space<vmem>>
      %dma_wait3A_2071 = arith.constant 0 : i32
      %dma_wait3A_2072 = arith.constant 0 : i32
      %dma_wait3A_2073 = tpu.memref_slice %arg2[%squeeze3A_940, %dma_wait3A_2071, %dma_wait3A_2072] : memref<125000x8x64xf32, #tpu.memory_space<hbm>> -> memref<1x8x64xf32, #tpu.memory_space<hbm>>
      %dma_wait3A_2074 = tpu.memref_squeeze %dma_wait3A_2073 : memref<1x8x64xf32, #tpu.memory_space<hbm>> -> memref<8x64xf32, #tpu.memory_space<hbm>>
      tpu.wait_dma2 semaphore(%arg14 : memref<!tpu.dma_semaphore, #tpu.memory_space<semaphore_mem>>) src(%dma_wait3A_2074 : memref<8x64xf32, #tpu.memory_space<hbm>>) dst(%dma_wait3A_2070 : memref<8x64xf32, #tpu.memory_space<vmem>>)
      %dma_wait3A_2075 = arith.constant 24 : i32
      %dma_wait3A_2076 = arith.constant 0 : i32
      %dma_wait3A_2077 = arith.constant 0 : i32
      %dma_wait3A_2078 = tpu.memref_slice %arg12[%dma_wait3A_2075, %dma_wait3A_2076, %dma_wait3A_2077] : memref<32x8x64xf32, #tpu.memory_space<vmem>> -> memref<1x8x64xf32, #tpu.memory_space<vmem>>
      %dma_wait3A_2079 = tpu.memref_squeeze %dma_wait3A_2078 : memref<1x8x64xf32, #tpu.memory_space<vmem>> -> memref<8x64xf32, #tpu.memory_space<vmem>>
      %dma_wait3A_2080 = arith.constant 0 : i32
      %dma_wait3A_2081 = arith.constant 0 : i32
      %dma_wait3A_2082 = tpu.memref_slice %arg3[%squeeze3A_959, %dma_wait3A_2080, %dma_wait3A_2081] : memref<125000x8x64xf32, #tpu.memory_space<hbm>> -> memref<1x8x64xf32, #tpu.memory_space<hbm>>
      %dma_wait3A_2083 = tpu.memref_squeeze %dma_wait3A_2082 : memref<1x8x64xf32, #tpu.memory_space<hbm>> -> memref<8x64xf32, #tpu.memory_space<hbm>>
      %dma_wait3A_2084 = arith.constant 0 : i32
      %dma_wait3A_2085 = arith.constant 0 : i32
      %dma_wait3A_2086 = tpu.memref_slice %arg12[%dma_wait3A_2075, %dma_wait3A_2084, %dma_wait3A_2085] : memref<32x8x64xf32, #tpu.memory_space<vmem>> -> memref<1x8x64xf32, #tpu.memory_space<vmem>>
      %dma_wait3A_2087 = tpu.memref_squeeze %dma_wait3A_2086 : memref<1x8x64xf32, #tpu.memory_space<vmem>> -> memref<8x64xf32, #tpu.memory_space<vmem>>
      %dma_wait3A_2088 = arith.constant 0 : i32
      %dma_wait3A_2089 = arith.constant 0 : i32
      %dma_wait3A_2090 = tpu.memref_slice %arg3[%squeeze3A_959, %dma_wait3A_2088, %dma_wait3A_2089] : memref<125000x8x64xf32, #tpu.memory_space<hbm>> -> memref<1x8x64xf32, #tpu.memory_space<hbm>>
      %dma_wait3A_2091 = tpu.memref_squeeze %dma_wait3A_2090 : memref<1x8x64xf32, #tpu.memory_space<hbm>> -> memref<8x64xf32, #tpu.memory_space<hbm>>
      tpu.wait_dma2 semaphore(%arg15 : memref<!tpu.dma_semaphore, #tpu.memory_space<semaphore_mem>>) src(%dma_wait3A_2091 : memref<8x64xf32, #tpu.memory_space<hbm>>) dst(%dma_wait3A_2087 : memref<8x64xf32, #tpu.memory_space<vmem>>)
      %dma_wait3A_2092 = arith.constant 25 : i32
      %dma_wait3A_2093 = arith.constant 0 : i32
      %dma_wait3A_2094 = arith.constant 0 : i32
      %dma_wait3A_2095 = tpu.memref_slice %arg11[%dma_wait3A_2092, %dma_wait3A_2093, %dma_wait3A_2094] : memref<32x8x64xf32, #tpu.memory_space<vmem>> -> memref<1x8x64xf32, #tpu.memory_space<vmem>>
      %dma_wait3A_2096 = tpu.memref_squeeze %dma_wait3A_2095 : memref<1x8x64xf32, #tpu.memory_space<vmem>> -> memref<8x64xf32, #tpu.memory_space<vmem>>
      %dma_wait3A_2097 = arith.constant 0 : i32
      %dma_wait3A_2098 = arith.constant 0 : i32
      %dma_wait3A_2099 = tpu.memref_slice %arg2[%squeeze3A_978, %dma_wait3A_2097, %dma_wait3A_2098] : memref<125000x8x64xf32, #tpu.memory_space<hbm>> -> memref<1x8x64xf32, #tpu.memory_space<hbm>>
      %dma_wait3A_2100 = tpu.memref_squeeze %dma_wait3A_2099 : memref<1x8x64xf32, #tpu.memory_space<hbm>> -> memref<8x64xf32, #tpu.memory_space<hbm>>
      %dma_wait3A_2101 = arith.constant 0 : i32
      %dma_wait3A_2102 = arith.constant 0 : i32
      %dma_wait3A_2103 = tpu.memref_slice %arg11[%dma_wait3A_2092, %dma_wait3A_2101, %dma_wait3A_2102] : memref<32x8x64xf32, #tpu.memory_space<vmem>> -> memref<1x8x64xf32, #tpu.memory_space<vmem>>
      %dma_wait3A_2104 = tpu.memref_squeeze %dma_wait3A_2103 : memref<1x8x64xf32, #tpu.memory_space<vmem>> -> memref<8x64xf32, #tpu.memory_space<vmem>>
      %dma_wait3A_2105 = arith.constant 0 : i32
      %dma_wait3A_2106 = arith.constant 0 : i32
      %dma_wait3A_2107 = tpu.memref_slice %arg2[%squeeze3A_978, %dma_wait3A_2105, %dma_wait3A_2106] : memref<125000x8x64xf32, #tpu.memory_space<hbm>> -> memref<1x8x64xf32, #tpu.memory_space<hbm>>
      %dma_wait3A_2108 = tpu.memref_squeeze %dma_wait3A_2107 : memref<1x8x64xf32, #tpu.memory_space<hbm>> -> memref<8x64xf32, #tpu.memory_space<hbm>>
      tpu.wait_dma2 semaphore(%arg16 : memref<!tpu.dma_semaphore, #tpu.memory_space<semaphore_mem>>) src(%dma_wait3A_2108 : memref<8x64xf32, #tpu.memory_space<hbm>>) dst(%dma_wait3A_2104 : memref<8x64xf32, #tpu.memory_space<vmem>>)
      %dma_wait3A_2109 = arith.constant 25 : i32
      %dma_wait3A_2110 = arith.constant 0 : i32
      %dma_wait3A_2111 = arith.constant 0 : i32
      %dma_wait3A_2112 = tpu.memref_slice %arg12[%dma_wait3A_2109, %dma_wait3A_2110, %dma_wait3A_2111] : memref<32x8x64xf32, #tpu.memory_space<vmem>> -> memref<1x8x64xf32, #tpu.memory_space<vmem>>
      %dma_wait3A_2113 = tpu.memref_squeeze %dma_wait3A_2112 : memref<1x8x64xf32, #tpu.memory_space<vmem>> -> memref<8x64xf32, #tpu.memory_space<vmem>>
      %dma_wait3A_2114 = arith.constant 0 : i32
      %dma_wait3A_2115 = arith.constant 0 : i32
      %dma_wait3A_2116 = tpu.memref_slice %arg3[%squeeze3A_997, %dma_wait3A_2114, %dma_wait3A_2115] : memref<125000x8x64xf32, #tpu.memory_space<hbm>> -> memref<1x8x64xf32, #tpu.memory_space<hbm>>
      %dma_wait3A_2117 = tpu.memref_squeeze %dma_wait3A_2116 : memref<1x8x64xf32, #tpu.memory_space<hbm>> -> memref<8x64xf32, #tpu.memory_space<hbm>>
      %dma_wait3A_2118 = arith.constant 0 : i32
      %dma_wait3A_2119 = arith.constant 0 : i32
      %dma_wait3A_2120 = tpu.memref_slice %arg12[%dma_wait3A_2109, %dma_wait3A_2118, %dma_wait3A_2119] : memref<32x8x64xf32, #tpu.memory_space<vmem>> -> memref<1x8x64xf32, #tpu.memory_space<vmem>>
      %dma_wait3A_2121 = tpu.memref_squeeze %dma_wait3A_2120 : memref<1x8x64xf32, #tpu.memory_space<vmem>> -> memref<8x64xf32, #tpu.memory_space<vmem>>
      %dma_wait3A_2122 = arith.constant 0 : i32
      %dma_wait3A_2123 = arith.constant 0 : i32
      %dma_wait3A_2124 = tpu.memref_slice %arg3[%squeeze3A_997, %dma_wait3A_2122, %dma_wait3A_2123] : memref<125000x8x64xf32, #tpu.memory_space<hbm>> -> memref<1x8x64xf32, #tpu.memory_space<hbm>>
      %dma_wait3A_2125 = tpu.memref_squeeze %dma_wait3A_2124 : memref<1x8x64xf32, #tpu.memory_space<hbm>> -> memref<8x64xf32, #tpu.memory_space<hbm>>
      tpu.wait_dma2 semaphore(%arg17 : memref<!tpu.dma_semaphore, #tpu.memory_space<semaphore_mem>>) src(%dma_wait3A_2125 : memref<8x64xf32, #tpu.memory_space<hbm>>) dst(%dma_wait3A_2121 : memref<8x64xf32, #tpu.memory_space<vmem>>)
      %dma_wait3A_2126 = arith.constant 26 : i32
      %dma_wait3A_2127 = arith.constant 0 : i32
      %dma_wait3A_2128 = arith.constant 0 : i32
      %dma_wait3A_2129 = tpu.memref_slice %arg11[%dma_wait3A_2126, %dma_wait3A_2127, %dma_wait3A_2128] : memref<32x8x64xf32, #tpu.memory_space<vmem>> -> memref<1x8x64xf32, #tpu.memory_space<vmem>>
      %dma_wait3A_2130 = tpu.memref_squeeze %dma_wait3A_2129 : memref<1x8x64xf32, #tpu.memory_space<vmem>> -> memref<8x64xf32, #tpu.memory_space<vmem>>
      %dma_wait3A_2131 = arith.constant 0 : i32
      %dma_wait3A_2132 = arith.constant 0 : i32
      %dma_wait3A_2133 = tpu.memref_slice %arg2[%squeeze3A_1016, %dma_wait3A_2131, %dma_wait3A_2132] : memref<125000x8x64xf32, #tpu.memory_space<hbm>> -> memref<1x8x64xf32, #tpu.memory_space<hbm>>
      %dma_wait3A_2134 = tpu.memref_squeeze %dma_wait3A_2133 : memref<1x8x64xf32, #tpu.memory_space<hbm>> -> memref<8x64xf32, #tpu.memory_space<hbm>>
      %dma_wait3A_2135 = arith.constant 0 : i32
      %dma_wait3A_2136 = arith.constant 0 : i32
      %dma_wait3A_2137 = tpu.memref_slice %arg11[%dma_wait3A_2126, %dma_wait3A_2135, %dma_wait3A_2136] : memref<32x8x64xf32, #tpu.memory_space<vmem>> -> memref<1x8x64xf32, #tpu.memory_space<vmem>>
      %dma_wait3A_2138 = tpu.memref_squeeze %dma_wait3A_2137 : memref<1x8x64xf32, #tpu.memory_space<vmem>> -> memref<8x64xf32, #tpu.memory_space<vmem>>
      %dma_wait3A_2139 = arith.constant 0 : i32
      %dma_wait3A_2140 = arith.constant 0 : i32
      %dma_wait3A_2141 = tpu.memref_slice %arg2[%squeeze3A_1016, %dma_wait3A_2139, %dma_wait3A_2140] : memref<125000x8x64xf32, #tpu.memory_space<hbm>> -> memref<1x8x64xf32, #tpu.memory_space<hbm>>
      %dma_wait3A_2142 = tpu.memref_squeeze %dma_wait3A_2141 : memref<1x8x64xf32, #tpu.memory_space<hbm>> -> memref<8x64xf32, #tpu.memory_space<hbm>>
      tpu.wait_dma2 semaphore(%arg14 : memref<!tpu.dma_semaphore, #tpu.memory_space<semaphore_mem>>) src(%dma_wait3A_2142 : memref<8x64xf32, #tpu.memory_space<hbm>>) dst(%dma_wait3A_2138 : memref<8x64xf32, #tpu.memory_space<vmem>>)
      %dma_wait3A_2143 = arith.constant 26 : i32
      %dma_wait3A_2144 = arith.constant 0 : i32
      %dma_wait3A_2145 = arith.constant 0 : i32
      %dma_wait3A_2146 = tpu.memref_slice %arg12[%dma_wait3A_2143, %dma_wait3A_2144, %dma_wait3A_2145] : memref<32x8x64xf32, #tpu.memory_space<vmem>> -> memref<1x8x64xf32, #tpu.memory_space<vmem>>
      %dma_wait3A_2147 = tpu.memref_squeeze %dma_wait3A_2146 : memref<1x8x64xf32, #tpu.memory_space<vmem>> -> memref<8x64xf32, #tpu.memory_space<vmem>>
      %dma_wait3A_2148 = arith.constant 0 : i32
      %dma_wait3A_2149 = arith.constant 0 : i32
      %dma_wait3A_2150 = tpu.memref_slice %arg3[%squeeze3A_1035, %dma_wait3A_2148, %dma_wait3A_2149] : memref<125000x8x64xf32, #tpu.memory_space<hbm>> -> memref<1x8x64xf32, #tpu.memory_space<hbm>>
      %dma_wait3A_2151 = tpu.memref_squeeze %dma_wait3A_2150 : memref<1x8x64xf32, #tpu.memory_space<hbm>> -> memref<8x64xf32, #tpu.memory_space<hbm>>
      %dma_wait3A_2152 = arith.constant 0 : i32
      %dma_wait3A_2153 = arith.constant 0 : i32
      %dma_wait3A_2154 = tpu.memref_slice %arg12[%dma_wait3A_2143, %dma_wait3A_2152, %dma_wait3A_2153] : memref<32x8x64xf32, #tpu.memory_space<vmem>> -> memref<1x8x64xf32, #tpu.memory_space<vmem>>
      %dma_wait3A_2155 = tpu.memref_squeeze %dma_wait3A_2154 : memref<1x8x64xf32, #tpu.memory_space<vmem>> -> memref<8x64xf32, #tpu.memory_space<vmem>>
      %dma_wait3A_2156 = arith.constant 0 : i32
      %dma_wait3A_2157 = arith.constant 0 : i32
      %dma_wait3A_2158 = tpu.memref_slice %arg3[%squeeze3A_1035, %dma_wait3A_2156, %dma_wait3A_2157] : memref<125000x8x64xf32, #tpu.memory_space<hbm>> -> memref<1x8x64xf32, #tpu.memory_space<hbm>>
      %dma_wait3A_2159 = tpu.memref_squeeze %dma_wait3A_2158 : memref<1x8x64xf32, #tpu.memory_space<hbm>> -> memref<8x64xf32, #tpu.memory_space<hbm>>
      tpu.wait_dma2 semaphore(%arg15 : memref<!tpu.dma_semaphore, #tpu.memory_space<semaphore_mem>>) src(%dma_wait3A_2159 : memref<8x64xf32, #tpu.memory_space<hbm>>) dst(%dma_wait3A_2155 : memref<8x64xf32, #tpu.memory_space<vmem>>)
      %dma_wait3A_2160 = arith.constant 27 : i32
      %dma_wait3A_2161 = arith.constant 0 : i32
      %dma_wait3A_2162 = arith.constant 0 : i32
      %dma_wait3A_2163 = tpu.memref_slice %arg11[%dma_wait3A_2160, %dma_wait3A_2161, %dma_wait3A_2162] : memref<32x8x64xf32, #tpu.memory_space<vmem>> -> memref<1x8x64xf32, #tpu.memory_space<vmem>>
      %dma_wait3A_2164 = tpu.memref_squeeze %dma_wait3A_2163 : memref<1x8x64xf32, #tpu.memory_space<vmem>> -> memref<8x64xf32, #tpu.memory_space<vmem>>
      %dma_wait3A_2165 = arith.constant 0 : i32
      %dma_wait3A_2166 = arith.constant 0 : i32
      %dma_wait3A_2167 = tpu.memref_slice %arg2[%squeeze3A_1054, %dma_wait3A_2165, %dma_wait3A_2166] : memref<125000x8x64xf32, #tpu.memory_space<hbm>> -> memref<1x8x64xf32, #tpu.memory_space<hbm>>
      %dma_wait3A_2168 = tpu.memref_squeeze %dma_wait3A_2167 : memref<1x8x64xf32, #tpu.memory_space<hbm>> -> memref<8x64xf32, #tpu.memory_space<hbm>>
      %dma_wait3A_2169 = arith.constant 0 : i32
      %dma_wait3A_2170 = arith.constant 0 : i32
      %dma_wait3A_2171 = tpu.memref_slice %arg11[%dma_wait3A_2160, %dma_wait3A_2169, %dma_wait3A_2170] : memref<32x8x64xf32, #tpu.memory_space<vmem>> -> memref<1x8x64xf32, #tpu.memory_space<vmem>>
      %dma_wait3A_2172 = tpu.memref_squeeze %dma_wait3A_2171 : memref<1x8x64xf32, #tpu.memory_space<vmem>> -> memref<8x64xf32, #tpu.memory_space<vmem>>
      %dma_wait3A_2173 = arith.constant 0 : i32
      %dma_wait3A_2174 = arith.constant 0 : i32
      %dma_wait3A_2175 = tpu.memref_slice %arg2[%squeeze3A_1054, %dma_wait3A_2173, %dma_wait3A_2174] : memref<125000x8x64xf32, #tpu.memory_space<hbm>> -> memref<1x8x64xf32, #tpu.memory_space<hbm>>
      %dma_wait3A_2176 = tpu.memref_squeeze %dma_wait3A_2175 : memref<1x8x64xf32, #tpu.memory_space<hbm>> -> memref<8x64xf32, #tpu.memory_space<hbm>>
      tpu.wait_dma2 semaphore(%arg16 : memref<!tpu.dma_semaphore, #tpu.memory_space<semaphore_mem>>) src(%dma_wait3A_2176 : memref<8x64xf32, #tpu.memory_space<hbm>>) dst(%dma_wait3A_2172 : memref<8x64xf32, #tpu.memory_space<vmem>>)
      %dma_wait3A_2177 = arith.constant 27 : i32
      %dma_wait3A_2178 = arith.constant 0 : i32
      %dma_wait3A_2179 = arith.constant 0 : i32
      %dma_wait3A_2180 = tpu.memref_slice %arg12[%dma_wait3A_2177, %dma_wait3A_2178, %dma_wait3A_2179] : memref<32x8x64xf32, #tpu.memory_space<vmem>> -> memref<1x8x64xf32, #tpu.memory_space<vmem>>
      %dma_wait3A_2181 = tpu.memref_squeeze %dma_wait3A_2180 : memref<1x8x64xf32, #tpu.memory_space<vmem>> -> memref<8x64xf32, #tpu.memory_space<vmem>>
      %dma_wait3A_2182 = arith.constant 0 : i32
      %dma_wait3A_2183 = arith.constant 0 : i32
      %dma_wait3A_2184 = tpu.memref_slice %arg3[%squeeze3A_1073, %dma_wait3A_2182, %dma_wait3A_2183] : memref<125000x8x64xf32, #tpu.memory_space<hbm>> -> memref<1x8x64xf32, #tpu.memory_space<hbm>>
      %dma_wait3A_2185 = tpu.memref_squeeze %dma_wait3A_2184 : memref<1x8x64xf32, #tpu.memory_space<hbm>> -> memref<8x64xf32, #tpu.memory_space<hbm>>
      %dma_wait3A_2186 = arith.constant 0 : i32
      %dma_wait3A_2187 = arith.constant 0 : i32
      %dma_wait3A_2188 = tpu.memref_slice %arg12[%dma_wait3A_2177, %dma_wait3A_2186, %dma_wait3A_2187] : memref<32x8x64xf32, #tpu.memory_space<vmem>> -> memref<1x8x64xf32, #tpu.memory_space<vmem>>
      %dma_wait3A_2189 = tpu.memref_squeeze %dma_wait3A_2188 : memref<1x8x64xf32, #tpu.memory_space<vmem>> -> memref<8x64xf32, #tpu.memory_space<vmem>>
      %dma_wait3A_2190 = arith.constant 0 : i32
      %dma_wait3A_2191 = arith.constant 0 : i32
      %dma_wait3A_2192 = tpu.memref_slice %arg3[%squeeze3A_1073, %dma_wait3A_2190, %dma_wait3A_2191] : memref<125000x8x64xf32, #tpu.memory_space<hbm>> -> memref<1x8x64xf32, #tpu.memory_space<hbm>>
      %dma_wait3A_2193 = tpu.memref_squeeze %dma_wait3A_2192 : memref<1x8x64xf32, #tpu.memory_space<hbm>> -> memref<8x64xf32, #tpu.memory_space<hbm>>
      tpu.wait_dma2 semaphore(%arg17 : memref<!tpu.dma_semaphore, #tpu.memory_space<semaphore_mem>>) src(%dma_wait3A_2193 : memref<8x64xf32, #tpu.memory_space<hbm>>) dst(%dma_wait3A_2189 : memref<8x64xf32, #tpu.memory_space<vmem>>)
      %dma_wait3A_2194 = arith.constant 28 : i32
      %dma_wait3A_2195 = arith.constant 0 : i32
      %dma_wait3A_2196 = arith.constant 0 : i32
      %dma_wait3A_2197 = tpu.memref_slice %arg11[%dma_wait3A_2194, %dma_wait3A_2195, %dma_wait3A_2196] : memref<32x8x64xf32, #tpu.memory_space<vmem>> -> memref<1x8x64xf32, #tpu.memory_space<vmem>>
      %dma_wait3A_2198 = tpu.memref_squeeze %dma_wait3A_2197 : memref<1x8x64xf32, #tpu.memory_space<vmem>> -> memref<8x64xf32, #tpu.memory_space<vmem>>
      %dma_wait3A_2199 = arith.constant 0 : i32
      %dma_wait3A_2200 = arith.constant 0 : i32
      %dma_wait3A_2201 = tpu.memref_slice %arg2[%squeeze3A_1092, %dma_wait3A_2199, %dma_wait3A_2200] : memref<125000x8x64xf32, #tpu.memory_space<hbm>> -> memref<1x8x64xf32, #tpu.memory_space<hbm>>
      %dma_wait3A_2202 = tpu.memref_squeeze %dma_wait3A_2201 : memref<1x8x64xf32, #tpu.memory_space<hbm>> -> memref<8x64xf32, #tpu.memory_space<hbm>>
      %dma_wait3A_2203 = arith.constant 0 : i32
      %dma_wait3A_2204 = arith.constant 0 : i32
      %dma_wait3A_2205 = tpu.memref_slice %arg11[%dma_wait3A_2194, %dma_wait3A_2203, %dma_wait3A_2204] : memref<32x8x64xf32, #tpu.memory_space<vmem>> -> memref<1x8x64xf32, #tpu.memory_space<vmem>>
      %dma_wait3A_2206 = tpu.memref_squeeze %dma_wait3A_2205 : memref<1x8x64xf32, #tpu.memory_space<vmem>> -> memref<8x64xf32, #tpu.memory_space<vmem>>
      %dma_wait3A_2207 = arith.constant 0 : i32
      %dma_wait3A_2208 = arith.constant 0 : i32
      %dma_wait3A_2209 = tpu.memref_slice %arg2[%squeeze3A_1092, %dma_wait3A_2207, %dma_wait3A_2208] : memref<125000x8x64xf32, #tpu.memory_space<hbm>> -> memref<1x8x64xf32, #tpu.memory_space<hbm>>
      %dma_wait3A_2210 = tpu.memref_squeeze %dma_wait3A_2209 : memref<1x8x64xf32, #tpu.memory_space<hbm>> -> memref<8x64xf32, #tpu.memory_space<hbm>>
      tpu.wait_dma2 semaphore(%arg14 : memref<!tpu.dma_semaphore, #tpu.memory_space<semaphore_mem>>) src(%dma_wait3A_2210 : memref<8x64xf32, #tpu.memory_space<hbm>>) dst(%dma_wait3A_2206 : memref<8x64xf32, #tpu.memory_space<vmem>>)
      %dma_wait3A_2211 = arith.constant 28 : i32
      %dma_wait3A_2212 = arith.constant 0 : i32
      %dma_wait3A_2213 = arith.constant 0 : i32
      %dma_wait3A_2214 = tpu.memref_slice %arg12[%dma_wait3A_2211, %dma_wait3A_2212, %dma_wait3A_2213] : memref<32x8x64xf32, #tpu.memory_space<vmem>> -> memref<1x8x64xf32, #tpu.memory_space<vmem>>
      %dma_wait3A_2215 = tpu.memref_squeeze %dma_wait3A_2214 : memref<1x8x64xf32, #tpu.memory_space<vmem>> -> memref<8x64xf32, #tpu.memory_space<vmem>>
      %dma_wait3A_2216 = arith.constant 0 : i32
      %dma_wait3A_2217 = arith.constant 0 : i32
      %dma_wait3A_2218 = tpu.memref_slice %arg3[%squeeze3A_1111, %dma_wait3A_2216, %dma_wait3A_2217] : memref<125000x8x64xf32, #tpu.memory_space<hbm>> -> memref<1x8x64xf32, #tpu.memory_space<hbm>>
      %dma_wait3A_2219 = tpu.memref_squeeze %dma_wait3A_2218 : memref<1x8x64xf32, #tpu.memory_space<hbm>> -> memref<8x64xf32, #tpu.memory_space<hbm>>
      %dma_wait3A_2220 = arith.constant 0 : i32
      %dma_wait3A_2221 = arith.constant 0 : i32
      %dma_wait3A_2222 = tpu.memref_slice %arg12[%dma_wait3A_2211, %dma_wait3A_2220, %dma_wait3A_2221] : memref<32x8x64xf32, #tpu.memory_space<vmem>> -> memref<1x8x64xf32, #tpu.memory_space<vmem>>
      %dma_wait3A_2223 = tpu.memref_squeeze %dma_wait3A_2222 : memref<1x8x64xf32, #tpu.memory_space<vmem>> -> memref<8x64xf32, #tpu.memory_space<vmem>>
      %dma_wait3A_2224 = arith.constant 0 : i32
      %dma_wait3A_2225 = arith.constant 0 : i32
      %dma_wait3A_2226 = tpu.memref_slice %arg3[%squeeze3A_1111, %dma_wait3A_2224, %dma_wait3A_2225] : memref<125000x8x64xf32, #tpu.memory_space<hbm>> -> memref<1x8x64xf32, #tpu.memory_space<hbm>>
      %dma_wait3A_2227 = tpu.memref_squeeze %dma_wait3A_2226 : memref<1x8x64xf32, #tpu.memory_space<hbm>> -> memref<8x64xf32, #tpu.memory_space<hbm>>
      tpu.wait_dma2 semaphore(%arg15 : memref<!tpu.dma_semaphore, #tpu.memory_space<semaphore_mem>>) src(%dma_wait3A_2227 : memref<8x64xf32, #tpu.memory_space<hbm>>) dst(%dma_wait3A_2223 : memref<8x64xf32, #tpu.memory_space<vmem>>)
      %dma_wait3A_2228 = arith.constant 29 : i32
      %dma_wait3A_2229 = arith.constant 0 : i32
      %dma_wait3A_2230 = arith.constant 0 : i32
      %dma_wait3A_2231 = tpu.memref_slice %arg11[%dma_wait3A_2228, %dma_wait3A_2229, %dma_wait3A_2230] : memref<32x8x64xf32, #tpu.memory_space<vmem>> -> memref<1x8x64xf32, #tpu.memory_space<vmem>>
      %dma_wait3A_2232 = tpu.memref_squeeze %dma_wait3A_2231 : memref<1x8x64xf32, #tpu.memory_space<vmem>> -> memref<8x64xf32, #tpu.memory_space<vmem>>
      %dma_wait3A_2233 = arith.constant 0 : i32
      %dma_wait3A_2234 = arith.constant 0 : i32
      %dma_wait3A_2235 = tpu.memref_slice %arg2[%squeeze3A_1130, %dma_wait3A_2233, %dma_wait3A_2234] : memref<125000x8x64xf32, #tpu.memory_space<hbm>> -> memref<1x8x64xf32, #tpu.memory_space<hbm>>
      %dma_wait3A_2236 = tpu.memref_squeeze %dma_wait3A_2235 : memref<1x8x64xf32, #tpu.memory_space<hbm>> -> memref<8x64xf32, #tpu.memory_space<hbm>>
      %dma_wait3A_2237 = arith.constant 0 : i32
      %dma_wait3A_2238 = arith.constant 0 : i32
      %dma_wait3A_2239 = tpu.memref_slice %arg11[%dma_wait3A_2228, %dma_wait3A_2237, %dma_wait3A_2238] : memref<32x8x64xf32, #tpu.memory_space<vmem>> -> memref<1x8x64xf32, #tpu.memory_space<vmem>>
      %dma_wait3A_2240 = tpu.memref_squeeze %dma_wait3A_2239 : memref<1x8x64xf32, #tpu.memory_space<vmem>> -> memref<8x64xf32, #tpu.memory_space<vmem>>
      %dma_wait3A_2241 = arith.constant 0 : i32
      %dma_wait3A_2242 = arith.constant 0 : i32
      %dma_wait3A_2243 = tpu.memref_slice %arg2[%squeeze3A_1130, %dma_wait3A_2241, %dma_wait3A_2242] : memref<125000x8x64xf32, #tpu.memory_space<hbm>> -> memref<1x8x64xf32, #tpu.memory_space<hbm>>
      %dma_wait3A_2244 = tpu.memref_squeeze %dma_wait3A_2243 : memref<1x8x64xf32, #tpu.memory_space<hbm>> -> memref<8x64xf32, #tpu.memory_space<hbm>>
      tpu.wait_dma2 semaphore(%arg16 : memref<!tpu.dma_semaphore, #tpu.memory_space<semaphore_mem>>) src(%dma_wait3A_2244 : memref<8x64xf32, #tpu.memory_space<hbm>>) dst(%dma_wait3A_2240 : memref<8x64xf32, #tpu.memory_space<vmem>>)
      %dma_wait3A_2245 = arith.constant 29 : i32
      %dma_wait3A_2246 = arith.constant 0 : i32
      %dma_wait3A_2247 = arith.constant 0 : i32
      %dma_wait3A_2248 = tpu.memref_slice %arg12[%dma_wait3A_2245, %dma_wait3A_2246, %dma_wait3A_2247] : memref<32x8x64xf32, #tpu.memory_space<vmem>> -> memref<1x8x64xf32, #tpu.memory_space<vmem>>
      %dma_wait3A_2249 = tpu.memref_squeeze %dma_wait3A_2248 : memref<1x8x64xf32, #tpu.memory_space<vmem>> -> memref<8x64xf32, #tpu.memory_space<vmem>>
      %dma_wait3A_2250 = arith.constant 0 : i32
      %dma_wait3A_2251 = arith.constant 0 : i32
      %dma_wait3A_2252 = tpu.memref_slice %arg3[%squeeze3A_1149, %dma_wait3A_2250, %dma_wait3A_2251] : memref<125000x8x64xf32, #tpu.memory_space<hbm>> -> memref<1x8x64xf32, #tpu.memory_space<hbm>>
      %dma_wait3A_2253 = tpu.memref_squeeze %dma_wait3A_2252 : memref<1x8x64xf32, #tpu.memory_space<hbm>> -> memref<8x64xf32, #tpu.memory_space<hbm>>
      %dma_wait3A_2254 = arith.constant 0 : i32
      %dma_wait3A_2255 = arith.constant 0 : i32
      %dma_wait3A_2256 = tpu.memref_slice %arg12[%dma_wait3A_2245, %dma_wait3A_2254, %dma_wait3A_2255] : memref<32x8x64xf32, #tpu.memory_space<vmem>> -> memref<1x8x64xf32, #tpu.memory_space<vmem>>
      %dma_wait3A_2257 = tpu.memref_squeeze %dma_wait3A_2256 : memref<1x8x64xf32, #tpu.memory_space<vmem>> -> memref<8x64xf32, #tpu.memory_space<vmem>>
      %dma_wait3A_2258 = arith.constant 0 : i32
      %dma_wait3A_2259 = arith.constant 0 : i32
      %dma_wait3A_2260 = tpu.memref_slice %arg3[%squeeze3A_1149, %dma_wait3A_2258, %dma_wait3A_2259] : memref<125000x8x64xf32, #tpu.memory_space<hbm>> -> memref<1x8x64xf32, #tpu.memory_space<hbm>>
      %dma_wait3A_2261 = tpu.memref_squeeze %dma_wait3A_2260 : memref<1x8x64xf32, #tpu.memory_space<hbm>> -> memref<8x64xf32, #tpu.memory_space<hbm>>
      tpu.wait_dma2 semaphore(%arg17 : memref<!tpu.dma_semaphore, #tpu.memory_space<semaphore_mem>>) src(%dma_wait3A_2261 : memref<8x64xf32, #tpu.memory_space<hbm>>) dst(%dma_wait3A_2257 : memref<8x64xf32, #tpu.memory_space<vmem>>)
      %dma_wait3A_2262 = arith.constant 30 : i32
      %dma_wait3A_2263 = arith.constant 0 : i32
      %dma_wait3A_2264 = arith.constant 0 : i32
      %dma_wait3A_2265 = tpu.memref_slice %arg11[%dma_wait3A_2262, %dma_wait3A_2263, %dma_wait3A_2264] : memref<32x8x64xf32, #tpu.memory_space<vmem>> -> memref<1x8x64xf32, #tpu.memory_space<vmem>>
      %dma_wait3A_2266 = tpu.memref_squeeze %dma_wait3A_2265 : memref<1x8x64xf32, #tpu.memory_space<vmem>> -> memref<8x64xf32, #tpu.memory_space<vmem>>
      %dma_wait3A_2267 = arith.constant 0 : i32
      %dma_wait3A_2268 = arith.constant 0 : i32
      %dma_wait3A_2269 = tpu.memref_slice %arg2[%squeeze3A_1168, %dma_wait3A_2267, %dma_wait3A_2268] : memref<125000x8x64xf32, #tpu.memory_space<hbm>> -> memref<1x8x64xf32, #tpu.memory_space<hbm>>
      %dma_wait3A_2270 = tpu.memref_squeeze %dma_wait3A_2269 : memref<1x8x64xf32, #tpu.memory_space<hbm>> -> memref<8x64xf32, #tpu.memory_space<hbm>>
      %dma_wait3A_2271 = arith.constant 0 : i32
      %dma_wait3A_2272 = arith.constant 0 : i32
      %dma_wait3A_2273 = tpu.memref_slice %arg11[%dma_wait3A_2262, %dma_wait3A_2271, %dma_wait3A_2272] : memref<32x8x64xf32, #tpu.memory_space<vmem>> -> memref<1x8x64xf32, #tpu.memory_space<vmem>>
      %dma_wait3A_2274 = tpu.memref_squeeze %dma_wait3A_2273 : memref<1x8x64xf32, #tpu.memory_space<vmem>> -> memref<8x64xf32, #tpu.memory_space<vmem>>
      %dma_wait3A_2275 = arith.constant 0 : i32
      %dma_wait3A_2276 = arith.constant 0 : i32
      %dma_wait3A_2277 = tpu.memref_slice %arg2[%squeeze3A_1168, %dma_wait3A_2275, %dma_wait3A_2276] : memref<125000x8x64xf32, #tpu.memory_space<hbm>> -> memref<1x8x64xf32, #tpu.memory_space<hbm>>
      %dma_wait3A_2278 = tpu.memref_squeeze %dma_wait3A_2277 : memref<1x8x64xf32, #tpu.memory_space<hbm>> -> memref<8x64xf32, #tpu.memory_space<hbm>>
      tpu.wait_dma2 semaphore(%arg14 : memref<!tpu.dma_semaphore, #tpu.memory_space<semaphore_mem>>) src(%dma_wait3A_2278 : memref<8x64xf32, #tpu.memory_space<hbm>>) dst(%dma_wait3A_2274 : memref<8x64xf32, #tpu.memory_space<vmem>>)
      %dma_wait3A_2279 = arith.constant 30 : i32
      %dma_wait3A_2280 = arith.constant 0 : i32
      %dma_wait3A_2281 = arith.constant 0 : i32
      %dma_wait3A_2282 = tpu.memref_slice %arg12[%dma_wait3A_2279, %dma_wait3A_2280, %dma_wait3A_2281] : memref<32x8x64xf32, #tpu.memory_space<vmem>> -> memref<1x8x64xf32, #tpu.memory_space<vmem>>
      %dma_wait3A_2283 = tpu.memref_squeeze %dma_wait3A_2282 : memref<1x8x64xf32, #tpu.memory_space<vmem>> -> memref<8x64xf32, #tpu.memory_space<vmem>>
      %dma_wait3A_2284 = arith.constant 0 : i32
      %dma_wait3A_2285 = arith.constant 0 : i32
      %dma_wait3A_2286 = tpu.memref_slice %arg3[%squeeze3A_1187, %dma_wait3A_2284, %dma_wait3A_2285] : memref<125000x8x64xf32, #tpu.memory_space<hbm>> -> memref<1x8x64xf32, #tpu.memory_space<hbm>>
      %dma_wait3A_2287 = tpu.memref_squeeze %dma_wait3A_2286 : memref<1x8x64xf32, #tpu.memory_space<hbm>> -> memref<8x64xf32, #tpu.memory_space<hbm>>
      %dma_wait3A_2288 = arith.constant 0 : i32
      %dma_wait3A_2289 = arith.constant 0 : i32
      %dma_wait3A_2290 = tpu.memref_slice %arg12[%dma_wait3A_2279, %dma_wait3A_2288, %dma_wait3A_2289] : memref<32x8x64xf32, #tpu.memory_space<vmem>> -> memref<1x8x64xf32, #tpu.memory_space<vmem>>
      %dma_wait3A_2291 = tpu.memref_squeeze %dma_wait3A_2290 : memref<1x8x64xf32, #tpu.memory_space<vmem>> -> memref<8x64xf32, #tpu.memory_space<vmem>>
      %dma_wait3A_2292 = arith.constant 0 : i32
      %dma_wait3A_2293 = arith.constant 0 : i32
      %dma_wait3A_2294 = tpu.memref_slice %arg3[%squeeze3A_1187, %dma_wait3A_2292, %dma_wait3A_2293] : memref<125000x8x64xf32, #tpu.memory_space<hbm>> -> memref<1x8x64xf32, #tpu.memory_space<hbm>>
      %dma_wait3A_2295 = tpu.memref_squeeze %dma_wait3A_2294 : memref<1x8x64xf32, #tpu.memory_space<hbm>> -> memref<8x64xf32, #tpu.memory_space<hbm>>
      tpu.wait_dma2 semaphore(%arg15 : memref<!tpu.dma_semaphore, #tpu.memory_space<semaphore_mem>>) src(%dma_wait3A_2295 : memref<8x64xf32, #tpu.memory_space<hbm>>) dst(%dma_wait3A_2291 : memref<8x64xf32, #tpu.memory_space<vmem>>)
      %dma_wait3A_2296 = arith.constant 31 : i32
      %dma_wait3A_2297 = arith.constant 0 : i32
      %dma_wait3A_2298 = arith.constant 0 : i32
      %dma_wait3A_2299 = tpu.memref_slice %arg11[%dma_wait3A_2296, %dma_wait3A_2297, %dma_wait3A_2298] : memref<32x8x64xf32, #tpu.memory_space<vmem>> -> memref<1x8x64xf32, #tpu.memory_space<vmem>>
      %dma_wait3A_2300 = tpu.memref_squeeze %dma_wait3A_2299 : memref<1x8x64xf32, #tpu.memory_space<vmem>> -> memref<8x64xf32, #tpu.memory_space<vmem>>
      %dma_wait3A_2301 = arith.constant 0 : i32
      %dma_wait3A_2302 = arith.constant 0 : i32
      %dma_wait3A_2303 = tpu.memref_slice %arg2[%squeeze3A_1206, %dma_wait3A_2301, %dma_wait3A_2302] : memref<125000x8x64xf32, #tpu.memory_space<hbm>> -> memref<1x8x64xf32, #tpu.memory_space<hbm>>
      %dma_wait3A_2304 = tpu.memref_squeeze %dma_wait3A_2303 : memref<1x8x64xf32, #tpu.memory_space<hbm>> -> memref<8x64xf32, #tpu.memory_space<hbm>>
      %dma_wait3A_2305 = arith.constant 0 : i32
      %dma_wait3A_2306 = arith.constant 0 : i32
      %dma_wait3A_2307 = tpu.memref_slice %arg11[%dma_wait3A_2296, %dma_wait3A_2305, %dma_wait3A_2306] : memref<32x8x64xf32, #tpu.memory_space<vmem>> -> memref<1x8x64xf32, #tpu.memory_space<vmem>>
      %dma_wait3A_2308 = tpu.memref_squeeze %dma_wait3A_2307 : memref<1x8x64xf32, #tpu.memory_space<vmem>> -> memref<8x64xf32, #tpu.memory_space<vmem>>
      %dma_wait3A_2309 = arith.constant 0 : i32
      %dma_wait3A_2310 = arith.constant 0 : i32
      %dma_wait3A_2311 = tpu.memref_slice %arg2[%squeeze3A_1206, %dma_wait3A_2309, %dma_wait3A_2310] : memref<125000x8x64xf32, #tpu.memory_space<hbm>> -> memref<1x8x64xf32, #tpu.memory_space<hbm>>
      %dma_wait3A_2312 = tpu.memref_squeeze %dma_wait3A_2311 : memref<1x8x64xf32, #tpu.memory_space<hbm>> -> memref<8x64xf32, #tpu.memory_space<hbm>>
      tpu.wait_dma2 semaphore(%arg16 : memref<!tpu.dma_semaphore, #tpu.memory_space<semaphore_mem>>) src(%dma_wait3A_2312 : memref<8x64xf32, #tpu.memory_space<hbm>>) dst(%dma_wait3A_2308 : memref<8x64xf32, #tpu.memory_space<vmem>>)
      %dma_wait3A_2313 = arith.constant 31 : i32
      %dma_wait3A_2314 = arith.constant 0 : i32
      %dma_wait3A_2315 = arith.constant 0 : i32
      %dma_wait3A_2316 = tpu.memref_slice %arg12[%dma_wait3A_2313, %dma_wait3A_2314, %dma_wait3A_2315] : memref<32x8x64xf32, #tpu.memory_space<vmem>> -> memref<1x8x64xf32, #tpu.memory_space<vmem>>
      %dma_wait3A_2317 = tpu.memref_squeeze %dma_wait3A_2316 : memref<1x8x64xf32, #tpu.memory_space<vmem>> -> memref<8x64xf32, #tpu.memory_space<vmem>>
      %dma_wait3A_2318 = arith.constant 0 : i32
      %dma_wait3A_2319 = arith.constant 0 : i32
      %dma_wait3A_2320 = tpu.memref_slice %arg3[%squeeze3A_1225, %dma_wait3A_2318, %dma_wait3A_2319] : memref<125000x8x64xf32, #tpu.memory_space<hbm>> -> memref<1x8x64xf32, #tpu.memory_space<hbm>>
      %dma_wait3A_2321 = tpu.memref_squeeze %dma_wait3A_2320 : memref<1x8x64xf32, #tpu.memory_space<hbm>> -> memref<8x64xf32, #tpu.memory_space<hbm>>
      %dma_wait3A_2322 = arith.constant 0 : i32
      %dma_wait3A_2323 = arith.constant 0 : i32
      %dma_wait3A_2324 = tpu.memref_slice %arg12[%dma_wait3A_2313, %dma_wait3A_2322, %dma_wait3A_2323] : memref<32x8x64xf32, #tpu.memory_space<vmem>> -> memref<1x8x64xf32, #tpu.memory_space<vmem>>
      %dma_wait3A_2325 = tpu.memref_squeeze %dma_wait3A_2324 : memref<1x8x64xf32, #tpu.memory_space<vmem>> -> memref<8x64xf32, #tpu.memory_space<vmem>>
      %dma_wait3A_2326 = arith.constant 0 : i32
      %dma_wait3A_2327 = arith.constant 0 : i32
      %dma_wait3A_2328 = tpu.memref_slice %arg3[%squeeze3A_1225, %dma_wait3A_2326, %dma_wait3A_2327] : memref<125000x8x64xf32, #tpu.memory_space<hbm>> -> memref<1x8x64xf32, #tpu.memory_space<hbm>>
      %dma_wait3A_2329 = tpu.memref_squeeze %dma_wait3A_2328 : memref<1x8x64xf32, #tpu.memory_space<hbm>> -> memref<8x64xf32, #tpu.memory_space<hbm>>
      tpu.wait_dma2 semaphore(%arg17 : memref<!tpu.dma_semaphore, #tpu.memory_space<semaphore_mem>>) src(%dma_wait3A_2329 : memref<8x64xf32, #tpu.memory_space<hbm>>) dst(%dma_wait3A_2325 : memref<8x64xf32, #tpu.memory_space<vmem>>)
      %mul3A_2330 = arith.constant 32 : i32
      %mul3A_2331 = arith.muli %scan3A_14, %mul3A_2330 : i32
      %add3A_2332 = arith.constant 0 : i32
      %add3A_2333 = arith.addi %mul3A_2331, %add3A_2332 : i32
      %get3A_2334 = arith.index_cast %add3A_2333 : i32 to index
      %get3A_2335 = tpu.vector_load %arg7[%get3A_2334] {strides = array<i32>} : memref<512xi32, #tpu.memory_space<vmem>>, vector<16xi32>,
      %and3A = arith.constant 7 : i32
      %and3A_2336 = vector.broadcast %and3A : i32 to vector<16xi32>
      %and3A_2337 = arith.andi %get3A_2335, %and3A_2336 : vector<16xi32>
      %get3A_2338 = arith.index_cast %add3A_2333 : i32 to index
      %get3A_2339 = tpu.vector_load %arg8[%get3A_2338] {strides = array<i32>} : memref<512xi32, #tpu.memory_space<vmem>>, vector<16xi32>,
      %and3A_2340 = arith.constant 7 : i32
      %and3A_2341 = vector.broadcast %and3A_2340 : i32 to vector<16xi32>
      %and3A_2342 = arith.andi %get3A_2339, %and3A_2341 : vector<16xi32>
      %broadcast_in_dim3A = arith.constant 0.000000e+00 : f32
      %broadcast_in_dim3A_2343 = vector.broadcast %broadcast_in_dim3A : f32 to vector<16xf32>
      %slice3A_2344 = vector.extract_strided_slice %and3A_2337 {offsets = [0], sizes = [1], strides = [1]} : vector<16xi32> to vector<1xi32>
      %squeeze3A_2345 = vector.extract %slice3A_2344[0] : i32 from vector<1xi32>
      %slice3A_2346 = vector.extract_strided_slice %and3A_2342 {offsets = [0], sizes = [1], strides = [1]} : vector<16xi32> to vector<1xi32>
      %squeeze3A_2347 = vector.extract %slice3A_2346[0] : i32 from vector<1xi32>
      %get3A_2348 = arith.constant 0 : i32
      %get3A_2349 = arith.index_cast %get3A_2348 : i32 to index
      %get3A_2350 = arith.index_cast %squeeze3A_2345 : i32 to index
      %get3A_2351 = arith.constant 0 : index
      %get3A_2352 = tpu.vector_load %arg11[%get3A_2349, %get3A_2350, %get3A_2351] {strides = array<i32>} : memref<32x8x64xf32, #tpu.memory_space<vmem>>, vector<16xf32>,
      %get3A_2353 = arith.constant 0 : i32
      %get3A_2354 = arith.index_cast %get3A_2353 : i32 to index
      %get3A_2355 = arith.index_cast %squeeze3A_2347 : i32 to index
      %get3A_2356 = arith.constant 0 : index
      %get3A_2357 = tpu.vector_load %arg12[%get3A_2354, %get3A_2355, %get3A_2356] {strides = array<i32>} : memref<32x8x64xf32, #tpu.memory_space<vmem>>, vector<16xf32>,
      %mul3A_2358 = arith.mulf %get3A_2352, %get3A_2357 : vector<16xf32>
      %get3A_2359 = arith.constant 0 : i32
      %get3A_2360 = arith.index_cast %get3A_2359 : i32 to index
      %get3A_2361 = arith.index_cast %squeeze3A_2345 : i32 to index
      %get3A_2362 = arith.constant 16 : index
      %get3A_2363 = tpu.vector_load %arg11[%get3A_2360, %get3A_2361, %get3A_2362] {strides = array<i32>} : memref<32x8x64xf32, #tpu.memory_space<vmem>>, vector<16xf32>,
      %get3A_2364 = arith.constant 0 : i32
      %get3A_2365 = arith.index_cast %get3A_2364 : i32 to index
      %get3A_2366 = arith.index_cast %squeeze3A_2347 : i32 to index
      %get3A_2367 = arith.constant 16 : index
      %get3A_2368 = tpu.vector_load %arg12[%get3A_2365, %get3A_2366, %get3A_2367] {strides = array<i32>} : memref<32x8x64xf32, #tpu.memory_space<vmem>>, vector<16xf32>,
      %mul3A_2369 = arith.mulf %get3A_2363, %get3A_2368 : vector<16xf32>
      %add3A_2370 = arith.addf %mul3A_2358, %mul3A_2369 : vector<16xf32>
      %get3A_2371 = arith.constant 0 : i32
      %get3A_2372 = arith.index_cast %get3A_2371 : i32 to index
      %get3A_2373 = arith.index_cast %squeeze3A_2345 : i32 to index
      %get3A_2374 = arith.constant 32 : index
      %get3A_2375 = tpu.vector_load %arg11[%get3A_2372, %get3A_2373, %get3A_2374] {strides = array<i32>} : memref<32x8x64xf32, #tpu.memory_space<vmem>>, vector<16xf32>,
      %get3A_2376 = arith.constant 0 : i32
      %get3A_2377 = arith.index_cast %get3A_2376 : i32 to index
      %get3A_2378 = arith.index_cast %squeeze3A_2347 : i32 to index
      %get3A_2379 = arith.constant 32 : index
      %get3A_2380 = tpu.vector_load %arg12[%get3A_2377, %get3A_2378, %get3A_2379] {strides = array<i32>} : memref<32x8x64xf32, #tpu.memory_space<vmem>>, vector<16xf32>,
      %mul3A_2381 = arith.mulf %get3A_2375, %get3A_2380 : vector<16xf32>
      %add3A_2382 = arith.addf %add3A_2370, %mul3A_2381 : vector<16xf32>
      %get3A_2383 = arith.constant 0 : i32
      %get3A_2384 = arith.index_cast %get3A_2383 : i32 to index
      %get3A_2385 = arith.index_cast %squeeze3A_2345 : i32 to index
      %get3A_2386 = arith.constant 48 : index
      %get3A_2387 = tpu.vector_load %arg11[%get3A_2384, %get3A_2385, %get3A_2386] {strides = array<i32>} : memref<32x8x64xf32, #tpu.memory_space<vmem>>, vector<16xf32>,
      %get3A_2388 = arith.constant 0 : i32
      %get3A_2389 = arith.index_cast %get3A_2388 : i32 to index
      %get3A_2390 = arith.index_cast %squeeze3A_2347 : i32 to index
      %get3A_2391 = arith.constant 48 : index
      %get3A_2392 = tpu.vector_load %arg12[%get3A_2389, %get3A_2390, %get3A_2391] {strides = array<i32>} : memref<32x8x64xf32, #tpu.memory_space<vmem>>, vector<16xf32>,
      %mul3A_2393 = arith.mulf %get3A_2387, %get3A_2392 : vector<16xf32>
      %add3A_2394 = arith.addf %add3A_2382, %mul3A_2393 : vector<16xf32>
      %reduce_sum3A = arith.constant true
      %reduce_sum3A_2395 = vector.broadcast %reduce_sum3A : i1 to vector<16xi1>
      %reduce_sum3A_2396 = tpu.scan <sum>, %add3A_2394 masked %reduce_sum3A_2395 : vector<16xf32>, vector<16xi1> -> vector<16xf32>
      %reduce_sum3A_2397 = vector.extract %reduce_sum3A_2396[15] : f32 from vector<16xf32>
      %eq3A = arith.constant 0 : i32
      %eq3A_2398 = vector.broadcast %eq3A : i32 to vector<16xi32>
      %eq3A_2399 = arith.cmpi eq, %iota3A, %eq3A_2398 : vector<16xi32>
      %broadcast_in_dim3A_2400 = vector.broadcast %reduce_sum3A_2397 : f32 to vector<16xf32>
      %select_n3A = arith.select %eq3A_2399, %broadcast_in_dim3A_2400, %broadcast_in_dim3A_2343 : vector<16xi1>, vector<16xf32>
      %slice3A_2401 = vector.extract_strided_slice %and3A_2337 {offsets = [1], sizes = [1], strides = [1]} : vector<16xi32> to vector<1xi32>
      %squeeze3A_2402 = vector.extract %slice3A_2401[0] : i32 from vector<1xi32>
      %slice3A_2403 = vector.extract_strided_slice %and3A_2342 {offsets = [1], sizes = [1], strides = [1]} : vector<16xi32> to vector<1xi32>
      %squeeze3A_2404 = vector.extract %slice3A_2403[0] : i32 from vector<1xi32>
      %get3A_2405 = arith.constant 1 : i32
      %get3A_2406 = arith.index_cast %get3A_2405 : i32 to index
      %get3A_2407 = arith.index_cast %squeeze3A_2402 : i32 to index
      %get3A_2408 = arith.constant 0 : index
      %get3A_2409 = tpu.vector_load %arg11[%get3A_2406, %get3A_2407, %get3A_2408] {strides = array<i32>} : memref<32x8x64xf32, #tpu.memory_space<vmem>>, vector<16xf32>,
      %get3A_2410 = arith.constant 1 : i32
      %get3A_2411 = arith.index_cast %get3A_2410 : i32 to index
      %get3A_2412 = arith.index_cast %squeeze3A_2404 : i32 to index
      %get3A_2413 = arith.constant 0 : index
      %get3A_2414 = tpu.vector_load %arg12[%get3A_2411, %get3A_2412, %get3A_2413] {strides = array<i32>} : memref<32x8x64xf32, #tpu.memory_space<vmem>>, vector<16xf32>,
      %mul3A_2415 = arith.mulf %get3A_2409, %get3A_2414 : vector<16xf32>
      %get3A_2416 = arith.constant 1 : i32
      %get3A_2417 = arith.index_cast %get3A_2416 : i32 to index
      %get3A_2418 = arith.index_cast %squeeze3A_2402 : i32 to index
      %get3A_2419 = arith.constant 16 : index
      %get3A_2420 = tpu.vector_load %arg11[%get3A_2417, %get3A_2418, %get3A_2419] {strides = array<i32>} : memref<32x8x64xf32, #tpu.memory_space<vmem>>, vector<16xf32>,
      %get3A_2421 = arith.constant 1 : i32
      %get3A_2422 = arith.index_cast %get3A_2421 : i32 to index
      %get3A_2423 = arith.index_cast %squeeze3A_2404 : i32 to index
      %get3A_2424 = arith.constant 16 : index
      %get3A_2425 = tpu.vector_load %arg12[%get3A_2422, %get3A_2423, %get3A_2424] {strides = array<i32>} : memref<32x8x64xf32, #tpu.memory_space<vmem>>, vector<16xf32>,
      %mul3A_2426 = arith.mulf %get3A_2420, %get3A_2425 : vector<16xf32>
      %add3A_2427 = arith.addf %mul3A_2415, %mul3A_2426 : vector<16xf32>
      %get3A_2428 = arith.constant 1 : i32
      %get3A_2429 = arith.index_cast %get3A_2428 : i32 to index
      %get3A_2430 = arith.index_cast %squeeze3A_2402 : i32 to index
      %get3A_2431 = arith.constant 32 : index
      %get3A_2432 = tpu.vector_load %arg11[%get3A_2429, %get3A_2430, %get3A_2431] {strides = array<i32>} : memref<32x8x64xf32, #tpu.memory_space<vmem>>, vector<16xf32>,
      %get3A_2433 = arith.constant 1 : i32
      %get3A_2434 = arith.index_cast %get3A_2433 : i32 to index
      %get3A_2435 = arith.index_cast %squeeze3A_2404 : i32 to index
      %get3A_2436 = arith.constant 32 : index
      %get3A_2437 = tpu.vector_load %arg12[%get3A_2434, %get3A_2435, %get3A_2436] {strides = array<i32>} : memref<32x8x64xf32, #tpu.memory_space<vmem>>, vector<16xf32>,
      %mul3A_2438 = arith.mulf %get3A_2432, %get3A_2437 : vector<16xf32>
      %add3A_2439 = arith.addf %add3A_2427, %mul3A_2438 : vector<16xf32>
      %get3A_2440 = arith.constant 1 : i32
      %get3A_2441 = arith.index_cast %get3A_2440 : i32 to index
      %get3A_2442 = arith.index_cast %squeeze3A_2402 : i32 to index
      %get3A_2443 = arith.constant 48 : index
      %get3A_2444 = tpu.vector_load %arg11[%get3A_2441, %get3A_2442, %get3A_2443] {strides = array<i32>} : memref<32x8x64xf32, #tpu.memory_space<vmem>>, vector<16xf32>,
      %get3A_2445 = arith.constant 1 : i32
      %get3A_2446 = arith.index_cast %get3A_2445 : i32 to index
      %get3A_2447 = arith.index_cast %squeeze3A_2404 : i32 to index
      %get3A_2448 = arith.constant 48 : index
      %get3A_2449 = tpu.vector_load %arg12[%get3A_2446, %get3A_2447, %get3A_2448] {strides = array<i32>} : memref<32x8x64xf32, #tpu.memory_space<vmem>>, vector<16xf32>,
      %mul3A_2450 = arith.mulf %get3A_2444, %get3A_2449 : vector<16xf32>
      %add3A_2451 = arith.addf %add3A_2439, %mul3A_2450 : vector<16xf32>
      %reduce_sum3A_2452 = arith.constant true
      %reduce_sum3A_2453 = vector.broadcast %reduce_sum3A_2452 : i1 to vector<16xi1>
      %reduce_sum3A_2454 = tpu.scan <sum>, %add3A_2451 masked %reduce_sum3A_2453 : vector<16xf32>, vector<16xi1> -> vector<16xf32>
      %reduce_sum3A_2455 = vector.extract %reduce_sum3A_2454[15] : f32 from vector<16xf32>
      %eq3A_2456 = arith.constant 1 : i32
      %eq3A_2457 = vector.broadcast %eq3A_2456 : i32 to vector<16xi32>
      %eq3A_2458 = arith.cmpi eq, %iota3A, %eq3A_2457 : vector<16xi32>
      %broadcast_in_dim3A_2459 = vector.broadcast %reduce_sum3A_2455 : f32 to vector<16xf32>
      %select_n3A_2460 = arith.select %eq3A_2458, %broadcast_in_dim3A_2459, %select_n3A : vector<16xi1>, vector<16xf32>
      %slice3A_2461 = vector.extract_strided_slice %and3A_2337 {offsets = [2], sizes = [1], strides = [1]} : vector<16xi32> to vector<1xi32>
      %squeeze3A_2462 = vector.extract %slice3A_2461[0] : i32 from vector<1xi32>
      %slice3A_2463 = vector.extract_strided_slice %and3A_2342 {offsets = [2], sizes = [1], strides = [1]} : vector<16xi32> to vector<1xi32>
      %squeeze3A_2464 = vector.extract %slice3A_2463[0] : i32 from vector<1xi32>
      %get3A_2465 = arith.constant 2 : i32
      %get3A_2466 = arith.index_cast %get3A_2465 : i32 to index
      %get3A_2467 = arith.index_cast %squeeze3A_2462 : i32 to index
      %get3A_2468 = arith.constant 0 : index
      %get3A_2469 = tpu.vector_load %arg11[%get3A_2466, %get3A_2467, %get3A_2468] {strides = array<i32>} : memref<32x8x64xf32, #tpu.memory_space<vmem>>, vector<16xf32>,
      %get3A_2470 = arith.constant 2 : i32
      %get3A_2471 = arith.index_cast %get3A_2470 : i32 to index
      %get3A_2472 = arith.index_cast %squeeze3A_2464 : i32 to index
      %get3A_2473 = arith.constant 0 : index
      %get3A_2474 = tpu.vector_load %arg12[%get3A_2471, %get3A_2472, %get3A_2473] {strides = array<i32>} : memref<32x8x64xf32, #tpu.memory_space<vmem>>, vector<16xf32>,
      %mul3A_2475 = arith.mulf %get3A_2469, %get3A_2474 : vector<16xf32>
      %get3A_2476 = arith.constant 2 : i32
      %get3A_2477 = arith.index_cast %get3A_2476 : i32 to index
      %get3A_2478 = arith.index_cast %squeeze3A_2462 : i32 to index
      %get3A_2479 = arith.constant 16 : index
      %get3A_2480 = tpu.vector_load %arg11[%get3A_2477, %get3A_2478, %get3A_2479] {strides = array<i32>} : memref<32x8x64xf32, #tpu.memory_space<vmem>>, vector<16xf32>,
      %get3A_2481 = arith.constant 2 : i32
      %get3A_2482 = arith.index_cast %get3A_2481 : i32 to index
      %get3A_2483 = arith.index_cast %squeeze3A_2464 : i32 to index
      %get3A_2484 = arith.constant 16 : index
      %get3A_2485 = tpu.vector_load %arg12[%get3A_2482, %get3A_2483, %get3A_2484] {strides = array<i32>} : memref<32x8x64xf32, #tpu.memory_space<vmem>>, vector<16xf32>,
      %mul3A_2486 = arith.mulf %get3A_2480, %get3A_2485 : vector<16xf32>
      %add3A_2487 = arith.addf %mul3A_2475, %mul3A_2486 : vector<16xf32>
      %get3A_2488 = arith.constant 2 : i32
      %get3A_2489 = arith.index_cast %get3A_2488 : i32 to index
      %get3A_2490 = arith.index_cast %squeeze3A_2462 : i32 to index
      %get3A_2491 = arith.constant 32 : index
      %get3A_2492 = tpu.vector_load %arg11[%get3A_2489, %get3A_2490, %get3A_2491] {strides = array<i32>} : memref<32x8x64xf32, #tpu.memory_space<vmem>>, vector<16xf32>,
      %get3A_2493 = arith.constant 2 : i32
      %get3A_2494 = arith.index_cast %get3A_2493 : i32 to index
      %get3A_2495 = arith.index_cast %squeeze3A_2464 : i32 to index
      %get3A_2496 = arith.constant 32 : index
      %get3A_2497 = tpu.vector_load %arg12[%get3A_2494, %get3A_2495, %get3A_2496] {strides = array<i32>} : memref<32x8x64xf32, #tpu.memory_space<vmem>>, vector<16xf32>,
      %mul3A_2498 = arith.mulf %get3A_2492, %get3A_2497 : vector<16xf32>
      %add3A_2499 = arith.addf %add3A_2487, %mul3A_2498 : vector<16xf32>
      %get3A_2500 = arith.constant 2 : i32
      %get3A_2501 = arith.index_cast %get3A_2500 : i32 to index
      %get3A_2502 = arith.index_cast %squeeze3A_2462 : i32 to index
      %get3A_2503 = arith.constant 48 : index
      %get3A_2504 = tpu.vector_load %arg11[%get3A_2501, %get3A_2502, %get3A_2503] {strides = array<i32>} : memref<32x8x64xf32, #tpu.memory_space<vmem>>, vector<16xf32>,
      %get3A_2505 = arith.constant 2 : i32
      %get3A_2506 = arith.index_cast %get3A_2505 : i32 to index
      %get3A_2507 = arith.index_cast %squeeze3A_2464 : i32 to index
      %get3A_2508 = arith.constant 48 : index
      %get3A_2509 = tpu.vector_load %arg12[%get3A_2506, %get3A_2507, %get3A_2508] {strides = array<i32>} : memref<32x8x64xf32, #tpu.memory_space<vmem>>, vector<16xf32>,
      %mul3A_2510 = arith.mulf %get3A_2504, %get3A_2509 : vector<16xf32>
      %add3A_2511 = arith.addf %add3A_2499, %mul3A_2510 : vector<16xf32>
      %reduce_sum3A_2512 = arith.constant true
      %reduce_sum3A_2513 = vector.broadcast %reduce_sum3A_2512 : i1 to vector<16xi1>
      %reduce_sum3A_2514 = tpu.scan <sum>, %add3A_2511 masked %reduce_sum3A_2513 : vector<16xf32>, vector<16xi1> -> vector<16xf32>
      %reduce_sum3A_2515 = vector.extract %reduce_sum3A_2514[15] : f32 from vector<16xf32>
      %eq3A_2516 = arith.constant 2 : i32
      %eq3A_2517 = vector.broadcast %eq3A_2516 : i32 to vector<16xi32>
      %eq3A_2518 = arith.cmpi eq, %iota3A, %eq3A_2517 : vector<16xi32>
      %broadcast_in_dim3A_2519 = vector.broadcast %reduce_sum3A_2515 : f32 to vector<16xf32>
      %select_n3A_2520 = arith.select %eq3A_2518, %broadcast_in_dim3A_2519, %select_n3A_2460 : vector<16xi1>, vector<16xf32>
      %slice3A_2521 = vector.extract_strided_slice %and3A_2337 {offsets = [3], sizes = [1], strides = [1]} : vector<16xi32> to vector<1xi32>
      %squeeze3A_2522 = vector.extract %slice3A_2521[0] : i32 from vector<1xi32>
      %slice3A_2523 = vector.extract_strided_slice %and3A_2342 {offsets = [3], sizes = [1], strides = [1]} : vector<16xi32> to vector<1xi32>
      %squeeze3A_2524 = vector.extract %slice3A_2523[0] : i32 from vector<1xi32>
      %get3A_2525 = arith.constant 3 : i32
      %get3A_2526 = arith.index_cast %get3A_2525 : i32 to index
      %get3A_2527 = arith.index_cast %squeeze3A_2522 : i32 to index
      %get3A_2528 = arith.constant 0 : index
      %get3A_2529 = tpu.vector_load %arg11[%get3A_2526, %get3A_2527, %get3A_2528] {strides = array<i32>} : memref<32x8x64xf32, #tpu.memory_space<vmem>>, vector<16xf32>,
      %get3A_2530 = arith.constant 3 : i32
      %get3A_2531 = arith.index_cast %get3A_2530 : i32 to index
      %get3A_2532 = arith.index_cast %squeeze3A_2524 : i32 to index
      %get3A_2533 = arith.constant 0 : index
      %get3A_2534 = tpu.vector_load %arg12[%get3A_2531, %get3A_2532, %get3A_2533] {strides = array<i32>} : memref<32x8x64xf32, #tpu.memory_space<vmem>>, vector<16xf32>,
      %mul3A_2535 = arith.mulf %get3A_2529, %get3A_2534 : vector<16xf32>
      %get3A_2536 = arith.constant 3 : i32
      %get3A_2537 = arith.index_cast %get3A_2536 : i32 to index
      %get3A_2538 = arith.index_cast %squeeze3A_2522 : i32 to index
      %get3A_2539 = arith.constant 16 : index
      %get3A_2540 = tpu.vector_load %arg11[%get3A_2537, %get3A_2538, %get3A_2539] {strides = array<i32>} : memref<32x8x64xf32, #tpu.memory_space<vmem>>, vector<16xf32>,
      %get3A_2541 = arith.constant 3 : i32
      %get3A_2542 = arith.index_cast %get3A_2541 : i32 to index
      %get3A_2543 = arith.index_cast %squeeze3A_2524 : i32 to index
      %get3A_2544 = arith.constant 16 : index
      %get3A_2545 = tpu.vector_load %arg12[%get3A_2542, %get3A_2543, %get3A_2544] {strides = array<i32>} : memref<32x8x64xf32, #tpu.memory_space<vmem>>, vector<16xf32>,
      %mul3A_2546 = arith.mulf %get3A_2540, %get3A_2545 : vector<16xf32>
      %add3A_2547 = arith.addf %mul3A_2535, %mul3A_2546 : vector<16xf32>
      %get3A_2548 = arith.constant 3 : i32
      %get3A_2549 = arith.index_cast %get3A_2548 : i32 to index
      %get3A_2550 = arith.index_cast %squeeze3A_2522 : i32 to index
      %get3A_2551 = arith.constant 32 : index
      %get3A_2552 = tpu.vector_load %arg11[%get3A_2549, %get3A_2550, %get3A_2551] {strides = array<i32>} : memref<32x8x64xf32, #tpu.memory_space<vmem>>, vector<16xf32>,
      %get3A_2553 = arith.constant 3 : i32
      %get3A_2554 = arith.index_cast %get3A_2553 : i32 to index
      %get3A_2555 = arith.index_cast %squeeze3A_2524 : i32 to index
      %get3A_2556 = arith.constant 32 : index
      %get3A_2557 = tpu.vector_load %arg12[%get3A_2554, %get3A_2555, %get3A_2556] {strides = array<i32>} : memref<32x8x64xf32, #tpu.memory_space<vmem>>, vector<16xf32>,
      %mul3A_2558 = arith.mulf %get3A_2552, %get3A_2557 : vector<16xf32>
      %add3A_2559 = arith.addf %add3A_2547, %mul3A_2558 : vector<16xf32>
      %get3A_2560 = arith.constant 3 : i32
      %get3A_2561 = arith.index_cast %get3A_2560 : i32 to index
      %get3A_2562 = arith.index_cast %squeeze3A_2522 : i32 to index
      %get3A_2563 = arith.constant 48 : index
      %get3A_2564 = tpu.vector_load %arg11[%get3A_2561, %get3A_2562, %get3A_2563] {strides = array<i32>} : memref<32x8x64xf32, #tpu.memory_space<vmem>>, vector<16xf32>,
      %get3A_2565 = arith.constant 3 : i32
      %get3A_2566 = arith.index_cast %get3A_2565 : i32 to index
      %get3A_2567 = arith.index_cast %squeeze3A_2524 : i32 to index
      %get3A_2568 = arith.constant 48 : index
      %get3A_2569 = tpu.vector_load %arg12[%get3A_2566, %get3A_2567, %get3A_2568] {strides = array<i32>} : memref<32x8x64xf32, #tpu.memory_space<vmem>>, vector<16xf32>,
      %mul3A_2570 = arith.mulf %get3A_2564, %get3A_2569 : vector<16xf32>
      %add3A_2571 = arith.addf %add3A_2559, %mul3A_2570 : vector<16xf32>
      %reduce_sum3A_2572 = arith.constant true
      %reduce_sum3A_2573 = vector.broadcast %reduce_sum3A_2572 : i1 to vector<16xi1>
      %reduce_sum3A_2574 = tpu.scan <sum>, %add3A_2571 masked %reduce_sum3A_2573 : vector<16xf32>, vector<16xi1> -> vector<16xf32>
      %reduce_sum3A_2575 = vector.extract %reduce_sum3A_2574[15] : f32 from vector<16xf32>
      %eq3A_2576 = arith.constant 3 : i32
      %eq3A_2577 = vector.broadcast %eq3A_2576 : i32 to vector<16xi32>
      %eq3A_2578 = arith.cmpi eq, %iota3A, %eq3A_2577 : vector<16xi32>
      %broadcast_in_dim3A_2579 = vector.broadcast %reduce_sum3A_2575 : f32 to vector<16xf32>
      %select_n3A_2580 = arith.select %eq3A_2578, %broadcast_in_dim3A_2579, %select_n3A_2520 : vector<16xi1>, vector<16xf32>
      %slice3A_2581 = vector.extract_strided_slice %and3A_2337 {offsets = [4], sizes = [1], strides = [1]} : vector<16xi32> to vector<1xi32>
      %squeeze3A_2582 = vector.extract %slice3A_2581[0] : i32 from vector<1xi32>
      %slice3A_2583 = vector.extract_strided_slice %and3A_2342 {offsets = [4], sizes = [1], strides = [1]} : vector<16xi32> to vector<1xi32>
      %squeeze3A_2584 = vector.extract %slice3A_2583[0] : i32 from vector<1xi32>
      %get3A_2585 = arith.constant 4 : i32
      %get3A_2586 = arith.index_cast %get3A_2585 : i32 to index
      %get3A_2587 = arith.index_cast %squeeze3A_2582 : i32 to index
      %get3A_2588 = arith.constant 0 : index
      %get3A_2589 = tpu.vector_load %arg11[%get3A_2586, %get3A_2587, %get3A_2588] {strides = array<i32>} : memref<32x8x64xf32, #tpu.memory_space<vmem>>, vector<16xf32>,
      %get3A_2590 = arith.constant 4 : i32
      %get3A_2591 = arith.index_cast %get3A_2590 : i32 to index
      %get3A_2592 = arith.index_cast %squeeze3A_2584 : i32 to index
      %get3A_2593 = arith.constant 0 : index
      %get3A_2594 = tpu.vector_load %arg12[%get3A_2591, %get3A_2592, %get3A_2593] {strides = array<i32>} : memref<32x8x64xf32, #tpu.memory_space<vmem>>, vector<16xf32>,
      %mul3A_2595 = arith.mulf %get3A_2589, %get3A_2594 : vector<16xf32>
      %get3A_2596 = arith.constant 4 : i32
      %get3A_2597 = arith.index_cast %get3A_2596 : i32 to index
      %get3A_2598 = arith.index_cast %squeeze3A_2582 : i32 to index
      %get3A_2599 = arith.constant 16 : index
      %get3A_2600 = tpu.vector_load %arg11[%get3A_2597, %get3A_2598, %get3A_2599] {strides = array<i32>} : memref<32x8x64xf32, #tpu.memory_space<vmem>>, vector<16xf32>,
      %get3A_2601 = arith.constant 4 : i32
      %get3A_2602 = arith.index_cast %get3A_2601 : i32 to index
      %get3A_2603 = arith.index_cast %squeeze3A_2584 : i32 to index
      %get3A_2604 = arith.constant 16 : index
      %get3A_2605 = tpu.vector_load %arg12[%get3A_2602, %get3A_2603, %get3A_2604] {strides = array<i32>} : memref<32x8x64xf32, #tpu.memory_space<vmem>>, vector<16xf32>,
      %mul3A_2606 = arith.mulf %get3A_2600, %get3A_2605 : vector<16xf32>
      %add3A_2607 = arith.addf %mul3A_2595, %mul3A_2606 : vector<16xf32>
      %get3A_2608 = arith.constant 4 : i32
      %get3A_2609 = arith.index_cast %get3A_2608 : i32 to index
      %get3A_2610 = arith.index_cast %squeeze3A_2582 : i32 to index
      %get3A_2611 = arith.constant 32 : index
      %get3A_2612 = tpu.vector_load %arg11[%get3A_2609, %get3A_2610, %get3A_2611] {strides = array<i32>} : memref<32x8x64xf32, #tpu.memory_space<vmem>>, vector<16xf32>,
      %get3A_2613 = arith.constant 4 : i32
      %get3A_2614 = arith.index_cast %get3A_2613 : i32 to index
      %get3A_2615 = arith.index_cast %squeeze3A_2584 : i32 to index
      %get3A_2616 = arith.constant 32 : index
      %get3A_2617 = tpu.vector_load %arg12[%get3A_2614, %get3A_2615, %get3A_2616] {strides = array<i32>} : memref<32x8x64xf32, #tpu.memory_space<vmem>>, vector<16xf32>,
      %mul3A_2618 = arith.mulf %get3A_2612, %get3A_2617 : vector<16xf32>
      %add3A_2619 = arith.addf %add3A_2607, %mul3A_2618 : vector<16xf32>
      %get3A_2620 = arith.constant 4 : i32
      %get3A_2621 = arith.index_cast %get3A_2620 : i32 to index
      %get3A_2622 = arith.index_cast %squeeze3A_2582 : i32 to index
      %get3A_2623 = arith.constant 48 : index
      %get3A_2624 = tpu.vector_load %arg11[%get3A_2621, %get3A_2622, %get3A_2623] {strides = array<i32>} : memref<32x8x64xf32, #tpu.memory_space<vmem>>, vector<16xf32>,
      %get3A_2625 = arith.constant 4 : i32
      %get3A_2626 = arith.index_cast %get3A_2625 : i32 to index
      %get3A_2627 = arith.index_cast %squeeze3A_2584 : i32 to index
      %get3A_2628 = arith.constant 48 : index
      %get3A_2629 = tpu.vector_load %arg12[%get3A_2626, %get3A_2627, %get3A_2628] {strides = array<i32>} : memref<32x8x64xf32, #tpu.memory_space<vmem>>, vector<16xf32>,
      %mul3A_2630 = arith.mulf %get3A_2624, %get3A_2629 : vector<16xf32>
      %add3A_2631 = arith.addf %add3A_2619, %mul3A_2630 : vector<16xf32>
      %reduce_sum3A_2632 = arith.constant true
      %reduce_sum3A_2633 = vector.broadcast %reduce_sum3A_2632 : i1 to vector<16xi1>
      %reduce_sum3A_2634 = tpu.scan <sum>, %add3A_2631 masked %reduce_sum3A_2633 : vector<16xf32>, vector<16xi1> -> vector<16xf32>
      %reduce_sum3A_2635 = vector.extract %reduce_sum3A_2634[15] : f32 from vector<16xf32>
      %eq3A_2636 = arith.constant 4 : i32
      %eq3A_2637 = vector.broadcast %eq3A_2636 : i32 to vector<16xi32>
      %eq3A_2638 = arith.cmpi eq, %iota3A, %eq3A_2637 : vector<16xi32>
      %broadcast_in_dim3A_2639 = vector.broadcast %reduce_sum3A_2635 : f32 to vector<16xf32>
      %select_n3A_2640 = arith.select %eq3A_2638, %broadcast_in_dim3A_2639, %select_n3A_2580 : vector<16xi1>, vector<16xf32>
      %slice3A_2641 = vector.extract_strided_slice %and3A_2337 {offsets = [5], sizes = [1], strides = [1]} : vector<16xi32> to vector<1xi32>
      %squeeze3A_2642 = vector.extract %slice3A_2641[0] : i32 from vector<1xi32>
      %slice3A_2643 = vector.extract_strided_slice %and3A_2342 {offsets = [5], sizes = [1], strides = [1]} : vector<16xi32> to vector<1xi32>
      %squeeze3A_2644 = vector.extract %slice3A_2643[0] : i32 from vector<1xi32>
      %get3A_2645 = arith.constant 5 : i32
      %get3A_2646 = arith.index_cast %get3A_2645 : i32 to index
      %get3A_2647 = arith.index_cast %squeeze3A_2642 : i32 to index
      %get3A_2648 = arith.constant 0 : index
      %get3A_2649 = tpu.vector_load %arg11[%get3A_2646, %get3A_2647, %get3A_2648] {strides = array<i32>} : memref<32x8x64xf32, #tpu.memory_space<vmem>>, vector<16xf32>,
      %get3A_2650 = arith.constant 5 : i32
      %get3A_2651 = arith.index_cast %get3A_2650 : i32 to index
      %get3A_2652 = arith.index_cast %squeeze3A_2644 : i32 to index
      %get3A_2653 = arith.constant 0 : index
      %get3A_2654 = tpu.vector_load %arg12[%get3A_2651, %get3A_2652, %get3A_2653] {strides = array<i32>} : memref<32x8x64xf32, #tpu.memory_space<vmem>>, vector<16xf32>,
      %mul3A_2655 = arith.mulf %get3A_2649, %get3A_2654 : vector<16xf32>
      %get3A_2656 = arith.constant 5 : i32
      %get3A_2657 = arith.index_cast %get3A_2656 : i32 to index
      %get3A_2658 = arith.index_cast %squeeze3A_2642 : i32 to index
      %get3A_2659 = arith.constant 16 : index
      %get3A_2660 = tpu.vector_load %arg11[%get3A_2657, %get3A_2658, %get3A_2659] {strides = array<i32>} : memref<32x8x64xf32, #tpu.memory_space<vmem>>, vector<16xf32>,
      %get3A_2661 = arith.constant 5 : i32
      %get3A_2662 = arith.index_cast %get3A_2661 : i32 to index
      %get3A_2663 = arith.index_cast %squeeze3A_2644 : i32 to index
      %get3A_2664 = arith.constant 16 : index
      %get3A_2665 = tpu.vector_load %arg12[%get3A_2662, %get3A_2663, %get3A_2664] {strides = array<i32>} : memref<32x8x64xf32, #tpu.memory_space<vmem>>, vector<16xf32>,
      %mul3A_2666 = arith.mulf %get3A_2660, %get3A_2665 : vector<16xf32>
      %add3A_2667 = arith.addf %mul3A_2655, %mul3A_2666 : vector<16xf32>
      %get3A_2668 = arith.constant 5 : i32
      %get3A_2669 = arith.index_cast %get3A_2668 : i32 to index
      %get3A_2670 = arith.index_cast %squeeze3A_2642 : i32 to index
      %get3A_2671 = arith.constant 32 : index
      %get3A_2672 = tpu.vector_load %arg11[%get3A_2669, %get3A_2670, %get3A_2671] {strides = array<i32>} : memref<32x8x64xf32, #tpu.memory_space<vmem>>, vector<16xf32>,
      %get3A_2673 = arith.constant 5 : i32
      %get3A_2674 = arith.index_cast %get3A_2673 : i32 to index
      %get3A_2675 = arith.index_cast %squeeze3A_2644 : i32 to index
      %get3A_2676 = arith.constant 32 : index
      %get3A_2677 = tpu.vector_load %arg12[%get3A_2674, %get3A_2675, %get3A_2676] {strides = array<i32>} : memref<32x8x64xf32, #tpu.memory_space<vmem>>, vector<16xf32>,
      %mul3A_2678 = arith.mulf %get3A_2672, %get3A_2677 : vector<16xf32>
      %add3A_2679 = arith.addf %add3A_2667, %mul3A_2678 : vector<16xf32>
      %get3A_2680 = arith.constant 5 : i32
      %get3A_2681 = arith.index_cast %get3A_2680 : i32 to index
      %get3A_2682 = arith.index_cast %squeeze3A_2642 : i32 to index
      %get3A_2683 = arith.constant 48 : index
      %get3A_2684 = tpu.vector_load %arg11[%get3A_2681, %get3A_2682, %get3A_2683] {strides = array<i32>} : memref<32x8x64xf32, #tpu.memory_space<vmem>>, vector<16xf32>,
      %get3A_2685 = arith.constant 5 : i32
      %get3A_2686 = arith.index_cast %get3A_2685 : i32 to index
      %get3A_2687 = arith.index_cast %squeeze3A_2644 : i32 to index
      %get3A_2688 = arith.constant 48 : index
      %get3A_2689 = tpu.vector_load %arg12[%get3A_2686, %get3A_2687, %get3A_2688] {strides = array<i32>} : memref<32x8x64xf32, #tpu.memory_space<vmem>>, vector<16xf32>,
      %mul3A_2690 = arith.mulf %get3A_2684, %get3A_2689 : vector<16xf32>
      %add3A_2691 = arith.addf %add3A_2679, %mul3A_2690 : vector<16xf32>
      %reduce_sum3A_2692 = arith.constant true
      %reduce_sum3A_2693 = vector.broadcast %reduce_sum3A_2692 : i1 to vector<16xi1>
      %reduce_sum3A_2694 = tpu.scan <sum>, %add3A_2691 masked %reduce_sum3A_2693 : vector<16xf32>, vector<16xi1> -> vector<16xf32>
      %reduce_sum3A_2695 = vector.extract %reduce_sum3A_2694[15] : f32 from vector<16xf32>
      %eq3A_2696 = arith.constant 5 : i32
      %eq3A_2697 = vector.broadcast %eq3A_2696 : i32 to vector<16xi32>
      %eq3A_2698 = arith.cmpi eq, %iota3A, %eq3A_2697 : vector<16xi32>
      %broadcast_in_dim3A_2699 = vector.broadcast %reduce_sum3A_2695 : f32 to vector<16xf32>
      %select_n3A_2700 = arith.select %eq3A_2698, %broadcast_in_dim3A_2699, %select_n3A_2640 : vector<16xi1>, vector<16xf32>
      %slice3A_2701 = vector.extract_strided_slice %and3A_2337 {offsets = [6], sizes = [1], strides = [1]} : vector<16xi32> to vector<1xi32>
      %squeeze3A_2702 = vector.extract %slice3A_2701[0] : i32 from vector<1xi32>
      %slice3A_2703 = vector.extract_strided_slice %and3A_2342 {offsets = [6], sizes = [1], strides = [1]} : vector<16xi32> to vector<1xi32>
      %squeeze3A_2704 = vector.extract %slice3A_2703[0] : i32 from vector<1xi32>
      %get3A_2705 = arith.constant 6 : i32
      %get3A_2706 = arith.index_cast %get3A_2705 : i32 to index
      %get3A_2707 = arith.index_cast %squeeze3A_2702 : i32 to index
      %get3A_2708 = arith.constant 0 : index
      %get3A_2709 = tpu.vector_load %arg11[%get3A_2706, %get3A_2707, %get3A_2708] {strides = array<i32>} : memref<32x8x64xf32, #tpu.memory_space<vmem>>, vector<16xf32>,
      %get3A_2710 = arith.constant 6 : i32
      %get3A_2711 = arith.index_cast %get3A_2710 : i32 to index
      %get3A_2712 = arith.index_cast %squeeze3A_2704 : i32 to index
      %get3A_2713 = arith.constant 0 : index
      %get3A_2714 = tpu.vector_load %arg12[%get3A_2711, %get3A_2712, %get3A_2713] {strides = array<i32>} : memref<32x8x64xf32, #tpu.memory_space<vmem>>, vector<16xf32>,
      %mul3A_2715 = arith.mulf %get3A_2709, %get3A_2714 : vector<16xf32>
      %get3A_2716 = arith.constant 6 : i32
      %get3A_2717 = arith.index_cast %get3A_2716 : i32 to index
      %get3A_2718 = arith.index_cast %squeeze3A_2702 : i32 to index
      %get3A_2719 = arith.constant 16 : index
      %get3A_2720 = tpu.vector_load %arg11[%get3A_2717, %get3A_2718, %get3A_2719] {strides = array<i32>} : memref<32x8x64xf32, #tpu.memory_space<vmem>>, vector<16xf32>,
      %get3A_2721 = arith.constant 6 : i32
      %get3A_2722 = arith.index_cast %get3A_2721 : i32 to index
      %get3A_2723 = arith.index_cast %squeeze3A_2704 : i32 to index
      %get3A_2724 = arith.constant 16 : index
      %get3A_2725 = tpu.vector_load %arg12[%get3A_2722, %get3A_2723, %get3A_2724] {strides = array<i32>} : memref<32x8x64xf32, #tpu.memory_space<vmem>>, vector<16xf32>,
      %mul3A_2726 = arith.mulf %get3A_2720, %get3A_2725 : vector<16xf32>
      %add3A_2727 = arith.addf %mul3A_2715, %mul3A_2726 : vector<16xf32>
      %get3A_2728 = arith.constant 6 : i32
      %get3A_2729 = arith.index_cast %get3A_2728 : i32 to index
      %get3A_2730 = arith.index_cast %squeeze3A_2702 : i32 to index
      %get3A_2731 = arith.constant 32 : index
      %get3A_2732 = tpu.vector_load %arg11[%get3A_2729, %get3A_2730, %get3A_2731] {strides = array<i32>} : memref<32x8x64xf32, #tpu.memory_space<vmem>>, vector<16xf32>,
      %get3A_2733 = arith.constant 6 : i32
      %get3A_2734 = arith.index_cast %get3A_2733 : i32 to index
      %get3A_2735 = arith.index_cast %squeeze3A_2704 : i32 to index
      %get3A_2736 = arith.constant 32 : index
      %get3A_2737 = tpu.vector_load %arg12[%get3A_2734, %get3A_2735, %get3A_2736] {strides = array<i32>} : memref<32x8x64xf32, #tpu.memory_space<vmem>>, vector<16xf32>,
      %mul3A_2738 = arith.mulf %get3A_2732, %get3A_2737 : vector<16xf32>
      %add3A_2739 = arith.addf %add3A_2727, %mul3A_2738 : vector<16xf32>
      %get3A_2740 = arith.constant 6 : i32
      %get3A_2741 = arith.index_cast %get3A_2740 : i32 to index
      %get3A_2742 = arith.index_cast %squeeze3A_2702 : i32 to index
      %get3A_2743 = arith.constant 48 : index
      %get3A_2744 = tpu.vector_load %arg11[%get3A_2741, %get3A_2742, %get3A_2743] {strides = array<i32>} : memref<32x8x64xf32, #tpu.memory_space<vmem>>, vector<16xf32>,
      %get3A_2745 = arith.constant 6 : i32
      %get3A_2746 = arith.index_cast %get3A_2745 : i32 to index
      %get3A_2747 = arith.index_cast %squeeze3A_2704 : i32 to index
      %get3A_2748 = arith.constant 48 : index
      %get3A_2749 = tpu.vector_load %arg12[%get3A_2746, %get3A_2747, %get3A_2748] {strides = array<i32>} : memref<32x8x64xf32, #tpu.memory_space<vmem>>, vector<16xf32>,
      %mul3A_2750 = arith.mulf %get3A_2744, %get3A_2749 : vector<16xf32>
      %add3A_2751 = arith.addf %add3A_2739, %mul3A_2750 : vector<16xf32>
      %reduce_sum3A_2752 = arith.constant true
      %reduce_sum3A_2753 = vector.broadcast %reduce_sum3A_2752 : i1 to vector<16xi1>
      %reduce_sum3A_2754 = tpu.scan <sum>, %add3A_2751 masked %reduce_sum3A_2753 : vector<16xf32>, vector<16xi1> -> vector<16xf32>
      %reduce_sum3A_2755 = vector.extract %reduce_sum3A_2754[15] : f32 from vector<16xf32>
      %eq3A_2756 = arith.constant 6 : i32
      %eq3A_2757 = vector.broadcast %eq3A_2756 : i32 to vector<16xi32>
      %eq3A_2758 = arith.cmpi eq, %iota3A, %eq3A_2757 : vector<16xi32>
      %broadcast_in_dim3A_2759 = vector.broadcast %reduce_sum3A_2755 : f32 to vector<16xf32>
      %select_n3A_2760 = arith.select %eq3A_2758, %broadcast_in_dim3A_2759, %select_n3A_2700 : vector<16xi1>, vector<16xf32>
      %slice3A_2761 = vector.extract_strided_slice %and3A_2337 {offsets = [7], sizes = [1], strides = [1]} : vector<16xi32> to vector<1xi32>
      %squeeze3A_2762 = vector.extract %slice3A_2761[0] : i32 from vector<1xi32>
      %slice3A_2763 = vector.extract_strided_slice %and3A_2342 {offsets = [7], sizes = [1], strides = [1]} : vector<16xi32> to vector<1xi32>
      %squeeze3A_2764 = vector.extract %slice3A_2763[0] : i32 from vector<1xi32>
      %get3A_2765 = arith.constant 7 : i32
      %get3A_2766 = arith.index_cast %get3A_2765 : i32 to index
      %get3A_2767 = arith.index_cast %squeeze3A_2762 : i32 to index
      %get3A_2768 = arith.constant 0 : index
      %get3A_2769 = tpu.vector_load %arg11[%get3A_2766, %get3A_2767, %get3A_2768] {strides = array<i32>} : memref<32x8x64xf32, #tpu.memory_space<vmem>>, vector<16xf32>,
      %get3A_2770 = arith.constant 7 : i32
      %get3A_2771 = arith.index_cast %get3A_2770 : i32 to index
      %get3A_2772 = arith.index_cast %squeeze3A_2764 : i32 to index
      %get3A_2773 = arith.constant 0 : index
      %get3A_2774 = tpu.vector_load %arg12[%get3A_2771, %get3A_2772, %get3A_2773] {strides = array<i32>} : memref<32x8x64xf32, #tpu.memory_space<vmem>>, vector<16xf32>,
      %mul3A_2775 = arith.mulf %get3A_2769, %get3A_2774 : vector<16xf32>
      %get3A_2776 = arith.constant 7 : i32
      %get3A_2777 = arith.index_cast %get3A_2776 : i32 to index
      %get3A_2778 = arith.index_cast %squeeze3A_2762 : i32 to index
      %get3A_2779 = arith.constant 16 : index
      %get3A_2780 = tpu.vector_load %arg11[%get3A_2777, %get3A_2778, %get3A_2779] {strides = array<i32>} : memref<32x8x64xf32, #tpu.memory_space<vmem>>, vector<16xf32>,
      %get3A_2781 = arith.constant 7 : i32
      %get3A_2782 = arith.index_cast %get3A_2781 : i32 to index
      %get3A_2783 = arith.index_cast %squeeze3A_2764 : i32 to index
      %get3A_2784 = arith.constant 16 : index
      %get3A_2785 = tpu.vector_load %arg12[%get3A_2782, %get3A_2783, %get3A_2784] {strides = array<i32>} : memref<32x8x64xf32, #tpu.memory_space<vmem>>, vector<16xf32>,
      %mul3A_2786 = arith.mulf %get3A_2780, %get3A_2785 : vector<16xf32>
      %add3A_2787 = arith.addf %mul3A_2775, %mul3A_2786 : vector<16xf32>
      %get3A_2788 = arith.constant 7 : i32
      %get3A_2789 = arith.index_cast %get3A_2788 : i32 to index
      %get3A_2790 = arith.index_cast %squeeze3A_2762 : i32 to index
      %get3A_2791 = arith.constant 32 : index
      %get3A_2792 = tpu.vector_load %arg11[%get3A_2789, %get3A_2790, %get3A_2791] {strides = array<i32>} : memref<32x8x64xf32, #tpu.memory_space<vmem>>, vector<16xf32>,
      %get3A_2793 = arith.constant 7 : i32
      %get3A_2794 = arith.index_cast %get3A_2793 : i32 to index
      %get3A_2795 = arith.index_cast %squeeze3A_2764 : i32 to index
      %get3A_2796 = arith.constant 32 : index
      %get3A_2797 = tpu.vector_load %arg12[%get3A_2794, %get3A_2795, %get3A_2796] {strides = array<i32>} : memref<32x8x64xf32, #tpu.memory_space<vmem>>, vector<16xf32>,
      %mul3A_2798 = arith.mulf %get3A_2792, %get3A_2797 : vector<16xf32>
      %add3A_2799 = arith.addf %add3A_2787, %mul3A_2798 : vector<16xf32>
      %get3A_2800 = arith.constant 7 : i32
      %get3A_2801 = arith.index_cast %get3A_2800 : i32 to index
      %get3A_2802 = arith.index_cast %squeeze3A_2762 : i32 to index
      %get3A_2803 = arith.constant 48 : index
      %get3A_2804 = tpu.vector_load %arg11[%get3A_2801, %get3A_2802, %get3A_2803] {strides = array<i32>} : memref<32x8x64xf32, #tpu.memory_space<vmem>>, vector<16xf32>,
      %get3A_2805 = arith.constant 7 : i32
      %get3A_2806 = arith.index_cast %get3A_2805 : i32 to index
      %get3A_2807 = arith.index_cast %squeeze3A_2764 : i32 to index
      %get3A_2808 = arith.constant 48 : index
      %get3A_2809 = tpu.vector_load %arg12[%get3A_2806, %get3A_2807, %get3A_2808] {strides = array<i32>} : memref<32x8x64xf32, #tpu.memory_space<vmem>>, vector<16xf32>,
      %mul3A_2810 = arith.mulf %get3A_2804, %get3A_2809 : vector<16xf32>
      %add3A_2811 = arith.addf %add3A_2799, %mul3A_2810 : vector<16xf32>
      %reduce_sum3A_2812 = arith.constant true
      %reduce_sum3A_2813 = vector.broadcast %reduce_sum3A_2812 : i1 to vector<16xi1>
      %reduce_sum3A_2814 = tpu.scan <sum>, %add3A_2811 masked %reduce_sum3A_2813 : vector<16xf32>, vector<16xi1> -> vector<16xf32>
      %reduce_sum3A_2815 = vector.extract %reduce_sum3A_2814[15] : f32 from vector<16xf32>
      %eq3A_2816 = arith.constant 7 : i32
      %eq3A_2817 = vector.broadcast %eq3A_2816 : i32 to vector<16xi32>
      %eq3A_2818 = arith.cmpi eq, %iota3A, %eq3A_2817 : vector<16xi32>
      %broadcast_in_dim3A_2819 = vector.broadcast %reduce_sum3A_2815 : f32 to vector<16xf32>
      %select_n3A_2820 = arith.select %eq3A_2818, %broadcast_in_dim3A_2819, %select_n3A_2760 : vector<16xi1>, vector<16xf32>
      %slice3A_2821 = vector.extract_strided_slice %and3A_2337 {offsets = [8], sizes = [1], strides = [1]} : vector<16xi32> to vector<1xi32>
      %squeeze3A_2822 = vector.extract %slice3A_2821[0] : i32 from vector<1xi32>
      %slice3A_2823 = vector.extract_strided_slice %and3A_2342 {offsets = [8], sizes = [1], strides = [1]} : vector<16xi32> to vector<1xi32>
      %squeeze3A_2824 = vector.extract %slice3A_2823[0] : i32 from vector<1xi32>
      %get3A_2825 = arith.constant 8 : i32
      %get3A_2826 = arith.index_cast %get3A_2825 : i32 to index
      %get3A_2827 = arith.index_cast %squeeze3A_2822 : i32 to index
      %get3A_2828 = arith.constant 0 : index
      %get3A_2829 = tpu.vector_load %arg11[%get3A_2826, %get3A_2827, %get3A_2828] {strides = array<i32>} : memref<32x8x64xf32, #tpu.memory_space<vmem>>, vector<16xf32>,
      %get3A_2830 = arith.constant 8 : i32
      %get3A_2831 = arith.index_cast %get3A_2830 : i32 to index
      %get3A_2832 = arith.index_cast %squeeze3A_2824 : i32 to index
      %get3A_2833 = arith.constant 0 : index
      %get3A_2834 = tpu.vector_load %arg12[%get3A_2831, %get3A_2832, %get3A_2833] {strides = array<i32>} : memref<32x8x64xf32, #tpu.memory_space<vmem>>, vector<16xf32>,
      %mul3A_2835 = arith.mulf %get3A_2829, %get3A_2834 : vector<16xf32>
      %get3A_2836 = arith.constant 8 : i32
      %get3A_2837 = arith.index_cast %get3A_2836 : i32 to index
      %get3A_2838 = arith.index_cast %squeeze3A_2822 : i32 to index
      %get3A_2839 = arith.constant 16 : index
      %get3A_2840 = tpu.vector_load %arg11[%get3A_2837, %get3A_2838, %get3A_2839] {strides = array<i32>} : memref<32x8x64xf32, #tpu.memory_space<vmem>>, vector<16xf32>,
      %get3A_2841 = arith.constant 8 : i32
      %get3A_2842 = arith.index_cast %get3A_2841 : i32 to index
      %get3A_2843 = arith.index_cast %squeeze3A_2824 : i32 to index
      %get3A_2844 = arith.constant 16 : index
      %get3A_2845 = tpu.vector_load %arg12[%get3A_2842, %get3A_2843, %get3A_2844] {strides = array<i32>} : memref<32x8x64xf32, #tpu.memory_space<vmem>>, vector<16xf32>,
      %mul3A_2846 = arith.mulf %get3A_2840, %get3A_2845 : vector<16xf32>
      %add3A_2847 = arith.addf %mul3A_2835, %mul3A_2846 : vector<16xf32>
      %get3A_2848 = arith.constant 8 : i32
      %get3A_2849 = arith.index_cast %get3A_2848 : i32 to index
      %get3A_2850 = arith.index_cast %squeeze3A_2822 : i32 to index
      %get3A_2851 = arith.constant 32 : index
      %get3A_2852 = tpu.vector_load %arg11[%get3A_2849, %get3A_2850, %get3A_2851] {strides = array<i32>} : memref<32x8x64xf32, #tpu.memory_space<vmem>>, vector<16xf32>,
      %get3A_2853 = arith.constant 8 : i32
      %get3A_2854 = arith.index_cast %get3A_2853 : i32 to index
      %get3A_2855 = arith.index_cast %squeeze3A_2824 : i32 to index
      %get3A_2856 = arith.constant 32 : index
      %get3A_2857 = tpu.vector_load %arg12[%get3A_2854, %get3A_2855, %get3A_2856] {strides = array<i32>} : memref<32x8x64xf32, #tpu.memory_space<vmem>>, vector<16xf32>,
      %mul3A_2858 = arith.mulf %get3A_2852, %get3A_2857 : vector<16xf32>
      %add3A_2859 = arith.addf %add3A_2847, %mul3A_2858 : vector<16xf32>
      %get3A_2860 = arith.constant 8 : i32
      %get3A_2861 = arith.index_cast %get3A_2860 : i32 to index
      %get3A_2862 = arith.index_cast %squeeze3A_2822 : i32 to index
      %get3A_2863 = arith.constant 48 : index
      %get3A_2864 = tpu.vector_load %arg11[%get3A_2861, %get3A_2862, %get3A_2863] {strides = array<i32>} : memref<32x8x64xf32, #tpu.memory_space<vmem>>, vector<16xf32>,
      %get3A_2865 = arith.constant 8 : i32
      %get3A_2866 = arith.index_cast %get3A_2865 : i32 to index
      %get3A_2867 = arith.index_cast %squeeze3A_2824 : i32 to index
      %get3A_2868 = arith.constant 48 : index
      %get3A_2869 = tpu.vector_load %arg12[%get3A_2866, %get3A_2867, %get3A_2868] {strides = array<i32>} : memref<32x8x64xf32, #tpu.memory_space<vmem>>, vector<16xf32>,
      %mul3A_2870 = arith.mulf %get3A_2864, %get3A_2869 : vector<16xf32>
      %add3A_2871 = arith.addf %add3A_2859, %mul3A_2870 : vector<16xf32>
      %reduce_sum3A_2872 = arith.constant true
      %reduce_sum3A_2873 = vector.broadcast %reduce_sum3A_2872 : i1 to vector<16xi1>
      %reduce_sum3A_2874 = tpu.scan <sum>, %add3A_2871 masked %reduce_sum3A_2873 : vector<16xf32>, vector<16xi1> -> vector<16xf32>
      %reduce_sum3A_2875 = vector.extract %reduce_sum3A_2874[15] : f32 from vector<16xf32>
      %eq3A_2876 = arith.constant 8 : i32
      %eq3A_2877 = vector.broadcast %eq3A_2876 : i32 to vector<16xi32>
      %eq3A_2878 = arith.cmpi eq, %iota3A, %eq3A_2877 : vector<16xi32>
      %broadcast_in_dim3A_2879 = vector.broadcast %reduce_sum3A_2875 : f32 to vector<16xf32>
      %select_n3A_2880 = arith.select %eq3A_2878, %broadcast_in_dim3A_2879, %select_n3A_2820 : vector<16xi1>, vector<16xf32>
      %slice3A_2881 = vector.extract_strided_slice %and3A_2337 {offsets = [9], sizes = [1], strides = [1]} : vector<16xi32> to vector<1xi32>
      %squeeze3A_2882 = vector.extract %slice3A_2881[0] : i32 from vector<1xi32>
      %slice3A_2883 = vector.extract_strided_slice %and3A_2342 {offsets = [9], sizes = [1], strides = [1]} : vector<16xi32> to vector<1xi32>
      %squeeze3A_2884 = vector.extract %slice3A_2883[0] : i32 from vector<1xi32>
      %get3A_2885 = arith.constant 9 : i32
      %get3A_2886 = arith.index_cast %get3A_2885 : i32 to index
      %get3A_2887 = arith.index_cast %squeeze3A_2882 : i32 to index
      %get3A_2888 = arith.constant 0 : index
      %get3A_2889 = tpu.vector_load %arg11[%get3A_2886, %get3A_2887, %get3A_2888] {strides = array<i32>} : memref<32x8x64xf32, #tpu.memory_space<vmem>>, vector<16xf32>,
      %get3A_2890 = arith.constant 9 : i32
      %get3A_2891 = arith.index_cast %get3A_2890 : i32 to index
      %get3A_2892 = arith.index_cast %squeeze3A_2884 : i32 to index
      %get3A_2893 = arith.constant 0 : index
      %get3A_2894 = tpu.vector_load %arg12[%get3A_2891, %get3A_2892, %get3A_2893] {strides = array<i32>} : memref<32x8x64xf32, #tpu.memory_space<vmem>>, vector<16xf32>,
      %mul3A_2895 = arith.mulf %get3A_2889, %get3A_2894 : vector<16xf32>
      %get3A_2896 = arith.constant 9 : i32
      %get3A_2897 = arith.index_cast %get3A_2896 : i32 to index
      %get3A_2898 = arith.index_cast %squeeze3A_2882 : i32 to index
      %get3A_2899 = arith.constant 16 : index
      %get3A_2900 = tpu.vector_load %arg11[%get3A_2897, %get3A_2898, %get3A_2899] {strides = array<i32>} : memref<32x8x64xf32, #tpu.memory_space<vmem>>, vector<16xf32>,
      %get3A_2901 = arith.constant 9 : i32
      %get3A_2902 = arith.index_cast %get3A_2901 : i32 to index
      %get3A_2903 = arith.index_cast %squeeze3A_2884 : i32 to index
      %get3A_2904 = arith.constant 16 : index
      %get3A_2905 = tpu.vector_load %arg12[%get3A_2902, %get3A_2903, %get3A_2904] {strides = array<i32>} : memref<32x8x64xf32, #tpu.memory_space<vmem>>, vector<16xf32>,
      %mul3A_2906 = arith.mulf %get3A_2900, %get3A_2905 : vector<16xf32>
      %add3A_2907 = arith.addf %mul3A_2895, %mul3A_2906 : vector<16xf32>
      %get3A_2908 = arith.constant 9 : i32
      %get3A_2909 = arith.index_cast %get3A_2908 : i32 to index
      %get3A_2910 = arith.index_cast %squeeze3A_2882 : i32 to index
      %get3A_2911 = arith.constant 32 : index
      %get3A_2912 = tpu.vector_load %arg11[%get3A_2909, %get3A_2910, %get3A_2911] {strides = array<i32>} : memref<32x8x64xf32, #tpu.memory_space<vmem>>, vector<16xf32>,
      %get3A_2913 = arith.constant 9 : i32
      %get3A_2914 = arith.index_cast %get3A_2913 : i32 to index
      %get3A_2915 = arith.index_cast %squeeze3A_2884 : i32 to index
      %get3A_2916 = arith.constant 32 : index
      %get3A_2917 = tpu.vector_load %arg12[%get3A_2914, %get3A_2915, %get3A_2916] {strides = array<i32>} : memref<32x8x64xf32, #tpu.memory_space<vmem>>, vector<16xf32>,
      %mul3A_2918 = arith.mulf %get3A_2912, %get3A_2917 : vector<16xf32>
      %add3A_2919 = arith.addf %add3A_2907, %mul3A_2918 : vector<16xf32>
      %get3A_2920 = arith.constant 9 : i32
      %get3A_2921 = arith.index_cast %get3A_2920 : i32 to index
      %get3A_2922 = arith.index_cast %squeeze3A_2882 : i32 to index
      %get3A_2923 = arith.constant 48 : index
      %get3A_2924 = tpu.vector_load %arg11[%get3A_2921, %get3A_2922, %get3A_2923] {strides = array<i32>} : memref<32x8x64xf32, #tpu.memory_space<vmem>>, vector<16xf32>,
      %get3A_2925 = arith.constant 9 : i32
      %get3A_2926 = arith.index_cast %get3A_2925 : i32 to index
      %get3A_2927 = arith.index_cast %squeeze3A_2884 : i32 to index
      %get3A_2928 = arith.constant 48 : index
      %get3A_2929 = tpu.vector_load %arg12[%get3A_2926, %get3A_2927, %get3A_2928] {strides = array<i32>} : memref<32x8x64xf32, #tpu.memory_space<vmem>>, vector<16xf32>,
      %mul3A_2930 = arith.mulf %get3A_2924, %get3A_2929 : vector<16xf32>
      %add3A_2931 = arith.addf %add3A_2919, %mul3A_2930 : vector<16xf32>
      %reduce_sum3A_2932 = arith.constant true
      %reduce_sum3A_2933 = vector.broadcast %reduce_sum3A_2932 : i1 to vector<16xi1>
      %reduce_sum3A_2934 = tpu.scan <sum>, %add3A_2931 masked %reduce_sum3A_2933 : vector<16xf32>, vector<16xi1> -> vector<16xf32>
      %reduce_sum3A_2935 = vector.extract %reduce_sum3A_2934[15] : f32 from vector<16xf32>
      %eq3A_2936 = arith.constant 9 : i32
      %eq3A_2937 = vector.broadcast %eq3A_2936 : i32 to vector<16xi32>
      %eq3A_2938 = arith.cmpi eq, %iota3A, %eq3A_2937 : vector<16xi32>
      %broadcast_in_dim3A_2939 = vector.broadcast %reduce_sum3A_2935 : f32 to vector<16xf32>
      %select_n3A_2940 = arith.select %eq3A_2938, %broadcast_in_dim3A_2939, %select_n3A_2880 : vector<16xi1>, vector<16xf32>
      %slice3A_2941 = vector.extract_strided_slice %and3A_2337 {offsets = [10], sizes = [1], strides = [1]} : vector<16xi32> to vector<1xi32>
      %squeeze3A_2942 = vector.extract %slice3A_2941[0] : i32 from vector<1xi32>
      %slice3A_2943 = vector.extract_strided_slice %and3A_2342 {offsets = [10], sizes = [1], strides = [1]} : vector<16xi32> to vector<1xi32>
      %squeeze3A_2944 = vector.extract %slice3A_2943[0] : i32 from vector<1xi32>
      %get3A_2945 = arith.constant 10 : i32
      %get3A_2946 = arith.index_cast %get3A_2945 : i32 to index
      %get3A_2947 = arith.index_cast %squeeze3A_2942 : i32 to index
      %get3A_2948 = arith.constant 0 : index
      %get3A_2949 = tpu.vector_load %arg11[%get3A_2946, %get3A_2947, %get3A_2948] {strides = array<i32>} : memref<32x8x64xf32, #tpu.memory_space<vmem>>, vector<16xf32>,
      %get3A_2950 = arith.constant 10 : i32
      %get3A_2951 = arith.index_cast %get3A_2950 : i32 to index
      %get3A_2952 = arith.index_cast %squeeze3A_2944 : i32 to index
      %get3A_2953 = arith.constant 0 : index
      %get3A_2954 = tpu.vector_load %arg12[%get3A_2951, %get3A_2952, %get3A_2953] {strides = array<i32>} : memref<32x8x64xf32, #tpu.memory_space<vmem>>, vector<16xf32>,
      %mul3A_2955 = arith.mulf %get3A_2949, %get3A_2954 : vector<16xf32>
      %get3A_2956 = arith.constant 10 : i32
      %get3A_2957 = arith.index_cast %get3A_2956 : i32 to index
      %get3A_2958 = arith.index_cast %squeeze3A_2942 : i32 to index
      %get3A_2959 = arith.constant 16 : index
      %get3A_2960 = tpu.vector_load %arg11[%get3A_2957, %get3A_2958, %get3A_2959] {strides = array<i32>} : memref<32x8x64xf32, #tpu.memory_space<vmem>>, vector<16xf32>,
      %get3A_2961 = arith.constant 10 : i32
      %get3A_2962 = arith.index_cast %get3A_2961 : i32 to index
      %get3A_2963 = arith.index_cast %squeeze3A_2944 : i32 to index
      %get3A_2964 = arith.constant 16 : index
      %get3A_2965 = tpu.vector_load %arg12[%get3A_2962, %get3A_2963, %get3A_2964] {strides = array<i32>} : memref<32x8x64xf32, #tpu.memory_space<vmem>>, vector<16xf32>,
      %mul3A_2966 = arith.mulf %get3A_2960, %get3A_2965 : vector<16xf32>
      %add3A_2967 = arith.addf %mul3A_2955, %mul3A_2966 : vector<16xf32>
      %get3A_2968 = arith.constant 10 : i32
      %get3A_2969 = arith.index_cast %get3A_2968 : i32 to index
      %get3A_2970 = arith.index_cast %squeeze3A_2942 : i32 to index
      %get3A_2971 = arith.constant 32 : index
      %get3A_2972 = tpu.vector_load %arg11[%get3A_2969, %get3A_2970, %get3A_2971] {strides = array<i32>} : memref<32x8x64xf32, #tpu.memory_space<vmem>>, vector<16xf32>,
      %get3A_2973 = arith.constant 10 : i32
      %get3A_2974 = arith.index_cast %get3A_2973 : i32 to index
      %get3A_2975 = arith.index_cast %squeeze3A_2944 : i32 to index
      %get3A_2976 = arith.constant 32 : index
      %get3A_2977 = tpu.vector_load %arg12[%get3A_2974, %get3A_2975, %get3A_2976] {strides = array<i32>} : memref<32x8x64xf32, #tpu.memory_space<vmem>>, vector<16xf32>,
      %mul3A_2978 = arith.mulf %get3A_2972, %get3A_2977 : vector<16xf32>
      %add3A_2979 = arith.addf %add3A_2967, %mul3A_2978 : vector<16xf32>
      %get3A_2980 = arith.constant 10 : i32
      %get3A_2981 = arith.index_cast %get3A_2980 : i32 to index
      %get3A_2982 = arith.index_cast %squeeze3A_2942 : i32 to index
      %get3A_2983 = arith.constant 48 : index
      %get3A_2984 = tpu.vector_load %arg11[%get3A_2981, %get3A_2982, %get3A_2983] {strides = array<i32>} : memref<32x8x64xf32, #tpu.memory_space<vmem>>, vector<16xf32>,
      %get3A_2985 = arith.constant 10 : i32
      %get3A_2986 = arith.index_cast %get3A_2985 : i32 to index
      %get3A_2987 = arith.index_cast %squeeze3A_2944 : i32 to index
      %get3A_2988 = arith.constant 48 : index
      %get3A_2989 = tpu.vector_load %arg12[%get3A_2986, %get3A_2987, %get3A_2988] {strides = array<i32>} : memref<32x8x64xf32, #tpu.memory_space<vmem>>, vector<16xf32>,
      %mul3A_2990 = arith.mulf %get3A_2984, %get3A_2989 : vector<16xf32>
      %add3A_2991 = arith.addf %add3A_2979, %mul3A_2990 : vector<16xf32>
      %reduce_sum3A_2992 = arith.constant true
      %reduce_sum3A_2993 = vector.broadcast %reduce_sum3A_2992 : i1 to vector<16xi1>
      %reduce_sum3A_2994 = tpu.scan <sum>, %add3A_2991 masked %reduce_sum3A_2993 : vector<16xf32>, vector<16xi1> -> vector<16xf32>
      %reduce_sum3A_2995 = vector.extract %reduce_sum3A_2994[15] : f32 from vector<16xf32>
      %eq3A_2996 = arith.constant 10 : i32
      %eq3A_2997 = vector.broadcast %eq3A_2996 : i32 to vector<16xi32>
      %eq3A_2998 = arith.cmpi eq, %iota3A, %eq3A_2997 : vector<16xi32>
      %broadcast_in_dim3A_2999 = vector.broadcast %reduce_sum3A_2995 : f32 to vector<16xf32>
      %select_n3A_3000 = arith.select %eq3A_2998, %broadcast_in_dim3A_2999, %select_n3A_2940 : vector<16xi1>, vector<16xf32>
      %slice3A_3001 = vector.extract_strided_slice %and3A_2337 {offsets = [11], sizes = [1], strides = [1]} : vector<16xi32> to vector<1xi32>
      %squeeze3A_3002 = vector.extract %slice3A_3001[0] : i32 from vector<1xi32>
      %slice3A_3003 = vector.extract_strided_slice %and3A_2342 {offsets = [11], sizes = [1], strides = [1]} : vector<16xi32> to vector<1xi32>
      %squeeze3A_3004 = vector.extract %slice3A_3003[0] : i32 from vector<1xi32>
      %get3A_3005 = arith.constant 11 : i32
      %get3A_3006 = arith.index_cast %get3A_3005 : i32 to index
      %get3A_3007 = arith.index_cast %squeeze3A_3002 : i32 to index
      %get3A_3008 = arith.constant 0 : index
      %get3A_3009 = tpu.vector_load %arg11[%get3A_3006, %get3A_3007, %get3A_3008] {strides = array<i32>} : memref<32x8x64xf32, #tpu.memory_space<vmem>>, vector<16xf32>,
      %get3A_3010 = arith.constant 11 : i32
      %get3A_3011 = arith.index_cast %get3A_3010 : i32 to index
      %get3A_3012 = arith.index_cast %squeeze3A_3004 : i32 to index
      %get3A_3013 = arith.constant 0 : index
      %get3A_3014 = tpu.vector_load %arg12[%get3A_3011, %get3A_3012, %get3A_3013] {strides = array<i32>} : memref<32x8x64xf32, #tpu.memory_space<vmem>>, vector<16xf32>,
      %mul3A_3015 = arith.mulf %get3A_3009, %get3A_3014 : vector<16xf32>
      %get3A_3016 = arith.constant 11 : i32
      %get3A_3017 = arith.index_cast %get3A_3016 : i32 to index
      %get3A_3018 = arith.index_cast %squeeze3A_3002 : i32 to index
      %get3A_3019 = arith.constant 16 : index
      %get3A_3020 = tpu.vector_load %arg11[%get3A_3017, %get3A_3018, %get3A_3019] {strides = array<i32>} : memref<32x8x64xf32, #tpu.memory_space<vmem>>, vector<16xf32>,
      %get3A_3021 = arith.constant 11 : i32
      %get3A_3022 = arith.index_cast %get3A_3021 : i32 to index
      %get3A_3023 = arith.index_cast %squeeze3A_3004 : i32 to index
      %get3A_3024 = arith.constant 16 : index
      %get3A_3025 = tpu.vector_load %arg12[%get3A_3022, %get3A_3023, %get3A_3024] {strides = array<i32>} : memref<32x8x64xf32, #tpu.memory_space<vmem>>, vector<16xf32>,
      %mul3A_3026 = arith.mulf %get3A_3020, %get3A_3025 : vector<16xf32>
      %add3A_3027 = arith.addf %mul3A_3015, %mul3A_3026 : vector<16xf32>
      %get3A_3028 = arith.constant 11 : i32
      %get3A_3029 = arith.index_cast %get3A_3028 : i32 to index
      %get3A_3030 = arith.index_cast %squeeze3A_3002 : i32 to index
      %get3A_3031 = arith.constant 32 : index
      %get3A_3032 = tpu.vector_load %arg11[%get3A_3029, %get3A_3030, %get3A_3031] {strides = array<i32>} : memref<32x8x64xf32, #tpu.memory_space<vmem>>, vector<16xf32>,
      %get3A_3033 = arith.constant 11 : i32
      %get3A_3034 = arith.index_cast %get3A_3033 : i32 to index
      %get3A_3035 = arith.index_cast %squeeze3A_3004 : i32 to index
      %get3A_3036 = arith.constant 32 : index
      %get3A_3037 = tpu.vector_load %arg12[%get3A_3034, %get3A_3035, %get3A_3036] {strides = array<i32>} : memref<32x8x64xf32, #tpu.memory_space<vmem>>, vector<16xf32>,
      %mul3A_3038 = arith.mulf %get3A_3032, %get3A_3037 : vector<16xf32>
      %add3A_3039 = arith.addf %add3A_3027, %mul3A_3038 : vector<16xf32>
      %get3A_3040 = arith.constant 11 : i32
      %get3A_3041 = arith.index_cast %get3A_3040 : i32 to index
      %get3A_3042 = arith.index_cast %squeeze3A_3002 : i32 to index
      %get3A_3043 = arith.constant 48 : index
      %get3A_3044 = tpu.vector_load %arg11[%get3A_3041, %get3A_3042, %get3A_3043] {strides = array<i32>} : memref<32x8x64xf32, #tpu.memory_space<vmem>>, vector<16xf32>,
      %get3A_3045 = arith.constant 11 : i32
      %get3A_3046 = arith.index_cast %get3A_3045 : i32 to index
      %get3A_3047 = arith.index_cast %squeeze3A_3004 : i32 to index
      %get3A_3048 = arith.constant 48 : index
      %get3A_3049 = tpu.vector_load %arg12[%get3A_3046, %get3A_3047, %get3A_3048] {strides = array<i32>} : memref<32x8x64xf32, #tpu.memory_space<vmem>>, vector<16xf32>,
      %mul3A_3050 = arith.mulf %get3A_3044, %get3A_3049 : vector<16xf32>
      %add3A_3051 = arith.addf %add3A_3039, %mul3A_3050 : vector<16xf32>
      %reduce_sum3A_3052 = arith.constant true
      %reduce_sum3A_3053 = vector.broadcast %reduce_sum3A_3052 : i1 to vector<16xi1>
      %reduce_sum3A_3054 = tpu.scan <sum>, %add3A_3051 masked %reduce_sum3A_3053 : vector<16xf32>, vector<16xi1> -> vector<16xf32>
      %reduce_sum3A_3055 = vector.extract %reduce_sum3A_3054[15] : f32 from vector<16xf32>
      %eq3A_3056 = arith.constant 11 : i32
      %eq3A_3057 = vector.broadcast %eq3A_3056 : i32 to vector<16xi32>
      %eq3A_3058 = arith.cmpi eq, %iota3A, %eq3A_3057 : vector<16xi32>
      %broadcast_in_dim3A_3059 = vector.broadcast %reduce_sum3A_3055 : f32 to vector<16xf32>
      %select_n3A_3060 = arith.select %eq3A_3058, %broadcast_in_dim3A_3059, %select_n3A_3000 : vector<16xi1>, vector<16xf32>
      %slice3A_3061 = vector.extract_strided_slice %and3A_2337 {offsets = [12], sizes = [1], strides = [1]} : vector<16xi32> to vector<1xi32>
      %squeeze3A_3062 = vector.extract %slice3A_3061[0] : i32 from vector<1xi32>
      %slice3A_3063 = vector.extract_strided_slice %and3A_2342 {offsets = [12], sizes = [1], strides = [1]} : vector<16xi32> to vector<1xi32>
      %squeeze3A_3064 = vector.extract %slice3A_3063[0] : i32 from vector<1xi32>
      %get3A_3065 = arith.constant 12 : i32
      %get3A_3066 = arith.index_cast %get3A_3065 : i32 to index
      %get3A_3067 = arith.index_cast %squeeze3A_3062 : i32 to index
      %get3A_3068 = arith.constant 0 : index
      %get3A_3069 = tpu.vector_load %arg11[%get3A_3066, %get3A_3067, %get3A_3068] {strides = array<i32>} : memref<32x8x64xf32, #tpu.memory_space<vmem>>, vector<16xf32>,
      %get3A_3070 = arith.constant 12 : i32
      %get3A_3071 = arith.index_cast %get3A_3070 : i32 to index
      %get3A_3072 = arith.index_cast %squeeze3A_3064 : i32 to index
      %get3A_3073 = arith.constant 0 : index
      %get3A_3074 = tpu.vector_load %arg12[%get3A_3071, %get3A_3072, %get3A_3073] {strides = array<i32>} : memref<32x8x64xf32, #tpu.memory_space<vmem>>, vector<16xf32>,
      %mul3A_3075 = arith.mulf %get3A_3069, %get3A_3074 : vector<16xf32>
      %get3A_3076 = arith.constant 12 : i32
      %get3A_3077 = arith.index_cast %get3A_3076 : i32 to index
      %get3A_3078 = arith.index_cast %squeeze3A_3062 : i32 to index
      %get3A_3079 = arith.constant 16 : index
      %get3A_3080 = tpu.vector_load %arg11[%get3A_3077, %get3A_3078, %get3A_3079] {strides = array<i32>} : memref<32x8x64xf32, #tpu.memory_space<vmem>>, vector<16xf32>,
      %get3A_3081 = arith.constant 12 : i32
      %get3A_3082 = arith.index_cast %get3A_3081 : i32 to index
      %get3A_3083 = arith.index_cast %squeeze3A_3064 : i32 to index
      %get3A_3084 = arith.constant 16 : index
      %get3A_3085 = tpu.vector_load %arg12[%get3A_3082, %get3A_3083, %get3A_3084] {strides = array<i32>} : memref<32x8x64xf32, #tpu.memory_space<vmem>>, vector<16xf32>,
      %mul3A_3086 = arith.mulf %get3A_3080, %get3A_3085 : vector<16xf32>
      %add3A_3087 = arith.addf %mul3A_3075, %mul3A_3086 : vector<16xf32>
      %get3A_3088 = arith.constant 12 : i32
      %get3A_3089 = arith.index_cast %get3A_3088 : i32 to index
      %get3A_3090 = arith.index_cast %squeeze3A_3062 : i32 to index
      %get3A_3091 = arith.constant 32 : index
      %get3A_3092 = tpu.vector_load %arg11[%get3A_3089, %get3A_3090, %get3A_3091] {strides = array<i32>} : memref<32x8x64xf32, #tpu.memory_space<vmem>>, vector<16xf32>,
      %get3A_3093 = arith.constant 12 : i32
      %get3A_3094 = arith.index_cast %get3A_3093 : i32 to index
      %get3A_3095 = arith.index_cast %squeeze3A_3064 : i32 to index
      %get3A_3096 = arith.constant 32 : index
      %get3A_3097 = tpu.vector_load %arg12[%get3A_3094, %get3A_3095, %get3A_3096] {strides = array<i32>} : memref<32x8x64xf32, #tpu.memory_space<vmem>>, vector<16xf32>,
      %mul3A_3098 = arith.mulf %get3A_3092, %get3A_3097 : vector<16xf32>
      %add3A_3099 = arith.addf %add3A_3087, %mul3A_3098 : vector<16xf32>
      %get3A_3100 = arith.constant 12 : i32
      %get3A_3101 = arith.index_cast %get3A_3100 : i32 to index
      %get3A_3102 = arith.index_cast %squeeze3A_3062 : i32 to index
      %get3A_3103 = arith.constant 48 : index
      %get3A_3104 = tpu.vector_load %arg11[%get3A_3101, %get3A_3102, %get3A_3103] {strides = array<i32>} : memref<32x8x64xf32, #tpu.memory_space<vmem>>, vector<16xf32>,
      %get3A_3105 = arith.constant 12 : i32
      %get3A_3106 = arith.index_cast %get3A_3105 : i32 to index
      %get3A_3107 = arith.index_cast %squeeze3A_3064 : i32 to index
      %get3A_3108 = arith.constant 48 : index
      %get3A_3109 = tpu.vector_load %arg12[%get3A_3106, %get3A_3107, %get3A_3108] {strides = array<i32>} : memref<32x8x64xf32, #tpu.memory_space<vmem>>, vector<16xf32>,
      %mul3A_3110 = arith.mulf %get3A_3104, %get3A_3109 : vector<16xf32>
      %add3A_3111 = arith.addf %add3A_3099, %mul3A_3110 : vector<16xf32>
      %reduce_sum3A_3112 = arith.constant true
      %reduce_sum3A_3113 = vector.broadcast %reduce_sum3A_3112 : i1 to vector<16xi1>
      %reduce_sum3A_3114 = tpu.scan <sum>, %add3A_3111 masked %reduce_sum3A_3113 : vector<16xf32>, vector<16xi1> -> vector<16xf32>
      %reduce_sum3A_3115 = vector.extract %reduce_sum3A_3114[15] : f32 from vector<16xf32>
      %eq3A_3116 = arith.constant 12 : i32
      %eq3A_3117 = vector.broadcast %eq3A_3116 : i32 to vector<16xi32>
      %eq3A_3118 = arith.cmpi eq, %iota3A, %eq3A_3117 : vector<16xi32>
      %broadcast_in_dim3A_3119 = vector.broadcast %reduce_sum3A_3115 : f32 to vector<16xf32>
      %select_n3A_3120 = arith.select %eq3A_3118, %broadcast_in_dim3A_3119, %select_n3A_3060 : vector<16xi1>, vector<16xf32>
      %slice3A_3121 = vector.extract_strided_slice %and3A_2337 {offsets = [13], sizes = [1], strides = [1]} : vector<16xi32> to vector<1xi32>
      %squeeze3A_3122 = vector.extract %slice3A_3121[0] : i32 from vector<1xi32>
      %slice3A_3123 = vector.extract_strided_slice %and3A_2342 {offsets = [13], sizes = [1], strides = [1]} : vector<16xi32> to vector<1xi32>
      %squeeze3A_3124 = vector.extract %slice3A_3123[0] : i32 from vector<1xi32>
      %get3A_3125 = arith.constant 13 : i32
      %get3A_3126 = arith.index_cast %get3A_3125 : i32 to index
      %get3A_3127 = arith.index_cast %squeeze3A_3122 : i32 to index
      %get3A_3128 = arith.constant 0 : index
      %get3A_3129 = tpu.vector_load %arg11[%get3A_3126, %get3A_3127, %get3A_3128] {strides = array<i32>} : memref<32x8x64xf32, #tpu.memory_space<vmem>>, vector<16xf32>,
      %get3A_3130 = arith.constant 13 : i32
      %get3A_3131 = arith.index_cast %get3A_3130 : i32 to index
      %get3A_3132 = arith.index_cast %squeeze3A_3124 : i32 to index
      %get3A_3133 = arith.constant 0 : index
      %get3A_3134 = tpu.vector_load %arg12[%get3A_3131, %get3A_3132, %get3A_3133] {strides = array<i32>} : memref<32x8x64xf32, #tpu.memory_space<vmem>>, vector<16xf32>,
      %mul3A_3135 = arith.mulf %get3A_3129, %get3A_3134 : vector<16xf32>
      %get3A_3136 = arith.constant 13 : i32
      %get3A_3137 = arith.index_cast %get3A_3136 : i32 to index
      %get3A_3138 = arith.index_cast %squeeze3A_3122 : i32 to index
      %get3A_3139 = arith.constant 16 : index
      %get3A_3140 = tpu.vector_load %arg11[%get3A_3137, %get3A_3138, %get3A_3139] {strides = array<i32>} : memref<32x8x64xf32, #tpu.memory_space<vmem>>, vector<16xf32>,
      %get3A_3141 = arith.constant 13 : i32
      %get3A_3142 = arith.index_cast %get3A_3141 : i32 to index
      %get3A_3143 = arith.index_cast %squeeze3A_3124 : i32 to index
      %get3A_3144 = arith.constant 16 : index
      %get3A_3145 = tpu.vector_load %arg12[%get3A_3142, %get3A_3143, %get3A_3144] {strides = array<i32>} : memref<32x8x64xf32, #tpu.memory_space<vmem>>, vector<16xf32>,
      %mul3A_3146 = arith.mulf %get3A_3140, %get3A_3145 : vector<16xf32>
      %add3A_3147 = arith.addf %mul3A_3135, %mul3A_3146 : vector<16xf32>
      %get3A_3148 = arith.constant 13 : i32
      %get3A_3149 = arith.index_cast %get3A_3148 : i32 to index
      %get3A_3150 = arith.index_cast %squeeze3A_3122 : i32 to index
      %get3A_3151 = arith.constant 32 : index
      %get3A_3152 = tpu.vector_load %arg11[%get3A_3149, %get3A_3150, %get3A_3151] {strides = array<i32>} : memref<32x8x64xf32, #tpu.memory_space<vmem>>, vector<16xf32>,
      %get3A_3153 = arith.constant 13 : i32
      %get3A_3154 = arith.index_cast %get3A_3153 : i32 to index
      %get3A_3155 = arith.index_cast %squeeze3A_3124 : i32 to index
      %get3A_3156 = arith.constant 32 : index
      %get3A_3157 = tpu.vector_load %arg12[%get3A_3154, %get3A_3155, %get3A_3156] {strides = array<i32>} : memref<32x8x64xf32, #tpu.memory_space<vmem>>, vector<16xf32>,
      %mul3A_3158 = arith.mulf %get3A_3152, %get3A_3157 : vector<16xf32>
      %add3A_3159 = arith.addf %add3A_3147, %mul3A_3158 : vector<16xf32>
      %get3A_3160 = arith.constant 13 : i32
      %get3A_3161 = arith.index_cast %get3A_3160 : i32 to index
      %get3A_3162 = arith.index_cast %squeeze3A_3122 : i32 to index
      %get3A_3163 = arith.constant 48 : index
      %get3A_3164 = tpu.vector_load %arg11[%get3A_3161, %get3A_3162, %get3A_3163] {strides = array<i32>} : memref<32x8x64xf32, #tpu.memory_space<vmem>>, vector<16xf32>,
      %get3A_3165 = arith.constant 13 : i32
      %get3A_3166 = arith.index_cast %get3A_3165 : i32 to index
      %get3A_3167 = arith.index_cast %squeeze3A_3124 : i32 to index
      %get3A_3168 = arith.constant 48 : index
      %get3A_3169 = tpu.vector_load %arg12[%get3A_3166, %get3A_3167, %get3A_3168] {strides = array<i32>} : memref<32x8x64xf32, #tpu.memory_space<vmem>>, vector<16xf32>,
      %mul3A_3170 = arith.mulf %get3A_3164, %get3A_3169 : vector<16xf32>
      %add3A_3171 = arith.addf %add3A_3159, %mul3A_3170 : vector<16xf32>
      %reduce_sum3A_3172 = arith.constant true
      %reduce_sum3A_3173 = vector.broadcast %reduce_sum3A_3172 : i1 to vector<16xi1>
      %reduce_sum3A_3174 = tpu.scan <sum>, %add3A_3171 masked %reduce_sum3A_3173 : vector<16xf32>, vector<16xi1> -> vector<16xf32>
      %reduce_sum3A_3175 = vector.extract %reduce_sum3A_3174[15] : f32 from vector<16xf32>
      %eq3A_3176 = arith.constant 13 : i32
      %eq3A_3177 = vector.broadcast %eq3A_3176 : i32 to vector<16xi32>
      %eq3A_3178 = arith.cmpi eq, %iota3A, %eq3A_3177 : vector<16xi32>
      %broadcast_in_dim3A_3179 = vector.broadcast %reduce_sum3A_3175 : f32 to vector<16xf32>
      %select_n3A_3180 = arith.select %eq3A_3178, %broadcast_in_dim3A_3179, %select_n3A_3120 : vector<16xi1>, vector<16xf32>
      %slice3A_3181 = vector.extract_strided_slice %and3A_2337 {offsets = [14], sizes = [1], strides = [1]} : vector<16xi32> to vector<1xi32>
      %squeeze3A_3182 = vector.extract %slice3A_3181[0] : i32 from vector<1xi32>
      %slice3A_3183 = vector.extract_strided_slice %and3A_2342 {offsets = [14], sizes = [1], strides = [1]} : vector<16xi32> to vector<1xi32>
      %squeeze3A_3184 = vector.extract %slice3A_3183[0] : i32 from vector<1xi32>
      %get3A_3185 = arith.constant 14 : i32
      %get3A_3186 = arith.index_cast %get3A_3185 : i32 to index
      %get3A_3187 = arith.index_cast %squeeze3A_3182 : i32 to index
      %get3A_3188 = arith.constant 0 : index
      %get3A_3189 = tpu.vector_load %arg11[%get3A_3186, %get3A_3187, %get3A_3188] {strides = array<i32>} : memref<32x8x64xf32, #tpu.memory_space<vmem>>, vector<16xf32>,
      %get3A_3190 = arith.constant 14 : i32
      %get3A_3191 = arith.index_cast %get3A_3190 : i32 to index
      %get3A_3192 = arith.index_cast %squeeze3A_3184 : i32 to index
      %get3A_3193 = arith.constant 0 : index
      %get3A_3194 = tpu.vector_load %arg12[%get3A_3191, %get3A_3192, %get3A_3193] {strides = array<i32>} : memref<32x8x64xf32, #tpu.memory_space<vmem>>, vector<16xf32>,
      %mul3A_3195 = arith.mulf %get3A_3189, %get3A_3194 : vector<16xf32>
      %get3A_3196 = arith.constant 14 : i32
      %get3A_3197 = arith.index_cast %get3A_3196 : i32 to index
      %get3A_3198 = arith.index_cast %squeeze3A_3182 : i32 to index
      %get3A_3199 = arith.constant 16 : index
      %get3A_3200 = tpu.vector_load %arg11[%get3A_3197, %get3A_3198, %get3A_3199] {strides = array<i32>} : memref<32x8x64xf32, #tpu.memory_space<vmem>>, vector<16xf32>,
      %get3A_3201 = arith.constant 14 : i32
      %get3A_3202 = arith.index_cast %get3A_3201 : i32 to index
      %get3A_3203 = arith.index_cast %squeeze3A_3184 : i32 to index
      %get3A_3204 = arith.constant 16 : index
      %get3A_3205 = tpu.vector_load %arg12[%get3A_3202, %get3A_3203, %get3A_3204] {strides = array<i32>} : memref<32x8x64xf32, #tpu.memory_space<vmem>>, vector<16xf32>,
      %mul3A_3206 = arith.mulf %get3A_3200, %get3A_3205 : vector<16xf32>
      %add3A_3207 = arith.addf %mul3A_3195, %mul3A_3206 : vector<16xf32>
      %get3A_3208 = arith.constant 14 : i32
      %get3A_3209 = arith.index_cast %get3A_3208 : i32 to index
      %get3A_3210 = arith.index_cast %squeeze3A_3182 : i32 to index
      %get3A_3211 = arith.constant 32 : index
      %get3A_3212 = tpu.vector_load %arg11[%get3A_3209, %get3A_3210, %get3A_3211] {strides = array<i32>} : memref<32x8x64xf32, #tpu.memory_space<vmem>>, vector<16xf32>,
      %get3A_3213 = arith.constant 14 : i32
      %get3A_3214 = arith.index_cast %get3A_3213 : i32 to index
      %get3A_3215 = arith.index_cast %squeeze3A_3184 : i32 to index
      %get3A_3216 = arith.constant 32 : index
      %get3A_3217 = tpu.vector_load %arg12[%get3A_3214, %get3A_3215, %get3A_3216] {strides = array<i32>} : memref<32x8x64xf32, #tpu.memory_space<vmem>>, vector<16xf32>,
      %mul3A_3218 = arith.mulf %get3A_3212, %get3A_3217 : vector<16xf32>
      %add3A_3219 = arith.addf %add3A_3207, %mul3A_3218 : vector<16xf32>
      %get3A_3220 = arith.constant 14 : i32
      %get3A_3221 = arith.index_cast %get3A_3220 : i32 to index
      %get3A_3222 = arith.index_cast %squeeze3A_3182 : i32 to index
      %get3A_3223 = arith.constant 48 : index
      %get3A_3224 = tpu.vector_load %arg11[%get3A_3221, %get3A_3222, %get3A_3223] {strides = array<i32>} : memref<32x8x64xf32, #tpu.memory_space<vmem>>, vector<16xf32>,
      %get3A_3225 = arith.constant 14 : i32
      %get3A_3226 = arith.index_cast %get3A_3225 : i32 to index
      %get3A_3227 = arith.index_cast %squeeze3A_3184 : i32 to index
      %get3A_3228 = arith.constant 48 : index
      %get3A_3229 = tpu.vector_load %arg12[%get3A_3226, %get3A_3227, %get3A_3228] {strides = array<i32>} : memref<32x8x64xf32, #tpu.memory_space<vmem>>, vector<16xf32>,
      %mul3A_3230 = arith.mulf %get3A_3224, %get3A_3229 : vector<16xf32>
      %add3A_3231 = arith.addf %add3A_3219, %mul3A_3230 : vector<16xf32>
      %reduce_sum3A_3232 = arith.constant true
      %reduce_sum3A_3233 = vector.broadcast %reduce_sum3A_3232 : i1 to vector<16xi1>
      %reduce_sum3A_3234 = tpu.scan <sum>, %add3A_3231 masked %reduce_sum3A_3233 : vector<16xf32>, vector<16xi1> -> vector<16xf32>
      %reduce_sum3A_3235 = vector.extract %reduce_sum3A_3234[15] : f32 from vector<16xf32>
      %eq3A_3236 = arith.constant 14 : i32
      %eq3A_3237 = vector.broadcast %eq3A_3236 : i32 to vector<16xi32>
      %eq3A_3238 = arith.cmpi eq, %iota3A, %eq3A_3237 : vector<16xi32>
      %broadcast_in_dim3A_3239 = vector.broadcast %reduce_sum3A_3235 : f32 to vector<16xf32>
      %select_n3A_3240 = arith.select %eq3A_3238, %broadcast_in_dim3A_3239, %select_n3A_3180 : vector<16xi1>, vector<16xf32>
      %slice3A_3241 = vector.extract_strided_slice %and3A_2337 {offsets = [15], sizes = [1], strides = [1]} : vector<16xi32> to vector<1xi32>
      %squeeze3A_3242 = vector.extract %slice3A_3241[0] : i32 from vector<1xi32>
      %slice3A_3243 = vector.extract_strided_slice %and3A_2342 {offsets = [15], sizes = [1], strides = [1]} : vector<16xi32> to vector<1xi32>
      %squeeze3A_3244 = vector.extract %slice3A_3243[0] : i32 from vector<1xi32>
      %get3A_3245 = arith.constant 15 : i32
      %get3A_3246 = arith.index_cast %get3A_3245 : i32 to index
      %get3A_3247 = arith.index_cast %squeeze3A_3242 : i32 to index
      %get3A_3248 = arith.constant 0 : index
      %get3A_3249 = tpu.vector_load %arg11[%get3A_3246, %get3A_3247, %get3A_3248] {strides = array<i32>} : memref<32x8x64xf32, #tpu.memory_space<vmem>>, vector<16xf32>,
      %get3A_3250 = arith.constant 15 : i32
      %get3A_3251 = arith.index_cast %get3A_3250 : i32 to index
      %get3A_3252 = arith.index_cast %squeeze3A_3244 : i32 to index
      %get3A_3253 = arith.constant 0 : index
      %get3A_3254 = tpu.vector_load %arg12[%get3A_3251, %get3A_3252, %get3A_3253] {strides = array<i32>} : memref<32x8x64xf32, #tpu.memory_space<vmem>>, vector<16xf32>,
      %mul3A_3255 = arith.mulf %get3A_3249, %get3A_3254 : vector<16xf32>
      %get3A_3256 = arith.constant 15 : i32
      %get3A_3257 = arith.index_cast %get3A_3256 : i32 to index
      %get3A_3258 = arith.index_cast %squeeze3A_3242 : i32 to index
      %get3A_3259 = arith.constant 16 : index
      %get3A_3260 = tpu.vector_load %arg11[%get3A_3257, %get3A_3258, %get3A_3259] {strides = array<i32>} : memref<32x8x64xf32, #tpu.memory_space<vmem>>, vector<16xf32>,
      %get3A_3261 = arith.constant 15 : i32
      %get3A_3262 = arith.index_cast %get3A_3261 : i32 to index
      %get3A_3263 = arith.index_cast %squeeze3A_3244 : i32 to index
      %get3A_3264 = arith.constant 16 : index
      %get3A_3265 = tpu.vector_load %arg12[%get3A_3262, %get3A_3263, %get3A_3264] {strides = array<i32>} : memref<32x8x64xf32, #tpu.memory_space<vmem>>, vector<16xf32>,
      %mul3A_3266 = arith.mulf %get3A_3260, %get3A_3265 : vector<16xf32>
      %add3A_3267 = arith.addf %mul3A_3255, %mul3A_3266 : vector<16xf32>
      %get3A_3268 = arith.constant 15 : i32
      %get3A_3269 = arith.index_cast %get3A_3268 : i32 to index
      %get3A_3270 = arith.index_cast %squeeze3A_3242 : i32 to index
      %get3A_3271 = arith.constant 32 : index
      %get3A_3272 = tpu.vector_load %arg11[%get3A_3269, %get3A_3270, %get3A_3271] {strides = array<i32>} : memref<32x8x64xf32, #tpu.memory_space<vmem>>, vector<16xf32>,
      %get3A_3273 = arith.constant 15 : i32
      %get3A_3274 = arith.index_cast %get3A_3273 : i32 to index
      %get3A_3275 = arith.index_cast %squeeze3A_3244 : i32 to index
      %get3A_3276 = arith.constant 32 : index
      %get3A_3277 = tpu.vector_load %arg12[%get3A_3274, %get3A_3275, %get3A_3276] {strides = array<i32>} : memref<32x8x64xf32, #tpu.memory_space<vmem>>, vector<16xf32>,
      %mul3A_3278 = arith.mulf %get3A_3272, %get3A_3277 : vector<16xf32>
      %add3A_3279 = arith.addf %add3A_3267, %mul3A_3278 : vector<16xf32>
      %get3A_3280 = arith.constant 15 : i32
      %get3A_3281 = arith.index_cast %get3A_3280 : i32 to index
      %get3A_3282 = arith.index_cast %squeeze3A_3242 : i32 to index
      %get3A_3283 = arith.constant 48 : index
      %get3A_3284 = tpu.vector_load %arg11[%get3A_3281, %get3A_3282, %get3A_3283] {strides = array<i32>} : memref<32x8x64xf32, #tpu.memory_space<vmem>>, vector<16xf32>,
      %get3A_3285 = arith.constant 15 : i32
      %get3A_3286 = arith.index_cast %get3A_3285 : i32 to index
      %get3A_3287 = arith.index_cast %squeeze3A_3244 : i32 to index
      %get3A_3288 = arith.constant 48 : index
      %get3A_3289 = tpu.vector_load %arg12[%get3A_3286, %get3A_3287, %get3A_3288] {strides = array<i32>} : memref<32x8x64xf32, #tpu.memory_space<vmem>>, vector<16xf32>,
      %mul3A_3290 = arith.mulf %get3A_3284, %get3A_3289 : vector<16xf32>
      %add3A_3291 = arith.addf %add3A_3279, %mul3A_3290 : vector<16xf32>
      %reduce_sum3A_3292 = arith.constant true
      %reduce_sum3A_3293 = vector.broadcast %reduce_sum3A_3292 : i1 to vector<16xi1>
      %reduce_sum3A_3294 = tpu.scan <sum>, %add3A_3291 masked %reduce_sum3A_3293 : vector<16xf32>, vector<16xi1> -> vector<16xf32>
      %reduce_sum3A_3295 = vector.extract %reduce_sum3A_3294[15] : f32 from vector<16xf32>
      %eq3A_3296 = arith.constant 15 : i32
      %eq3A_3297 = vector.broadcast %eq3A_3296 : i32 to vector<16xi32>
      %eq3A_3298 = arith.cmpi eq, %iota3A, %eq3A_3297 : vector<16xi32>
      %broadcast_in_dim3A_3299 = vector.broadcast %reduce_sum3A_3295 : f32 to vector<16xf32>
      %select_n3A_3300 = arith.select %eq3A_3298, %broadcast_in_dim3A_3299, %select_n3A_3240 : vector<16xi1>, vector<16xf32>
      %swap3A = arith.index_cast %add3A_2333 : i32 to index
      %swap3A_3301 = tpu.vector_load %arg13[%swap3A] {strides = array<i32>} : memref<512xf32, #tpu.memory_space<vmem>>, vector<16xf32>,
      tpu.vector_store %arg13[%swap3A], %select_n3A_3300 {strides = array<i32>} : memref<512xf32, #tpu.memory_space<vmem>>, vector<16xf32>,
      %mul3A_3302 = arith.constant 32 : i32
      %mul3A_3303 = arith.muli %scan3A_14, %mul3A_3302 : i32
      %add3A_3304 = arith.constant 16 : i32
      %add3A_3305 = arith.addi %mul3A_3303, %add3A_3304 : i32
      %get3A_3306 = arith.index_cast %add3A_3305 : i32 to index
      %get3A_3307 = tpu.vector_load %arg7[%get3A_3306] {strides = array<i32>} : memref<512xi32, #tpu.memory_space<vmem>>, vector<16xi32>,
      %and3A_3308 = arith.constant 7 : i32
      %and3A_3309 = vector.broadcast %and3A_3308 : i32 to vector<16xi32>
      %and3A_3310 = arith.andi %get3A_3307, %and3A_3309 : vector<16xi32>
      %get3A_3311 = arith.index_cast %add3A_3305 : i32 to index
      %get3A_3312 = tpu.vector_load %arg8[%get3A_3311] {strides = array<i32>} : memref<512xi32, #tpu.memory_space<vmem>>, vector<16xi32>,
      %and3A_3313 = arith.constant 7 : i32
      %and3A_3314 = vector.broadcast %and3A_3313 : i32 to vector<16xi32>
      %and3A_3315 = arith.andi %get3A_3312, %and3A_3314 : vector<16xi32>
      %broadcast_in_dim3A_3316 = arith.constant 0.000000e+00 : f32
      %broadcast_in_dim3A_3317 = vector.broadcast %broadcast_in_dim3A_3316 : f32 to vector<16xf32>
      %slice3A_3318 = vector.extract_strided_slice %and3A_3310 {offsets = [0], sizes = [1], strides = [1]} : vector<16xi32> to vector<1xi32>
      %squeeze3A_3319 = vector.extract %slice3A_3318[0] : i32 from vector<1xi32>
      %slice3A_3320 = vector.extract_strided_slice %and3A_3315 {offsets = [0], sizes = [1], strides = [1]} : vector<16xi32> to vector<1xi32>
      %squeeze3A_3321 = vector.extract %slice3A_3320[0] : i32 from vector<1xi32>
      %get3A_3322 = arith.constant 16 : i32
      %get3A_3323 = arith.index_cast %get3A_3322 : i32 to index
      %get3A_3324 = arith.index_cast %squeeze3A_3319 : i32 to index
      %get3A_3325 = arith.constant 0 : index
      %get3A_3326 = tpu.vector_load %arg11[%get3A_3323, %get3A_3324, %get3A_3325] {strides = array<i32>} : memref<32x8x64xf32, #tpu.memory_space<vmem>>, vector<16xf32>,
      %get3A_3327 = arith.constant 16 : i32
      %get3A_3328 = arith.index_cast %get3A_3327 : i32 to index
      %get3A_3329 = arith.index_cast %squeeze3A_3321 : i32 to index
      %get3A_3330 = arith.constant 0 : index
      %get3A_3331 = tpu.vector_load %arg12[%get3A_3328, %get3A_3329, %get3A_3330] {strides = array<i32>} : memref<32x8x64xf32, #tpu.memory_space<vmem>>, vector<16xf32>,
      %mul3A_3332 = arith.mulf %get3A_3326, %get3A_3331 : vector<16xf32>
      %get3A_3333 = arith.constant 16 : i32
      %get3A_3334 = arith.index_cast %get3A_3333 : i32 to index
      %get3A_3335 = arith.index_cast %squeeze3A_3319 : i32 to index
      %get3A_3336 = arith.constant 16 : index
      %get3A_3337 = tpu.vector_load %arg11[%get3A_3334, %get3A_3335, %get3A_3336] {strides = array<i32>} : memref<32x8x64xf32, #tpu.memory_space<vmem>>, vector<16xf32>,
      %get3A_3338 = arith.constant 16 : i32
      %get3A_3339 = arith.index_cast %get3A_3338 : i32 to index
      %get3A_3340 = arith.index_cast %squeeze3A_3321 : i32 to index
      %get3A_3341 = arith.constant 16 : index
      %get3A_3342 = tpu.vector_load %arg12[%get3A_3339, %get3A_3340, %get3A_3341] {strides = array<i32>} : memref<32x8x64xf32, #tpu.memory_space<vmem>>, vector<16xf32>,
      %mul3A_3343 = arith.mulf %get3A_3337, %get3A_3342 : vector<16xf32>
      %add3A_3344 = arith.addf %mul3A_3332, %mul3A_3343 : vector<16xf32>
      %get3A_3345 = arith.constant 16 : i32
      %get3A_3346 = arith.index_cast %get3A_3345 : i32 to index
      %get3A_3347 = arith.index_cast %squeeze3A_3319 : i32 to index
      %get3A_3348 = arith.constant 32 : index
      %get3A_3349 = tpu.vector_load %arg11[%get3A_3346, %get3A_3347, %get3A_3348] {strides = array<i32>} : memref<32x8x64xf32, #tpu.memory_space<vmem>>, vector<16xf32>,
      %get3A_3350 = arith.constant 16 : i32
      %get3A_3351 = arith.index_cast %get3A_3350 : i32 to index
      %get3A_3352 = arith.index_cast %squeeze3A_3321 : i32 to index
      %get3A_3353 = arith.constant 32 : index
      %get3A_3354 = tpu.vector_load %arg12[%get3A_3351, %get3A_3352, %get3A_3353] {strides = array<i32>} : memref<32x8x64xf32, #tpu.memory_space<vmem>>, vector<16xf32>,
      %mul3A_3355 = arith.mulf %get3A_3349, %get3A_3354 : vector<16xf32>
      %add3A_3356 = arith.addf %add3A_3344, %mul3A_3355 : vector<16xf32>
      %get3A_3357 = arith.constant 16 : i32
      %get3A_3358 = arith.index_cast %get3A_3357 : i32 to index
      %get3A_3359 = arith.index_cast %squeeze3A_3319 : i32 to index
      %get3A_3360 = arith.constant 48 : index
      %get3A_3361 = tpu.vector_load %arg11[%get3A_3358, %get3A_3359, %get3A_3360] {strides = array<i32>} : memref<32x8x64xf32, #tpu.memory_space<vmem>>, vector<16xf32>,
      %get3A_3362 = arith.constant 16 : i32
      %get3A_3363 = arith.index_cast %get3A_3362 : i32 to index
      %get3A_3364 = arith.index_cast %squeeze3A_3321 : i32 to index
      %get3A_3365 = arith.constant 48 : index
      %get3A_3366 = tpu.vector_load %arg12[%get3A_3363, %get3A_3364, %get3A_3365] {strides = array<i32>} : memref<32x8x64xf32, #tpu.memory_space<vmem>>, vector<16xf32>,
      %mul3A_3367 = arith.mulf %get3A_3361, %get3A_3366 : vector<16xf32>
      %add3A_3368 = arith.addf %add3A_3356, %mul3A_3367 : vector<16xf32>
      %reduce_sum3A_3369 = arith.constant true
      %reduce_sum3A_3370 = vector.broadcast %reduce_sum3A_3369 : i1 to vector<16xi1>
      %reduce_sum3A_3371 = tpu.scan <sum>, %add3A_3368 masked %reduce_sum3A_3370 : vector<16xf32>, vector<16xi1> -> vector<16xf32>
      %reduce_sum3A_3372 = vector.extract %reduce_sum3A_3371[15] : f32 from vector<16xf32>
      %eq3A_3373 = arith.constant 0 : i32
      %eq3A_3374 = vector.broadcast %eq3A_3373 : i32 to vector<16xi32>
      %eq3A_3375 = arith.cmpi eq, %iota3A, %eq3A_3374 : vector<16xi32>
      %broadcast_in_dim3A_3376 = vector.broadcast %reduce_sum3A_3372 : f32 to vector<16xf32>
      %select_n3A_3377 = arith.select %eq3A_3375, %broadcast_in_dim3A_3376, %broadcast_in_dim3A_3317 : vector<16xi1>, vector<16xf32>
      %slice3A_3378 = vector.extract_strided_slice %and3A_3310 {offsets = [1], sizes = [1], strides = [1]} : vector<16xi32> to vector<1xi32>
      %squeeze3A_3379 = vector.extract %slice3A_3378[0] : i32 from vector<1xi32>
      %slice3A_3380 = vector.extract_strided_slice %and3A_3315 {offsets = [1], sizes = [1], strides = [1]} : vector<16xi32> to vector<1xi32>
      %squeeze3A_3381 = vector.extract %slice3A_3380[0] : i32 from vector<1xi32>
      %get3A_3382 = arith.constant 17 : i32
      %get3A_3383 = arith.index_cast %get3A_3382 : i32 to index
      %get3A_3384 = arith.index_cast %squeeze3A_3379 : i32 to index
      %get3A_3385 = arith.constant 0 : index
      %get3A_3386 = tpu.vector_load %arg11[%get3A_3383, %get3A_3384, %get3A_3385] {strides = array<i32>} : memref<32x8x64xf32, #tpu.memory_space<vmem>>, vector<16xf32>,
      %get3A_3387 = arith.constant 17 : i32
      %get3A_3388 = arith.index_cast %get3A_3387 : i32 to index
      %get3A_3389 = arith.index_cast %squeeze3A_3381 : i32 to index
      %get3A_3390 = arith.constant 0 : index
      %get3A_3391 = tpu.vector_load %arg12[%get3A_3388, %get3A_3389, %get3A_3390] {strides = array<i32>} : memref<32x8x64xf32, #tpu.memory_space<vmem>>, vector<16xf32>,
      %mul3A_3392 = arith.mulf %get3A_3386, %get3A_3391 : vector<16xf32>
      %get3A_3393 = arith.constant 17 : i32
      %get3A_3394 = arith.index_cast %get3A_3393 : i32 to index
      %get3A_3395 = arith.index_cast %squeeze3A_3379 : i32 to index
      %get3A_3396 = arith.constant 16 : index
      %get3A_3397 = tpu.vector_load %arg11[%get3A_3394, %get3A_3395, %get3A_3396] {strides = array<i32>} : memref<32x8x64xf32, #tpu.memory_space<vmem>>, vector<16xf32>,
      %get3A_3398 = arith.constant 17 : i32
      %get3A_3399 = arith.index_cast %get3A_3398 : i32 to index
      %get3A_3400 = arith.index_cast %squeeze3A_3381 : i32 to index
      %get3A_3401 = arith.constant 16 : index
      %get3A_3402 = tpu.vector_load %arg12[%get3A_3399, %get3A_3400, %get3A_3401] {strides = array<i32>} : memref<32x8x64xf32, #tpu.memory_space<vmem>>, vector<16xf32>,
      %mul3A_3403 = arith.mulf %get3A_3397, %get3A_3402 : vector<16xf32>
      %add3A_3404 = arith.addf %mul3A_3392, %mul3A_3403 : vector<16xf32>
      %get3A_3405 = arith.constant 17 : i32
      %get3A_3406 = arith.index_cast %get3A_3405 : i32 to index
      %get3A_3407 = arith.index_cast %squeeze3A_3379 : i32 to index
      %get3A_3408 = arith.constant 32 : index
      %get3A_3409 = tpu.vector_load %arg11[%get3A_3406, %get3A_3407, %get3A_3408] {strides = array<i32>} : memref<32x8x64xf32, #tpu.memory_space<vmem>>, vector<16xf32>,
      %get3A_3410 = arith.constant 17 : i32
      %get3A_3411 = arith.index_cast %get3A_3410 : i32 to index
      %get3A_3412 = arith.index_cast %squeeze3A_3381 : i32 to index
      %get3A_3413 = arith.constant 32 : index
      %get3A_3414 = tpu.vector_load %arg12[%get3A_3411, %get3A_3412, %get3A_3413] {strides = array<i32>} : memref<32x8x64xf32, #tpu.memory_space<vmem>>, vector<16xf32>,
      %mul3A_3415 = arith.mulf %get3A_3409, %get3A_3414 : vector<16xf32>
      %add3A_3416 = arith.addf %add3A_3404, %mul3A_3415 : vector<16xf32>
      %get3A_3417 = arith.constant 17 : i32
      %get3A_3418 = arith.index_cast %get3A_3417 : i32 to index
      %get3A_3419 = arith.index_cast %squeeze3A_3379 : i32 to index
      %get3A_3420 = arith.constant 48 : index
      %get3A_3421 = tpu.vector_load %arg11[%get3A_3418, %get3A_3419, %get3A_3420] {strides = array<i32>} : memref<32x8x64xf32, #tpu.memory_space<vmem>>, vector<16xf32>,
      %get3A_3422 = arith.constant 17 : i32
      %get3A_3423 = arith.index_cast %get3A_3422 : i32 to index
      %get3A_3424 = arith.index_cast %squeeze3A_3381 : i32 to index
      %get3A_3425 = arith.constant 48 : index
      %get3A_3426 = tpu.vector_load %arg12[%get3A_3423, %get3A_3424, %get3A_3425] {strides = array<i32>} : memref<32x8x64xf32, #tpu.memory_space<vmem>>, vector<16xf32>,
      %mul3A_3427 = arith.mulf %get3A_3421, %get3A_3426 : vector<16xf32>
      %add3A_3428 = arith.addf %add3A_3416, %mul3A_3427 : vector<16xf32>
      %reduce_sum3A_3429 = arith.constant true
      %reduce_sum3A_3430 = vector.broadcast %reduce_sum3A_3429 : i1 to vector<16xi1>
      %reduce_sum3A_3431 = tpu.scan <sum>, %add3A_3428 masked %reduce_sum3A_3430 : vector<16xf32>, vector<16xi1> -> vector<16xf32>
      %reduce_sum3A_3432 = vector.extract %reduce_sum3A_3431[15] : f32 from vector<16xf32>
      %eq3A_3433 = arith.constant 1 : i32
      %eq3A_3434 = vector.broadcast %eq3A_3433 : i32 to vector<16xi32>
      %eq3A_3435 = arith.cmpi eq, %iota3A, %eq3A_3434 : vector<16xi32>
      %broadcast_in_dim3A_3436 = vector.broadcast %reduce_sum3A_3432 : f32 to vector<16xf32>
      %select_n3A_3437 = arith.select %eq3A_3435, %broadcast_in_dim3A_3436, %select_n3A_3377 : vector<16xi1>, vector<16xf32>
      %slice3A_3438 = vector.extract_strided_slice %and3A_3310 {offsets = [2], sizes = [1], strides = [1]} : vector<16xi32> to vector<1xi32>
      %squeeze3A_3439 = vector.extract %slice3A_3438[0] : i32 from vector<1xi32>
      %slice3A_3440 = vector.extract_strided_slice %and3A_3315 {offsets = [2], sizes = [1], strides = [1]} : vector<16xi32> to vector<1xi32>
      %squeeze3A_3441 = vector.extract %slice3A_3440[0] : i32 from vector<1xi32>
      %get3A_3442 = arith.constant 18 : i32
      %get3A_3443 = arith.index_cast %get3A_3442 : i32 to index
      %get3A_3444 = arith.index_cast %squeeze3A_3439 : i32 to index
      %get3A_3445 = arith.constant 0 : index
      %get3A_3446 = tpu.vector_load %arg11[%get3A_3443, %get3A_3444, %get3A_3445] {strides = array<i32>} : memref<32x8x64xf32, #tpu.memory_space<vmem>>, vector<16xf32>,
      %get3A_3447 = arith.constant 18 : i32
      %get3A_3448 = arith.index_cast %get3A_3447 : i32 to index
      %get3A_3449 = arith.index_cast %squeeze3A_3441 : i32 to index
      %get3A_3450 = arith.constant 0 : index
      %get3A_3451 = tpu.vector_load %arg12[%get3A_3448, %get3A_3449, %get3A_3450] {strides = array<i32>} : memref<32x8x64xf32, #tpu.memory_space<vmem>>, vector<16xf32>,
      %mul3A_3452 = arith.mulf %get3A_3446, %get3A_3451 : vector<16xf32>
      %get3A_3453 = arith.constant 18 : i32
      %get3A_3454 = arith.index_cast %get3A_3453 : i32 to index
      %get3A_3455 = arith.index_cast %squeeze3A_3439 : i32 to index
      %get3A_3456 = arith.constant 16 : index
      %get3A_3457 = tpu.vector_load %arg11[%get3A_3454, %get3A_3455, %get3A_3456] {strides = array<i32>} : memref<32x8x64xf32, #tpu.memory_space<vmem>>, vector<16xf32>,
      %get3A_3458 = arith.constant 18 : i32
      %get3A_3459 = arith.index_cast %get3A_3458 : i32 to index
      %get3A_3460 = arith.index_cast %squeeze3A_3441 : i32 to index
      %get3A_3461 = arith.constant 16 : index
      %get3A_3462 = tpu.vector_load %arg12[%get3A_3459, %get3A_3460, %get3A_3461] {strides = array<i32>} : memref<32x8x64xf32, #tpu.memory_space<vmem>>, vector<16xf32>,
      %mul3A_3463 = arith.mulf %get3A_3457, %get3A_3462 : vector<16xf32>
      %add3A_3464 = arith.addf %mul3A_3452, %mul3A_3463 : vector<16xf32>
      %get3A_3465 = arith.constant 18 : i32
      %get3A_3466 = arith.index_cast %get3A_3465 : i32 to index
      %get3A_3467 = arith.index_cast %squeeze3A_3439 : i32 to index
      %get3A_3468 = arith.constant 32 : index
      %get3A_3469 = tpu.vector_load %arg11[%get3A_3466, %get3A_3467, %get3A_3468] {strides = array<i32>} : memref<32x8x64xf32, #tpu.memory_space<vmem>>, vector<16xf32>,
      %get3A_3470 = arith.constant 18 : i32
      %get3A_3471 = arith.index_cast %get3A_3470 : i32 to index
      %get3A_3472 = arith.index_cast %squeeze3A_3441 : i32 to index
      %get3A_3473 = arith.constant 32 : index
      %get3A_3474 = tpu.vector_load %arg12[%get3A_3471, %get3A_3472, %get3A_3473] {strides = array<i32>} : memref<32x8x64xf32, #tpu.memory_space<vmem>>, vector<16xf32>,
      %mul3A_3475 = arith.mulf %get3A_3469, %get3A_3474 : vector<16xf32>
      %add3A_3476 = arith.addf %add3A_3464, %mul3A_3475 : vector<16xf32>
      %get3A_3477 = arith.constant 18 : i32
      %get3A_3478 = arith.index_cast %get3A_3477 : i32 to index
      %get3A_3479 = arith.index_cast %squeeze3A_3439 : i32 to index
      %get3A_3480 = arith.constant 48 : index
      %get3A_3481 = tpu.vector_load %arg11[%get3A_3478, %get3A_3479, %get3A_3480] {strides = array<i32>} : memref<32x8x64xf32, #tpu.memory_space<vmem>>, vector<16xf32>,
      %get3A_3482 = arith.constant 18 : i32
      %get3A_3483 = arith.index_cast %get3A_3482 : i32 to index
      %get3A_3484 = arith.index_cast %squeeze3A_3441 : i32 to index
      %get3A_3485 = arith.constant 48 : index
      %get3A_3486 = tpu.vector_load %arg12[%get3A_3483, %get3A_3484, %get3A_3485] {strides = array<i32>} : memref<32x8x64xf32, #tpu.memory_space<vmem>>, vector<16xf32>,
      %mul3A_3487 = arith.mulf %get3A_3481, %get3A_3486 : vector<16xf32>
      %add3A_3488 = arith.addf %add3A_3476, %mul3A_3487 : vector<16xf32>
      %reduce_sum3A_3489 = arith.constant true
      %reduce_sum3A_3490 = vector.broadcast %reduce_sum3A_3489 : i1 to vector<16xi1>
      %reduce_sum3A_3491 = tpu.scan <sum>, %add3A_3488 masked %reduce_sum3A_3490 : vector<16xf32>, vector<16xi1> -> vector<16xf32>
      %reduce_sum3A_3492 = vector.extract %reduce_sum3A_3491[15] : f32 from vector<16xf32>
      %eq3A_3493 = arith.constant 2 : i32
      %eq3A_3494 = vector.broadcast %eq3A_3493 : i32 to vector<16xi32>
      %eq3A_3495 = arith.cmpi eq, %iota3A, %eq3A_3494 : vector<16xi32>
      %broadcast_in_dim3A_3496 = vector.broadcast %reduce_sum3A_3492 : f32 to vector<16xf32>
      %select_n3A_3497 = arith.select %eq3A_3495, %broadcast_in_dim3A_3496, %select_n3A_3437 : vector<16xi1>, vector<16xf32>
      %slice3A_3498 = vector.extract_strided_slice %and3A_3310 {offsets = [3], sizes = [1], strides = [1]} : vector<16xi32> to vector<1xi32>
      %squeeze3A_3499 = vector.extract %slice3A_3498[0] : i32 from vector<1xi32>
      %slice3A_3500 = vector.extract_strided_slice %and3A_3315 {offsets = [3], sizes = [1], strides = [1]} : vector<16xi32> to vector<1xi32>
      %squeeze3A_3501 = vector.extract %slice3A_3500[0] : i32 from vector<1xi32>
      %get3A_3502 = arith.constant 19 : i32
      %get3A_3503 = arith.index_cast %get3A_3502 : i32 to index
      %get3A_3504 = arith.index_cast %squeeze3A_3499 : i32 to index
      %get3A_3505 = arith.constant 0 : index
      %get3A_3506 = tpu.vector_load %arg11[%get3A_3503, %get3A_3504, %get3A_3505] {strides = array<i32>} : memref<32x8x64xf32, #tpu.memory_space<vmem>>, vector<16xf32>,
      %get3A_3507 = arith.constant 19 : i32
      %get3A_3508 = arith.index_cast %get3A_3507 : i32 to index
      %get3A_3509 = arith.index_cast %squeeze3A_3501 : i32 to index
      %get3A_3510 = arith.constant 0 : index
      %get3A_3511 = tpu.vector_load %arg12[%get3A_3508, %get3A_3509, %get3A_3510] {strides = array<i32>} : memref<32x8x64xf32, #tpu.memory_space<vmem>>, vector<16xf32>,
      %mul3A_3512 = arith.mulf %get3A_3506, %get3A_3511 : vector<16xf32>
      %get3A_3513 = arith.constant 19 : i32
      %get3A_3514 = arith.index_cast %get3A_3513 : i32 to index
      %get3A_3515 = arith.index_cast %squeeze3A_3499 : i32 to index
      %get3A_3516 = arith.constant 16 : index
      %get3A_3517 = tpu.vector_load %arg11[%get3A_3514, %get3A_3515, %get3A_3516] {strides = array<i32>} : memref<32x8x64xf32, #tpu.memory_space<vmem>>, vector<16xf32>,
      %get3A_3518 = arith.constant 19 : i32
      %get3A_3519 = arith.index_cast %get3A_3518 : i32 to index
      %get3A_3520 = arith.index_cast %squeeze3A_3501 : i32 to index
      %get3A_3521 = arith.constant 16 : index
      %get3A_3522 = tpu.vector_load %arg12[%get3A_3519, %get3A_3520, %get3A_3521] {strides = array<i32>} : memref<32x8x64xf32, #tpu.memory_space<vmem>>, vector<16xf32>,
      %mul3A_3523 = arith.mulf %get3A_3517, %get3A_3522 : vector<16xf32>
      %add3A_3524 = arith.addf %mul3A_3512, %mul3A_3523 : vector<16xf32>
      %get3A_3525 = arith.constant 19 : i32
      %get3A_3526 = arith.index_cast %get3A_3525 : i32 to index
      %get3A_3527 = arith.index_cast %squeeze3A_3499 : i32 to index
      %get3A_3528 = arith.constant 32 : index
      %get3A_3529 = tpu.vector_load %arg11[%get3A_3526, %get3A_3527, %get3A_3528] {strides = array<i32>} : memref<32x8x64xf32, #tpu.memory_space<vmem>>, vector<16xf32>,
      %get3A_3530 = arith.constant 19 : i32
      %get3A_3531 = arith.index_cast %get3A_3530 : i32 to index
      %get3A_3532 = arith.index_cast %squeeze3A_3501 : i32 to index
      %get3A_3533 = arith.constant 32 : index
      %get3A_3534 = tpu.vector_load %arg12[%get3A_3531, %get3A_3532, %get3A_3533] {strides = array<i32>} : memref<32x8x64xf32, #tpu.memory_space<vmem>>, vector<16xf32>,
      %mul3A_3535 = arith.mulf %get3A_3529, %get3A_3534 : vector<16xf32>
      %add3A_3536 = arith.addf %add3A_3524, %mul3A_3535 : vector<16xf32>
      %get3A_3537 = arith.constant 19 : i32
      %get3A_3538 = arith.index_cast %get3A_3537 : i32 to index
      %get3A_3539 = arith.index_cast %squeeze3A_3499 : i32 to index
      %get3A_3540 = arith.constant 48 : index
      %get3A_3541 = tpu.vector_load %arg11[%get3A_3538, %get3A_3539, %get3A_3540] {strides = array<i32>} : memref<32x8x64xf32, #tpu.memory_space<vmem>>, vector<16xf32>,
      %get3A_3542 = arith.constant 19 : i32
      %get3A_3543 = arith.index_cast %get3A_3542 : i32 to index
      %get3A_3544 = arith.index_cast %squeeze3A_3501 : i32 to index
      %get3A_3545 = arith.constant 48 : index
      %get3A_3546 = tpu.vector_load %arg12[%get3A_3543, %get3A_3544, %get3A_3545] {strides = array<i32>} : memref<32x8x64xf32, #tpu.memory_space<vmem>>, vector<16xf32>,
      %mul3A_3547 = arith.mulf %get3A_3541, %get3A_3546 : vector<16xf32>
      %add3A_3548 = arith.addf %add3A_3536, %mul3A_3547 : vector<16xf32>
      %reduce_sum3A_3549 = arith.constant true
      %reduce_sum3A_3550 = vector.broadcast %reduce_sum3A_3549 : i1 to vector<16xi1>
      %reduce_sum3A_3551 = tpu.scan <sum>, %add3A_3548 masked %reduce_sum3A_3550 : vector<16xf32>, vector<16xi1> -> vector<16xf32>
      %reduce_sum3A_3552 = vector.extract %reduce_sum3A_3551[15] : f32 from vector<16xf32>
      %eq3A_3553 = arith.constant 3 : i32
      %eq3A_3554 = vector.broadcast %eq3A_3553 : i32 to vector<16xi32>
      %eq3A_3555 = arith.cmpi eq, %iota3A, %eq3A_3554 : vector<16xi32>
      %broadcast_in_dim3A_3556 = vector.broadcast %reduce_sum3A_3552 : f32 to vector<16xf32>
      %select_n3A_3557 = arith.select %eq3A_3555, %broadcast_in_dim3A_3556, %select_n3A_3497 : vector<16xi1>, vector<16xf32>
      %slice3A_3558 = vector.extract_strided_slice %and3A_3310 {offsets = [4], sizes = [1], strides = [1]} : vector<16xi32> to vector<1xi32>
      %squeeze3A_3559 = vector.extract %slice3A_3558[0] : i32 from vector<1xi32>
      %slice3A_3560 = vector.extract_strided_slice %and3A_3315 {offsets = [4], sizes = [1], strides = [1]} : vector<16xi32> to vector<1xi32>
      %squeeze3A_3561 = vector.extract %slice3A_3560[0] : i32 from vector<1xi32>
      %get3A_3562 = arith.constant 20 : i32
      %get3A_3563 = arith.index_cast %get3A_3562 : i32 to index
      %get3A_3564 = arith.index_cast %squeeze3A_3559 : i32 to index
      %get3A_3565 = arith.constant 0 : index
      %get3A_3566 = tpu.vector_load %arg11[%get3A_3563, %get3A_3564, %get3A_3565] {strides = array<i32>} : memref<32x8x64xf32, #tpu.memory_space<vmem>>, vector<16xf32>,
      %get3A_3567 = arith.constant 20 : i32
      %get3A_3568 = arith.index_cast %get3A_3567 : i32 to index
      %get3A_3569 = arith.index_cast %squeeze3A_3561 : i32 to index
      %get3A_3570 = arith.constant 0 : index
      %get3A_3571 = tpu.vector_load %arg12[%get3A_3568, %get3A_3569, %get3A_3570] {strides = array<i32>} : memref<32x8x64xf32, #tpu.memory_space<vmem>>, vector<16xf32>,
      %mul3A_3572 = arith.mulf %get3A_3566, %get3A_3571 : vector<16xf32>
      %get3A_3573 = arith.constant 20 : i32
      %get3A_3574 = arith.index_cast %get3A_3573 : i32 to index
      %get3A_3575 = arith.index_cast %squeeze3A_3559 : i32 to index
      %get3A_3576 = arith.constant 16 : index
      %get3A_3577 = tpu.vector_load %arg11[%get3A_3574, %get3A_3575, %get3A_3576] {strides = array<i32>} : memref<32x8x64xf32, #tpu.memory_space<vmem>>, vector<16xf32>,
      %get3A_3578 = arith.constant 20 : i32
      %get3A_3579 = arith.index_cast %get3A_3578 : i32 to index
      %get3A_3580 = arith.index_cast %squeeze3A_3561 : i32 to index
      %get3A_3581 = arith.constant 16 : index
      %get3A_3582 = tpu.vector_load %arg12[%get3A_3579, %get3A_3580, %get3A_3581] {strides = array<i32>} : memref<32x8x64xf32, #tpu.memory_space<vmem>>, vector<16xf32>,
      %mul3A_3583 = arith.mulf %get3A_3577, %get3A_3582 : vector<16xf32>
      %add3A_3584 = arith.addf %mul3A_3572, %mul3A_3583 : vector<16xf32>
      %get3A_3585 = arith.constant 20 : i32
      %get3A_3586 = arith.index_cast %get3A_3585 : i32 to index
      %get3A_3587 = arith.index_cast %squeeze3A_3559 : i32 to index
      %get3A_3588 = arith.constant 32 : index
      %get3A_3589 = tpu.vector_load %arg11[%get3A_3586, %get3A_3587, %get3A_3588] {strides = array<i32>} : memref<32x8x64xf32, #tpu.memory_space<vmem>>, vector<16xf32>,
      %get3A_3590 = arith.constant 20 : i32
      %get3A_3591 = arith.index_cast %get3A_3590 : i32 to index
      %get3A_3592 = arith.index_cast %squeeze3A_3561 : i32 to index
      %get3A_3593 = arith.constant 32 : index
      %get3A_3594 = tpu.vector_load %arg12[%get3A_3591, %get3A_3592, %get3A_3593] {strides = array<i32>} : memref<32x8x64xf32, #tpu.memory_space<vmem>>, vector<16xf32>,
      %mul3A_3595 = arith.mulf %get3A_3589, %get3A_3594 : vector<16xf32>
      %add3A_3596 = arith.addf %add3A_3584, %mul3A_3595 : vector<16xf32>
      %get3A_3597 = arith.constant 20 : i32
      %get3A_3598 = arith.index_cast %get3A_3597 : i32 to index
      %get3A_3599 = arith.index_cast %squeeze3A_3559 : i32 to index
      %get3A_3600 = arith.constant 48 : index
      %get3A_3601 = tpu.vector_load %arg11[%get3A_3598, %get3A_3599, %get3A_3600] {strides = array<i32>} : memref<32x8x64xf32, #tpu.memory_space<vmem>>, vector<16xf32>,
      %get3A_3602 = arith.constant 20 : i32
      %get3A_3603 = arith.index_cast %get3A_3602 : i32 to index
      %get3A_3604 = arith.index_cast %squeeze3A_3561 : i32 to index
      %get3A_3605 = arith.constant 48 : index
      %get3A_3606 = tpu.vector_load %arg12[%get3A_3603, %get3A_3604, %get3A_3605] {strides = array<i32>} : memref<32x8x64xf32, #tpu.memory_space<vmem>>, vector<16xf32>,
      %mul3A_3607 = arith.mulf %get3A_3601, %get3A_3606 : vector<16xf32>
      %add3A_3608 = arith.addf %add3A_3596, %mul3A_3607 : vector<16xf32>
      %reduce_sum3A_3609 = arith.constant true
      %reduce_sum3A_3610 = vector.broadcast %reduce_sum3A_3609 : i1 to vector<16xi1>
      %reduce_sum3A_3611 = tpu.scan <sum>, %add3A_3608 masked %reduce_sum3A_3610 : vector<16xf32>, vector<16xi1> -> vector<16xf32>
      %reduce_sum3A_3612 = vector.extract %reduce_sum3A_3611[15] : f32 from vector<16xf32>
      %eq3A_3613 = arith.constant 4 : i32
      %eq3A_3614 = vector.broadcast %eq3A_3613 : i32 to vector<16xi32>
      %eq3A_3615 = arith.cmpi eq, %iota3A, %eq3A_3614 : vector<16xi32>
      %broadcast_in_dim3A_3616 = vector.broadcast %reduce_sum3A_3612 : f32 to vector<16xf32>
      %select_n3A_3617 = arith.select %eq3A_3615, %broadcast_in_dim3A_3616, %select_n3A_3557 : vector<16xi1>, vector<16xf32>
      %slice3A_3618 = vector.extract_strided_slice %and3A_3310 {offsets = [5], sizes = [1], strides = [1]} : vector<16xi32> to vector<1xi32>
      %squeeze3A_3619 = vector.extract %slice3A_3618[0] : i32 from vector<1xi32>
      %slice3A_3620 = vector.extract_strided_slice %and3A_3315 {offsets = [5], sizes = [1], strides = [1]} : vector<16xi32> to vector<1xi32>
      %squeeze3A_3621 = vector.extract %slice3A_3620[0] : i32 from vector<1xi32>
      %get3A_3622 = arith.constant 21 : i32
      %get3A_3623 = arith.index_cast %get3A_3622 : i32 to index
      %get3A_3624 = arith.index_cast %squeeze3A_3619 : i32 to index
      %get3A_3625 = arith.constant 0 : index
      %get3A_3626 = tpu.vector_load %arg11[%get3A_3623, %get3A_3624, %get3A_3625] {strides = array<i32>} : memref<32x8x64xf32, #tpu.memory_space<vmem>>, vector<16xf32>,
      %get3A_3627 = arith.constant 21 : i32
      %get3A_3628 = arith.index_cast %get3A_3627 : i32 to index
      %get3A_3629 = arith.index_cast %squeeze3A_3621 : i32 to index
      %get3A_3630 = arith.constant 0 : index
      %get3A_3631 = tpu.vector_load %arg12[%get3A_3628, %get3A_3629, %get3A_3630] {strides = array<i32>} : memref<32x8x64xf32, #tpu.memory_space<vmem>>, vector<16xf32>,
      %mul3A_3632 = arith.mulf %get3A_3626, %get3A_3631 : vector<16xf32>
      %get3A_3633 = arith.constant 21 : i32
      %get3A_3634 = arith.index_cast %get3A_3633 : i32 to index
      %get3A_3635 = arith.index_cast %squeeze3A_3619 : i32 to index
      %get3A_3636 = arith.constant 16 : index
      %get3A_3637 = tpu.vector_load %arg11[%get3A_3634, %get3A_3635, %get3A_3636] {strides = array<i32>} : memref<32x8x64xf32, #tpu.memory_space<vmem>>, vector<16xf32>,
      %get3A_3638 = arith.constant 21 : i32
      %get3A_3639 = arith.index_cast %get3A_3638 : i32 to index
      %get3A_3640 = arith.index_cast %squeeze3A_3621 : i32 to index
      %get3A_3641 = arith.constant 16 : index
      %get3A_3642 = tpu.vector_load %arg12[%get3A_3639, %get3A_3640, %get3A_3641] {strides = array<i32>} : memref<32x8x64xf32, #tpu.memory_space<vmem>>, vector<16xf32>,
      %mul3A_3643 = arith.mulf %get3A_3637, %get3A_3642 : vector<16xf32>
      %add3A_3644 = arith.addf %mul3A_3632, %mul3A_3643 : vector<16xf32>
      %get3A_3645 = arith.constant 21 : i32
      %get3A_3646 = arith.index_cast %get3A_3645 : i32 to index
      %get3A_3647 = arith.index_cast %squeeze3A_3619 : i32 to index
      %get3A_3648 = arith.constant 32 : index
      %get3A_3649 = tpu.vector_load %arg11[%get3A_3646, %get3A_3647, %get3A_3648] {strides = array<i32>} : memref<32x8x64xf32, #tpu.memory_space<vmem>>, vector<16xf32>,
      %get3A_3650 = arith.constant 21 : i32
      %get3A_3651 = arith.index_cast %get3A_3650 : i32 to index
      %get3A_3652 = arith.index_cast %squeeze3A_3621 : i32 to index
      %get3A_3653 = arith.constant 32 : index
      %get3A_3654 = tpu.vector_load %arg12[%get3A_3651, %get3A_3652, %get3A_3653] {strides = array<i32>} : memref<32x8x64xf32, #tpu.memory_space<vmem>>, vector<16xf32>,
      %mul3A_3655 = arith.mulf %get3A_3649, %get3A_3654 : vector<16xf32>
      %add3A_3656 = arith.addf %add3A_3644, %mul3A_3655 : vector<16xf32>
      %get3A_3657 = arith.constant 21 : i32
      %get3A_3658 = arith.index_cast %get3A_3657 : i32 to index
      %get3A_3659 = arith.index_cast %squeeze3A_3619 : i32 to index
      %get3A_3660 = arith.constant 48 : index
      %get3A_3661 = tpu.vector_load %arg11[%get3A_3658, %get3A_3659, %get3A_3660] {strides = array<i32>} : memref<32x8x64xf32, #tpu.memory_space<vmem>>, vector<16xf32>,
      %get3A_3662 = arith.constant 21 : i32
      %get3A_3663 = arith.index_cast %get3A_3662 : i32 to index
      %get3A_3664 = arith.index_cast %squeeze3A_3621 : i32 to index
      %get3A_3665 = arith.constant 48 : index
      %get3A_3666 = tpu.vector_load %arg12[%get3A_3663, %get3A_3664, %get3A_3665] {strides = array<i32>} : memref<32x8x64xf32, #tpu.memory_space<vmem>>, vector<16xf32>,
      %mul3A_3667 = arith.mulf %get3A_3661, %get3A_3666 : vector<16xf32>
      %add3A_3668 = arith.addf %add3A_3656, %mul3A_3667 : vector<16xf32>
      %reduce_sum3A_3669 = arith.constant true
      %reduce_sum3A_3670 = vector.broadcast %reduce_sum3A_3669 : i1 to vector<16xi1>
      %reduce_sum3A_3671 = tpu.scan <sum>, %add3A_3668 masked %reduce_sum3A_3670 : vector<16xf32>, vector<16xi1> -> vector<16xf32>
      %reduce_sum3A_3672 = vector.extract %reduce_sum3A_3671[15] : f32 from vector<16xf32>
      %eq3A_3673 = arith.constant 5 : i32
      %eq3A_3674 = vector.broadcast %eq3A_3673 : i32 to vector<16xi32>
      %eq3A_3675 = arith.cmpi eq, %iota3A, %eq3A_3674 : vector<16xi32>
      %broadcast_in_dim3A_3676 = vector.broadcast %reduce_sum3A_3672 : f32 to vector<16xf32>
      %select_n3A_3677 = arith.select %eq3A_3675, %broadcast_in_dim3A_3676, %select_n3A_3617 : vector<16xi1>, vector<16xf32>
      %slice3A_3678 = vector.extract_strided_slice %and3A_3310 {offsets = [6], sizes = [1], strides = [1]} : vector<16xi32> to vector<1xi32>
      %squeeze3A_3679 = vector.extract %slice3A_3678[0] : i32 from vector<1xi32>
      %slice3A_3680 = vector.extract_strided_slice %and3A_3315 {offsets = [6], sizes = [1], strides = [1]} : vector<16xi32> to vector<1xi32>
      %squeeze3A_3681 = vector.extract %slice3A_3680[0] : i32 from vector<1xi32>
      %get3A_3682 = arith.constant 22 : i32
      %get3A_3683 = arith.index_cast %get3A_3682 : i32 to index
      %get3A_3684 = arith.index_cast %squeeze3A_3679 : i32 to index
      %get3A_3685 = arith.constant 0 : index
      %get3A_3686 = tpu.vector_load %arg11[%get3A_3683, %get3A_3684, %get3A_3685] {strides = array<i32>} : memref<32x8x64xf32, #tpu.memory_space<vmem>>, vector<16xf32>,
      %get3A_3687 = arith.constant 22 : i32
      %get3A_3688 = arith.index_cast %get3A_3687 : i32 to index
      %get3A_3689 = arith.index_cast %squeeze3A_3681 : i32 to index
      %get3A_3690 = arith.constant 0 : index
      %get3A_3691 = tpu.vector_load %arg12[%get3A_3688, %get3A_3689, %get3A_3690] {strides = array<i32>} : memref<32x8x64xf32, #tpu.memory_space<vmem>>, vector<16xf32>,
      %mul3A_3692 = arith.mulf %get3A_3686, %get3A_3691 : vector<16xf32>
      %get3A_3693 = arith.constant 22 : i32
      %get3A_3694 = arith.index_cast %get3A_3693 : i32 to index
      %get3A_3695 = arith.index_cast %squeeze3A_3679 : i32 to index
      %get3A_3696 = arith.constant 16 : index
      %get3A_3697 = tpu.vector_load %arg11[%get3A_3694, %get3A_3695, %get3A_3696] {strides = array<i32>} : memref<32x8x64xf32, #tpu.memory_space<vmem>>, vector<16xf32>,
      %get3A_3698 = arith.constant 22 : i32
      %get3A_3699 = arith.index_cast %get3A_3698 : i32 to index
      %get3A_3700 = arith.index_cast %squeeze3A_3681 : i32 to index
      %get3A_3701 = arith.constant 16 : index
      %get3A_3702 = tpu.vector_load %arg12[%get3A_3699, %get3A_3700, %get3A_3701] {strides = array<i32>} : memref<32x8x64xf32, #tpu.memory_space<vmem>>, vector<16xf32>,
      %mul3A_3703 = arith.mulf %get3A_3697, %get3A_3702 : vector<16xf32>
      %add3A_3704 = arith.addf %mul3A_3692, %mul3A_3703 : vector<16xf32>
      %get3A_3705 = arith.constant 22 : i32
      %get3A_3706 = arith.index_cast %get3A_3705 : i32 to index
      %get3A_3707 = arith.index_cast %squeeze3A_3679 : i32 to index
      %get3A_3708 = arith.constant 32 : index
      %get3A_3709 = tpu.vector_load %arg11[%get3A_3706, %get3A_3707, %get3A_3708] {strides = array<i32>} : memref<32x8x64xf32, #tpu.memory_space<vmem>>, vector<16xf32>,
      %get3A_3710 = arith.constant 22 : i32
      %get3A_3711 = arith.index_cast %get3A_3710 : i32 to index
      %get3A_3712 = arith.index_cast %squeeze3A_3681 : i32 to index
      %get3A_3713 = arith.constant 32 : index
      %get3A_3714 = tpu.vector_load %arg12[%get3A_3711, %get3A_3712, %get3A_3713] {strides = array<i32>} : memref<32x8x64xf32, #tpu.memory_space<vmem>>, vector<16xf32>,
      %mul3A_3715 = arith.mulf %get3A_3709, %get3A_3714 : vector<16xf32>
      %add3A_3716 = arith.addf %add3A_3704, %mul3A_3715 : vector<16xf32>
      %get3A_3717 = arith.constant 22 : i32
      %get3A_3718 = arith.index_cast %get3A_3717 : i32 to index
      %get3A_3719 = arith.index_cast %squeeze3A_3679 : i32 to index
      %get3A_3720 = arith.constant 48 : index
      %get3A_3721 = tpu.vector_load %arg11[%get3A_3718, %get3A_3719, %get3A_3720] {strides = array<i32>} : memref<32x8x64xf32, #tpu.memory_space<vmem>>, vector<16xf32>,
      %get3A_3722 = arith.constant 22 : i32
      %get3A_3723 = arith.index_cast %get3A_3722 : i32 to index
      %get3A_3724 = arith.index_cast %squeeze3A_3681 : i32 to index
      %get3A_3725 = arith.constant 48 : index
      %get3A_3726 = tpu.vector_load %arg12[%get3A_3723, %get3A_3724, %get3A_3725] {strides = array<i32>} : memref<32x8x64xf32, #tpu.memory_space<vmem>>, vector<16xf32>,
      %mul3A_3727 = arith.mulf %get3A_3721, %get3A_3726 : vector<16xf32>
      %add3A_3728 = arith.addf %add3A_3716, %mul3A_3727 : vector<16xf32>
      %reduce_sum3A_3729 = arith.constant true
      %reduce_sum3A_3730 = vector.broadcast %reduce_sum3A_3729 : i1 to vector<16xi1>
      %reduce_sum3A_3731 = tpu.scan <sum>, %add3A_3728 masked %reduce_sum3A_3730 : vector<16xf32>, vector<16xi1> -> vector<16xf32>
      %reduce_sum3A_3732 = vector.extract %reduce_sum3A_3731[15] : f32 from vector<16xf32>
      %eq3A_3733 = arith.constant 6 : i32
      %eq3A_3734 = vector.broadcast %eq3A_3733 : i32 to vector<16xi32>
      %eq3A_3735 = arith.cmpi eq, %iota3A, %eq3A_3734 : vector<16xi32>
      %broadcast_in_dim3A_3736 = vector.broadcast %reduce_sum3A_3732 : f32 to vector<16xf32>
      %select_n3A_3737 = arith.select %eq3A_3735, %broadcast_in_dim3A_3736, %select_n3A_3677 : vector<16xi1>, vector<16xf32>
      %slice3A_3738 = vector.extract_strided_slice %and3A_3310 {offsets = [7], sizes = [1], strides = [1]} : vector<16xi32> to vector<1xi32>
      %squeeze3A_3739 = vector.extract %slice3A_3738[0] : i32 from vector<1xi32>
      %slice3A_3740 = vector.extract_strided_slice %and3A_3315 {offsets = [7], sizes = [1], strides = [1]} : vector<16xi32> to vector<1xi32>
      %squeeze3A_3741 = vector.extract %slice3A_3740[0] : i32 from vector<1xi32>
      %get3A_3742 = arith.constant 23 : i32
      %get3A_3743 = arith.index_cast %get3A_3742 : i32 to index
      %get3A_3744 = arith.index_cast %squeeze3A_3739 : i32 to index
      %get3A_3745 = arith.constant 0 : index
      %get3A_3746 = tpu.vector_load %arg11[%get3A_3743, %get3A_3744, %get3A_3745] {strides = array<i32>} : memref<32x8x64xf32, #tpu.memory_space<vmem>>, vector<16xf32>,
      %get3A_3747 = arith.constant 23 : i32
      %get3A_3748 = arith.index_cast %get3A_3747 : i32 to index
      %get3A_3749 = arith.index_cast %squeeze3A_3741 : i32 to index
      %get3A_3750 = arith.constant 0 : index
      %get3A_3751 = tpu.vector_load %arg12[%get3A_3748, %get3A_3749, %get3A_3750] {strides = array<i32>} : memref<32x8x64xf32, #tpu.memory_space<vmem>>, vector<16xf32>,
      %mul3A_3752 = arith.mulf %get3A_3746, %get3A_3751 : vector<16xf32>
      %get3A_3753 = arith.constant 23 : i32
      %get3A_3754 = arith.index_cast %get3A_3753 : i32 to index
      %get3A_3755 = arith.index_cast %squeeze3A_3739 : i32 to index
      %get3A_3756 = arith.constant 16 : index
      %get3A_3757 = tpu.vector_load %arg11[%get3A_3754, %get3A_3755, %get3A_3756] {strides = array<i32>} : memref<32x8x64xf32, #tpu.memory_space<vmem>>, vector<16xf32>,
      %get3A_3758 = arith.constant 23 : i32
      %get3A_3759 = arith.index_cast %get3A_3758 : i32 to index
      %get3A_3760 = arith.index_cast %squeeze3A_3741 : i32 to index
      %get3A_3761 = arith.constant 16 : index
      %get3A_3762 = tpu.vector_load %arg12[%get3A_3759, %get3A_3760, %get3A_3761] {strides = array<i32>} : memref<32x8x64xf32, #tpu.memory_space<vmem>>, vector<16xf32>,
      %mul3A_3763 = arith.mulf %get3A_3757, %get3A_3762 : vector<16xf32>
      %add3A_3764 = arith.addf %mul3A_3752, %mul3A_3763 : vector<16xf32>
      %get3A_3765 = arith.constant 23 : i32
      %get3A_3766 = arith.index_cast %get3A_3765 : i32 to index
      %get3A_3767 = arith.index_cast %squeeze3A_3739 : i32 to index
      %get3A_3768 = arith.constant 32 : index
      %get3A_3769 = tpu.vector_load %arg11[%get3A_3766, %get3A_3767, %get3A_3768] {strides = array<i32>} : memref<32x8x64xf32, #tpu.memory_space<vmem>>, vector<16xf32>,
      %get3A_3770 = arith.constant 23 : i32
      %get3A_3771 = arith.index_cast %get3A_3770 : i32 to index
      %get3A_3772 = arith.index_cast %squeeze3A_3741 : i32 to index
      %get3A_3773 = arith.constant 32 : index
      %get3A_3774 = tpu.vector_load %arg12[%get3A_3771, %get3A_3772, %get3A_3773] {strides = array<i32>} : memref<32x8x64xf32, #tpu.memory_space<vmem>>, vector<16xf32>,
      %mul3A_3775 = arith.mulf %get3A_3769, %get3A_3774 : vector<16xf32>
      %add3A_3776 = arith.addf %add3A_3764, %mul3A_3775 : vector<16xf32>
      %get3A_3777 = arith.constant 23 : i32
      %get3A_3778 = arith.index_cast %get3A_3777 : i32 to index
      %get3A_3779 = arith.index_cast %squeeze3A_3739 : i32 to index
      %get3A_3780 = arith.constant 48 : index
      %get3A_3781 = tpu.vector_load %arg11[%get3A_3778, %get3A_3779, %get3A_3780] {strides = array<i32>} : memref<32x8x64xf32, #tpu.memory_space<vmem>>, vector<16xf32>,
      %get3A_3782 = arith.constant 23 : i32
      %get3A_3783 = arith.index_cast %get3A_3782 : i32 to index
      %get3A_3784 = arith.index_cast %squeeze3A_3741 : i32 to index
      %get3A_3785 = arith.constant 48 : index
      %get3A_3786 = tpu.vector_load %arg12[%get3A_3783, %get3A_3784, %get3A_3785] {strides = array<i32>} : memref<32x8x64xf32, #tpu.memory_space<vmem>>, vector<16xf32>,
      %mul3A_3787 = arith.mulf %get3A_3781, %get3A_3786 : vector<16xf32>
      %add3A_3788 = arith.addf %add3A_3776, %mul3A_3787 : vector<16xf32>
      %reduce_sum3A_3789 = arith.constant true
      %reduce_sum3A_3790 = vector.broadcast %reduce_sum3A_3789 : i1 to vector<16xi1>
      %reduce_sum3A_3791 = tpu.scan <sum>, %add3A_3788 masked %reduce_sum3A_3790 : vector<16xf32>, vector<16xi1> -> vector<16xf32>
      %reduce_sum3A_3792 = vector.extract %reduce_sum3A_3791[15] : f32 from vector<16xf32>
      %eq3A_3793 = arith.constant 7 : i32
      %eq3A_3794 = vector.broadcast %eq3A_3793 : i32 to vector<16xi32>
      %eq3A_3795 = arith.cmpi eq, %iota3A, %eq3A_3794 : vector<16xi32>
      %broadcast_in_dim3A_3796 = vector.broadcast %reduce_sum3A_3792 : f32 to vector<16xf32>
      %select_n3A_3797 = arith.select %eq3A_3795, %broadcast_in_dim3A_3796, %select_n3A_3737 : vector<16xi1>, vector<16xf32>
      %slice3A_3798 = vector.extract_strided_slice %and3A_3310 {offsets = [8], sizes = [1], strides = [1]} : vector<16xi32> to vector<1xi32>
      %squeeze3A_3799 = vector.extract %slice3A_3798[0] : i32 from vector<1xi32>
      %slice3A_3800 = vector.extract_strided_slice %and3A_3315 {offsets = [8], sizes = [1], strides = [1]} : vector<16xi32> to vector<1xi32>
      %squeeze3A_3801 = vector.extract %slice3A_3800[0] : i32 from vector<1xi32>
      %get3A_3802 = arith.constant 24 : i32
      %get3A_3803 = arith.index_cast %get3A_3802 : i32 to index
      %get3A_3804 = arith.index_cast %squeeze3A_3799 : i32 to index
      %get3A_3805 = arith.constant 0 : index
      %get3A_3806 = tpu.vector_load %arg11[%get3A_3803, %get3A_3804, %get3A_3805] {strides = array<i32>} : memref<32x8x64xf32, #tpu.memory_space<vmem>>, vector<16xf32>,
      %get3A_3807 = arith.constant 24 : i32
      %get3A_3808 = arith.index_cast %get3A_3807 : i32 to index
      %get3A_3809 = arith.index_cast %squeeze3A_3801 : i32 to index
      %get3A_3810 = arith.constant 0 : index
      %get3A_3811 = tpu.vector_load %arg12[%get3A_3808, %get3A_3809, %get3A_3810] {strides = array<i32>} : memref<32x8x64xf32, #tpu.memory_space<vmem>>, vector<16xf32>,
      %mul3A_3812 = arith.mulf %get3A_3806, %get3A_3811 : vector<16xf32>
      %get3A_3813 = arith.constant 24 : i32
      %get3A_3814 = arith.index_cast %get3A_3813 : i32 to index
      %get3A_3815 = arith.index_cast %squeeze3A_3799 : i32 to index
      %get3A_3816 = arith.constant 16 : index
      %get3A_3817 = tpu.vector_load %arg11[%get3A_3814, %get3A_3815, %get3A_3816] {strides = array<i32>} : memref<32x8x64xf32, #tpu.memory_space<vmem>>, vector<16xf32>,
      %get3A_3818 = arith.constant 24 : i32
      %get3A_3819 = arith.index_cast %get3A_3818 : i32 to index
      %get3A_3820 = arith.index_cast %squeeze3A_3801 : i32 to index
      %get3A_3821 = arith.constant 16 : index
      %get3A_3822 = tpu.vector_load %arg12[%get3A_3819, %get3A_3820, %get3A_3821] {strides = array<i32>} : memref<32x8x64xf32, #tpu.memory_space<vmem>>, vector<16xf32>,
      %mul3A_3823 = arith.mulf %get3A_3817, %get3A_3822 : vector<16xf32>
      %add3A_3824 = arith.addf %mul3A_3812, %mul3A_3823 : vector<16xf32>
      %get3A_3825 = arith.constant 24 : i32
      %get3A_3826 = arith.index_cast %get3A_3825 : i32 to index
      %get3A_3827 = arith.index_cast %squeeze3A_3799 : i32 to index
      %get3A_3828 = arith.constant 32 : index
      %get3A_3829 = tpu.vector_load %arg11[%get3A_3826, %get3A_3827, %get3A_3828] {strides = array<i32>} : memref<32x8x64xf32, #tpu.memory_space<vmem>>, vector<16xf32>,
      %get3A_3830 = arith.constant 24 : i32
      %get3A_3831 = arith.index_cast %get3A_3830 : i32 to index
      %get3A_3832 = arith.index_cast %squeeze3A_3801 : i32 to index
      %get3A_3833 = arith.constant 32 : index
      %get3A_3834 = tpu.vector_load %arg12[%get3A_3831, %get3A_3832, %get3A_3833] {strides = array<i32>} : memref<32x8x64xf32, #tpu.memory_space<vmem>>, vector<16xf32>,
      %mul3A_3835 = arith.mulf %get3A_3829, %get3A_3834 : vector<16xf32>
      %add3A_3836 = arith.addf %add3A_3824, %mul3A_3835 : vector<16xf32>
      %get3A_3837 = arith.constant 24 : i32
      %get3A_3838 = arith.index_cast %get3A_3837 : i32 to index
      %get3A_3839 = arith.index_cast %squeeze3A_3799 : i32 to index
      %get3A_3840 = arith.constant 48 : index
      %get3A_3841 = tpu.vector_load %arg11[%get3A_3838, %get3A_3839, %get3A_3840] {strides = array<i32>} : memref<32x8x64xf32, #tpu.memory_space<vmem>>, vector<16xf32>,
      %get3A_3842 = arith.constant 24 : i32
      %get3A_3843 = arith.index_cast %get3A_3842 : i32 to index
      %get3A_3844 = arith.index_cast %squeeze3A_3801 : i32 to index
      %get3A_3845 = arith.constant 48 : index
      %get3A_3846 = tpu.vector_load %arg12[%get3A_3843, %get3A_3844, %get3A_3845] {strides = array<i32>} : memref<32x8x64xf32, #tpu.memory_space<vmem>>, vector<16xf32>,
      %mul3A_3847 = arith.mulf %get3A_3841, %get3A_3846 : vector<16xf32>
      %add3A_3848 = arith.addf %add3A_3836, %mul3A_3847 : vector<16xf32>
      %reduce_sum3A_3849 = arith.constant true
      %reduce_sum3A_3850 = vector.broadcast %reduce_sum3A_3849 : i1 to vector<16xi1>
      %reduce_sum3A_3851 = tpu.scan <sum>, %add3A_3848 masked %reduce_sum3A_3850 : vector<16xf32>, vector<16xi1> -> vector<16xf32>
      %reduce_sum3A_3852 = vector.extract %reduce_sum3A_3851[15] : f32 from vector<16xf32>
      %eq3A_3853 = arith.constant 8 : i32
      %eq3A_3854 = vector.broadcast %eq3A_3853 : i32 to vector<16xi32>
      %eq3A_3855 = arith.cmpi eq, %iota3A, %eq3A_3854 : vector<16xi32>
      %broadcast_in_dim3A_3856 = vector.broadcast %reduce_sum3A_3852 : f32 to vector<16xf32>
      %select_n3A_3857 = arith.select %eq3A_3855, %broadcast_in_dim3A_3856, %select_n3A_3797 : vector<16xi1>, vector<16xf32>
      %slice3A_3858 = vector.extract_strided_slice %and3A_3310 {offsets = [9], sizes = [1], strides = [1]} : vector<16xi32> to vector<1xi32>
      %squeeze3A_3859 = vector.extract %slice3A_3858[0] : i32 from vector<1xi32>
      %slice3A_3860 = vector.extract_strided_slice %and3A_3315 {offsets = [9], sizes = [1], strides = [1]} : vector<16xi32> to vector<1xi32>
      %squeeze3A_3861 = vector.extract %slice3A_3860[0] : i32 from vector<1xi32>
      %get3A_3862 = arith.constant 25 : i32
      %get3A_3863 = arith.index_cast %get3A_3862 : i32 to index
      %get3A_3864 = arith.index_cast %squeeze3A_3859 : i32 to index
      %get3A_3865 = arith.constant 0 : index
      %get3A_3866 = tpu.vector_load %arg11[%get3A_3863, %get3A_3864, %get3A_3865] {strides = array<i32>} : memref<32x8x64xf32, #tpu.memory_space<vmem>>, vector<16xf32>,
      %get3A_3867 = arith.constant 25 : i32
      %get3A_3868 = arith.index_cast %get3A_3867 : i32 to index
      %get3A_3869 = arith.index_cast %squeeze3A_3861 : i32 to index
      %get3A_3870 = arith.constant 0 : index
      %get3A_3871 = tpu.vector_load %arg12[%get3A_3868, %get3A_3869, %get3A_3870] {strides = array<i32>} : memref<32x8x64xf32, #tpu.memory_space<vmem>>, vector<16xf32>,
      %mul3A_3872 = arith.mulf %get3A_3866, %get3A_3871 : vector<16xf32>
      %get3A_3873 = arith.constant 25 : i32
      %get3A_3874 = arith.index_cast %get3A_3873 : i32 to index
      %get3A_3875 = arith.index_cast %squeeze3A_3859 : i32 to index
      %get3A_3876 = arith.constant 16 : index
      %get3A_3877 = tpu.vector_load %arg11[%get3A_3874, %get3A_3875, %get3A_3876] {strides = array<i32>} : memref<32x8x64xf32, #tpu.memory_space<vmem>>, vector<16xf32>,
      %get3A_3878 = arith.constant 25 : i32
      %get3A_3879 = arith.index_cast %get3A_3878 : i32 to index
      %get3A_3880 = arith.index_cast %squeeze3A_3861 : i32 to index
      %get3A_3881 = arith.constant 16 : index
      %get3A_3882 = tpu.vector_load %arg12[%get3A_3879, %get3A_3880, %get3A_3881] {strides = array<i32>} : memref<32x8x64xf32, #tpu.memory_space<vmem>>, vector<16xf32>,
      %mul3A_3883 = arith.mulf %get3A_3877, %get3A_3882 : vector<16xf32>
      %add3A_3884 = arith.addf %mul3A_3872, %mul3A_3883 : vector<16xf32>
      %get3A_3885 = arith.constant 25 : i32
      %get3A_3886 = arith.index_cast %get3A_3885 : i32 to index
      %get3A_3887 = arith.index_cast %squeeze3A_3859 : i32 to index
      %get3A_3888 = arith.constant 32 : index
      %get3A_3889 = tpu.vector_load %arg11[%get3A_3886, %get3A_3887, %get3A_3888] {strides = array<i32>} : memref<32x8x64xf32, #tpu.memory_space<vmem>>, vector<16xf32>,
      %get3A_3890 = arith.constant 25 : i32
      %get3A_3891 = arith.index_cast %get3A_3890 : i32 to index
      %get3A_3892 = arith.index_cast %squeeze3A_3861 : i32 to index
      %get3A_3893 = arith.constant 32 : index
      %get3A_3894 = tpu.vector_load %arg12[%get3A_3891, %get3A_3892, %get3A_3893] {strides = array<i32>} : memref<32x8x64xf32, #tpu.memory_space<vmem>>, vector<16xf32>,
      %mul3A_3895 = arith.mulf %get3A_3889, %get3A_3894 : vector<16xf32>
      %add3A_3896 = arith.addf %add3A_3884, %mul3A_3895 : vector<16xf32>
      %get3A_3897 = arith.constant 25 : i32
      %get3A_3898 = arith.index_cast %get3A_3897 : i32 to index
      %get3A_3899 = arith.index_cast %squeeze3A_3859 : i32 to index
      %get3A_3900 = arith.constant 48 : index
      %get3A_3901 = tpu.vector_load %arg11[%get3A_3898, %get3A_3899, %get3A_3900] {strides = array<i32>} : memref<32x8x64xf32, #tpu.memory_space<vmem>>, vector<16xf32>,
      %get3A_3902 = arith.constant 25 : i32
      %get3A_3903 = arith.index_cast %get3A_3902 : i32 to index
      %get3A_3904 = arith.index_cast %squeeze3A_3861 : i32 to index
      %get3A_3905 = arith.constant 48 : index
      %get3A_3906 = tpu.vector_load %arg12[%get3A_3903, %get3A_3904, %get3A_3905] {strides = array<i32>} : memref<32x8x64xf32, #tpu.memory_space<vmem>>, vector<16xf32>,
      %mul3A_3907 = arith.mulf %get3A_3901, %get3A_3906 : vector<16xf32>
      %add3A_3908 = arith.addf %add3A_3896, %mul3A_3907 : vector<16xf32>
      %reduce_sum3A_3909 = arith.constant true
      %reduce_sum3A_3910 = vector.broadcast %reduce_sum3A_3909 : i1 to vector<16xi1>
      %reduce_sum3A_3911 = tpu.scan <sum>, %add3A_3908 masked %reduce_sum3A_3910 : vector<16xf32>, vector<16xi1> -> vector<16xf32>
      %reduce_sum3A_3912 = vector.extract %reduce_sum3A_3911[15] : f32 from vector<16xf32>
      %eq3A_3913 = arith.constant 9 : i32
      %eq3A_3914 = vector.broadcast %eq3A_3913 : i32 to vector<16xi32>
      %eq3A_3915 = arith.cmpi eq, %iota3A, %eq3A_3914 : vector<16xi32>
      %broadcast_in_dim3A_3916 = vector.broadcast %reduce_sum3A_3912 : f32 to vector<16xf32>
      %select_n3A_3917 = arith.select %eq3A_3915, %broadcast_in_dim3A_3916, %select_n3A_3857 : vector<16xi1>, vector<16xf32>
      %slice3A_3918 = vector.extract_strided_slice %and3A_3310 {offsets = [10], sizes = [1], strides = [1]} : vector<16xi32> to vector<1xi32>
      %squeeze3A_3919 = vector.extract %slice3A_3918[0] : i32 from vector<1xi32>
      %slice3A_3920 = vector.extract_strided_slice %and3A_3315 {offsets = [10], sizes = [1], strides = [1]} : vector<16xi32> to vector<1xi32>
      %squeeze3A_3921 = vector.extract %slice3A_3920[0] : i32 from vector<1xi32>
      %get3A_3922 = arith.constant 26 : i32
      %get3A_3923 = arith.index_cast %get3A_3922 : i32 to index
      %get3A_3924 = arith.index_cast %squeeze3A_3919 : i32 to index
      %get3A_3925 = arith.constant 0 : index
      %get3A_3926 = tpu.vector_load %arg11[%get3A_3923, %get3A_3924, %get3A_3925] {strides = array<i32>} : memref<32x8x64xf32, #tpu.memory_space<vmem>>, vector<16xf32>,
      %get3A_3927 = arith.constant 26 : i32
      %get3A_3928 = arith.index_cast %get3A_3927 : i32 to index
      %get3A_3929 = arith.index_cast %squeeze3A_3921 : i32 to index
      %get3A_3930 = arith.constant 0 : index
      %get3A_3931 = tpu.vector_load %arg12[%get3A_3928, %get3A_3929, %get3A_3930] {strides = array<i32>} : memref<32x8x64xf32, #tpu.memory_space<vmem>>, vector<16xf32>,
      %mul3A_3932 = arith.mulf %get3A_3926, %get3A_3931 : vector<16xf32>
      %get3A_3933 = arith.constant 26 : i32
      %get3A_3934 = arith.index_cast %get3A_3933 : i32 to index
      %get3A_3935 = arith.index_cast %squeeze3A_3919 : i32 to index
      %get3A_3936 = arith.constant 16 : index
      %get3A_3937 = tpu.vector_load %arg11[%get3A_3934, %get3A_3935, %get3A_3936] {strides = array<i32>} : memref<32x8x64xf32, #tpu.memory_space<vmem>>, vector<16xf32>,
      %get3A_3938 = arith.constant 26 : i32
      %get3A_3939 = arith.index_cast %get3A_3938 : i32 to index
      %get3A_3940 = arith.index_cast %squeeze3A_3921 : i32 to index
      %get3A_3941 = arith.constant 16 : index
      %get3A_3942 = tpu.vector_load %arg12[%get3A_3939, %get3A_3940, %get3A_3941] {strides = array<i32>} : memref<32x8x64xf32, #tpu.memory_space<vmem>>, vector<16xf32>,
      %mul3A_3943 = arith.mulf %get3A_3937, %get3A_3942 : vector<16xf32>
      %add3A_3944 = arith.addf %mul3A_3932, %mul3A_3943 : vector<16xf32>
      %get3A_3945 = arith.constant 26 : i32
      %get3A_3946 = arith.index_cast %get3A_3945 : i32 to index
      %get3A_3947 = arith.index_cast %squeeze3A_3919 : i32 to index
      %get3A_3948 = arith.constant 32 : index
      %get3A_3949 = tpu.vector_load %arg11[%get3A_3946, %get3A_3947, %get3A_3948] {strides = array<i32>} : memref<32x8x64xf32, #tpu.memory_space<vmem>>, vector<16xf32>,
      %get3A_3950 = arith.constant 26 : i32
      %get3A_3951 = arith.index_cast %get3A_3950 : i32 to index
      %get3A_3952 = arith.index_cast %squeeze3A_3921 : i32 to index
      %get3A_3953 = arith.constant 32 : index
      %get3A_3954 = tpu.vector_load %arg12[%get3A_3951, %get3A_3952, %get3A_3953] {strides = array<i32>} : memref<32x8x64xf32, #tpu.memory_space<vmem>>, vector<16xf32>,
      %mul3A_3955 = arith.mulf %get3A_3949, %get3A_3954 : vector<16xf32>
      %add3A_3956 = arith.addf %add3A_3944, %mul3A_3955 : vector<16xf32>
      %get3A_3957 = arith.constant 26 : i32
      %get3A_3958 = arith.index_cast %get3A_3957 : i32 to index
      %get3A_3959 = arith.index_cast %squeeze3A_3919 : i32 to index
      %get3A_3960 = arith.constant 48 : index
      %get3A_3961 = tpu.vector_load %arg11[%get3A_3958, %get3A_3959, %get3A_3960] {strides = array<i32>} : memref<32x8x64xf32, #tpu.memory_space<vmem>>, vector<16xf32>,
      %get3A_3962 = arith.constant 26 : i32
      %get3A_3963 = arith.index_cast %get3A_3962 : i32 to index
      %get3A_3964 = arith.index_cast %squeeze3A_3921 : i32 to index
      %get3A_3965 = arith.constant 48 : index
      %get3A_3966 = tpu.vector_load %arg12[%get3A_3963, %get3A_3964, %get3A_3965] {strides = array<i32>} : memref<32x8x64xf32, #tpu.memory_space<vmem>>, vector<16xf32>,
      %mul3A_3967 = arith.mulf %get3A_3961, %get3A_3966 : vector<16xf32>
      %add3A_3968 = arith.addf %add3A_3956, %mul3A_3967 : vector<16xf32>
      %reduce_sum3A_3969 = arith.constant true
      %reduce_sum3A_3970 = vector.broadcast %reduce_sum3A_3969 : i1 to vector<16xi1>
      %reduce_sum3A_3971 = tpu.scan <sum>, %add3A_3968 masked %reduce_sum3A_3970 : vector<16xf32>, vector<16xi1> -> vector<16xf32>
      %reduce_sum3A_3972 = vector.extract %reduce_sum3A_3971[15] : f32 from vector<16xf32>
      %eq3A_3973 = arith.constant 10 : i32
      %eq3A_3974 = vector.broadcast %eq3A_3973 : i32 to vector<16xi32>
      %eq3A_3975 = arith.cmpi eq, %iota3A, %eq3A_3974 : vector<16xi32>
      %broadcast_in_dim3A_3976 = vector.broadcast %reduce_sum3A_3972 : f32 to vector<16xf32>
      %select_n3A_3977 = arith.select %eq3A_3975, %broadcast_in_dim3A_3976, %select_n3A_3917 : vector<16xi1>, vector<16xf32>
      %slice3A_3978 = vector.extract_strided_slice %and3A_3310 {offsets = [11], sizes = [1], strides = [1]} : vector<16xi32> to vector<1xi32>
      %squeeze3A_3979 = vector.extract %slice3A_3978[0] : i32 from vector<1xi32>
      %slice3A_3980 = vector.extract_strided_slice %and3A_3315 {offsets = [11], sizes = [1], strides = [1]} : vector<16xi32> to vector<1xi32>
      %squeeze3A_3981 = vector.extract %slice3A_3980[0] : i32 from vector<1xi32>
      %get3A_3982 = arith.constant 27 : i32
      %get3A_3983 = arith.index_cast %get3A_3982 : i32 to index
      %get3A_3984 = arith.index_cast %squeeze3A_3979 : i32 to index
      %get3A_3985 = arith.constant 0 : index
      %get3A_3986 = tpu.vector_load %arg11[%get3A_3983, %get3A_3984, %get3A_3985] {strides = array<i32>} : memref<32x8x64xf32, #tpu.memory_space<vmem>>, vector<16xf32>,
      %get3A_3987 = arith.constant 27 : i32
      %get3A_3988 = arith.index_cast %get3A_3987 : i32 to index
      %get3A_3989 = arith.index_cast %squeeze3A_3981 : i32 to index
      %get3A_3990 = arith.constant 0 : index
      %get3A_3991 = tpu.vector_load %arg12[%get3A_3988, %get3A_3989, %get3A_3990] {strides = array<i32>} : memref<32x8x64xf32, #tpu.memory_space<vmem>>, vector<16xf32>,
      %mul3A_3992 = arith.mulf %get3A_3986, %get3A_3991 : vector<16xf32>
      %get3A_3993 = arith.constant 27 : i32
      %get3A_3994 = arith.index_cast %get3A_3993 : i32 to index
      %get3A_3995 = arith.index_cast %squeeze3A_3979 : i32 to index
      %get3A_3996 = arith.constant 16 : index
      %get3A_3997 = tpu.vector_load %arg11[%get3A_3994, %get3A_3995, %get3A_3996] {strides = array<i32>} : memref<32x8x64xf32, #tpu.memory_space<vmem>>, vector<16xf32>,
      %get3A_3998 = arith.constant 27 : i32
      %get3A_3999 = arith.index_cast %get3A_3998 : i32 to index
      %get3A_4000 = arith.index_cast %squeeze3A_3981 : i32 to index
      %get3A_4001 = arith.constant 16 : index
      %get3A_4002 = tpu.vector_load %arg12[%get3A_3999, %get3A_4000, %get3A_4001] {strides = array<i32>} : memref<32x8x64xf32, #tpu.memory_space<vmem>>, vector<16xf32>,
      %mul3A_4003 = arith.mulf %get3A_3997, %get3A_4002 : vector<16xf32>
      %add3A_4004 = arith.addf %mul3A_3992, %mul3A_4003 : vector<16xf32>
      %get3A_4005 = arith.constant 27 : i32
      %get3A_4006 = arith.index_cast %get3A_4005 : i32 to index
      %get3A_4007 = arith.index_cast %squeeze3A_3979 : i32 to index
      %get3A_4008 = arith.constant 32 : index
      %get3A_4009 = tpu.vector_load %arg11[%get3A_4006, %get3A_4007, %get3A_4008] {strides = array<i32>} : memref<32x8x64xf32, #tpu.memory_space<vmem>>, vector<16xf32>,
      %get3A_4010 = arith.constant 27 : i32
      %get3A_4011 = arith.index_cast %get3A_4010 : i32 to index
      %get3A_4012 = arith.index_cast %squeeze3A_3981 : i32 to index
      %get3A_4013 = arith.constant 32 : index
      %get3A_4014 = tpu.vector_load %arg12[%get3A_4011, %get3A_4012, %get3A_4013] {strides = array<i32>} : memref<32x8x64xf32, #tpu.memory_space<vmem>>, vector<16xf32>,
      %mul3A_4015 = arith.mulf %get3A_4009, %get3A_4014 : vector<16xf32>
      %add3A_4016 = arith.addf %add3A_4004, %mul3A_4015 : vector<16xf32>
      %get3A_4017 = arith.constant 27 : i32
      %get3A_4018 = arith.index_cast %get3A_4017 : i32 to index
      %get3A_4019 = arith.index_cast %squeeze3A_3979 : i32 to index
      %get3A_4020 = arith.constant 48 : index
      %get3A_4021 = tpu.vector_load %arg11[%get3A_4018, %get3A_4019, %get3A_4020] {strides = array<i32>} : memref<32x8x64xf32, #tpu.memory_space<vmem>>, vector<16xf32>,
      %get3A_4022 = arith.constant 27 : i32
      %get3A_4023 = arith.index_cast %get3A_4022 : i32 to index
      %get3A_4024 = arith.index_cast %squeeze3A_3981 : i32 to index
      %get3A_4025 = arith.constant 48 : index
      %get3A_4026 = tpu.vector_load %arg12[%get3A_4023, %get3A_4024, %get3A_4025] {strides = array<i32>} : memref<32x8x64xf32, #tpu.memory_space<vmem>>, vector<16xf32>,
      %mul3A_4027 = arith.mulf %get3A_4021, %get3A_4026 : vector<16xf32>
      %add3A_4028 = arith.addf %add3A_4016, %mul3A_4027 : vector<16xf32>
      %reduce_sum3A_4029 = arith.constant true
      %reduce_sum3A_4030 = vector.broadcast %reduce_sum3A_4029 : i1 to vector<16xi1>
      %reduce_sum3A_4031 = tpu.scan <sum>, %add3A_4028 masked %reduce_sum3A_4030 : vector<16xf32>, vector<16xi1> -> vector<16xf32>
      %reduce_sum3A_4032 = vector.extract %reduce_sum3A_4031[15] : f32 from vector<16xf32>
      %eq3A_4033 = arith.constant 11 : i32
      %eq3A_4034 = vector.broadcast %eq3A_4033 : i32 to vector<16xi32>
      %eq3A_4035 = arith.cmpi eq, %iota3A, %eq3A_4034 : vector<16xi32>
      %broadcast_in_dim3A_4036 = vector.broadcast %reduce_sum3A_4032 : f32 to vector<16xf32>
      %select_n3A_4037 = arith.select %eq3A_4035, %broadcast_in_dim3A_4036, %select_n3A_3977 : vector<16xi1>, vector<16xf32>
      %slice3A_4038 = vector.extract_strided_slice %and3A_3310 {offsets = [12], sizes = [1], strides = [1]} : vector<16xi32> to vector<1xi32>
      %squeeze3A_4039 = vector.extract %slice3A_4038[0] : i32 from vector<1xi32>
      %slice3A_4040 = vector.extract_strided_slice %and3A_3315 {offsets = [12], sizes = [1], strides = [1]} : vector<16xi32> to vector<1xi32>
      %squeeze3A_4041 = vector.extract %slice3A_4040[0] : i32 from vector<1xi32>
      %get3A_4042 = arith.constant 28 : i32
      %get3A_4043 = arith.index_cast %get3A_4042 : i32 to index
      %get3A_4044 = arith.index_cast %squeeze3A_4039 : i32 to index
      %get3A_4045 = arith.constant 0 : index
      %get3A_4046 = tpu.vector_load %arg11[%get3A_4043, %get3A_4044, %get3A_4045] {strides = array<i32>} : memref<32x8x64xf32, #tpu.memory_space<vmem>>, vector<16xf32>,
      %get3A_4047 = arith.constant 28 : i32
      %get3A_4048 = arith.index_cast %get3A_4047 : i32 to index
      %get3A_4049 = arith.index_cast %squeeze3A_4041 : i32 to index
      %get3A_4050 = arith.constant 0 : index
      %get3A_4051 = tpu.vector_load %arg12[%get3A_4048, %get3A_4049, %get3A_4050] {strides = array<i32>} : memref<32x8x64xf32, #tpu.memory_space<vmem>>, vector<16xf32>,
      %mul3A_4052 = arith.mulf %get3A_4046, %get3A_4051 : vector<16xf32>
      %get3A_4053 = arith.constant 28 : i32
      %get3A_4054 = arith.index_cast %get3A_4053 : i32 to index
      %get3A_4055 = arith.index_cast %squeeze3A_4039 : i32 to index
      %get3A_4056 = arith.constant 16 : index
      %get3A_4057 = tpu.vector_load %arg11[%get3A_4054, %get3A_4055, %get3A_4056] {strides = array<i32>} : memref<32x8x64xf32, #tpu.memory_space<vmem>>, vector<16xf32>,
      %get3A_4058 = arith.constant 28 : i32
      %get3A_4059 = arith.index_cast %get3A_4058 : i32 to index
      %get3A_4060 = arith.index_cast %squeeze3A_4041 : i32 to index
      %get3A_4061 = arith.constant 16 : index
      %get3A_4062 = tpu.vector_load %arg12[%get3A_4059, %get3A_4060, %get3A_4061] {strides = array<i32>} : memref<32x8x64xf32, #tpu.memory_space<vmem>>, vector<16xf32>,
      %mul3A_4063 = arith.mulf %get3A_4057, %get3A_4062 : vector<16xf32>
      %add3A_4064 = arith.addf %mul3A_4052, %mul3A_4063 : vector<16xf32>
      %get3A_4065 = arith.constant 28 : i32
      %get3A_4066 = arith.index_cast %get3A_4065 : i32 to index
      %get3A_4067 = arith.index_cast %squeeze3A_4039 : i32 to index
      %get3A_4068 = arith.constant 32 : index
      %get3A_4069 = tpu.vector_load %arg11[%get3A_4066, %get3A_4067, %get3A_4068] {strides = array<i32>} : memref<32x8x64xf32, #tpu.memory_space<vmem>>, vector<16xf32>,
      %get3A_4070 = arith.constant 28 : i32
      %get3A_4071 = arith.index_cast %get3A_4070 : i32 to index
      %get3A_4072 = arith.index_cast %squeeze3A_4041 : i32 to index
      %get3A_4073 = arith.constant 32 : index
      %get3A_4074 = tpu.vector_load %arg12[%get3A_4071, %get3A_4072, %get3A_4073] {strides = array<i32>} : memref<32x8x64xf32, #tpu.memory_space<vmem>>, vector<16xf32>,
      %mul3A_4075 = arith.mulf %get3A_4069, %get3A_4074 : vector<16xf32>
      %add3A_4076 = arith.addf %add3A_4064, %mul3A_4075 : vector<16xf32>
      %get3A_4077 = arith.constant 28 : i32
      %get3A_4078 = arith.index_cast %get3A_4077 : i32 to index
      %get3A_4079 = arith.index_cast %squeeze3A_4039 : i32 to index
      %get3A_4080 = arith.constant 48 : index
      %get3A_4081 = tpu.vector_load %arg11[%get3A_4078, %get3A_4079, %get3A_4080] {strides = array<i32>} : memref<32x8x64xf32, #tpu.memory_space<vmem>>, vector<16xf32>,
      %get3A_4082 = arith.constant 28 : i32
      %get3A_4083 = arith.index_cast %get3A_4082 : i32 to index
      %get3A_4084 = arith.index_cast %squeeze3A_4041 : i32 to index
      %get3A_4085 = arith.constant 48 : index
      %get3A_4086 = tpu.vector_load %arg12[%get3A_4083, %get3A_4084, %get3A_4085] {strides = array<i32>} : memref<32x8x64xf32, #tpu.memory_space<vmem>>, vector<16xf32>,
      %mul3A_4087 = arith.mulf %get3A_4081, %get3A_4086 : vector<16xf32>
      %add3A_4088 = arith.addf %add3A_4076, %mul3A_4087 : vector<16xf32>
      %reduce_sum3A_4089 = arith.constant true
      %reduce_sum3A_4090 = vector.broadcast %reduce_sum3A_4089 : i1 to vector<16xi1>
      %reduce_sum3A_4091 = tpu.scan <sum>, %add3A_4088 masked %reduce_sum3A_4090 : vector<16xf32>, vector<16xi1> -> vector<16xf32>
      %reduce_sum3A_4092 = vector.extract %reduce_sum3A_4091[15] : f32 from vector<16xf32>
      %eq3A_4093 = arith.constant 12 : i32
      %eq3A_4094 = vector.broadcast %eq3A_4093 : i32 to vector<16xi32>
      %eq3A_4095 = arith.cmpi eq, %iota3A, %eq3A_4094 : vector<16xi32>
      %broadcast_in_dim3A_4096 = vector.broadcast %reduce_sum3A_4092 : f32 to vector<16xf32>
      %select_n3A_4097 = arith.select %eq3A_4095, %broadcast_in_dim3A_4096, %select_n3A_4037 : vector<16xi1>, vector<16xf32>
      %slice3A_4098 = vector.extract_strided_slice %and3A_3310 {offsets = [13], sizes = [1], strides = [1]} : vector<16xi32> to vector<1xi32>
      %squeeze3A_4099 = vector.extract %slice3A_4098[0] : i32 from vector<1xi32>
      %slice3A_4100 = vector.extract_strided_slice %and3A_3315 {offsets = [13], sizes = [1], strides = [1]} : vector<16xi32> to vector<1xi32>
      %squeeze3A_4101 = vector.extract %slice3A_4100[0] : i32 from vector<1xi32>
      %get3A_4102 = arith.constant 29 : i32
      %get3A_4103 = arith.index_cast %get3A_4102 : i32 to index
      %get3A_4104 = arith.index_cast %squeeze3A_4099 : i32 to index
      %get3A_4105 = arith.constant 0 : index
      %get3A_4106 = tpu.vector_load %arg11[%get3A_4103, %get3A_4104, %get3A_4105] {strides = array<i32>} : memref<32x8x64xf32, #tpu.memory_space<vmem>>, vector<16xf32>,
      %get3A_4107 = arith.constant 29 : i32
      %get3A_4108 = arith.index_cast %get3A_4107 : i32 to index
      %get3A_4109 = arith.index_cast %squeeze3A_4101 : i32 to index
      %get3A_4110 = arith.constant 0 : index
      %get3A_4111 = tpu.vector_load %arg12[%get3A_4108, %get3A_4109, %get3A_4110] {strides = array<i32>} : memref<32x8x64xf32, #tpu.memory_space<vmem>>, vector<16xf32>,
      %mul3A_4112 = arith.mulf %get3A_4106, %get3A_4111 : vector<16xf32>
      %get3A_4113 = arith.constant 29 : i32
      %get3A_4114 = arith.index_cast %get3A_4113 : i32 to index
      %get3A_4115 = arith.index_cast %squeeze3A_4099 : i32 to index
      %get3A_4116 = arith.constant 16 : index
      %get3A_4117 = tpu.vector_load %arg11[%get3A_4114, %get3A_4115, %get3A_4116] {strides = array<i32>} : memref<32x8x64xf32, #tpu.memory_space<vmem>>, vector<16xf32>,
      %get3A_4118 = arith.constant 29 : i32
      %get3A_4119 = arith.index_cast %get3A_4118 : i32 to index
      %get3A_4120 = arith.index_cast %squeeze3A_4101 : i32 to index
      %get3A_4121 = arith.constant 16 : index
      %get3A_4122 = tpu.vector_load %arg12[%get3A_4119, %get3A_4120, %get3A_4121] {strides = array<i32>} : memref<32x8x64xf32, #tpu.memory_space<vmem>>, vector<16xf32>,
      %mul3A_4123 = arith.mulf %get3A_4117, %get3A_4122 : vector<16xf32>
      %add3A_4124 = arith.addf %mul3A_4112, %mul3A_4123 : vector<16xf32>
      %get3A_4125 = arith.constant 29 : i32
      %get3A_4126 = arith.index_cast %get3A_4125 : i32 to index
      %get3A_4127 = arith.index_cast %squeeze3A_4099 : i32 to index
      %get3A_4128 = arith.constant 32 : index
      %get3A_4129 = tpu.vector_load %arg11[%get3A_4126, %get3A_4127, %get3A_4128] {strides = array<i32>} : memref<32x8x64xf32, #tpu.memory_space<vmem>>, vector<16xf32>,
      %get3A_4130 = arith.constant 29 : i32
      %get3A_4131 = arith.index_cast %get3A_4130 : i32 to index
      %get3A_4132 = arith.index_cast %squeeze3A_4101 : i32 to index
      %get3A_4133 = arith.constant 32 : index
      %get3A_4134 = tpu.vector_load %arg12[%get3A_4131, %get3A_4132, %get3A_4133] {strides = array<i32>} : memref<32x8x64xf32, #tpu.memory_space<vmem>>, vector<16xf32>,
      %mul3A_4135 = arith.mulf %get3A_4129, %get3A_4134 : vector<16xf32>
      %add3A_4136 = arith.addf %add3A_4124, %mul3A_4135 : vector<16xf32>
      %get3A_4137 = arith.constant 29 : i32
      %get3A_4138 = arith.index_cast %get3A_4137 : i32 to index
      %get3A_4139 = arith.index_cast %squeeze3A_4099 : i32 to index
      %get3A_4140 = arith.constant 48 : index
      %get3A_4141 = tpu.vector_load %arg11[%get3A_4138, %get3A_4139, %get3A_4140] {strides = array<i32>} : memref<32x8x64xf32, #tpu.memory_space<vmem>>, vector<16xf32>,
      %get3A_4142 = arith.constant 29 : i32
      %get3A_4143 = arith.index_cast %get3A_4142 : i32 to index
      %get3A_4144 = arith.index_cast %squeeze3A_4101 : i32 to index
      %get3A_4145 = arith.constant 48 : index
      %get3A_4146 = tpu.vector_load %arg12[%get3A_4143, %get3A_4144, %get3A_4145] {strides = array<i32>} : memref<32x8x64xf32, #tpu.memory_space<vmem>>, vector<16xf32>,
      %mul3A_4147 = arith.mulf %get3A_4141, %get3A_4146 : vector<16xf32>
      %add3A_4148 = arith.addf %add3A_4136, %mul3A_4147 : vector<16xf32>
      %reduce_sum3A_4149 = arith.constant true
      %reduce_sum3A_4150 = vector.broadcast %reduce_sum3A_4149 : i1 to vector<16xi1>
      %reduce_sum3A_4151 = tpu.scan <sum>, %add3A_4148 masked %reduce_sum3A_4150 : vector<16xf32>, vector<16xi1> -> vector<16xf32>
      %reduce_sum3A_4152 = vector.extract %reduce_sum3A_4151[15] : f32 from vector<16xf32>
      %eq3A_4153 = arith.constant 13 : i32
      %eq3A_4154 = vector.broadcast %eq3A_4153 : i32 to vector<16xi32>
      %eq3A_4155 = arith.cmpi eq, %iota3A, %eq3A_4154 : vector<16xi32>
      %broadcast_in_dim3A_4156 = vector.broadcast %reduce_sum3A_4152 : f32 to vector<16xf32>
      %select_n3A_4157 = arith.select %eq3A_4155, %broadcast_in_dim3A_4156, %select_n3A_4097 : vector<16xi1>, vector<16xf32>
      %slice3A_4158 = vector.extract_strided_slice %and3A_3310 {offsets = [14], sizes = [1], strides = [1]} : vector<16xi32> to vector<1xi32>
      %squeeze3A_4159 = vector.extract %slice3A_4158[0] : i32 from vector<1xi32>
      %slice3A_4160 = vector.extract_strided_slice %and3A_3315 {offsets = [14], sizes = [1], strides = [1]} : vector<16xi32> to vector<1xi32>
      %squeeze3A_4161 = vector.extract %slice3A_4160[0] : i32 from vector<1xi32>
      %get3A_4162 = arith.constant 30 : i32
      %get3A_4163 = arith.index_cast %get3A_4162 : i32 to index
      %get3A_4164 = arith.index_cast %squeeze3A_4159 : i32 to index
      %get3A_4165 = arith.constant 0 : index
      %get3A_4166 = tpu.vector_load %arg11[%get3A_4163, %get3A_4164, %get3A_4165] {strides = array<i32>} : memref<32x8x64xf32, #tpu.memory_space<vmem>>, vector<16xf32>,
      %get3A_4167 = arith.constant 30 : i32
      %get3A_4168 = arith.index_cast %get3A_4167 : i32 to index
      %get3A_4169 = arith.index_cast %squeeze3A_4161 : i32 to index
      %get3A_4170 = arith.constant 0 : index
      %get3A_4171 = tpu.vector_load %arg12[%get3A_4168, %get3A_4169, %get3A_4170] {strides = array<i32>} : memref<32x8x64xf32, #tpu.memory_space<vmem>>, vector<16xf32>,
      %mul3A_4172 = arith.mulf %get3A_4166, %get3A_4171 : vector<16xf32>
      %get3A_4173 = arith.constant 30 : i32
      %get3A_4174 = arith.index_cast %get3A_4173 : i32 to index
      %get3A_4175 = arith.index_cast %squeeze3A_4159 : i32 to index
      %get3A_4176 = arith.constant 16 : index
      %get3A_4177 = tpu.vector_load %arg11[%get3A_4174, %get3A_4175, %get3A_4176] {strides = array<i32>} : memref<32x8x64xf32, #tpu.memory_space<vmem>>, vector<16xf32>,
      %get3A_4178 = arith.constant 30 : i32
      %get3A_4179 = arith.index_cast %get3A_4178 : i32 to index
      %get3A_4180 = arith.index_cast %squeeze3A_4161 : i32 to index
      %get3A_4181 = arith.constant 16 : index
      %get3A_4182 = tpu.vector_load %arg12[%get3A_4179, %get3A_4180, %get3A_4181] {strides = array<i32>} : memref<32x8x64xf32, #tpu.memory_space<vmem>>, vector<16xf32>,
      %mul3A_4183 = arith.mulf %get3A_4177, %get3A_4182 : vector<16xf32>
      %add3A_4184 = arith.addf %mul3A_4172, %mul3A_4183 : vector<16xf32>
      %get3A_4185 = arith.constant 30 : i32
      %get3A_4186 = arith.index_cast %get3A_4185 : i32 to index
      %get3A_4187 = arith.index_cast %squeeze3A_4159 : i32 to index
      %get3A_4188 = arith.constant 32 : index
      %get3A_4189 = tpu.vector_load %arg11[%get3A_4186, %get3A_4187, %get3A_4188] {strides = array<i32>} : memref<32x8x64xf32, #tpu.memory_space<vmem>>, vector<16xf32>,
      %get3A_4190 = arith.constant 30 : i32
      %get3A_4191 = arith.index_cast %get3A_4190 : i32 to index
      %get3A_4192 = arith.index_cast %squeeze3A_4161 : i32 to index
      %get3A_4193 = arith.constant 32 : index
      %get3A_4194 = tpu.vector_load %arg12[%get3A_4191, %get3A_4192, %get3A_4193] {strides = array<i32>} : memref<32x8x64xf32, #tpu.memory_space<vmem>>, vector<16xf32>,
      %mul3A_4195 = arith.mulf %get3A_4189, %get3A_4194 : vector<16xf32>
      %add3A_4196 = arith.addf %add3A_4184, %mul3A_4195 : vector<16xf32>
      %get3A_4197 = arith.constant 30 : i32
      %get3A_4198 = arith.index_cast %get3A_4197 : i32 to index
      %get3A_4199 = arith.index_cast %squeeze3A_4159 : i32 to index
      %get3A_4200 = arith.constant 48 : index
      %get3A_4201 = tpu.vector_load %arg11[%get3A_4198, %get3A_4199, %get3A_4200] {strides = array<i32>} : memref<32x8x64xf32, #tpu.memory_space<vmem>>, vector<16xf32>,
      %get3A_4202 = arith.constant 30 : i32
      %get3A_4203 = arith.index_cast %get3A_4202 : i32 to index
      %get3A_4204 = arith.index_cast %squeeze3A_4161 : i32 to index
      %get3A_4205 = arith.constant 48 : index
      %get3A_4206 = tpu.vector_load %arg12[%get3A_4203, %get3A_4204, %get3A_4205] {strides = array<i32>} : memref<32x8x64xf32, #tpu.memory_space<vmem>>, vector<16xf32>,
      %mul3A_4207 = arith.mulf %get3A_4201, %get3A_4206 : vector<16xf32>
      %add3A_4208 = arith.addf %add3A_4196, %mul3A_4207 : vector<16xf32>
      %reduce_sum3A_4209 = arith.constant true
      %reduce_sum3A_4210 = vector.broadcast %reduce_sum3A_4209 : i1 to vector<16xi1>
      %reduce_sum3A_4211 = tpu.scan <sum>, %add3A_4208 masked %reduce_sum3A_4210 : vector<16xf32>, vector<16xi1> -> vector<16xf32>
      %reduce_sum3A_4212 = vector.extract %reduce_sum3A_4211[15] : f32 from vector<16xf32>
      %eq3A_4213 = arith.constant 14 : i32
      %eq3A_4214 = vector.broadcast %eq3A_4213 : i32 to vector<16xi32>
      %eq3A_4215 = arith.cmpi eq, %iota3A, %eq3A_4214 : vector<16xi32>
      %broadcast_in_dim3A_4216 = vector.broadcast %reduce_sum3A_4212 : f32 to vector<16xf32>
      %select_n3A_4217 = arith.select %eq3A_4215, %broadcast_in_dim3A_4216, %select_n3A_4157 : vector<16xi1>, vector<16xf32>
      %slice3A_4218 = vector.extract_strided_slice %and3A_3310 {offsets = [15], sizes = [1], strides = [1]} : vector<16xi32> to vector<1xi32>
      %squeeze3A_4219 = vector.extract %slice3A_4218[0] : i32 from vector<1xi32>
      %slice3A_4220 = vector.extract_strided_slice %and3A_3315 {offsets = [15], sizes = [1], strides = [1]} : vector<16xi32> to vector<1xi32>
      %squeeze3A_4221 = vector.extract %slice3A_4220[0] : i32 from vector<1xi32>
      %get3A_4222 = arith.constant 31 : i32
      %get3A_4223 = arith.index_cast %get3A_4222 : i32 to index
      %get3A_4224 = arith.index_cast %squeeze3A_4219 : i32 to index
      %get3A_4225 = arith.constant 0 : index
      %get3A_4226 = tpu.vector_load %arg11[%get3A_4223, %get3A_4224, %get3A_4225] {strides = array<i32>} : memref<32x8x64xf32, #tpu.memory_space<vmem>>, vector<16xf32>,
      %get3A_4227 = arith.constant 31 : i32
      %get3A_4228 = arith.index_cast %get3A_4227 : i32 to index
      %get3A_4229 = arith.index_cast %squeeze3A_4221 : i32 to index
      %get3A_4230 = arith.constant 0 : index
      %get3A_4231 = tpu.vector_load %arg12[%get3A_4228, %get3A_4229, %get3A_4230] {strides = array<i32>} : memref<32x8x64xf32, #tpu.memory_space<vmem>>, vector<16xf32>,
      %mul3A_4232 = arith.mulf %get3A_4226, %get3A_4231 : vector<16xf32>
      %get3A_4233 = arith.constant 31 : i32
      %get3A_4234 = arith.index_cast %get3A_4233 : i32 to index
      %get3A_4235 = arith.index_cast %squeeze3A_4219 : i32 to index
      %get3A_4236 = arith.constant 16 : index
      %get3A_4237 = tpu.vector_load %arg11[%get3A_4234, %get3A_4235, %get3A_4236] {strides = array<i32>} : memref<32x8x64xf32, #tpu.memory_space<vmem>>, vector<16xf32>,
      %get3A_4238 = arith.constant 31 : i32
      %get3A_4239 = arith.index_cast %get3A_4238 : i32 to index
      %get3A_4240 = arith.index_cast %squeeze3A_4221 : i32 to index
      %get3A_4241 = arith.constant 16 : index
      %get3A_4242 = tpu.vector_load %arg12[%get3A_4239, %get3A_4240, %get3A_4241] {strides = array<i32>} : memref<32x8x64xf32, #tpu.memory_space<vmem>>, vector<16xf32>,
      %mul3A_4243 = arith.mulf %get3A_4237, %get3A_4242 : vector<16xf32>
      %add3A_4244 = arith.addf %mul3A_4232, %mul3A_4243 : vector<16xf32>
      %get3A_4245 = arith.constant 31 : i32
      %get3A_4246 = arith.index_cast %get3A_4245 : i32 to index
      %get3A_4247 = arith.index_cast %squeeze3A_4219 : i32 to index
      %get3A_4248 = arith.constant 32 : index
      %get3A_4249 = tpu.vector_load %arg11[%get3A_4246, %get3A_4247, %get3A_4248] {strides = array<i32>} : memref<32x8x64xf32, #tpu.memory_space<vmem>>, vector<16xf32>,
      %get3A_4250 = arith.constant 31 : i32
      %get3A_4251 = arith.index_cast %get3A_4250 : i32 to index
      %get3A_4252 = arith.index_cast %squeeze3A_4221 : i32 to index
      %get3A_4253 = arith.constant 32 : index
      %get3A_4254 = tpu.vector_load %arg12[%get3A_4251, %get3A_4252, %get3A_4253] {strides = array<i32>} : memref<32x8x64xf32, #tpu.memory_space<vmem>>, vector<16xf32>,
      %mul3A_4255 = arith.mulf %get3A_4249, %get3A_4254 : vector<16xf32>
      %add3A_4256 = arith.addf %add3A_4244, %mul3A_4255 : vector<16xf32>
      %get3A_4257 = arith.constant 31 : i32
      %get3A_4258 = arith.index_cast %get3A_4257 : i32 to index
      %get3A_4259 = arith.index_cast %squeeze3A_4219 : i32 to index
      %get3A_4260 = arith.constant 48 : index
      %get3A_4261 = tpu.vector_load %arg11[%get3A_4258, %get3A_4259, %get3A_4260] {strides = array<i32>} : memref<32x8x64xf32, #tpu.memory_space<vmem>>, vector<16xf32>,
      %get3A_4262 = arith.constant 31 : i32
      %get3A_4263 = arith.index_cast %get3A_4262 : i32 to index
      %get3A_4264 = arith.index_cast %squeeze3A_4221 : i32 to index
      %get3A_4265 = arith.constant 48 : index
      %get3A_4266 = tpu.vector_load %arg12[%get3A_4263, %get3A_4264, %get3A_4265] {strides = array<i32>} : memref<32x8x64xf32, #tpu.memory_space<vmem>>, vector<16xf32>,
      %mul3A_4267 = arith.mulf %get3A_4261, %get3A_4266 : vector<16xf32>
      %add3A_4268 = arith.addf %add3A_4256, %mul3A_4267 : vector<16xf32>
      %reduce_sum3A_4269 = arith.constant true
      %reduce_sum3A_4270 = vector.broadcast %reduce_sum3A_4269 : i1 to vector<16xi1>
      %reduce_sum3A_4271 = tpu.scan <sum>, %add3A_4268 masked %reduce_sum3A_4270 : vector<16xf32>, vector<16xi1> -> vector<16xf32>
      %reduce_sum3A_4272 = vector.extract %reduce_sum3A_4271[15] : f32 from vector<16xf32>
      %eq3A_4273 = arith.constant 15 : i32
      %eq3A_4274 = vector.broadcast %eq3A_4273 : i32 to vector<16xi32>
      %eq3A_4275 = arith.cmpi eq, %iota3A, %eq3A_4274 : vector<16xi32>
      %broadcast_in_dim3A_4276 = vector.broadcast %reduce_sum3A_4272 : f32 to vector<16xf32>
      %select_n3A_4277 = arith.select %eq3A_4275, %broadcast_in_dim3A_4276, %select_n3A_4217 : vector<16xi1>, vector<16xf32>
      %swap3A_4278 = arith.index_cast %add3A_3305 : i32 to index
      %swap3A_4279 = tpu.vector_load %arg13[%swap3A_4278] {strides = array<i32>} : memref<512xf32, #tpu.memory_space<vmem>>, vector<16xf32>,
      tpu.vector_store %arg13[%swap3A_4278], %select_n3A_4277 {strides = array<i32>} : memref<512xf32, #tpu.memory_space<vmem>>, vector<16xf32>,
    }
    %scan3A_13 = arith.constant 16 : i32
    "tpu.region"() ({
      %run_scoped3A = tpu.sem_alloc : memref<!tpu.dma_semaphore, #tpu.memory_space<semaphore_mem>>
      %dma_start3A = tpu.memref_slice %arg6[%mul3A_2] : memref<16384xf32, #tpu.memory_space<hbm>> -> memref<512xf32, #tpu.memory_space<hbm>>
      %dma_start3A_14 = tpu.memref_slice %arg6[%mul3A_2] : memref<16384xf32, #tpu.memory_space<hbm>> -> memref<512xf32, #tpu.memory_space<hbm>>
      tpu.enqueue_dma source(%arg13 : memref<512xf32, #tpu.memory_space<vmem>>) target(%dma_start3A_14 : memref<512xf32, #tpu.memory_space<hbm>>) target_semaphore(%run_scoped3A : memref<!tpu.dma_semaphore, #tpu.memory_space<semaphore_mem>>)
      %dma_wait3A = tpu.memref_slice %arg6[%mul3A_2] : memref<16384xf32, #tpu.memory_space<hbm>> -> memref<512xf32, #tpu.memory_space<hbm>>
      %dma_wait3A_15 = tpu.memref_slice %arg6[%mul3A_2] : memref<16384xf32, #tpu.memory_space<hbm>> -> memref<512xf32, #tpu.memory_space<hbm>>
      tpu.wait_dma2 semaphore(%run_scoped3A : memref<!tpu.dma_semaphore, #tpu.memory_space<semaphore_mem>>) src(%arg13 : memref<512xf32, #tpu.memory_space<vmem>>) dst(%dma_wait3A_15 : memref<512xf32, #tpu.memory_space<hbm>>)
      tpu.yield
    }) : () -> ()
    return
  }
}

</mosaic_0001>

<sc_bundles>
// kernel: kernel.3.cloned.1.call-start
scs
__scs_entry_jumppad:
0x0: {  	(pc) =	sbr.rel $0x88, $3  }
0x1: {  	(tag) =	ssettag $0x0;
	lr =	simm.s32 $0x1  }
0x2: {  	[smem:$0x3F9D] =	sst lr;
	_ =	strace $0xD0000000  }
0x3: {  	_ = 	snop  }
0x4: {  	_ = 	snop  }
0x5: {  	_ = 	snop  }
0x6: {  	_ = 	snop  }
0x7: {  	_ = 	snop  }
__scs_overlays_trampoline_lowered:
0x8: {  	[smem:$0x3FAC] =	sst s0  }
0x9: {  	[smem:$0x3FAD] =	sst s1  }
0xa: {  	[smem:$0x3FAE] =	sst s2  }
0xb: {  	[smem:$0x3FAF] =	sst s3  }
0xc: {  	[smem:$0x3FB0] =	sst s4  }
0xd: {  	[smem:$0x3FB1] =	sst s5  }
0xe: {  	[smem:$0x3FB2] =	sst s6  }
0xf: {  	[smem:$0x3FB3] =	sst s7  }
0x10: {  	[smem:$0x3FB4] =	sst s8  }
0x11: {  	[smem:$0x3FB5] =	sst s9;
	s0 =	simm.s32 @!p0 $0x0  }
0x12: {  	s1 =	sld [smem:$0x3F9B];
	s0 =	simm.s32 @p0 $0x1  }
0x13: {  	[smem:$0x3FB6] =	sst s0;
	s0 =	simm.s32 @!p1 $0x0  }
0x14: {  	s2 =	sld [smem:$0x3F9A];
	s0 =	simm.s32 @p1 $0x1  }
0x15: {  	[smem:$0x3FB7] =	sst s0;
	s0 =	simm.s32 @!p2 $0x0  }
0x16: {  	s3 =	sld [smem:$0x3FDB];
	s0 =	simm.s32 @p2 $0x1  }
0x17: {  	s4 =	simm.s32 $0x1BF5;
	[smem:$0x3FB9] =	sst s0  }
0x18: {  	s0 =	sld [smem:$0x3F9C];
	_ =	swait.ge [sflag:s4], $0x0  }
0x19: {  	s7 =	sld [smem:$0x3F9D]  }
0x1a: {  	s8 =	sadd.s32 $0xFFFFE003, lr  }
0x1b: {  	s9 =	sadd.s32 $0xFFFFFEF7, lr;
	s5 =	simm.s32 $0xFFFFFFFF;
	p2 =	slt.u32 s8, $0xFFFFF086  }
0x1c: {  	p1 =	slt.u32 s9, $0xF7A;
	s5 =	simm.s32 @!p2 $0x0  }
0x1d: {  	s5 =	simm.s32 @p1 $0x1;
	p0 =	seq.s32 s7, s2  }
0x1e: {  	s7 =	smul.u32 @!p0 $0xF7A, s2;
	p2 =	seq.s32 @!p0 s5, $0x0  }
0x1f: {  	s9 =	smul.u32 $0xF7A, s1;
	s8 =	simm.s32 @!p0 $0x1BF5;
	p2 =	por !p2, p0  }
0x20: {  	[sflag:s8] =	ssyncset.s32 @!p0 $0xFFFFF086;
	s6 =	sadd.s32 @!p0 s3, s7;
	s7 =	simm.s32 @!p0 $0x108  }
0x21: {  	s3 =	sadd.s32 s3, s9;
	s6 =	sadd.s32 @!p0 $0x88, s6;
	s7 =	simm.s32 @p2 $0x1082  }
0x22: {  	[simem:s7], [sflag:s8] =	dma.local @!p0 [hbm:s6], $0xF7A  }
0x23: {  	s9 =	sor.u32 $0xD0000000, s2;
	s6 =	simm.s32 $0x108;
	_ =	swait.ge @!p0 [sflag:s8], $0x0  }
0x24: {  	s3 =	sadd.s32 $0x88, s3;
	s6 =	simm.s32 @!p1 $0x1082;
	[sflag:s4] =	ssyncset.s32 $0xFFFFF086  }
0x25: {  	[simem:s6], [sflag:s4] =	dma.local [hbm:s3], $0xF7A  }
0x26: {  	[smem:$0x3F9D] =	sst s1;
	(tag) =	ssettag s2;
	_ =	strace s9  }
0x27: {  	s1 =	sld [smem:$0x3FAD]  }
0x28: {  	s2 =	sld [smem:$0x3FAE]  }
0x29: {  	s4 =	sld [smem:$0x3FB0]  }
0x2a: {  	p0 =	seq.s32 s5, $0x0;
	s5 =	sld [smem:$0x3FB1]  }
0x2b: {  	s6 =	sld [smem:$0x3FB2]  }
0x2c: {  	s7 =	sld [smem:$0x3FB3]  }
0x2d: {  	s3 =	simm.s32 $0x108;
	s8 =	sld [smem:$0x3FB4]  }
0x2e: {  	s3 =	simm.s32 @!p0 $0x1082;
	s9 =	sld [smem:$0x3FB5]  }
0x2f: {  	lr =	sadd.s32 s0, s3;
	s0 =	sld [smem:$0x3FAC]  }
0x30: {  	s3 =	sld [smem:$0x3FAF]  }
0x31: {  	[smem:$0x3FB8] =	sst s10  }
0x32: {  	s10 =	sld [smem:$0x3FB6];
	_ =	sdelay $0x3  }
0x33: {  	p0 =	seq.s32 s10, $0x1;
	s10 =	sld [smem:$0x3FB8];
	_ =	sdelay $0x3  }
0x34: {  	[smem:$0x3FB8] =	sst s10  }
0x35: {  	s10 =	sld [smem:$0x3FB7];
	_ =	sdelay $0x3  }
0x36: {  	p1 =	seq.s32 s10, $0x1;
	s10 =	sld [smem:$0x3FB8];
	_ =	sdelay $0x3  }
0x37: {  	[smem:$0x3FB8] =	sst s10  }
0x38: {  	s10 =	sld [smem:$0x3FB9]  }
0x39: {  	_ = 	snop;
	(pc) =	sbr.ind lr, $3  }
0x3a: {  	_ = 	snop  }
0x3b: {  	_ = 	snop  }
0x3c: {  	p2 =	seq.s32 s10, $0x1;
	s10 =	sld [smem:$0x3FB8]  }
0x3d: {  	_ =	shalt  }
0x3e: {  	_ =	shalt  }
0x3f: {  	_ =	shalt  }
0x40: {  	_ =	shalt  }
0x41: {  	_ =	shalt  }
0x42: {  	_ =	shalt  }
0x43: {  	_ =	shalt  }
0x44: {  	_ =	shalt  }
0x45: {  	_ =	shalt  }
0x46: {  	_ =	shalt  }
0x47: {  	_ =	shalt  }
0x48: {  	_ =	shalt  }
0x49: {  	_ =	shalt  }
0x4a: {  	_ =	shalt  }
0x4b: {  	_ =	shalt  }
0x4c: {  	_ =	shalt  }
0x4d: {  	_ =	shalt  }
0x4e: {  	_ =	shalt  }
0x4f: {  	_ =	shalt  }
0x50: {  	_ =	shalt  }
0x51: {  	_ =	shalt  }
0x52: {  	_ =	shalt  }
0x53: {  	_ =	shalt  }
0x54: {  	_ =	shalt  }
0x55: {  	_ =	shalt  }
0x56: {  	_ =	shalt  }
0x57: {  	_ =	shalt  }
0x58: {  	_ =	shalt  }
0x59: {  	_ =	shalt  }
0x5a: {  	_ =	shalt  }
0x5b: {  	_ =	shalt  }
0x5c: {  	_ =	shalt  }
0x5d: {  	_ =	shalt  }
0x5e: {  	_ =	shalt  }
0x5f: {  	_ =	shalt  }
0x60: {  	_ =	shalt  }
0x61: {  	_ =	shalt  }
0x62: {  	_ =	shalt  }
0x63: {  	_ =	shalt  }
0x64: {  	_ =	shalt  }
0x65: {  	_ =	shalt  }
0x66: {  	_ =	shalt  }
0x67: {  	_ =	shalt  }
0x68: {  	_ =	shalt  }
0x69: {  	_ =	shalt  }
0x6a: {  	_ =	shalt  }
0x6b: {  	_ =	shalt  }
0x6c: {  	_ =	shalt  }
0x6d: {  	_ =	shalt  }
0x6e: {  	_ =	shalt  }
0x6f: {  	_ =	shalt  }
0x70: {  	_ =	shalt  }
0x71: {  	_ =	shalt  }
0x72: {  	_ =	shalt  }
0x73: {  	_ =	shalt  }
0x74: {  	_ =	shalt  }
0x75: {  	_ =	shalt  }
0x76: {  	_ =	shalt  }
0x77: {  	_ =	shalt  }
0x78: {  	_ =	shalt  }
0x79: {  	_ =	shalt  }
0x7a: {  	_ =	shalt  }
0x7b: {  	_ =	shalt  }
0x7c: {  	_ =	shalt  }
0x7d: {  	_ =	shalt  }
0x7e: {  	_ =	shalt  }
0x7f: {  	_ =	shalt  }
0x80: {  	_ =	shalt  }
0x81: {  	_ =	shalt  }
0x82: {  	_ =	shalt  }
0x83: {  	_ =	shalt  }
0x84: {  	_ =	shalt  }
0x85: {  	_ =	shalt  }
0x86: {  	_ =	shalt  }
0x87: {  	_ =	shalt  }
.Lfunc_end0:
.L_simem_size_0:
called_computation_lowered:
.L_overlay_start_0:
0x88: {  	s2 =	sld [smem:$0x3FD9]  }
0x89: {  	s3 =	sld [smem:$0x3FFE];
	_ =	sdelay $0x1  }
0x8a: {  	s1 =	srdreg.scid  }
0x8b: {  	s0 =	sand.u32 $0x1, s1  }
0x8c: {  	s17 =	sshll.u32 s0, $0xA;
	s2 =	sadd.s32 s3, s2  }
0x8d: {  	s2 =	sadd.s32 s2, s17  }
0x8e: {  	[smem:$0x3FC4] =	sst s2  }
0x8f: {  	_ = 	snop  }
0x90: {  	s2 =	sld [smem:$0x3FC7]  }
0x91: {  	s18 =	sld [smem:$0x3FC6]  }
0x92: {  	s4 =	sld [smem:$0x3FD0];
	(tm) =	ssettm $0x1  }
0x93: {  	s5 =	sld [smem:$0x3FFB];
	_ =	sdelay $0x3  }
0x94: {  	_ =	strace s5  }
0x95: {  	s5 =	sld [smem:$0x3FFC];
	_ =	sdelay $0x3  }
0x96: {  	_ =	strace s5  }
0x97: {  	s5 =	sld [smem:$0x3FFD];
	_ =	sdelay $0x3  }
0x98: {  	_ =	strace s5  }
0x99: {  	_ =	strace $0x8FFFFFFF  }
0x9a: {  	s19 =	sld [smem:$0x3FDB];
	_ =	sdelay $0x1  }
0x9b: {  	s6 =	simm.s32 $_scs_section_size  }
0x9c: {  	s7 =	simm.s32 $_size__tile_overlayer_lowered;
	s8 =	simm.s32 $_tile_overlayer_lowered  }
0x9d: {  	s22 =	simm.s32 $0x1BFF;
	s21 =	sshll.u32 s8, $0x1;
	s5 =	sadd.s32 s6, s19  }
0x9e: {  	s9 =	simm.s32 $0x0;
	s20 =	sshll.u32 s7, $0x1;
	s7 =	sadd.s32 s21, s5  }
0x9f: {  	[timem:s9], [sflag:s22] =	dma.local [hbm:s7], s20  }
0xa0: {  	_ =	swait.ge [sflag:s22], s20  }
0xa1: {  	s6 =	ssub.s32 $0x0, s20;
	[sflag:s22] =	ssyncset.done $0x0  }
0xa2: {  	[sflag:s22] =	ssyncadd.s32 s6;
	_ =	sdelay $0x1  }
0xa3: {  	s23 =	simm.s32 $0x1B8B  }
0xa4: {  	_ =	swait.ge [sflag:s23], $0x1  }
0xa5: {  	[sflag:s23] =	ssyncset.done $0x0  }
0xa6: {  	s25 =	simm.s32 $0x1B8E;
	s24 =	sld [smem:$0x3FFE];
	[sflag:s23] =	ssyncadd.s32 $0xFFFFFFFF  }
0xa7: {  	s26 =	simm.s32 $execute0_lowered;
	[smem:$0x3FD2] =	sst s25  }
0xa8: {  	s7 =	sshll.u32 s26, $0x1;
	_ =	strace $0x80000046;
	[dreg:$0x1] =	wrdreg $0xFFFFFFFF  }
0xa9: {  	s28 =	simm.s32 $_size_execute0_lowered;
	s5 =	sadd.s32 s5, s7;
	[dreg:$0x0] =	wrdreg $0x0  }
0xaa: {  	s7 =	sshll.u32 s28, $0x1;
	[dreg:$0x2] =	wrdreg s5  }
0xab: {  	[dreg:$0x3] =	wrdreg s7  }
0xac: {  	[dreg:$0x4] =	wrdreg $0xC0  }
0xad: {  	_ =	task [dreg:s9], $0x5FFFF  }
0xae: {  	[dreg:$0x1] =	wrdreg $0xFFFFFFFF  }
0xaf: {  	[dreg:$0x0] =	wrdreg $0x60  }
0xb0: {  	[dreg:$0x2] =	wrdreg s24  }
0xb1: {  	[dreg:$0x3] =	wrdreg s2  }
0xb2: {  	[dreg:$0x4] =	wrdreg s18  }
0xb3: {  	[dreg:$0x5] =	wrdreg s4  }
0xb4: {  	[dreg:$0x6] =	wrdreg $0x9  }
0xb5: {  	_ =	task.clear_ibuf [dreg:s9], $0x7FFFF;
	_ =	strace $0x90000046  }
0xb6: {  	s29 =	simm.s32 $0x9;
	_ =	strace $0x80000048  }
0xb7: {  	_ =	swait.ge [sflag:s29], $0x1  }
0xb8: {  	[sflag:s29] =	ssyncadd.s32 $0xFFFFFFFF  }
0xb9: {  	_ =	strace $0x90000048  }
0xba: {  	_ =	sfence  }
0xbb: {  	s30 =	sld [smem:$0x0];
	_ =	sdelay $0x2  }
0xbc: {  	s31 =	sshll.u32 s1, $0xD;
	s1 =	sshrl.u32 s1, $0x2  }
0xbd: {  	s3 =	sand.u32 $0x4000, s31;
	s1 =	sadd.s32 s1, s30  }
0xbe: {  	s0 =	sor.u32 s3, s0;
	s1 =	sshll.u32 s1, $0x11  }
0xbf: {  	s0 =	sor.u32 s1, s0  }
0xc0: {  	s0 =	sadd.s32 $0x8F2B, s0  }
0xc1: {  	[sflag:s0] =	ssyncadd.remote.s32 $0x1  }
0xc2: {  	_ =	sfence.sel $0xFFFF  }
0xc3: {  	[dreg:$0x0] =	wrdreg $0xFFFFFFFF;
	(pc) =	sbr.abs _section_cstart, $3  }
0xc4: {  	[dreg:$0x1] =	wrdreg $0xFFFFFFFF  }
0xc5: {  	_ =	task.clear_ibuf [dreg:s9], $0x2FFFF;
	_ =	strace $0x9FFFFFFF  }
0xc6: {  	(tm) =	ssettm $0x7FFFFFFF  }
0xc7: {  	_ =	shalt  }
tec
execute0_lowered:
.L_overlay_start_1:
0x0: {  	(tag) =	ssettag $0x1  }
0x1: {  	s3 =	rddreg [dreg:$0x0]  }
0x2: {  	s5 =	rddreg [dreg:$0x1]  }
0x3: {  	s6 =	rddreg [dreg:$0x2]  }
0x4: {  	s7 =	rddreg [dreg:$0x3]  }
0x5: {  	s0 =	rddreg [dreg:$0x4];
	s1 =	simm.s32 $0x0  }
0x6: {  	s2 =	simm.s32 $0x800;
	[smem:$0x7FF] =	sst s1  }
0x7: {  	s17 =	simm.s32 $0x8800;
	_ =	strace $0x80000047;
	[dreg:$0x5] =	wrdreg s2  }
0x8: {  	s18 =	simm.s32 $0xC00;
	[dreg:$0x6] =	wrdreg s17  }
0x9: {  	s19 =	simm.s32 $0x8C00;
	[dreg:$0x7] =	wrdreg s18  }
0xa: {  	s20 =	simm.s32 $0x1000;
	[dreg:$0x8] =	wrdreg s19  }
0xb: {  	s21 =	simm.s32 $0x9000;
	[dreg:$0x9] =	wrdreg s20  }
0xc: {  	s22 =	simm.s32 $0x1400;
	[dreg:$0xa] =	wrdreg s21  }
0xd: {  	s23 =	simm.s32 $0x9400;
	[dreg:$0xb] =	wrdreg s22  }
0xe: {  	s24 =	simm.s32 $0x1800;
	[dreg:$0xc] =	wrdreg s23  }
0xf: {  	s25 =	simm.s32 $0x9800;
	[dreg:$0xd] =	wrdreg s24  }
0x10: {  	s26 =	simm.s32 $0x1C00;
	[dreg:$0xe] =	wrdreg s25  }
0x11: {  	s28 =	simm.s32 $0x9C00;
	[dreg:$0xf] =	wrdreg s26  }
0x12: {  	s29 =	simm.s32 $0x2000;
	[dreg:$0x10] =	wrdreg s28  }
0x13: {  	s30 =	simm.s32 $0xA000;
	[dreg:$0x11] =	wrdreg s29  }
0x14: {  	s31 =	simm.s32 $0x2400;
	[dreg:$0x12] =	wrdreg s30  }
0x15: {  	s4 =	simm.s32 $0xA400;
	[dreg:$0x13] =	wrdreg s31  }
0x16: {  	s8 =	simm.s32 $0x2800;
	[dreg:$0x14] =	wrdreg s4  }
0x17: {  	s9 =	simm.s32 $0xA800;
	[dreg:$0x15] =	wrdreg s8  }
0x18: {  	s10 =	simm.s32 $0x2C00;
	[dreg:$0x16] =	wrdreg s9  }
0x19: {  	s11 =	simm.s32 $0xAC00;
	[dreg:$0x17] =	wrdreg s10  }
0x1a: {  	s12 =	simm.s32 $0x3000;
	[dreg:$0x18] =	wrdreg s11  }
0x1b: {  	s13 =	simm.s32 $0xB000;
	[dreg:$0x19] =	wrdreg s12  }
0x1c: {  	s14 =	simm.s32 $0x3400;
	[dreg:$0x1a] =	wrdreg s13  }
0x1d: {  	s15 =	simm.s32 $0xB400;
	[dreg:$0x1b] =	wrdreg s14  }
0x1e: {  	s16 =	simm.s32 $0x3800;
	[dreg:$0x1c] =	wrdreg s15  }
0x1f: {  	[dreg:$0x1d] =	wrdreg s16;
	s17 =	simm.s32 $0xB800  }
0x20: {  	s18 =	simm.s32 $0x3C00;
	[dreg:$0x1e] =	wrdreg s17  }
0x21: {  	s19 =	simm.s32 $0xBC00;
	[dreg:$0x1f] =	wrdreg s18  }
0x22: {  	s20 =	simm.s32 $0x4000;
	[smem:$0x7D9] =	sst s19  }
0x23: {  	s21 =	simm.s32 $0xC000;
	[smem:$0x7DA] =	sst s20  }
0x24: {  	s22 =	simm.s32 $0x4400;
	[smem:$0x7DB] =	sst s21  }
0x25: {  	s23 =	simm.s32 $0xC400;
	[smem:$0x7DC] =	sst s22  }
0x26: {  	s24 =	simm.s32 $0x4800;
	[smem:$0x7DD] =	sst s23  }
0x27: {  	s25 =	simm.s32 $0xC800;
	[smem:$0x7DE] =	sst s24  }
0x28: {  	s26 =	simm.s32 $0x4C00;
	[smem:$0x7DF] =	sst s25  }
0x29: {  	s28 =	simm.s32 $0xCC00;
	[smem:$0x7E0] =	sst s26  }
0x2a: {  	s29 =	simm.s32 $0x5000;
	[smem:$0x7E1] =	sst s28  }
0x2b: {  	s30 =	simm.s32 $0xD000;
	[smem:$0x7E2] =	sst s29  }
0x2c: {  	s31 =	simm.s32 $0x5400;
	[smem:$0x7E3] =	sst s30  }
0x2d: {  	s4 =	simm.s32 $0xD400;
	[smem:$0x7E4] =	sst s31  }
0x2e: {  	s8 =	simm.s32 $0x5800;
	[smem:$0x7E5] =	sst s4  }
0x2f: {  	s9 =	simm.s32 $0xD800;
	[smem:$0x7E6] =	sst s8  }
0x30: {  	s10 =	simm.s32 $0x5C00;
	[smem:$0x7E7] =	sst s9  }
0x31: {  	s11 =	simm.s32 $0xDC00;
	[smem:$0x7E8] =	sst s10  }
0x32: {  	s12 =	simm.s32 $0x6000;
	[smem:$0x7E9] =	sst s11  }
0x33: {  	s13 =	simm.s32 $0xE000;
	[smem:$0x7EA] =	sst s12  }
0x34: {  	s14 =	simm.s32 $0x6400;
	[smem:$0x7EB] =	sst s13  }
0x35: {  	s15 =	simm.s32 $0xE400;
	[smem:$0x7EC] =	sst s14  }
0x36: {  	s16 =	simm.s32 $0xE800;
	[smem:$0x7ED] =	sst s15  }
0x37: {  	s4 =	simm.s32 $0x6800;
	[smem:$0x7EF] =	sst s16  }
0x38: {  	s17 =	simm.s32 $0x6C00;
	[smem:$0x7EE] =	sst s4  }
0x39: {  	s9 =	simm.s32 $0xEC00;
	[smem:$0x7F0] =	sst s17  }
0x3a: {  	s2 =	sadd.s32 $0x400, s3;
	s18 =	simm.s32 $0x7000;
	[smem:$0x7F1] =	sst s9  }
0x3b: {  	s3 =	sadd.s32 $0xF42800, s3;
	s19 =	simm.s32 $0xF000;
	[smem:$0x7F2] =	sst s18  }
0x3c: {  	s8 =	srdreg.scid;
	s20 =	simm.s32 $0x7400;
	[smem:$0x7F3] =	sst s19  }
0x3d: {  	s21 =	simm.s32 $0xF400;
	s22 =	simm.s32 $0x7800;
	[smem:$0x7F4] =	sst s20  }
0x3e: {  	s24 =	simm.s32 $0xF800;
	s25 =	simm.s32 $0x7C00;
	[smem:$0x7F5] =	sst s21  }
0x3f: {  	s26 =	simm.s32 $0xFC00;
	s28 =	simm.s32 $0x8000;
	[smem:$0x7F6] =	sst s22  }
0x40: {  	s29 =	simm.s32 $0x10000;
	s30 =	simm.s32 $0x8400;
	[smem:$0x7F7] =	sst s24  }
0x41: {  	s31 =	simm.s32 $0x10400;
	s12 =	simm.s32 $0x2;
	[smem:$0x7F8] =	sst s25  }
0x42: {  	s13 =	simm.s32 $0x3;
	s14 =	simm.s32 $0x4;
	[smem:$0x7F9] =	sst s26  }
0x43: {  	s15 =	simm.s32 $0x10800;
	s16 =	simm.s32 $0x0;
	[smem:$0x7FA] =	sst s28  }
0x44: {  	s4 =	stileid.u32;
	s8 =	sand.u32 $0x1, s8;
	[smem:$0x7FB] =	sst s29  }
0x45: {  	vm0 =	vmmov $0x1;
	vm1 =	vmmov $0x3;
	vm2 =	vmmov $0x7;
	[smem:$0x7FC] =	sst s30;
	s9 =	simm.s32 $0x5;
	s10 =	ssub.s32 $0x2, s8  }
0x46: {  	vm3 =	vmmov $0xf;
	vm4 =	vmmov $0x1f;
	vm5 =	vmmov $0x3f;
	s23 =	sshll.u32 s4, $0x7;
	s8 =	sshll.u32 s8, $0x6;
	s11 =	sshrl.u32 s10, $0x1  }
0x47: {  	vm6 =	vmmov $0x7f;
	vm7 =	vmmov $0xff;
	vm8 =	vmmov $0x1ff;
	[smem:$0x7FD] =	sst s31;
	s8 =	sor.u32 s8, s23;
	s10 =	ssub.s32 s10, s11  }
0x48: {  	vm9 =	vmmov $0x3ff;
	vm10 =	vmmov $0x7ff;
	vm11 =	vmmov $0xfff;
	s5 =	sadd.s32 s5, s8;
	s6 =	sadd.s32 s6, s8;
	s7 =	sadd.s32 s7, s8  }
0x49: {  	vm12 =	vmmov $0x1fff;
	vm13 =	vmmov $0x3fff;
	vm14 =	vmmov $0x7fff;
	s11 =	simm.s32 $0x1;
	s8 =	smax.u32 s10, $0x1;
	s10 =	simm.s32 $0x200  }
.LBB2_1:
0x4a: {  	[tilespmem:s1], [sflag:$0x5] =	stream.linear.gather [hbm4b:s5+s1], $0x200, $0x38;
	[tilespmem:$0x10A00] =	vst v63  }
0x4b: {  	_ =	swait.ge [sflag:s9], $0x200  }
0x4c: {  	[sflag:s9] =	ssyncset.done $0x0  }
0x4d: {  	[sflag:s9] =	ssyncadd.s32 $0xFFFFFE00  }
0x4e: {  	[tilespmem:s10], [sflag:$0x5] =	stream.linear.gather [hbm4b:s6+s1], $0x200, $0x38;
	[tilespmem:$0x10A00] =	vst v63  }
0x4f: {  	_ =	swait.ge [sflag:s9], $0x200  }
0x50: {  	[sflag:s9] =	ssyncset.done $0x0  }
0x51: {  	s17 =	simm.s32 $0x0;
	[sflag:s9] =	ssyncadd.s32 $0xFFFFFE00  }
0x52: {  	v0 =	vld [tilespmem:s17+$0x200]  }
0x53: {  	s18 =	simm.s32 $0x40;
	v1 =	vld [tilespmem:s17+$0x0]  }
.LBB2_2:
0x54: {  	p0 =	sne.s32 s18, $0x7C0  }
.Ltmp0:
0x55: {  	_ = 	snop;
	(pc) =	sbr.rel @p0 .LBB2_2-.Ltmp0, $4  }
0x56: {  	_ = 	snop  }
0x57: {  	s19 =	sshra.s32 s18, $0x2;
	s18 =	sadd.s32 $0x40, s18;
	v2 =	vshrl.u32 v0, $0x3  }
0x58: {  	v0 =	vld [tilespmem:s19+$0x200];
	v3 =	vshrl.u32 v1, $0x3;
	[tilespmem:s17+$0x600] =	vst v2  }
0x59: {  	v1 =	vld [tilespmem:s19+$0x0];
	[tilespmem:s17+$0x400] =	vst v3;
	s17 =	smov.u32 s19  }
0x5a: {  	_ =	sdelay $0x2  }
0x5b: {  	v0 =	vshrl.u32 v0, $0x3  }
0x5c: {  	v1 =	vshrl.u32 v1, $0x3;
	[tilespmem:s17+$0x600] =	vst v0  }
0x5d: {  	[tilespmem:s17+$0x400] =	vst v1;
	s17 =	simm.s32 $0x0  }
.LBB2_4:
0x5e: {  	s18 =	sshra.s32 s17, $0x2  }
0x5f: {  	v0 =	vld [tilespmem:s18+$0x400];
	_ =	sdelay $0x1  }
0x60: {  	v2 =	vld [tilespmem:s18+$0x600];
	_ =	sdelay $0x2  }
0x61: {  	v1 =	vshll.u32 v0, $0x7  }
0x62: {  	(v2sf) =	vpush v1, $0x0  }
0x63: {  	v25 =	vshll.u32 v2, $0x7  }
0x64: {  	(v2sf) =	vpush v25, $0x0;
	_ =	sdelay $0x1  }
0x65: {  	(v2sf) =	vpush v1, $0x1;
	_ =	sdelay $0x2  }
0x66: {  	(v2sf) =	vpush v25, $0x1;
	_ =	sdelay $0x7  }
0x67: {  	s19 =	spop (v2sf);
	(v2sf) =	vpush v1, $0x2;
	_ =	sdelay $0x1  }
0x68: {  	s30 =	spop (v2sf);
	(v2sf) =	vpush v25, $0x2;
	_ =	sdelay $0x1  }
0x69: {  	s21 =	spop (v2sf);
	(v2sf) =	vpush v1, $0x3;
	_ =	sdelay $0x2  }
0x6a: {  	s23 =	spop (v2sf);
	(v2sf) =	vpush v25, $0x3;
	_ =	sdelay $0x4  }
0x6b: {  	s19 =	sand.u32 $0x1FFFFF80, s19  }
0x6c: {  	s20 =	rddreg [dreg:$0x5];
	s19 =	sadd.s32 s2, s19  }
0x6d: {  	[tilespmem:s20], [sflag:$0x1] =	stream.linear.gather [hbm4b:s19+s1], $0x400, $0x38;
	[tilespmem:$0x10A00] =	vst v63  }
0x6e: {  	s25 =	spop (v2sf);
	(v2sf) =	vpush v1, $0x4  }
0x6f: {  	s19 =	sand.u32 $0x1FFFFF80, s30  }
0x70: {  	s31 =	rddreg [dreg:$0x6];
	s19 =	sadd.s32 s3, s19;
	s28 =	spop (v2sf);
	(v2sf) =	vpush v25, $0x4  }
0x71: {  	[tilespmem:s31], [sflag:$0x2] =	stream.linear.gather [hbm4b:s19+s1], $0x400, $0x38;
	[tilespmem:$0x10A00] =	vst v63  }
0x72: {  	s19 =	sand.u32 $0x1FFFFF80, s21;
	s30 =	spop (v2sf);
	(v2sf) =	vpush v1, $0x5  }
0x73: {  	s22 =	rddreg [dreg:$0x7];
	s19 =	sadd.s32 s2, s19  }
0x74: {  	[tilespmem:s22], [sflag:$0x3] =	stream.linear.gather [hbm4b:s19+s1], $0x400, $0x38;
	[tilespmem:$0x10A00] =	vst v63  }
0x75: {  	s21 =	spop (v2sf);
	(v2sf) =	vpush v25, $0x5  }
0x76: {  	s19 =	sand.u32 $0x1FFFFF80, s23  }
0x77: {  	s24 =	rddreg [dreg:$0x8];
	s19 =	sadd.s32 s3, s19  }
0x78: {  	[tilespmem:s24], [sflag:$0x4] =	stream.linear.gather [hbm4b:s19+s1], $0x400, $0x38;
	[tilespmem:$0x10A00] =	vst v63  }
0x79: {  	s19 =	sand.u32 $0x1FFFFF80, s25  }
0x7a: {  	s26 =	rddreg [dreg:$0x9];
	s19 =	sadd.s32 s2, s19  }
0x7b: {  	[tilespmem:s26], [sflag:$0x1] =	stream.linear.gather [hbm4b:s19+s1], $0x400, $0x38;
	[tilespmem:$0x10A00] =	vst v63  }
0x7c: {  	s19 =	sand.u32 $0x1FFFFF80, s28  }
0x7d: {  	s29 =	rddreg [dreg:$0xa];
	s19 =	sadd.s32 s3, s19;
	s23 =	spop (v2sf);
	(v2sf) =	vpush v1, $0x6  }
0x7e: {  	[tilespmem:s29], [sflag:$0x2] =	stream.linear.gather [hbm4b:s19+s1], $0x400, $0x38;
	[tilespmem:$0x10A00] =	vst v63  }
0x7f: {  	s25 =	spop (v2sf);
	(v2sf) =	vpush v25, $0x6  }
0x80: {  	s19 =	sand.u32 $0x1FFFFF80, s30  }
0x81: {  	s31 =	rddreg [dreg:$0xb];
	s19 =	sadd.s32 s2, s19;
	s28 =	spop (v2sf);
	(v2sf) =	vpush v1, $0x7  }
0x82: {  	[tilespmem:s31], [sflag:$0x3] =	stream.linear.gather [hbm4b:s19+s1], $0x400, $0x38;
	[tilespmem:$0x10A00] =	vst v63  }
0x83: {  	s19 =	sand.u32 $0x1FFFFF80, s21  }
0x84: {  	s22 =	rddreg [dreg:$0xc];
	s19 =	sadd.s32 s3, s19;
	s30 =	spop (v2sf);
	(v2sf) =	vpush v25, $0x7  }
0x85: {  	[tilespmem:s22], [sflag:$0x4] =	stream.linear.gather [hbm4b:s19+s1], $0x400, $0x38;
	[tilespmem:$0x10A00] =	vst v63  }
0x86: {  	s19 =	sand.u32 $0x1FFFFF80, s23  }
0x87: {  	s24 =	rddreg [dreg:$0xd];
	s19 =	sadd.s32 s2, s19  }
0x88: {  	[tilespmem:s24], [sflag:$0x1] =	stream.linear.gather [hbm4b:s19+s1], $0x400, $0x38;
	[tilespmem:$0x10A00] =	vst v63  }
0x89: {  	s19 =	sand.u32 $0x1FFFFF80, s25  }
0x8a: {  	s26 =	rddreg [dreg:$0xe];
	s19 =	sadd.s32 s3, s19  }
0x8b: {  	[tilespmem:s26], [sflag:$0x2] =	stream.linear.gather [hbm4b:s19+s1], $0x400, $0x38;
	[tilespmem:$0x10A00] =	vst v63  }
0x8c: {  	s21 =	spop (v2sf);
	(v2sf) =	vpush v1, $0x8  }
0x8d: {  	s19 =	sand.u32 $0x1FFFFF80, s28  }
0x8e: {  	s29 =	rddreg [dreg:$0xf];
	s19 =	sadd.s32 s2, s19;
	s23 =	spop (v2sf);
	(v2sf) =	vpush v25, $0x8  }
0x8f: {  	[tilespmem:s29], [sflag:$0x3] =	stream.linear.gather [hbm4b:s19+s1], $0x400, $0x38;
	[tilespmem:$0x10A00] =	vst v63  }
0x90: {  	s19 =	sand.u32 $0x1FFFFF80, s30;
	s25 =	spop (v2sf);
	(v2sf) =	vpush v1, $0x9  }
0x91: {  	s31 =	rddreg [dreg:$0x10];
	s19 =	sadd.s32 s3, s19  }
0x92: {  	[tilespmem:s31], [sflag:$0x4] =	stream.linear.gather [hbm4b:s19+s1], $0x400, $0x38;
	[tilespmem:$0x10A00] =	vst v63  }
0x93: {  	s28 =	spop (v2sf);
	(v2sf) =	vpush v25, $0x9  }
0x94: {  	s19 =	sand.u32 $0x1FFFFF80, s21  }
0x95: {  	s22 =	rddreg [dreg:$0x11];
	s19 =	sadd.s32 s2, s19  }
0x96: {  	[tilespmem:s22], [sflag:$0x1] =	stream.linear.gather [hbm4b:s19+s1], $0x400, $0x38;
	[tilespmem:$0x10A00] =	vst v63  }
0x97: {  	s19 =	sand.u32 $0x1FFFFF80, s23  }
0x98: {  	s24 =	rddreg [dreg:$0x12];
	s19 =	sadd.s32 s3, s19  }
0x99: {  	[tilespmem:s24], [sflag:$0x2] =	stream.linear.gather [hbm4b:s19+s1], $0x400, $0x38;
	[tilespmem:$0x10A00] =	vst v63  }
0x9a: {  	s19 =	sand.u32 $0x1FFFFF80, s25  }
0x9b: {  	s26 =	rddreg [dreg:$0x13];
	s19 =	sadd.s32 s2, s19;
	s30 =	spop (v2sf);
	(v2sf) =	vpush v1, $0xA  }
0x9c: {  	[tilespmem:s26], [sflag:$0x3] =	stream.linear.gather [hbm4b:s19+s1], $0x400, $0x38;
	[tilespmem:$0x10A00] =	vst v63  }
0x9d: {  	s21 =	spop (v2sf);
	(v2sf) =	vpush v25, $0xA  }
0x9e: {  	s19 =	sand.u32 $0x1FFFFF80, s28  }
0x9f: {  	s29 =	rddreg [dreg:$0x14];
	s19 =	sadd.s32 s3, s19;
	s23 =	spop (v2sf);
	(v2sf) =	vpush v1, $0xB  }
0xa0: {  	[tilespmem:s29], [sflag:$0x4] =	stream.linear.gather [hbm4b:s19+s1], $0x400, $0x38;
	[tilespmem:$0x10A00] =	vst v63  }
0xa1: {  	s19 =	sand.u32 $0x1FFFFF80, s30  }
0xa2: {  	s31 =	rddreg [dreg:$0x15];
	s19 =	sadd.s32 s2, s19;
	s25 =	spop (v2sf);
	(v2sf) =	vpush v25, $0xB  }
0xa3: {  	[tilespmem:s31], [sflag:$0x1] =	stream.linear.gather [hbm4b:s19+s1], $0x400, $0x38;
	[tilespmem:$0x10A00] =	vst v63  }
0xa4: {  	s19 =	sand.u32 $0x1FFFFF80, s21  }
0xa5: {  	s22 =	rddreg [dreg:$0x16];
	s19 =	sadd.s32 s3, s19  }
0xa6: {  	[tilespmem:s22], [sflag:$0x2] =	stream.linear.gather [hbm4b:s19+s1], $0x400, $0x38;
	[tilespmem:$0x10A00] =	vst v63  }
0xa7: {  	s19 =	sand.u32 $0x1FFFFF80, s23  }
0xa8: {  	s24 =	rddreg [dreg:$0x17];
	s19 =	sadd.s32 s2, s19  }
0xa9: {  	[tilespmem:s24], [sflag:$0x3] =	stream.linear.gather [hbm4b:s19+s1], $0x400, $0x38;
	[tilespmem:$0x10A00] =	vst v63  }
0xaa: {  	s28 =	spop (v2sf);
	(v2sf) =	vpush v1, $0xC  }
0xab: {  	s19 =	sand.u32 $0x1FFFFF80, s25  }
0xac: {  	s26 =	rddreg [dreg:$0x18];
	s19 =	sadd.s32 s3, s19;
	s30 =	spop (v2sf);
	(v2sf) =	vpush v25, $0xC  }
0xad: {  	[tilespmem:s26], [sflag:$0x4] =	stream.linear.gather [hbm4b:s19+s1], $0x400, $0x38;
	[tilespmem:$0x10A00] =	vst v63  }
0xae: {  	s19 =	sand.u32 $0x1FFFFF80, s28;
	s21 =	spop (v2sf);
	(v2sf) =	vpush v1, $0xD  }
0xaf: {  	s29 =	rddreg [dreg:$0x19];
	s19 =	sadd.s32 s2, s19  }
0xb0: {  	[tilespmem:s29], [sflag:$0x1] =	stream.linear.gather [hbm4b:s19+s1], $0x400, $0x38;
	[tilespmem:$0x10A00] =	vst v63  }
0xb1: {  	s23 =	spop (v2sf);
	(v2sf) =	vpush v25, $0xD  }
0xb2: {  	s19 =	sand.u32 $0x1FFFFF80, s30  }
0xb3: {  	s31 =	rddreg [dreg:$0x1a];
	s19 =	sadd.s32 s3, s19  }
0xb4: {  	[tilespmem:s31], [sflag:$0x2] =	stream.linear.gather [hbm4b:s19+s1], $0x400, $0x38;
	[tilespmem:$0x10A00] =	vst v63  }
0xb5: {  	s19 =	sand.u32 $0x1FFFFF80, s21  }
0xb6: {  	s22 =	rddreg [dreg:$0x1b];
	s19 =	sadd.s32 s2, s19  }
0xb7: {  	[tilespmem:s22], [sflag:$0x3] =	stream.linear.gather [hbm4b:s19+s1], $0x400, $0x38;
	[tilespmem:$0x10A00] =	vst v63  }
0xb8: {  	s19 =	sand.u32 $0x1FFFFF80, s23  }
0xb9: {  	s24 =	rddreg [dreg:$0x1c];
	s19 =	sadd.s32 s3, s19;
	s25 =	spop (v2sf);
	(v2sf) =	vpush v1, $0xE  }
0xba: {  	[tilespmem:s24], [sflag:$0x4] =	stream.linear.gather [hbm4b:s19+s1], $0x400, $0x38;
	[tilespmem:$0x10A00] =	vst v63  }
0xbb: {  	s28 =	spop (v2sf);
	(v2sf) =	vpush v25, $0xE  }
0xbc: {  	s19 =	sand.u32 $0x1FFFFF80, s25  }
0xbd: {  	s26 =	rddreg [dreg:$0x1d];
	s19 =	sadd.s32 s2, s19;
	s30 =	spop (v2sf)  }
0xbe: {  	(v2sf) =	vpush v1, $0xF;
	[tilespmem:s26], [sflag:$0x1] =	stream.linear.gather [hbm4b:s19+s1], $0x400, $0x38;
	[tilespmem:$0x10A00] =	vst v63  }
0xbf: {  	s19 =	sand.u32 $0x1FFFFF80, s28  }
0xc0: {  	s29 =	rddreg [dreg:$0x1e];
	s21 =	spop (v2sf);
	s19 =	sadd.s32 s3, s19  }
0xc1: {  	(v2sf) =	vpush v25, $0xF;
	[tilespmem:s29], [sflag:$0x2] =	stream.linear.gather [hbm4b:s19+s1], $0x400, $0x38;
	[tilespmem:$0x10A00] =	vst v63  }
0xc2: {  	s31 =	rddreg [dreg:$0x1f];
	s19 =	sand.u32 $0x1FFFFF80, s30  }
0xc3: {  	s22 =	sld [smem:$0x7D9];
	s19 =	sadd.s32 s2, s19  }
0xc4: {  	[tilespmem:s31], [sflag:$0x3] =	stream.linear.gather [hbm4b:s19+s1], $0x400, $0x38;
	[tilespmem:$0x10A00] =	vst v63  }
0xc5: {  	s19 =	sand.u32 $0x1FFFFF80, s21  }
0xc6: {  	s19 =	sadd.s32 s3, s19  }
0xc7: {  	[tilespmem:s22], [sflag:$0x4] =	stream.linear.gather [hbm4b:s19+s1], $0x400, $0x38;
	[tilespmem:$0x10A00] =	vst v63  }
0xc8: {  	s24 =	sld [smem:$0x7DA];
	s23 =	spop (v2sf)  }
0xc9: {  	s19 =	sand.u32 $0x1FFFFF80, s23  }
0xca: {  	s26 =	sld [smem:$0x7DB];
	s25 =	spop (v2sf);
	s19 =	sadd.s32 s2, s19  }
0xcb: {  	[tilespmem:s24], [sflag:$0x1] =	stream.linear.gather [hbm4b:s19+s1], $0x400, $0x38;
	[tilespmem:$0x10A00] =	vst v63  }
0xcc: {  	s19 =	sand.u32 $0x1FFFFF80, s25  }
0xcd: {  	s29 =	sld [smem:$0x7DC];
	s28 =	spop (v2sf);
	s19 =	sadd.s32 s3, s19  }
0xce: {  	[tilespmem:s26], [sflag:$0x2] =	stream.linear.gather [hbm4b:s19+s1], $0x400, $0x38;
	[tilespmem:$0x10A00] =	vst v63  }
0xcf: {  	s19 =	sand.u32 $0x1FFFFF80, s28  }
0xd0: {  	s31 =	sld [smem:$0x7DD];
	s30 =	spop (v2sf);
	s19 =	sadd.s32 s2, s19  }
0xd1: {  	[tilespmem:s29], [sflag:$0x3] =	stream.linear.gather [hbm4b:s19+s1], $0x400, $0x38;
	[tilespmem:$0x10A00] =	vst v63  }
0xd2: {  	s19 =	sand.u32 $0x1FFFFF80, s30  }
0xd3: {  	s19 =	sadd.s32 s3, s19  }
0xd4: {  	[tilespmem:s31], [sflag:$0x4] =	stream.linear.gather [hbm4b:s19+s1], $0x400, $0x38;
	[tilespmem:$0x10A00] =	vst v63  }
0xd5: {  	v26 =	vld [tilespmem:s18+$0x410];
	_ =	sdelay $0x1  }
0xd6: {  	v27 =	vld [tilespmem:s18+$0x610];
	_ =	sdelay $0x2  }
0xd7: {  	v28 =	vshll.u32 v26, $0x7  }
0xd8: {  	(v2sf) =	vpush v28, $0x0  }
0xd9: {  	v29 =	vshll.u32 v27, $0x7  }
0xda: {  	(v2sf) =	vpush v29, $0x0;
	_ =	sdelay $0x1  }
0xdb: {  	(v2sf) =	vpush v28, $0x1;
	_ =	sdelay $0x2  }
0xdc: {  	(v2sf) =	vpush v29, $0x1;
	_ =	sdelay $0x7  }
0xdd: {  	s21 =	spop (v2sf);
	(v2sf) =	vpush v28, $0x2;
	_ =	sdelay $0x1  }
0xde: {  	s23 =	spop (v2sf);
	(v2sf) =	vpush v29, $0x2;
	_ =	sdelay $0x1  }
0xdf: {  	s25 =	spop (v2sf);
	(v2sf) =	vpush v28, $0x3;
	_ =	sdelay $0x2  }
0xe0: {  	s28 =	spop (v2sf);
	(v2sf) =	vpush v29, $0x3;
	_ =	sdelay $0x3  }
0xe1: {  	s22 =	sld [smem:$0x7DE]  }
0xe2: {  	s19 =	sand.u32 $0x1FFFFF80, s21  }
0xe3: {  	s19 =	sadd.s32 s2, s19  }
0xe4: {  	[tilespmem:s22], [sflag:$0x1] =	stream.linear.gather [hbm4b:s19+s1], $0x400, $0x38;
	[tilespmem:$0x10A00] =	vst v63  }
0xe5: {  	s24 =	sld [smem:$0x7DF];
	s30 =	spop (v2sf);
	(v2sf) =	vpush v28, $0x4  }
0xe6: {  	s19 =	sand.u32 $0x1FFFFF80, s23  }
0xe7: {  	s26 =	sld [smem:$0x7E0];
	s19 =	sadd.s32 s3, s19;
	s21 =	spop (v2sf);
	(v2sf) =	vpush v29, $0x4  }
0xe8: {  	[tilespmem:s24], [sflag:$0x2] =	stream.linear.gather [hbm4b:s19+s1], $0x400, $0x38;
	[tilespmem:$0x10A00] =	vst v63  }
0xe9: {  	s19 =	sand.u32 $0x1FFFFF80, s25;
	s23 =	spop (v2sf);
	(v2sf) =	vpush v28, $0x5  }
0xea: {  	s19 =	sadd.s32 s2, s19  }
0xeb: {  	[tilespmem:s26], [sflag:$0x3] =	stream.linear.gather [hbm4b:s19+s1], $0x400, $0x38;
	[tilespmem:$0x10A00] =	vst v63  }
0xec: {  	s29 =	sld [smem:$0x7E1];
	s25 =	spop (v2sf);
	(v2sf) =	vpush v29, $0x5  }
0xed: {  	s19 =	sand.u32 $0x1FFFFF80, s28  }
0xee: {  	s31 =	sld [smem:$0x7E2];
	s19 =	sadd.s32 s3, s19  }
0xef: {  	[tilespmem:s29], [sflag:$0x4] =	stream.linear.gather [hbm4b:s19+s1], $0x400, $0x38;
	[tilespmem:$0x10A00] =	vst v63  }
0xf0: {  	s19 =	sand.u32 $0x1FFFFF80, s30  }
0xf1: {  	s22 =	sld [smem:$0x7E3];
	s19 =	sadd.s32 s2, s19  }
0xf2: {  	[tilespmem:s31], [sflag:$0x1] =	stream.linear.gather [hbm4b:s19+s1], $0x400, $0x38;
	[tilespmem:$0x10A00] =	vst v63  }
0xf3: {  	s19 =	sand.u32 $0x1FFFFF80, s21  }
0xf4: {  	s19 =	sadd.s32 s3, s19;
	s28 =	spop (v2sf);
	(v2sf) =	vpush v28, $0x6  }
0xf5: {  	[tilespmem:s22], [sflag:$0x2] =	stream.linear.gather [hbm4b:s19+s1], $0x400, $0x38;
	[tilespmem:$0x10A00] =	vst v63  }
0xf6: {  	s24 =	sld [smem:$0x7E4];
	s30 =	spop (v2sf);
	(v2sf) =	vpush v29, $0x6  }
0xf7: {  	s19 =	sand.u32 $0x1FFFFF80, s23  }
0xf8: {  	s26 =	sld [smem:$0x7E5];
	s19 =	sadd.s32 s2, s19;
	s21 =	spop (v2sf);
	(v2sf) =	vpush v28, $0x7  }
0xf9: {  	[tilespmem:s24], [sflag:$0x3] =	stream.linear.gather [hbm4b:s19+s1], $0x400, $0x38;
	[tilespmem:$0x10A00] =	vst v63  }
0xfa: {  	s19 =	sand.u32 $0x1FFFFF80, s25  }
0xfb: {  	s29 =	sld [smem:$0x7E6];
	s19 =	sadd.s32 s3, s19;
	s23 =	spop (v2sf);
	(v2sf) =	vpush v29, $0x7  }
0xfc: {  	[tilespmem:s26], [sflag:$0x4] =	stream.linear.gather [hbm4b:s19+s1], $0x400, $0x38;
	[tilespmem:$0x10A00] =	vst v63  }
0xfd: {  	s19 =	sand.u32 $0x1FFFFF80, s28  }
0xfe: {  	s31 =	sld [smem:$0x7E7];
	s19 =	sadd.s32 s2, s19  }
0xff: {  	[tilespmem:s29], [sflag:$0x1] =	stream.linear.gather [hbm4b:s19+s1], $0x400, $0x38;
	[tilespmem:$0x10A00] =	vst v63  }
0x100: {  	s19 =	sand.u32 $0x1FFFFF80, s30  }
0x101: {  	s19 =	sadd.s32 s3, s19  }
0x102: {  	[tilespmem:s31], [sflag:$0x2] =	stream.linear.gather [hbm4b:s19+s1], $0x400, $0x38;
	[tilespmem:$0x10A00] =	vst v63  }
0x103: {  	s22 =	sld [smem:$0x7E8];
	s25 =	spop (v2sf);
	(v2sf) =	vpush v28, $0x8  }
0x104: {  	s19 =	sand.u32 $0x1FFFFF80, s21  }
0x105: {  	s24 =	sld [smem:$0x7E9];
	s19 =	sadd.s32 s2, s19;
	s28 =	spop (v2sf);
	(v2sf) =	vpush v29, $0x8  }
0x106: {  	[tilespmem:s22], [sflag:$0x3] =	stream.linear.gather [hbm4b:s19+s1], $0x400, $0x38;
	[tilespmem:$0x10A00] =	vst v63  }
0x107: {  	s19 =	sand.u32 $0x1FFFFF80, s23;
	s30 =	spop (v2sf);
	(v2sf) =	vpush v28, $0x9  }
0x108: {  	s19 =	sadd.s32 s3, s19  }
0x109: {  	[tilespmem:s24], [sflag:$0x4] =	stream.linear.gather [hbm4b:s19+s1], $0x400, $0x38;
	[tilespmem:$0x10A00] =	vst v63  }
0x10a: {  	s26 =	sld [smem:$0x7EA];
	s21 =	spop (v2sf);
	(v2sf) =	vpush v29, $0x9  }
0x10b: {  	s19 =	sand.u32 $0x1FFFFF80, s25  }
0x10c: {  	s29 =	sld [smem:$0x7EB];
	s19 =	sadd.s32 s2, s19  }
0x10d: {  	[tilespmem:s26], [sflag:$0x1] =	stream.linear.gather [hbm4b:s19+s1], $0x400, $0x38;
	[tilespmem:$0x10A00] =	vst v63  }
0x10e: {  	s19 =	sand.u32 $0x1FFFFF80, s28  }
0x10f: {  	s31 =	sld [smem:$0x7EC];
	s19 =	sadd.s32 s3, s19  }
0x110: {  	[tilespmem:s29], [sflag:$0x2] =	stream.linear.gather [hbm4b:s19+s1], $0x400, $0x38;
	[tilespmem:$0x10A00] =	vst v63  }
0x111: {  	s19 =	sand.u32 $0x1FFFFF80, s30  }
0x112: {  	s19 =	sadd.s32 s2, s19;
	s23 =	spop (v2sf);
	(v2sf) =	vpush v28, $0xA  }
0x113: {  	[tilespmem:s31], [sflag:$0x3] =	stream.linear.gather [hbm4b:s19+s1], $0x400, $0x38;
	[tilespmem:$0x10A00] =	vst v63  }
0x114: {  	s22 =	sld [smem:$0x7ED];
	s25 =	spop (v2sf);
	(v2sf) =	vpush v29, $0xA  }
0x115: {  	s19 =	sand.u32 $0x1FFFFF80, s21  }
0x116: {  	s24 =	sld [smem:$0x7EE];
	s19 =	sadd.s32 s3, s19;
	s28 =	spop (v2sf);
	(v2sf) =	vpush v28, $0xB  }
0x117: {  	[tilespmem:s22], [sflag:$0x4] =	stream.linear.gather [hbm4b:s19+s1], $0x400, $0x38;
	[tilespmem:$0x10A00] =	vst v63  }
0x118: {  	s19 =	sand.u32 $0x1FFFFF80, s23  }
0x119: {  	s26 =	sld [smem:$0x7EF];
	s19 =	sadd.s32 s2, s19;
	s30 =	spop (v2sf);
	(v2sf) =	vpush v29, $0xB  }
0x11a: {  	[tilespmem:s24], [sflag:$0x1] =	stream.linear.gather [hbm4b:s19+s1], $0x400, $0x38;
	[tilespmem:$0x10A00] =	vst v63  }
0x11b: {  	s19 =	sand.u32 $0x1FFFFF80, s25  }
0x11c: {  	s29 =	sld [smem:$0x7F0];
	s19 =	sadd.s32 s3, s19  }
0x11d: {  	[tilespmem:s26], [sflag:$0x2] =	stream.linear.gather [hbm4b:s19+s1], $0x400, $0x38;
	[tilespmem:$0x10A00] =	vst v63  }
0x11e: {  	s19 =	sand.u32 $0x1FFFFF80, s28  }
0x11f: {  	s19 =	sadd.s32 s2, s19  }
0x120: {  	[tilespmem:s29], [sflag:$0x3] =	stream.linear.gather [hbm4b:s19+s1], $0x400, $0x38;
	[tilespmem:$0x10A00] =	vst v63  }
0x121: {  	s31 =	sld [smem:$0x7F1];
	s21 =	spop (v2sf);
	(v2sf) =	vpush v28, $0xC  }
0x122: {  	s19 =	sand.u32 $0x1FFFFF80, s30  }
0x123: {  	s22 =	sld [smem:$0x7F2];
	s19 =	sadd.s32 s3, s19;
	s23 =	spop (v2sf);
	(v2sf) =	vpush v29, $0xC  }
0x124: {  	[tilespmem:s31], [sflag:$0x4] =	stream.linear.gather [hbm4b:s19+s1], $0x400, $0x38;
	[tilespmem:$0x10A00] =	vst v63  }
0x125: {  	s19 =	sand.u32 $0x1FFFFF80, s21;
	s25 =	spop (v2sf);
	(v2sf) =	vpush v28, $0xD  }
0x126: {  	s19 =	sadd.s32 s2, s19  }
0x127: {  	[tilespmem:s22], [sflag:$0x1] =	stream.linear.gather [hbm4b:s19+s1], $0x400, $0x38;
	[tilespmem:$0x10A00] =	vst v63  }
0x128: {  	s24 =	sld [smem:$0x7F3];
	s28 =	spop (v2sf);
	(v2sf) =	vpush v29, $0xD  }
0x129: {  	s19 =	sand.u32 $0x1FFFFF80, s23  }
0x12a: {  	s26 =	sld [smem:$0x7F4];
	s19 =	sadd.s32 s3, s19  }
0x12b: {  	[tilespmem:s24], [sflag:$0x2] =	stream.linear.gather [hbm4b:s19+s1], $0x400, $0x38;
	[tilespmem:$0x10A00] =	vst v63  }
0x12c: {  	s19 =	sand.u32 $0x1FFFFF80, s25  }
0x12d: {  	s29 =	sld [smem:$0x7F5];
	s19 =	sadd.s32 s2, s19  }
0x12e: {  	[tilespmem:s26], [sflag:$0x3] =	stream.linear.gather [hbm4b:s19+s1], $0x400, $0x38;
	[tilespmem:$0x10A00] =	vst v63  }
0x12f: {  	s19 =	sand.u32 $0x1FFFFF80, s28  }
0x130: {  	s19 =	sadd.s32 s3, s19;
	s30 =	spop (v2sf);
	(v2sf) =	vpush v28, $0xE  }
0x131: {  	[tilespmem:s29], [sflag:$0x4] =	stream.linear.gather [hbm4b:s19+s1], $0x400, $0x38;
	[tilespmem:$0x10A00] =	vst v63  }
0x132: {  	s31 =	sld [smem:$0x7F6];
	s21 =	spop (v2sf);
	(v2sf) =	vpush v29, $0xE  }
0x133: {  	s19 =	sand.u32 $0x1FFFFF80, s30  }
0x134: {  	s22 =	sld [smem:$0x7F7];
	s19 =	sadd.s32 s2, s19;
	s23 =	spop (v2sf)  }
0x135: {  	(v2sf) =	vpush v28, $0xF;
	[tilespmem:s31], [sflag:$0x1] =	stream.linear.gather [hbm4b:s19+s1], $0x400, $0x38;
	[tilespmem:$0x10A00] =	vst v63  }
0x136: {  	s19 =	sand.u32 $0x1FFFFF80, s21  }
0x137: {  	s24 =	sld [smem:$0x7F8];
	s25 =	spop (v2sf);
	s19 =	sadd.s32 s3, s19  }
0x138: {  	(v2sf) =	vpush v29, $0xF;
	[tilespmem:s22], [sflag:$0x2] =	stream.linear.gather [hbm4b:s19+s1], $0x400, $0x38;
	[tilespmem:$0x10A00] =	vst v63  }
0x139: {  	s19 =	sand.u32 $0x1FFFFF80, s23  }
0x13a: {  	s26 =	sld [smem:$0x7F9];
	s19 =	sadd.s32 s2, s19  }
0x13b: {  	[tilespmem:s24], [sflag:$0x3] =	stream.linear.gather [hbm4b:s19+s1], $0x400, $0x38;
	[tilespmem:$0x10A00] =	vst v63  }
0x13c: {  	s19 =	sand.u32 $0x1FFFFF80, s25  }
0x13d: {  	s19 =	sadd.s32 s3, s19  }
0x13e: {  	[tilespmem:s26], [sflag:$0x4] =	stream.linear.gather [hbm4b:s19+s1], $0x400, $0x38;
	[tilespmem:$0x10A00] =	vst v63  }
0x13f: {  	s29 =	sld [smem:$0x7FA];
	s28 =	spop (v2sf)  }
0x140: {  	s19 =	sand.u32 $0x1FFFFF80, s28  }
0x141: {  	s31 =	sld [smem:$0x7FB];
	s30 =	spop (v2sf);
	s19 =	sadd.s32 s2, s19  }
0x142: {  	[tilespmem:s29], [sflag:$0x1] =	stream.linear.gather [hbm4b:s19+s1], $0x400, $0x38;
	[tilespmem:$0x10A00] =	vst v63  }
0x143: {  	s19 =	sand.u32 $0x1FFFFF80, s30  }
0x144: {  	s22 =	sld [smem:$0x7FC];
	s21 =	spop (v2sf);
	s19 =	sadd.s32 s3, s19  }
0x145: {  	[tilespmem:s31], [sflag:$0x2] =	stream.linear.gather [hbm4b:s19+s1], $0x400, $0x38;
	[tilespmem:$0x10A00] =	vst v63  }
0x146: {  	s19 =	sand.u32 $0x1FFFFF80, s21  }
0x147: {  	s24 =	sld [smem:$0x7FD];
	s23 =	spop (v2sf);
	s19 =	sadd.s32 s2, s19  }
0x148: {  	[tilespmem:s22], [sflag:$0x3] =	stream.linear.gather [hbm4b:s19+s1], $0x400, $0x38;
	[tilespmem:$0x10A00] =	vst v63  }
0x149: {  	s19 =	sand.u32 $0x1FFFFF80, s23  }
0x14a: {  	s19 =	sadd.s32 s3, s19  }
0x14b: {  	[tilespmem:s24], [sflag:$0x4] =	stream.linear.gather [hbm4b:s19+s1], $0x400, $0x38;
	[tilespmem:$0x10A00] =	vst v63  }
0x14c: {  	_ =	swait.ge [sflag:s11], $0x400  }
0x14d: {  	[sflag:s11] =	ssyncset.done $0x0  }
0x14e: {  	[sflag:s11] =	ssyncadd.s32 $0xFFFFFC00  }
0x14f: {  	_ =	swait.ge [sflag:s12], $0x400  }
0x150: {  	[sflag:s12] =	ssyncset.done $0x0  }
0x151: {  	[sflag:s12] =	ssyncadd.s32 $0xFFFFFC00  }
0x152: {  	_ =	swait.ge [sflag:s13], $0x400  }
0x153: {  	[sflag:s13] =	ssyncset.done $0x0  }
0x154: {  	[sflag:s13] =	ssyncadd.s32 $0xFFFFFC00  }
0x155: {  	_ =	swait.ge [sflag:s14], $0x400  }
0x156: {  	[sflag:s14] =	ssyncset.done $0x0  }
0x157: {  	[sflag:s14] =	ssyncadd.s32 $0xFFFFFC00  }
0x158: {  	_ =	swait.ge [sflag:s11], $0x400  }
0x159: {  	[sflag:s11] =	ssyncset.done $0x0  }
0x15a: {  	[sflag:s11] =	ssyncadd.s32 $0xFFFFFC00  }
0x15b: {  	_ =	swait.ge [sflag:s12], $0x400  }
0x15c: {  	[sflag:s12] =	ssyncset.done $0x0  }
0x15d: {  	[sflag:s12] =	ssyncadd.s32 $0xFFFFFC00  }
0x15e: {  	_ =	swait.ge [sflag:s13], $0x400  }
0x15f: {  	[sflag:s13] =	ssyncset.done $0x0  }
0x160: {  	[sflag:s13] =	ssyncadd.s32 $0xFFFFFC00  }
0x161: {  	_ =	swait.ge [sflag:s14], $0x400  }
0x162: {  	[sflag:s14] =	ssyncset.done $0x0  }
0x163: {  	[sflag:s14] =	ssyncadd.s32 $0xFFFFFC00  }
0x164: {  	_ =	swait.ge [sflag:s11], $0x400  }
0x165: {  	[sflag:s11] =	ssyncset.done $0x0  }
0x166: {  	[sflag:s11] =	ssyncadd.s32 $0xFFFFFC00  }
0x167: {  	_ =	swait.ge [sflag:s12], $0x400  }
0x168: {  	[sflag:s12] =	ssyncset.done $0x0  }
0x169: {  	[sflag:s12] =	ssyncadd.s32 $0xFFFFFC00  }
0x16a: {  	_ =	swait.ge [sflag:s13], $0x400  }
0x16b: {  	[sflag:s13] =	ssyncset.done $0x0  }
0x16c: {  	[sflag:s13] =	ssyncadd.s32 $0xFFFFFC00  }
0x16d: {  	_ =	swait.ge [sflag:s14], $0x400  }
0x16e: {  	[sflag:s14] =	ssyncset.done $0x0  }
0x16f: {  	[sflag:s14] =	ssyncadd.s32 $0xFFFFFC00  }
0x170: {  	_ =	swait.ge [sflag:s11], $0x400  }
0x171: {  	[sflag:s11] =	ssyncset.done $0x0  }
0x172: {  	[sflag:s11] =	ssyncadd.s32 $0xFFFFFC00  }
0x173: {  	_ =	swait.ge [sflag:s12], $0x400  }
0x174: {  	[sflag:s12] =	ssyncset.done $0x0  }
0x175: {  	[sflag:s12] =	ssyncadd.s32 $0xFFFFFC00  }
0x176: {  	_ =	swait.ge [sflag:s13], $0x400  }
0x177: {  	[sflag:s13] =	ssyncset.done $0x0  }
0x178: {  	[sflag:s13] =	ssyncadd.s32 $0xFFFFFC00  }
0x179: {  	_ =	swait.ge [sflag:s14], $0x400  }
0x17a: {  	[sflag:s14] =	ssyncset.done $0x0  }
0x17b: {  	[sflag:s14] =	ssyncadd.s32 $0xFFFFFC00  }
0x17c: {  	_ =	swait.ge [sflag:s11], $0x400  }
0x17d: {  	[sflag:s11] =	ssyncset.done $0x0  }
0x17e: {  	[sflag:s11] =	ssyncadd.s32 $0xFFFFFC00  }
0x17f: {  	_ =	swait.ge [sflag:s12], $0x400  }
0x180: {  	[sflag:s12] =	ssyncset.done $0x0  }
0x181: {  	[sflag:s12] =	ssyncadd.s32 $0xFFFFFC00  }
0x182: {  	_ =	swait.ge [sflag:s13], $0x400  }
0x183: {  	[sflag:s13] =	ssyncset.done $0x0  }
0x184: {  	[sflag:s13] =	ssyncadd.s32 $0xFFFFFC00  }
0x185: {  	_ =	swait.ge [sflag:s14], $0x400  }
0x186: {  	[sflag:s14] =	ssyncset.done $0x0  }
0x187: {  	[sflag:s14] =	ssyncadd.s32 $0xFFFFFC00  }
0x188: {  	_ =	swait.ge [sflag:s11], $0x400  }
0x189: {  	[sflag:s11] =	ssyncset.done $0x0  }
0x18a: {  	[sflag:s11] =	ssyncadd.s32 $0xFFFFFC00  }
0x18b: {  	_ =	swait.ge [sflag:s12], $0x400  }
0x18c: {  	[sflag:s12] =	ssyncset.done $0x0  }
0x18d: {  	[sflag:s12] =	ssyncadd.s32 $0xFFFFFC00  }
0x18e: {  	_ =	swait.ge [sflag:s13], $0x400  }
0x18f: {  	[sflag:s13] =	ssyncset.done $0x0  }
0x190: {  	[sflag:s13] =	ssyncadd.s32 $0xFFFFFC00  }
0x191: {  	_ =	swait.ge [sflag:s14], $0x400  }
0x192: {  	[sflag:s14] =	ssyncset.done $0x0  }
0x193: {  	[sflag:s14] =	ssyncadd.s32 $0xFFFFFC00  }
0x194: {  	_ =	swait.ge [sflag:s11], $0x400  }
0x195: {  	[sflag:s11] =	ssyncset.done $0x0  }
0x196: {  	[sflag:s11] =	ssyncadd.s32 $0xFFFFFC00  }
0x197: {  	_ =	swait.ge [sflag:s12], $0x400  }
0x198: {  	[sflag:s12] =	ssyncset.done $0x0  }
0x199: {  	[sflag:s12] =	ssyncadd.s32 $0xFFFFFC00  }
0x19a: {  	_ =	swait.ge [sflag:s13], $0x400  }
0x19b: {  	[sflag:s13] =	ssyncset.done $0x0  }
0x19c: {  	[sflag:s13] =	ssyncadd.s32 $0xFFFFFC00  }
0x19d: {  	_ =	swait.ge [sflag:s14], $0x400  }
0x19e: {  	[sflag:s14] =	ssyncset.done $0x0  }
0x19f: {  	[sflag:s14] =	ssyncadd.s32 $0xFFFFFC00  }
0x1a0: {  	_ =	swait.ge [sflag:s11], $0x400  }
0x1a1: {  	[sflag:s11] =	ssyncset.done $0x0  }
0x1a2: {  	[sflag:s11] =	ssyncadd.s32 $0xFFFFFC00  }
0x1a3: {  	_ =	swait.ge [sflag:s12], $0x400  }
0x1a4: {  	[sflag:s12] =	ssyncset.done $0x0  }
0x1a5: {  	[sflag:s12] =	ssyncadd.s32 $0xFFFFFC00  }
0x1a6: {  	_ =	swait.ge [sflag:s13], $0x400  }
0x1a7: {  	[sflag:s13] =	ssyncset.done $0x0  }
0x1a8: {  	[sflag:s13] =	ssyncadd.s32 $0xFFFFFC00  }
0x1a9: {  	_ =	swait.ge [sflag:s14], $0x400  }
0x1aa: {  	[sflag:s14] =	ssyncset.done $0x0  }
0x1ab: {  	[sflag:s14] =	ssyncadd.s32 $0xFFFFFC00  }
0x1ac: {  	_ =	swait.ge [sflag:s11], $0x400  }
0x1ad: {  	[sflag:s11] =	ssyncset.done $0x0  }
0x1ae: {  	[sflag:s11] =	ssyncadd.s32 $0xFFFFFC00  }
0x1af: {  	_ =	swait.ge [sflag:s12], $0x400  }
0x1b0: {  	[sflag:s12] =	ssyncset.done $0x0  }
0x1b1: {  	[sflag:s12] =	ssyncadd.s32 $0xFFFFFC00  }
0x1b2: {  	_ =	swait.ge [sflag:s13], $0x400  }
0x1b3: {  	[sflag:s13] =	ssyncset.done $0x0  }
0x1b4: {  	[sflag:s13] =	ssyncadd.s32 $0xFFFFFC00  }
0x1b5: {  	_ =	swait.ge [sflag:s14], $0x400  }
0x1b6: {  	[sflag:s14] =	ssyncset.done $0x0  }
0x1b7: {  	[sflag:s14] =	ssyncadd.s32 $0xFFFFFC00  }
0x1b8: {  	_ =	swait.ge [sflag:s11], $0x400  }
0x1b9: {  	[sflag:s11] =	ssyncset.done $0x0  }
0x1ba: {  	[sflag:s11] =	ssyncadd.s32 $0xFFFFFC00  }
0x1bb: {  	_ =	swait.ge [sflag:s12], $0x400  }
0x1bc: {  	[sflag:s12] =	ssyncset.done $0x0  }
0x1bd: {  	[sflag:s12] =	ssyncadd.s32 $0xFFFFFC00  }
0x1be: {  	_ =	swait.ge [sflag:s13], $0x400  }
0x1bf: {  	[sflag:s13] =	ssyncset.done $0x0  }
0x1c0: {  	[sflag:s13] =	ssyncadd.s32 $0xFFFFFC00  }
0x1c1: {  	_ =	swait.ge [sflag:s14], $0x400  }
0x1c2: {  	[sflag:s14] =	ssyncset.done $0x0  }
0x1c3: {  	[sflag:s14] =	ssyncadd.s32 $0xFFFFFC00  }
0x1c4: {  	_ =	swait.ge [sflag:s11], $0x400  }
0x1c5: {  	[sflag:s11] =	ssyncset.done $0x0  }
0x1c6: {  	[sflag:s11] =	ssyncadd.s32 $0xFFFFFC00  }
0x1c7: {  	_ =	swait.ge [sflag:s12], $0x400  }
0x1c8: {  	[sflag:s12] =	ssyncset.done $0x0  }
0x1c9: {  	[sflag:s12] =	ssyncadd.s32 $0xFFFFFC00  }
0x1ca: {  	_ =	swait.ge [sflag:s13], $0x400  }
0x1cb: {  	[sflag:s13] =	ssyncset.done $0x0  }
0x1cc: {  	[sflag:s13] =	ssyncadd.s32 $0xFFFFFC00  }
0x1cd: {  	_ =	swait.ge [sflag:s14], $0x400  }
0x1ce: {  	[sflag:s14] =	ssyncset.done $0x0  }
0x1cf: {  	[sflag:s14] =	ssyncadd.s32 $0xFFFFFC00  }
0x1d0: {  	_ =	swait.ge [sflag:s11], $0x400  }
0x1d1: {  	[sflag:s11] =	ssyncset.done $0x0  }
0x1d2: {  	[sflag:s11] =	ssyncadd.s32 $0xFFFFFC00  }
0x1d3: {  	_ =	swait.ge [sflag:s12], $0x400  }
0x1d4: {  	[sflag:s12] =	ssyncset.done $0x0  }
0x1d5: {  	[sflag:s12] =	ssyncadd.s32 $0xFFFFFC00  }
0x1d6: {  	_ =	swait.ge [sflag:s13], $0x400  }
0x1d7: {  	[sflag:s13] =	ssyncset.done $0x0  }
0x1d8: {  	[sflag:s13] =	ssyncadd.s32 $0xFFFFFC00  }
0x1d9: {  	_ =	swait.ge [sflag:s14], $0x400  }
0x1da: {  	[sflag:s14] =	ssyncset.done $0x0  }
0x1db: {  	[sflag:s14] =	ssyncadd.s32 $0xFFFFFC00  }
0x1dc: {  	_ =	swait.ge [sflag:s11], $0x400  }
0x1dd: {  	[sflag:s11] =	ssyncset.done $0x0  }
0x1de: {  	[sflag:s11] =	ssyncadd.s32 $0xFFFFFC00  }
0x1df: {  	_ =	swait.ge [sflag:s12], $0x400  }
0x1e0: {  	[sflag:s12] =	ssyncset.done $0x0  }
0x1e1: {  	[sflag:s12] =	ssyncadd.s32 $0xFFFFFC00  }
0x1e2: {  	_ =	swait.ge [sflag:s13], $0x400  }
0x1e3: {  	[sflag:s13] =	ssyncset.done $0x0  }
0x1e4: {  	[sflag:s13] =	ssyncadd.s32 $0xFFFFFC00  }
0x1e5: {  	_ =	swait.ge [sflag:s14], $0x400  }
0x1e6: {  	[sflag:s14] =	ssyncset.done $0x0  }
0x1e7: {  	[sflag:s14] =	ssyncadd.s32 $0xFFFFFC00  }
0x1e8: {  	_ =	swait.ge [sflag:s11], $0x400  }
0x1e9: {  	[sflag:s11] =	ssyncset.done $0x0  }
0x1ea: {  	[sflag:s11] =	ssyncadd.s32 $0xFFFFFC00  }
0x1eb: {  	_ =	swait.ge [sflag:s12], $0x400  }
0x1ec: {  	[sflag:s12] =	ssyncset.done $0x0  }
0x1ed: {  	[sflag:s12] =	ssyncadd.s32 $0xFFFFFC00  }
0x1ee: {  	_ =	swait.ge [sflag:s13], $0x400  }
0x1ef: {  	[sflag:s13] =	ssyncset.done $0x0  }
0x1f0: {  	[sflag:s13] =	ssyncadd.s32 $0xFFFFFC00  }
0x1f1: {  	_ =	swait.ge [sflag:s14], $0x400  }
0x1f2: {  	[sflag:s14] =	ssyncset.done $0x0  }
0x1f3: {  	[sflag:s14] =	ssyncadd.s32 $0xFFFFFC00  }
0x1f4: {  	_ =	swait.ge [sflag:s11], $0x400  }
0x1f5: {  	[sflag:s11] =	ssyncset.done $0x0  }
0x1f6: {  	[sflag:s11] =	ssyncadd.s32 $0xFFFFFC00  }
0x1f7: {  	_ =	swait.ge [sflag:s12], $0x400  }
0x1f8: {  	[sflag:s12] =	ssyncset.done $0x0  }
0x1f9: {  	[sflag:s12] =	ssyncadd.s32 $0xFFFFFC00  }
0x1fa: {  	_ =	swait.ge [sflag:s13], $0x400  }
0x1fb: {  	[sflag:s13] =	ssyncset.done $0x0  }
0x1fc: {  	[sflag:s13] =	ssyncadd.s32 $0xFFFFFC00  }
0x1fd: {  	_ =	swait.ge [sflag:s14], $0x400  }
0x1fe: {  	[sflag:s14] =	ssyncset.done $0x0  }
0x1ff: {  	[sflag:s14] =	ssyncadd.s32 $0xFFFFFC00  }
0x200: {  	_ =	swait.ge [sflag:s11], $0x400  }
0x201: {  	[sflag:s11] =	ssyncset.done $0x0  }
0x202: {  	[sflag:s11] =	ssyncadd.s32 $0xFFFFFC00  }
0x203: {  	_ =	swait.ge [sflag:s12], $0x400  }
0x204: {  	[sflag:s12] =	ssyncset.done $0x0  }
0x205: {  	[sflag:s12] =	ssyncadd.s32 $0xFFFFFC00  }
0x206: {  	_ =	swait.ge [sflag:s13], $0x400  }
0x207: {  	[sflag:s13] =	ssyncset.done $0x0  }
0x208: {  	[sflag:s13] =	ssyncadd.s32 $0xFFFFFC00  }
0x209: {  	_ =	swait.ge [sflag:s14], $0x400  }
0x20a: {  	[sflag:s14] =	ssyncset.done $0x0  }
0x20b: {  	[sflag:s14] =	ssyncadd.s32 $0xFFFFFC00  }
0x20c: {  	v30 =	vld [tilespmem:s18+$0x0];
	_ =	sdelay $0x4  }
0x20d: {  	v31 =	vld [tilespmem:s18+$0x200];
	v0 =	vand.u32 $0x7, v30  }
0x20e: {  	v1 =	vshll.u32 v0, $0x7  }
0x20f: {  	(v2sf) =	vpush v1, $0x1;
	_ =	sdelay $0x1  }
0x210: {  	(v2sf) =	vpush v1, $0x0  }
0x211: {  	v32 =	vand.u32 $0x7, v31  }
0x212: {  	v0 =	vshll.u32 v32, $0x7  }
0x213: {  	(v2sf) =	vpush v0, $0x1  }
0x214: {  	(v2sf) =	vpush v0, $0x0;
	_ =	sdelay $0x8  }
0x215: {  	s25 =	spop (v2sf);
	(v2sf) =	vpush v1, $0x3;
	_ =	sdelay $0x1  }
0x216: {  	s26 =	spop (v2sf);
	(v2sf) =	vpush v1, $0x2;
	v5 =	vld [tilespmem:s25+$0xC00]  }
0x217: {  	v3 =	vld [tilespmem:s25+$0xC10]  }
0x218: {  	v7 =	vld [tilespmem:s25+$0xC20]  }
0x219: {  	v11 =	vld [tilespmem:s25+$0xC30];
	s21 =	spop (v2sf);
	(v2sf) =	vpush v0, $0x3  }
0x21a: {  	v56 =	vld [tilespmem:s26+$0x800];
	s22 =	spop (v2sf);
	(v2sf) =	vpush v0, $0x2  }
0x21b: {  	v58 =	vld [tilespmem:s26+$0x810]  }
0x21c: {  	v60 =	vld [tilespmem:s26+$0x820]  }
0x21d: {  	v62 =	vld [tilespmem:s26+$0x830]  }
0x21e: {  	v4 =	vld [tilespmem:s21+$0x8C00]  }
0x21f: {  	v2 =	vld [tilespmem:s21+$0x8C10]  }
0x220: {  	v6 =	vld [tilespmem:s21+$0x8C20]  }
0x221: {  	v57 =	vld [tilespmem:s22+$0x8800]  }
0x222: {  	v59 =	vld [tilespmem:s22+$0x8810]  }
0x223: {  	v61 =	vld [tilespmem:s22+$0x8820];
	s28 =	spop (v2sf)  }
0x224: {  	v9 =	vld [tilespmem:s28+$0x1400]  }
0x225: {  	s29 =	spop (v2sf);
	v34 =	vld [tilespmem:s28+$0x1410]  }
0x226: {  	v19 =	vld [tilespmem:s29+$0x1000]  }
0x227: {  	(v2sf) =	vpush v1, $0x5;
	v12 =	vld [tilespmem:s29+$0x1010]  }
0x228: {  	s30 =	spop (v2sf);
	v16 =	vld [tilespmem:s29+$0x1020]  }
0x229: {  	s31 =	spop (v2sf);
	v33 =	vld [tilespmem:s30+$0x9400]  }
0x22a: {  	v14 =	vld [tilespmem:s31+$0x9000]  }
0x22b: {  	(v2sf) =	vpush v1, $0x4;
	v10 =	vld [tilespmem:s31+$0x9010]  }
0x22c: {  	v35 =	vld [tilespmem:s30+$0x9410]  }
0x22d: {  	v4 =	vmul.f32 v4, v5;
	v13 =	vld [tilespmem:s31+$0x9020]  }
0x22e: {  	v56 =	vmul.f32 v57, v56;
	v57 =	vmul.f32 v59, v58;
	v52 =	vld [tilespmem:s29+$0x1030];
	[tilespmem:$0x1FCE0] =	vst v9  }
0x22f: {  	v2 =	vmul.f32 v2, v3;
	v60 =	vmul.f32 v61, v60;
	(v2sf) =	vpush v0, $0x5;
	v20 =	vld [tilespmem:s31+$0x9030];
	[tilespmem:$0x1FD00] =	vst v34  }
0x230: {  	v8 =	vld [tilespmem:s21+$0x8C30];
	v5 =	vadd.f32 v57, v56;
	[tilespmem:$0x1FCF0] =	vst v33;
	v59 =	vmul.f32 v14, v19;
	v10 =	vmul.f32 v10, v12  }
0x231: {  	v63 =	vld [tilespmem:s22+$0x8830];
	v61 =	vmul.f32 v6, v7;
	v2 =	vadd.f32 v2, v4;
	(v2sf) =	vpush v0, $0x4;
	[tilespmem:$0x1FD10] =	vst v35  }
0x232: {  	v5 =	vadd.f32 v60, v5;
	v9 =	vld [tilespmem:s28+$0x1420];
	v60 =	vmul.f32 v13, v16;
	v6 =	vadd.f32 v10, v59  }
0x233: {  	v36 =	vld [tilespmem:s30+$0x9420]  }
0x234: {  	v2 =	vadd.f32 v61, v2;
	v37 =	vld [tilespmem:s28+$0x1430];
	v61 =	vmul.f32 v20, v52;
	v6 =	vadd.f32 v60, v6  }
0x235: {  	v38 =	vld [tilespmem:s30+$0x9430]  }
0x236: {  	v62 =	vmul.f32 v63, v62;
	s23 =	spop (v2sf);
	v6 =	vadd.f32 v61, v6;
	v61 =	vld [tilespmem:$0x1FCE0]  }
0x237: {  	v24 =	vld [tilespmem:s23+$0x1C00]  }
0x238: {  	v63 =	vmul.f32 v8, v11;
	v5 =	vadd.f32 v62, v5;
	v32 =	vld [tilespmem:s23+$0x1C10]  }
0x239: {  	v39 =	vld [tilespmem:s23+$0x1C20]  }
0x23a: {  	v2 =	vadd.f32 v63, v2;
	(xrf2) =	vadd.scan.msk.f32 $0xffff, v5;
	s24 =	spop (v2sf);
	v43 =	vld [tilespmem:s23+$0x1C30]  }
0x23b: {  	v28 =	vld [tilespmem:s24+$0x1800]  }
0x23c: {  	(xrf2) =	vadd.scan.msk.f32 $0xffff, v2;
	(v2sf) =	vpush v1, $0x7;
	v40 =	vld [tilespmem:s24+$0x1810]  }
0x23d: {  	v23 =	vld [tilespmem:s24+$0x1820]  }
0x23e: {  	s25 =	spop (v2sf);
	v30 =	vld [tilespmem:s24+$0x1830]  }
0x23f: {  	v31 =	vld [tilespmem:s25+$0x9C00]  }
0x240: {  	(v2sf) =	vpush v1, $0x6;
	v35 =	vld [tilespmem:s25+$0x9C10]  }
0x241: {  	v42 =	vld [tilespmem:s25+$0x9C20]  }
0x242: {  	s26 =	spop (v2sf);
	v44 =	vld [tilespmem:s25+$0x9C30]  }
0x243: {  	[tilespmem:$0x1FD50] =	vst v38;
	v38 =	vld [tilespmem:s26+$0x9800]  }
0x244: {  	v41 =	vld [tilespmem:s26+$0x9810];
	v62, _, _ =	vpop (xrf2)  }
0x245: {  	(xrf2) =	vadd.scan.msk.f32 $0xffff, v6;
	v6 =	vbroadcast v62, $0xF;
	v62 =	vld [tilespmem:$0x1FCF0]  }
0x246: {  	(v2sf) =	vpush v0, $0x7;
	v29 =	vld [tilespmem:s26+$0x9820];
	v63, _, _ =	vpop (xrf2)  }
0x247: {  	v34 =	vld [tilespmem:s26+$0x9830];
	v52 =	vbroadcast v63, $0xF  }
0x248: {  	[tilespmem:$0x1FD20] =	vst v9;
	(v2sf) =	vpush v0, $0x6;
	v63 =	vld [tilespmem:$0x1FD10]  }
0x249: {  	v6 =	vsel vm0, v6, v52;
	v52 =	vld [tilespmem:$0x1FD20];
	v28 =	vmul.f32 v38, v28;
	v38 =	vmul.f32 v41, v40  }
0x24a: {  	[tilespmem:$0x1FD60] =	vst v39;
	v61 =	vmul.f32 v62, v61;
	v62 =	vld [tilespmem:$0x1FD00]  }
0x24b: {  	v28 =	vadd.f32 v38, v28;
	v38 =	vld [tilespmem:$0x1FD60];
	s28 =	spop (v2sf)  }
0x24c: {  	v26 =	vld [tilespmem:s28+$0x2400]  }
0x24d: {  	v46 =	vld [tilespmem:s28+$0x2410]  }
0x24e: {  	v49 =	vld [tilespmem:s28+$0x2420]  }
0x24f: {  	s29 =	spop (v2sf);
	v50 =	vld [tilespmem:s28+$0x2430]  }
0x250: {  	v53 =	vld [tilespmem:s29+$0x2000]  }
0x251: {  	v17 =	vld [tilespmem:s29+$0x2010]  }
0x252: {  	[tilespmem:$0x1FD90] =	vst v44;
	v62 =	vmul.f32 v63, v62;
	v44 =	vld [tilespmem:s29+$0x2020]  }
0x253: {  	[tilespmem:$0x1FD30] =	vst v36;
	v45 =	vld [tilespmem:s29+$0x2030]  }
0x254: {  	v41 =	vadd.f32 v62, v61;
	v61 =	vld [tilespmem:$0x1FD30]  }
0x255: {  	(v2sf) =	vpush v1, $0x9;
	s30 =	spop (v2sf);
	v62 =	vld [tilespmem:$0x1FD50]  }
0x256: {  	v33 =	vld [tilespmem:s30+$0xA400]  }
0x257: {  	s31 =	spop (v2sf);
	v48 =	vld [tilespmem:s30+$0xA410]  }
0x258: {  	(v2sf) =	vpush v1, $0x8;
	v18 =	vld [tilespmem:s31+$0xA000]  }
0x259: {  	v15 =	vld [tilespmem:s31+$0xA010]  }
0x25a: {  	v27 =	vld [tilespmem:s30+$0xA420]  }
0x25b: {  	[tilespmem:$0x1FD40] =	vst v37;
	v23 =	vmul.f32 v29, v23;
	v47 =	vld [tilespmem:s31+$0xA020];
	v52 =	vmul.f32 v61, v52  }
0x25c: {  	v24 =	vmul.f32 v31, v24;
	v29 =	vmul.f32 v34, v30;
	(v2sf) =	vpush v0, $0x9;
	v61 =	vld [tilespmem:$0x1FD40]  }
0x25d: {  	v23 =	vadd.f32 v23, v28;
	v21 =	vld [tilespmem:s30+$0xA430];
	v41 =	vadd.f32 v52, v41;
	v52 =	vmul.f32 v35, v32  }
0x25e: {  	(v2sf) =	vpush v0, $0x8;
	v25 =	vld [tilespmem:s31+$0xA030];
	[tilespmem:$0x1FDD0] =	vst v49;
	v18 =	vmul.f32 v18, v53;
	v15 =	vmul.f32 v15, v17;
	v53, _, _ =	vpop (xrf2)  }
0x25f: {  	v23 =	vadd.f32 v29, v23;
	[tilespmem:$0x1FDA0] =	vst v45;
	v29 =	vbroadcast v53, $0xF;
	v53 =	vld [tilespmem:$0x1FDD0]  }
0x260: {  	[tilespmem:$0x1FDB0] =	vst v46;
	v24 =	vadd.f32 v52, v24;
	v15 =	vadd.f32 v15, v18;
	v52 =	vmul.f32 v47, v44;
	v44 =	vld [tilespmem:$0x1FDA0]  }
0x261: {  	[tilespmem:$0x1FDC0] =	vst v48;
	v47 =	vld [tilespmem:$0x1FDB0];
	v61 =	vmul.f32 v62, v61  }
0x262: {  	[tilespmem:$0x1FD70] =	vst v42;
	v15 =	vadd.f32 v52, v15;
	v52 =	vld [tilespmem:$0x1FDC0]  }
0x263: {  	[tilespmem:$0x1FD80] =	vst v43;
	v28 =	vadd.f32 v61, v41;
	v41 =	vld [tilespmem:$0x1FD70]  }
0x264: {  	v61 =	vld [tilespmem:$0x1FD80];
	s23 =	spop (v2sf)  }
0x265: {  	v46 =	vld [tilespmem:s23+$0x2C00]  }
0x266: {  	v36 =	vld [tilespmem:s23+$0x2C20]  }
0x267: {  	s24 =	spop (v2sf);
	v22 =	vld [tilespmem:s23+$0x2C30]  }
0x268: {  	v42 =	vld [tilespmem:s24+$0x2800]  }
0x269: {  	(v2sf) =	vpush v1, $0xB;
	v49 =	vld [tilespmem:s24+$0x2810]  }
0x26a: {  	v43 =	vld [tilespmem:s24+$0x2820]  }
0x26b: {  	(v2sf) =	vpush v1, $0xA;
	s25 =	spop (v2sf);
	v51 =	vld [tilespmem:s24+$0x2830]  }
0x26c: {  	[tilespmem:$0x1FDE0] =	vst v50;
	(v2sf) =	vpush v0, $0xB;
	v50 =	vld [tilespmem:s25+$0xAC00]  }
0x26d: {  	s26 =	spop (v2sf);
	(v2sf) =	vpush v0, $0xA;
	v39 =	vld [tilespmem:s25+$0xAC20]  }
0x26e: {  	v55 =	vld [tilespmem:s26+$0xA830]  }
0x26f: {  	v48 =	vld [tilespmem:s26+$0xA800]  }
0x270: {  	v31 =	vmul.f32 v41, v38;
	v41 =	vld [tilespmem:$0x1FD90]  }
0x271: {  	v54 =	vld [tilespmem:s26+$0xA810]  }
0x272: {  	[tilespmem:$0x1FDF0] =	vst v51;
	v51 =	vld [tilespmem:s23+$0x2C10]  }
0x273: {  	[tilespmem:$0x1FE00] =	vst v55;
	v55 =	vld [tilespmem:s25+$0xAC10]  }
0x274: {  	v37 =	vld [tilespmem:s25+$0xAC30]  }
0x275: {  	v45 =	vld [tilespmem:s26+$0xA820];
	v24 =	vadd.f32 v31, v24;
	v31 =	vmul.f32 v41, v61  }
0x276: {  	v61 =	vmul.f32 v48, v42;
	v48 =	vld [tilespmem:$0x1FDE0]  }
0x277: {  	v24 =	vadd.f32 v31, v24;
	v31 =	vmul.f32 v52, v47;
	v47 =	vmul.f32 v54, v49;
	v54 =	vld [tilespmem:$0x1FDF0]  }
0x278: {  	v51 =	vmul.f32 v55, v51;
	v55 =	vld [tilespmem:$0x1FE00];
	s28 =	spop (v2sf)  }
0x279: {  	v4 =	vld [tilespmem:s28+$0x3400]  }
0x27a: {  	(v2sf) =	vpush v1, $0xD;
	s29 =	spop (v2sf);
	v2 =	vld [tilespmem:s28+$0x3410]  }
0x27b: {  	(v2sf) =	vpush v1, $0xC;
	s30 =	spop (v2sf);
	v9 =	vld [tilespmem:s29+$0x3000]  }
0x27c: {  	v3 =	vld [tilespmem:s29+$0x3010];
	s31 =	spop (v2sf)  }
0x27d: {  	v58 =	vld [tilespmem:s31+$0xB000]  }
0x27e: {  	v57 =	vld [tilespmem:s31+$0xB010]  }
0x27f: {  	v7 =	vld [tilespmem:s29+$0x3020]  }
0x280: {  	v56 =	vld [tilespmem:s31+$0xB020]  }
0x281: {  	v8 =	vld [tilespmem:s29+$0x3030]  }
0x282: {  	(v2sf) =	vpush v0, $0xD;
	v11 =	vld [tilespmem:s31+$0xB030]  }
0x283: {  	v14 =	vld [tilespmem:s28+$0x3420];
	(v2sf) =	vpush v0, $0xC;
	v9 =	vmul.f32 v58, v9;
	v3 =	vmul.f32 v57, v3  }
0x284: {  	v50 =	vmul.f32 v50, v46;
	v16 =	vld [tilespmem:s28+$0x3430]  }
0x285: {  	v5 =	vld [tilespmem:s30+$0xB400];
	v7 =	vmul.f32 v56, v7;
	v3 =	vadd.f32 v3, v9  }
0x286: {  	v27 =	vmul.f32 v27, v53;
	v36 =	vmul.f32 v39, v36;
	v53 =	vadd.f32 v51, v50;
	v12 =	vld [tilespmem:s30+$0xB410]  }
0x287: {  	v13 =	vld [tilespmem:s30+$0xB420];
	v58 =	vmul.f32 v11, v8;
	v3 =	vadd.f32 v7, v3  }
0x288: {  	v57 =	vadd.f32 v36, v53;
	v53 =	vld [tilespmem:s18+$0x10]  }
0x289: {  	s23 =	spop (v2sf);
	(v2sf) =	vpush v1, $0xF;
	v3 =	vadd.f32 v58, v3;
	v58 =	vld [tilespmem:s18+$0x210]  }
0x28a: {  	s24 =	spop (v2sf);
	(v2sf) =	vpush v1, $0xE;
	v1 =	vld [tilespmem:s30+$0xB430]  }
0x28b: {  	v62 =	vld [tilespmem:s23+$0x3C00]  }
0x28c: {  	v32 =	vld [tilespmem:s23+$0x3C10]  }
0x28d: {  	v34 =	vld [tilespmem:s23+$0x3C20]  }
0x28e: {  	v38 =	vld [tilespmem:s23+$0x3C30]  }
0x28f: {  	v19 =	vld [tilespmem:s24+$0x3800]  }
0x290: {  	v10 =	vld [tilespmem:s24+$0x3810]  }
0x291: {  	s25 =	spop (v2sf);
	(v2sf) =	vpush v0, $0xF;
	v59 =	vld [tilespmem:s24+$0x3820]  }
0x292: {  	v63 =	vld [tilespmem:s24+$0x3830];
	s26 =	spop (v2sf);
	(v2sf) =	vpush v0, $0xE  }
0x293: {  	v30 =	vld [tilespmem:s25+$0xBC00]  }
0x294: {  	v17 =	vld [tilespmem:s25+$0xBC10]  }
0x295: {  	v35 =	vld [tilespmem:s25+$0xBC20]  }
0x296: {  	v18 =	vmul.f32 v25, v44;
	v25 =	vmul.f32 v33, v26;
	v26 =	vld [tilespmem:s25+$0xBC30]  }
0x297: {  	v0 =	vld [tilespmem:s26+$0xB800]  }
0x298: {  	v20 =	vld [tilespmem:s26+$0xB810]  }
0x299: {  	v60 =	vld [tilespmem:s26+$0xB820]  }
0x29a: {  	v40 =	vld [tilespmem:s26+$0xB830];
	s28 =	spop (v2sf)  }
0x29b: {  	v8 =	vld [tilespmem:s28+$0x4400]  }
0x29c: {  	v36 =	vld [tilespmem:s28+$0x4410]  }
0x29d: {  	v15 =	vadd.f32 v18, v15;
	v18 =	vadd.f32 v47, v61;
	s29 =	spop (v2sf);
	v47 =	vld [tilespmem:s28+$0x4420]  }
0x29e: {  	v25 =	vadd.f32 v31, v25;
	v33 =	vld [tilespmem:s29+$0x4000]  }
0x29f: {  	v49 =	vmul.f32 v45, v43;
	v21 =	vmul.f32 v21, v48;
	v43 =	vld [tilespmem:s29+$0x4010]  }
0x2a0: {  	v25 =	vadd.f32 v27, v25;
	v4 =	vmul.f32 v5, v4;
	v2 =	vmul.f32 v12, v2;
	s30 =	spop (v2sf);
	v27 =	vld [tilespmem:s29+$0x4020]  }
0x2a1: {  	(xrf2) =	vadd.scan.msk.f32 $0xffff, v28;
	v22 =	vmul.f32 v37, v22;
	v18 =	vadd.f32 v49, v18;
	v41 =	vmul.f32 v55, v54;
	v9 =	vld [tilespmem:s29+$0x4030];
	s31 =	spop (v2sf)  }
0x2a2: {  	(xrf2) =	vadd.scan.msk.f32 $0xffff, v23;
	v21 =	vadd.f32 v21, v25;
	v37 =	vmul.f32 v13, v14;
	v2 =	vadd.f32 v2, v4;
	v42 =	vld [tilespmem:s31+$0xC000]  }
0x2a3: {  	(xrf2) =	vadd.scan.msk.f32 $0xffff, v24;
	v18 =	vadd.f32 v41, v18;
	v1 =	vmul.f32 v1, v16;
	v48 =	vmul.f32 v30, v62;
	v52 =	vld [tilespmem:s31+$0xC010]  }
0x2a4: {  	(xrf2) =	vadd.scan.msk.f32 $0xffff, v15;
	v2 =	vadd.f32 v37, v2;
	v49 =	vmul.f32 v17, v32;
	v55 =	vmul.f32 v35, v34;
	v61 =	vld [tilespmem:s30+$0xC400]  }
0x2a5: {  	(xrf2) =	vadd.scan.msk.f32 $0xffff, v21;
	v11 =	vadd.f32 v22, v57;
	v0 =	vmul.f32 v0, v19;
	v25 =	vmul.f32 v20, v10;
	v39 =	vld [tilespmem:s31+$0xC020]  }
0x2a6: {  	(xrf2) =	vadd.scan.msk.f32 $0xffff, v18;
	v1 =	vadd.f32 v1, v2;
	v62 =	vmul.f32 v26, v38;
	v44 =	vmul.f32 v60, v59;
	v41 =	vld [tilespmem:s30+$0xC410]  }
0x2a7: {  	(xrf2) =	vadd.scan.msk.f32 $0xffff, v11;
	v46 =	vmul.f32 v40, v63;
	v54 =	vadd.f32 v49, v48;
	v0 =	vadd.f32 v25, v0;
	v31 =	vld [tilespmem:s31+$0xC030]  }
0x2a8: {  	v12 =	vand.u32 $0x7, v53;
	(xrf2) =	vadd.scan.msk.f32 $0xffff, v3;
	v50 =	vld [tilespmem:s30+$0xC420];
	v51 =	vmul.f32 v42, v33;
	v52 =	vmul.f32 v52, v43  }
0x2a9: {  	(xrf2) =	vadd.scan.msk.f32 $0xffff, v1;
	v1 =	vshll.u32 v12, $0x7;
	v2 =	vadd.f32 v55, v54;
	v0 =	vadd.f32 v44, v0;
	v56 =	vld [tilespmem:s28+$0x4430]  }
0x2aa: {  	v59 =	vmul.f32 v61, v8;
	v61 =	vld [tilespmem:s30+$0xC430];
	v57 =	vmul.f32 v39, v27;
	v7 =	vadd.f32 v52, v51  }
0x2ab: {  	v0 =	vadd.f32 v46, v0;
	(v2sf) =	vpush v1, $0x1;
	v60 =	vmul.f32 v41, v36  }
0x2ac: {  	(v2sf) =	vpush v1, $0x0;
	v9 =	vmul.f32 v31, v9;
	v7 =	vadd.f32 v57, v7  }
0x2ad: {  	v2 =	vadd.f32 v62, v2;
	v11 =	vmul.f32 v50, v47;
	v63 =	vadd.f32 v60, v59  }
0x2ae: {  	v13 =	vand.u32 $0x7, v58;
	(xrf2) =	vadd.scan.msk.f32 $0xffff, v0;
	v7 =	vadd.f32 v9, v7  }
0x2af: {  	v14, _, _ =	vpop (xrf2);
	v0 =	vshll.u32 v13, $0x7;
	(xrf2) =	vadd.scan.msk.f32 $0xffff, v2;
	v3 =	vadd.f32 v11, v63;
	v16 =	vmul.f32 v61, v56  }
0x2b0: {  	v4 =	vbroadcast v14, $0xF;
	v18, _, _ =	vpop (xrf2);
	v17 =	vsel vm1, v6, v29;
	(v2sf) =	vpush v0, $0x1;
	(xrf2) =	vadd.scan.msk.f32 $0xffff, v7  }
0x2b1: {  	v6 =	vbroadcast v18, $0xF;
	v19, _, _ =	vpop (xrf2);
	(v2sf) =	vpush v0, $0x0;
	v2 =	vadd.f32 v16, v3  }
0x2b2: {  	v20 =	vsel vm2, v17, v4;
	v21 =	vbroadcast v19, $0xF;
	v22, _, _ =	vpop (xrf2)  }
0x2b3: {  	v5 =	vbroadcast v22, $0xF;
	v23, _, _ =	vpop (xrf2);
	v3 =	vsel vm3, v20, v6;
	(xrf2) =	vadd.scan.msk.f32 $0xffff, v2  }
0x2b4: {  	v25 =	vbroadcast v23, $0xF;
	v26, _, _ =	vpop (xrf2);
	v24 =	vsel vm4, v3, v21  }
0x2b5: {  	v4 =	vbroadcast v26, $0xF;
	v27, _, _ =	vpop (xrf2);
	v2 =	vsel vm5, v24, v5  }
0x2b6: {  	v28 =	vbroadcast v27, $0xF;
	v29, _, _ =	vpop (xrf2);
	v2 =	vsel vm6, v2, v25  }
0x2b7: {  	v30 =	vbroadcast v29, $0xF;
	v31, _, _ =	vpop (xrf2);
	v2 =	vsel vm7, v2, v4  }
0x2b8: {  	v32 =	vbroadcast v31, $0xF;
	v33, _, _ =	vpop (xrf2);
	v2 =	vsel vm8, v2, v28  }
0x2b9: {  	v34 =	vbroadcast v33, $0xF;
	v35, _, _ =	vpop (xrf2);
	v2 =	vsel vm9, v2, v30  }
0x2ba: {  	v36 =	vbroadcast v35, $0xF;
	s23 =	spop (v2sf);
	(v2sf) =	vpush v1, $0x3;
	v2 =	vsel vm10, v2, v32;
	v37, _, _ =	vpop (xrf2)  }
0x2bb: {  	s24 =	spop (v2sf);
	(v2sf) =	vpush v1, $0x2;
	v2 =	vsel vm11, v2, v34;
	v38 =	vbroadcast v37, $0xF  }
0x2bc: {  	v2 =	vsel vm12, v2, v36  }
0x2bd: {  	v39, _, _ =	vpop (xrf2);
	v2 =	vsel vm13, v2, v38  }
0x2be: {  	v2 =	vsel vm14, v2, v39  }
0x2bf: {  	s25 =	spop (v2sf);
	[tilespmem:s18+$0x10800] =	vst v2  }
0x2c0: {  	s26 =	spop (v2sf);
	v10 =	vld [tilespmem:s24+$0x4800]  }
0x2c1: {  	v31 =	vld [tilespmem:s26+$0xC800]  }
0x2c2: {  	v39 =	vld [tilespmem:s24+$0x4810]  }
0x2c3: {  	v43 =	vld [tilespmem:s26+$0xC810]  }
0x2c4: {  	v17 =	vld [tilespmem:s24+$0x4820]  }
0x2c5: {  	v23 =	vld [tilespmem:s26+$0xC820]  }
0x2c6: {  	(v2sf) =	vpush v0, $0x3;
	v2 =	vld [tilespmem:s24+$0x4830]  }
0x2c7: {  	v3 =	vld [tilespmem:s26+$0xC830]  }
0x2c8: {  	(v2sf) =	vpush v0, $0x2;
	v5 =	vld [tilespmem:s23+$0x4C00]  }
0x2c9: {  	s28 =	spop (v2sf);
	(v2sf) =	vpush v1, $0x5;
	v40 =	vld [tilespmem:s25+$0xCC00]  }
0x2ca: {  	s29 =	spop (v2sf);
	(v2sf) =	vpush v1, $0x4;
	v41 =	vld [tilespmem:s23+$0x4C10]  }
0x2cb: {  	v42 =	vld [tilespmem:s25+$0xCC10]  }
0x2cc: {  	v44 =	vld [tilespmem:s23+$0x4C20]  }
0x2cd: {  	v45 =	vld [tilespmem:s25+$0xCC20]  }
0x2ce: {  	v46 =	vld [tilespmem:s23+$0x4C30]  }
0x2cf: {  	v47 =	vld [tilespmem:s25+$0xCC30]  }
0x2d0: {  	v48 =	vld [tilespmem:s29+$0x5020]  }
0x2d1: {  	v50 =	vld [tilespmem:s29+$0x5030]  }
0x2d2: {  	v52 =	vld [tilespmem:s28+$0x5400]  }
0x2d3: {  	v53 =	vld [tilespmem:s28+$0x5410]  }
0x2d4: {  	v54 =	vld [tilespmem:s28+$0x5420]  }
0x2d5: {  	s30 =	spop (v2sf);
	v56 =	vld [tilespmem:s28+$0x5430]  }
0x2d6: {  	(v2sf) =	vpush v0, $0x5;
	v55 =	vld [tilespmem:s30+$0xD420]  }
0x2d7: {  	s31 =	spop (v2sf);
	(v2sf) =	vpush v0, $0x4;
	v57 =	vld [tilespmem:s30+$0xD430]  }
0x2d8: {  	v49 =	vld [tilespmem:s31+$0xD020];
	s23 =	spop (v2sf);
	(v2sf) =	vpush v1, $0x7  }
0x2d9: {  	v51 =	vld [tilespmem:s31+$0xD030];
	[tilespmem:$0x1FE10] =	vst v40;
	s24 =	spop (v2sf);
	(v2sf) =	vpush v1, $0x6  }
0x2da: {  	[tilespmem:$0x1FE20] =	vst v41;
	v40 =	vld [tilespmem:s29+$0x5000]  }
0x2db: {  	[tilespmem:$0x1FE50] =	vst v45;
	v45 =	vld [tilespmem:s31+$0xD000]  }
0x2dc: {  	[tilespmem:$0x1FE60] =	vst v46;
	v46 =	vld [tilespmem:s29+$0x5010]  }
0x2dd: {  	[tilespmem:$0x1FE70] =	vst v47;
	v47 =	vld [tilespmem:s31+$0xD010]  }
0x2de: {  	[tilespmem:$0x1FE40] =	vst v44;
	v44 =	vld [tilespmem:s30+$0xD400]  }
0x2df: {  	[tilespmem:$0x1FE30] =	vst v42;
	v41 =	vld [tilespmem:s30+$0xD410];
	v31 =	vmul.f32 v31, v10;
	v39 =	vmul.f32 v43, v39  }
0x2e0: {  	v4 =	vld [tilespmem:$0x1FE30]  }
0x2e1: {  	v17 =	vmul.f32 v23, v17;
	v31 =	vadd.f32 v39, v31;
	v39 =	vld [tilespmem:$0x1FE10]  }
0x2e2: {  	v40 =	vmul.f32 v45, v40;
	v45 =	vmul.f32 v47, v46;
	v47 =	vld [tilespmem:$0x1FE40]  }
0x2e3: {  	[tilespmem:$0x1FE90] =	vst v49;
	v31 =	vadd.f32 v17, v31;
	v46 =	vmul.f32 v3, v2;
	v2 =	vld [tilespmem:$0x1FE70]  }
0x2e4: {  	[tilespmem:$0x1FED0] =	vst v51;
	v40 =	vadd.f32 v45, v40;
	v45 =	vld [tilespmem:$0x1FE90]  }
0x2e5: {  	v31 =	vadd.f32 v46, v31;
	v46 =	vld [tilespmem:$0x1FED0];
	s25 =	spop (v2sf);
	(v2sf) =	vpush v0, $0x7  }
0x2e6: {  	v51 =	vld [tilespmem:s23+$0x5C00];
	s26 =	spop (v2sf);
	(v2sf) =	vpush v0, $0x6  }
0x2e7: {  	[tilespmem:$0x1FEB0] =	vst v53;
	v53 =	vld [tilespmem:s23+$0x5C10];
	s28 =	spop (v2sf);
	(v2sf) =	vpush v1, $0x9  }
0x2e8: {  	v63 =	vld [tilespmem:s23+$0x5C20];
	s29 =	spop (v2sf);
	(v2sf) =	vpush v1, $0x8  }
0x2e9: {  	v8 =	vld [tilespmem:s23+$0x5C30]  }
0x2ea: {  	v58 =	vld [tilespmem:s24+$0x5800]  }
0x2eb: {  	v49 =	vld [tilespmem:s24+$0x5810]  }
0x2ec: {  	v59 =	vld [tilespmem:s24+$0x5820]  }
0x2ed: {  	v61 =	vld [tilespmem:s24+$0x5830]  }
0x2ee: {  	[tilespmem:$0x1FEA0] =	vst v52;
	v52 =	vld [tilespmem:s25+$0xDC00]  }
0x2ef: {  	[tilespmem:$0x1FEE0] =	vst v54;
	v54 =	vld [tilespmem:s25+$0xDC10]  }
0x2f0: {  	[tilespmem:$0x1FEF0] =	vst v55;
	v55 =	vld [tilespmem:s25+$0xDC20]  }
0x2f1: {  	v62 =	vld [tilespmem:s26+$0xD830]  }
0x2f2: {  	v9 =	vld [tilespmem:s25+$0xDC30]  }
0x2f3: {  	[tilespmem:$0x1FE80] =	vst v48;
	v48 =	vld [tilespmem:s26+$0xD800]  }
0x2f4: {  	[tilespmem:$0x1FEC0] =	vst v50;
	v50 =	vld [tilespmem:s26+$0xD810];
	s30 =	spop (v2sf);
	(v2sf) =	vpush v0, $0x9  }
0x2f5: {  	v60 =	vld [tilespmem:s26+$0xD820];
	s31 =	spop (v2sf);
	(v2sf) =	vpush v0, $0x8  }
0x2f6: {  	[tilespmem:$0x1FF60] =	vst v62;
	v62 =	vld [tilespmem:s28+$0x6400];
	s23 =	spop (v2sf);
	(v2sf) =	vpush v1, $0xB  }
0x2f7: {  	v34 =	vld [tilespmem:s28+$0x6410];
	s24 =	spop (v2sf);
	(v2sf) =	vpush v1, $0xA  }
0x2f8: {  	v13 =	vld [tilespmem:s28+$0x6420]  }
0x2f9: {  	v15 =	vld [tilespmem:s28+$0x6430]  }
0x2fa: {  	[tilespmem:$0x1FF10] =	vst v56;
	v56 =	vld [tilespmem:s29+$0x6000]  }
0x2fb: {  	[tilespmem:$0x1FF00] =	vst v58;
	v58 =	vld [tilespmem:s29+$0x6010]  }
0x2fc: {  	[tilespmem:$0x1FF40] =	vst v60;
	v60 =	vld [tilespmem:s29+$0x6020]  }
0x2fd: {  	v11 =	vld [tilespmem:s29+$0x6030]  }
0x2fe: {  	[tilespmem:$0x1FF70] =	vst v63;
	v63 =	vld [tilespmem:s30+$0xE400]  }
0x2ff: {  	v33 =	vld [tilespmem:s30+$0xE410]  }
0x300: {  	v14 =	vld [tilespmem:s30+$0xE420]  }
0x301: {  	v37 =	vld [tilespmem:s30+$0xE430]  }
0x302: {  	[tilespmem:$0x1FF20] =	vst v57;
	v57 =	vld [tilespmem:s31+$0xE000]  }
0x303: {  	[tilespmem:$0x1FF30] =	vst v59;
	v59 =	vld [tilespmem:s31+$0xE010];
	s25 =	spop (v2sf);
	(v2sf) =	vpush v0, $0xB  }
0x304: {  	[tilespmem:$0x1FF50] =	vst v61;
	v61 =	vld [tilespmem:s31+$0xE020];
	s26 =	spop (v2sf);
	(v2sf) =	vpush v0, $0xA  }
0x305: {  	v12 =	vld [tilespmem:s31+$0xE030];
	s28 =	spop (v2sf);
	(v2sf) =	vpush v1, $0xD  }
0x306: {  	v25 =	vld [tilespmem:s23+$0x6C00];
	s29 =	spop (v2sf);
	(v2sf) =	vpush v1, $0xC  }
0x307: {  	v21 =	vld [tilespmem:s23+$0x6C10]  }
0x308: {  	v35 =	vld [tilespmem:s23+$0x6C20]  }
0x309: {  	v16 =	vld [tilespmem:s23+$0x6C30]  }
0x30a: {  	[tilespmem:$0x1FFD0] =	vst v14;
	v14 =	vld [tilespmem:s24+$0x6800]  }
0x30b: {  	[tilespmem:$0x1FFB0] =	vst v12;
	v12 =	vld [tilespmem:s24+$0x6810]  }
0x30c: {  	v27 =	vld [tilespmem:s24+$0x6820]  }
0x30d: {  	v38 =	vld [tilespmem:s24+$0x6830]  }
0x30e: {  	v22 =	vld [tilespmem:s25+$0xEC00]  }
0x30f: {  	v20 =	vld [tilespmem:s25+$0xEC10]  }
0x310: {  	v30 =	vld [tilespmem:s25+$0xEC20]  }
0x311: {  	v42 =	vld [tilespmem:s25+$0xEC30]  }
0x312: {  	[tilespmem:$0x1FF90] =	vst v9;
	v9 =	vld [tilespmem:s26+$0xE800];
	s30 =	spop (v2sf);
	(v2sf) =	vpush v0, $0xD  }
0x313: {  	[tilespmem:$0x1FFA0] =	vst v11;
	v11 =	vld [tilespmem:s26+$0xE810];
	s31 =	spop (v2sf);
	(v2sf) =	vpush v0, $0xC  }
0x314: {  	v24 =	vld [tilespmem:s26+$0xE820];
	s23 =	spop (v2sf);
	(v2sf) =	vpush v1, $0xF  }
0x315: {  	s24 =	spop (v2sf);
	(v2sf) =	vpush v1, $0xE;
	v1 =	vld [tilespmem:$0x1FE20]  }
0x316: {  	v36 =	vld [tilespmem:s26+$0xE830]  }
0x317: {  	[tilespmem:$0x1FF80] =	vst v8;
	v8 =	vld [tilespmem:s28+$0x7400]  }
0x318: {  	v7 =	vld [tilespmem:s28+$0x7410]  }
0x319: {  	v19 =	vld [tilespmem:s28+$0x7420]  }
0x31a: {  	v39 =	vmul.f32 v39, v5;
	v23 =	vld [tilespmem:s28+$0x7430];
	v1 =	vmul.f32 v4, v1  }
0x31b: {  	v18 =	vld [tilespmem:s29+$0x7000]  }
0x31c: {  	v1 =	vadd.f32 v1, v39;
	v39 =	vld [tilespmem:$0x1FE50]  }
0x31d: {  	[tilespmem:$0x1FFF0] =	vst v16;
	v16 =	vld [tilespmem:s29+$0x7010]  }
0x31e: {  	v29 =	vld [tilespmem:s29+$0x7020]  }
0x31f: {  	v32 =	vld [tilespmem:s29+$0x7030]  }
0x320: {  	v6 =	vld [tilespmem:s30+$0xF400]  }
0x321: {  	v43 =	vld [tilespmem:s30+$0xF410];
	v39 =	vmul.f32 v39, v47  }
0x322: {  	v10 =	vld [tilespmem:s30+$0xF420]  }
0x323: {  	v1 =	vadd.f32 v39, v1;
	v39 =	vld [tilespmem:$0x1FEA0]  }
0x324: {  	v17 =	vld [tilespmem:s30+$0xF430]  }
0x325: {  	[tilespmem:$0x1FFE0] =	vst v15;
	v15 =	vld [tilespmem:s31+$0xF000];
	s25 =	spop (v2sf);
	(v2sf) =	vpush v0, $0xF  }
0x326: {  	s26 =	spop (v2sf);
	(v2sf) =	vpush v0, $0xE;
	v0 =	vld [tilespmem:$0x1FE60]  }
0x327: {  	[tilespmem:$0x1FFC0] =	vst v13;
	v13 =	vld [tilespmem:s31+$0xF010]  }
0x328: {  	v39 =	vmul.f32 v44, v39;
	v44 =	vld [tilespmem:$0x1FEB0]  }
0x329: {  	v26 =	vld [tilespmem:s31+$0xF020]  }
0x32a: {  	v28 =	vld [tilespmem:s31+$0xF030]  }
0x32b: {  	v0 =	vmul.f32 v2, v0;
	v2 =	vld [tilespmem:$0x1FE80]  }
0x32c: {  	v33 =	vmul.f32 v33, v34;
	v34 =	vld [tilespmem:s23+$0x7C30]  }
0x32d: {  	v5 =	vld [tilespmem:s24+$0x7800];
	v41 =	vmul.f32 v41, v44  }
0x32e: {  	v44 =	vld [tilespmem:$0x1FEF0]  }
0x32f: {  	v0 =	vadd.f32 v0, v1;
	v1 =	vadd.f32 v41, v39;
	v39 =	vld [tilespmem:$0x1FEE0]  }
0x330: {  	v3 =	vld [tilespmem:s24+$0x7820];
	v45 =	vmul.f32 v45, v2  }
0x331: {  	v11 =	vmul.f32 v11, v12;
	v12 =	vld [tilespmem:s25+$0xFC30]  }
0x332: {  	v40 =	vadd.f32 v45, v40;
	v45 =	vld [tilespmem:$0x1FEC0]  }
0x333: {  	v47 =	vld [tilespmem:s24+$0x7810]  }
0x334: {  	v39 =	vmul.f32 v44, v39;
	v44 =	vld [tilespmem:$0x1FF00]  }
0x335: {  	v2 =	vld [tilespmem:s26+$0xF810];
	s28 =	spop (v2sf)  }
0x336: {  	v4 =	vld [tilespmem:s26+$0xF800];
	s29 =	spop (v2sf)  }
0x337: {  	v20 =	vmul.f32 v20, v21;
	v21 =	vld [tilespmem:s29+$0x8010];
	v45 =	vmul.f32 v46, v45  }
0x338: {  	v1 =	vadd.f32 v39, v1;
	v39 =	vmul.f32 v52, v51;
	v52 =	vld [tilespmem:$0x1FF10]  }
0x339: {  	v22 =	vmul.f32 v22, v25;
	s30 =	spop (v2sf);
	v40 =	vadd.f32 v45, v40;
	v45 =	vmul.f32 v48, v44;
	v44 =	vld [tilespmem:$0x1FF20]  }
0x33a: {  	v2 =	vmul.f32 v2, v47;
	v47 =	vld [tilespmem:s30+$0x10400]  }
0x33b: {  	v20 =	vadd.f32 v20, v22;
	s31 =	spop (v2sf);
	v22 =	vld [tilespmem:s30+$0x10420];
	v48 =	vmul.f32 v50, v49  }
0x33c: {  	v25 =	vld [tilespmem:s31+$0x10010]  }
0x33d: {  	v45 =	vadd.f32 v48, v45;
	v48 =	vld [tilespmem:$0x1FF30]  }
0x33e: {  	v52 =	vmul.f32 v44, v52;
	v44 =	vld [tilespmem:$0x1FF40]  }
0x33f: {  	v46 =	vld [tilespmem:s26+$0xF820]  }
0x340: {  	v41 =	vld [tilespmem:s24+$0x7830]  }
0x341: {  	v51 =	vld [tilespmem:s23+$0x7C00]  }
0x342: {  	v50 =	vmul.f32 v54, v53;
	v54 =	vld [tilespmem:$0x1FF50]  }
0x343: {  	v48 =	vmul.f32 v44, v48;
	v44 =	vld [tilespmem:$0x1FF60]  }
0x344: {  	v39 =	vadd.f32 v50, v39;
	v50 =	vld [tilespmem:$0x1FF70]  }
0x345: {  	v49 =	vld [tilespmem:s26+$0xF830]  }
0x346: {  	v53 =	vld [tilespmem:s25+$0xFC00]  }
0x347: {  	v1 =	vadd.f32 v52, v1;
	v52 =	vld [tilespmem:s23+$0x7C20]  }
0x348: {  	v45 =	vadd.f32 v48, v45;
	v48 =	vmul.f32 v57, v56;
	v56 =	vld [tilespmem:s25+$0xFC10];
	v54 =	vmul.f32 v44, v54  }
0x349: {  	v44 =	vmul.f32 v55, v50;
	v55 =	vmul.f32 v59, v58;
	v58 =	vld [tilespmem:$0x1FF80]  }
0x34a: {  	v59 =	vld [tilespmem:$0x1FF90]  }
0x34b: {  	v57 =	vmul.f32 v61, v60;
	v60 =	vld [tilespmem:$0x1FFB0]  }
0x34c: {  	v61 =	vld [tilespmem:$0x1FFC0]  }
0x34d: {  	v9 =	vmul.f32 v9, v14;
	v50 =	vld [tilespmem:s23+$0x7C10]  }
0x34e: {  	v6 =	vmul.f32 v6, v8;
	v7 =	vmul.f32 v43, v7;
	v48 =	vadd.f32 v55, v48;
	v55 =	vld [tilespmem:s25+$0xFC20]  }
0x34f: {  	v9 =	vadd.f32 v11, v9;
	v39 =	vadd.f32 v44, v39;
	v44 =	vmul.f32 v59, v58;
	v59 =	vld [tilespmem:$0x1FFA0]  }
0x350: {  	v43 =	vmul.f32 v10, v19;
	v6 =	vadd.f32 v7, v6;
	v58 =	vmul.f32 v63, v62;
	v62 =	vld [tilespmem:$0x1FFD0]  }
0x351: {  	v13 =	vmul.f32 v13, v16;
	v4 =	vmul.f32 v4, v5;
	v45 =	vadd.f32 v54, v45;
	v54 =	vld [tilespmem:s29+$0x8000]  }
0x352: {  	v6 =	vadd.f32 v43, v6;
	v21 =	vmul.f32 v25, v21;
	v3 =	vmul.f32 v46, v3;
	v63 =	vld [tilespmem:$0x1FFE0]  }
0x353: {  	v48 =	vadd.f32 v57, v48;
	v57 =	vmul.f32 v17, v23;
	v33 =	vadd.f32 v33, v58;
	v58 =	vld [tilespmem:s28+$0x8410]  }
0x354: {  	v2 =	vadd.f32 v2, v4;
	v14 =	vmul.f32 v60, v59;
	v59 =	vmul.f32 v24, v27;
	v24 =	vld [tilespmem:s31+$0x10000]  }
0x355: {  	v39 =	vadd.f32 v44, v39;
	v44 =	vmul.f32 v62, v61;
	v62 =	vmul.f32 v30, v35;
	v30 =	vld [tilespmem:s29+$0x8020]  }
0x356: {  	(xrf2) =	vadd.scan.msk.f32 $0xffff, v31;
	v2 =	vadd.f32 v3, v2;
	v6 =	vadd.f32 v57, v6;
	v61 =	vmul.f32 v36, v38;
	v36 =	vld [tilespmem:$0x1FFF0]  }
0x357: {  	(xrf2) =	vadd.scan.msk.f32 $0xffff, v0;
	v37 =	vmul.f32 v37, v63;
	v63 =	vmul.f32 v15, v18;
	v15 =	vld [tilespmem:s31+$0x10020];
	v60 =	vadd.f32 v44, v33  }
0x358: {  	(xrf2) =	vadd.scan.msk.f32 $0xffff, v40;
	v23 =	vmul.f32 v49, v41;
	v35 =	vld [tilespmem:s29+$0x8030];
	v14 =	vadd.f32 v14, v48;
	v9 =	vadd.f32 v59, v9  }
0x359: {  	(xrf2) =	vadd.scan.msk.f32 $0xffff, v1;
	v11 =	vadd.f32 v13, v63;
	v44 =	vld [tilespmem:s28+$0x8400];
	v27 =	vadd.f32 v37, v60;
	v37 =	vmul.f32 v26, v29  }
0x35a: {  	(xrf2) =	vadd.scan.msk.f32 $0xffff, v45;
	v59 =	vld [tilespmem:s30+$0x10410];
	v9 =	vadd.f32 v61, v9;
	v60 =	vmul.f32 v53, v51;
	v61 =	vmul.f32 v56, v50  }
0x35b: {  	(xrf2) =	vadd.scan.msk.f32 $0xffff, v39;
	v38 =	vld [tilespmem:s31+$0x10030];
	v33 =	vadd.f32 v62, v20;
	v26 =	vmul.f32 v12, v34;
	v18 =	vmul.f32 v42, v36  }
0x35c: {  	v62 =	vld [tilespmem:s28+$0x8420];
	(xrf2) =	vadd.scan.msk.f32 $0xffff, v14;
	v42 =	vmul.f32 v28, v32;
	v63 =	vmul.f32 v24, v54;
	v11 =	vadd.f32 v37, v11  }
0x35d: {  	v25 =	vld [tilespmem:s28+$0x8430];
	v24 =	vmul.f32 v55, v52;
	(xrf2) =	vadd.scan.msk.f32 $0xffff, v27;
	v7 =	vadd.f32 v61, v60;
	v48 =	vadd.f32 v18, v33  }
0x35e: {  	v28 =	vld [tilespmem:s30+$0x10430];
	v27 =	vmul.f32 v15, v30;
	(xrf2) =	vadd.scan.msk.f32 $0xffff, v9;
	v3 =	vadd.f32 v21, v63;
	v0 =	vadd.f32 v42, v11  }
0x35f: {  	v5 =	vmul.f32 v47, v44;
	v4 =	vmul.f32 v59, v58;
	v29 =	vadd.f32 v24, v7;
	(xrf2) =	vadd.scan.msk.f32 $0xffff, v48  }
0x360: {  	v31 =	vadd.f32 v23, v2;
	v30, _, _ =	vpop (xrf2);
	v33 =	vmul.f32 v38, v35;
	v32 =	vadd.f32 v27, v3;
	(xrf2) =	vadd.scan.msk.f32 $0xffff, v0  }
0x361: {  	v34, _, _ =	vpop (xrf2);
	v35 =	vmul.f32 v22, v62;
	v4 =	vadd.f32 v4, v5;
	v1 =	vadd.f32 v26, v29;
	(xrf2) =	vadd.scan.msk.f32 $0xffff, v6  }
0x362: {  	v37 =	vbroadcast v30, $0xF;
	v36, _, _ =	vpop (xrf2);
	v38 =	vbroadcast v34, $0xF;
	v2 =	vadd.f32 v33, v32;
	(xrf2) =	vadd.scan.msk.f32 $0xffff, v31  }
0x363: {  	v39, _, _ =	vpop (xrf2);
	v42 =	vbroadcast v36, $0xF;
	v41 =	vmul.f32 v28, v25;
	v40 =	vadd.f32 v35, v4;
	(xrf2) =	vadd.scan.msk.f32 $0xffff, v1  }
0x364: {  	v0 =	vsel vm0, v37, v38;
	v3 =	vbroadcast v39, $0xF;
	v43, _, _ =	vpop (xrf2);
	(xrf2) =	vadd.scan.msk.f32 $0xffff, v2  }
0x365: {  	v44, _, _ =	vpop (xrf2);
	v0 =	vsel vm1, v0, v42;
	v45 =	vbroadcast v43, $0xF;
	v1 =	vadd.f32 v41, v40  }
0x366: {  	v0 =	vsel vm2, v0, v3;
	v46, _, _ =	vpop (xrf2);
	v2 =	vbroadcast v44, $0xF  }
0x367: {  	v0 =	vsel vm3, v0, v45;
	v47 =	vbroadcast v46, $0xF;
	(xrf2) =	vadd.scan.msk.f32 $0xffff, v1;
	v48, _, _ =	vpop (xrf2)  }
0x368: {  	v0 =	vsel vm4, v0, v2;
	v49, _, _ =	vpop (xrf2);
	v50 =	vbroadcast v48, $0xF  }
0x369: {  	v0 =	vsel vm5, v0, v47;
	v1 =	vbroadcast v49, $0xF;
	v51, _, _ =	vpop (xrf2)  }
0x36a: {  	v0 =	vsel vm6, v0, v50;
	v52, _, _ =	vpop (xrf2);
	v53 =	vbroadcast v51, $0xF  }
0x36b: {  	v0 =	vsel vm7, v0, v1;
	v54, _, _ =	vpop (xrf2);
	v55 =	vbroadcast v52, $0xF  }
0x36c: {  	v56, _, _ =	vpop (xrf2);
	v0 =	vsel vm8, v0, v53;
	v57 =	vbroadcast v54, $0xF  }
0x36d: {  	v58, _, _ =	vpop (xrf2);
	v0 =	vsel vm9, v0, v55;
	v59 =	vbroadcast v56, $0xF  }
0x36e: {  	p0 =	sne.s32 s17, $0x780;
	v60, _, _ =	vpop (xrf2);
	v0 =	vsel vm10, v0, v57;
	v61 =	vbroadcast v58, $0xF  }
.Ltmp1:
0x36f: {  	v0 =	vsel vm11, v0, v59;
	v62 =	vbroadcast v60, $0xF;
	(pc) =	sbr.rel @p0 .LBB2_4-.Ltmp1, $4  }
0x370: {  	v0 =	vsel vm12, v0, v61  }
0x371: {  	v63, _, _ =	vpop (xrf2);
	v0 =	vsel vm13, v0, v62  }
0x372: {  	v0 =	vsel vm14, v0, v63  }
0x373: {  	s17 =	sadd.s32 $0x80, s17;
	[tilespmem:s18+$0x10810] =	vst v0  }
0x374: {  	s16 =	sadd.s32 $0x1, s16  }
0x375: {  	p0 =	sne.s32 s16, s8  }
.Ltmp2:
0x376: {  	_ = 	snop;
	(pc) =	sbr.rel @p0 .LBB2_1-.Ltmp2, $4  }
0x377: {  	[hbm4b:s7+s1] =	stream.linear.scatter [tilespmem:s15], [sflag:$0x5], $0x200, $0x38;
	[tilespmem:$0x10A00] =	vst v63  }
0x378: {  	_ =	swait.ge [sflag:s9], $0x200  }
0x379: {  	[sflag:s9] =	ssyncset.done $0x0  }
0x37a: {  	[sflag:s9] =	ssyncadd.s32 $0xFFFFFE00  }
0x37b: {  	_ =	sfence.sel $0x180000  }
0x37c: {  	[bflag:$0x0] =	sbarrier.arrive $0xFFFF  }
0x37d: {  	p0 =	sne.s32 s4, $0x0;
	_ =	strace $0x90000047  }
0x37e: {  	s0 =	sadd.s32 @!p0 $0x100000, s0;
	[bflag:$0x2] =	sbarrier.arrive $0xFFFF  }
0x37f: {  	[sflag:s0] =	ssyncadd.tile.s32 @!p0 $0x1;
	_ =	shalt  }
.Lfunc_end2:
_tile_overlayer_lowered:
.L_overlay_start_2:
0x380: {  	(tag) =	ssettag $0x2  }
0x381: {  	s0 =	rddreg [dreg:$0x0];
	s2 =	stileid.u32  }
0x382: {  	s1 =	rddreg [dreg:$0x1];
	p0 =	sne.s32 s2, $0x0  }
0x383: {  	s3 =	rddreg [dreg:$0x2];
	[bflag:$0x3] =	sbarrier.arrive $0xFFFF;
	s2 =	simm.s32 @!p0 $0x1C05  }
0x384: {  	[timem:s3], [sflag:s2] =	dma.local @!p0 [hbm:s0], s1  }
0x385: {  	s0 =	simm.s32 @!p0 $0x5  }
0x386: {  	_ =	swait.ge @!p0 [sflag:s0], s1  }
0x387: {  	s1 =	ssub.s32 @!p0 $0x0, s1;
	[sflag:s0] =	ssyncset.done @!p0 $0x0  }
0x388: {  	[sflag:s0] =	ssyncadd.s32 @!p0 s1  }
0x389: {  	[bflag:$0x3] =	sbarrier.arrive $0xFFFF  }
0x38a: {  	_ =	shalt  }

</sc_bundles>
